<compile_context>
chip_gen: v7x
topology: tpu7x:2x2x1
jax: 0.10.2.dev20260603
libtpu: 0.0.44.dev20260713+nightly
codegen_flags: <defaults>
</compile_context>

<pallas_src>
import functools

import jax
import jax.numpy as jnp
from jax import lax
from jax.experimental import pallas as pl
from jax.experimental.pallas import tpu as pltpu
from jax.experimental.pallas import tpu_sc as plsc

_N = 10000
_E = 320000
_D = 128
_H = 64
_G = 64
_C = 10

_NSC = 2
_NTILE = 16
_NW = _NSC * _NTILE
_K = 125
_NCH = 80
_GSZ = 4
_NGRP = _NCH // _GSZ
_NP = 10240
_RPT = _NP // _NTILE

_NB = 5
_BN = _N // _NB
_BF = _BN // 2
_NF = _N // 2


@functools.partial(
    pl.kernel,
    out_type=jax.ShapeDtypeStruct((_NSC, _NP, _H), jnp.float32),
    mesh=plsc.VectorSubcoreMesh(core_axis_name="c", subcore_axis_name="s"),
    scratch_types=[
        pltpu.VMEM((_NCH, _K), jnp.int32),
        pltpu.VMEM((_NCH, _K), jnp.int32),
        pltpu.VMEM((2, _GSZ, _K, _H), jnp.float32),
        pltpu.VMEM_SHARED((_NP, _H), jnp.float32),
        pltpu.SemaphoreType.DMA,
        pltpu.SemaphoreType.DMA,
        pltpu.SemaphoreType.DMA,
        pltpu.SemaphoreType.DMA,
    ],
    compiler_params=pltpu.CompilerParams(use_tc_tiling_on_sc=False),
)
def _sc_agg(p_hbm, ed_hbm, zero_hbm, out_hbm, srcv, dstv, rows, acc,
            sga, sgb, ssa, ssb):
    c = lax.axis_index("c")
    s = lax.axis_index("s")
    wid = c * _NTILE + s
    pltpu.sync_copy(zero_hbm.at[pl.ds(s * _RPT, _RPT)], acc.at[pl.ds(s * _RPT, _RPT)])
    pltpu.sync_copy(ed_hbm.at[0, wid], srcv)
    pltpu.sync_copy(ed_hbm.at[1, wid], dstv)
    plsc.subcore_barrier()

    def fire(bank, g, sem):
        for t in range(_GSZ):
            pltpu.async_copy(p_hbm.at[srcv.at[g * _GSZ + t]],
                             rows.at[bank, t], sem)

    def drain(bank, g, semg, sems):
        for t in range(_GSZ):
            pltpu.make_async_copy(p_hbm.at[srcv.at[g * _GSZ + t]],
                                  rows.at[bank, t], semg).wait()
        for t in range(_GSZ):
            pltpu.async_copy(rows.at[bank, t],
                             acc.at[dstv.at[g * _GSZ + t]], sems, add=True)
        for t in range(_GSZ):
            pltpu.make_async_copy(rows.at[bank, t],
                                  acc.at[dstv.at[g * _GSZ + t]], sems).wait()

    fire(0, 0, sga)

    def body(i, carry):
        fire(1, 2 * i + 1, sgb)
        drain(0, 2 * i, sga, ssa)

        @pl.when(i < _NGRP // 2 - 1)
        def _next():
            fire(0, 2 * i + 2, sga)

        drain(1, 2 * i + 1, sgb, ssb)
        return carry

    lax.fori_loop(0, _NGRP // 2, body, 0)
    plsc.subcore_barrier()
    pltpu.sync_copy(acc.at[pl.ds(s * _RPT, _RPT)],
                    out_hbm.at[c, pl.ds(s * _RPT, _RPT)])


def _proj_body(xa_ref, xb_ref, w_ref, o_ref):
    w = w_ref[...]
    a = jnp.dot(xa_ref[...], w, preferred_element_type=jnp.float32)
    b = jnp.dot(xb_ref[...], w, preferred_element_type=jnp.float32)
    o_ref[...] = jnp.concatenate([a, b], axis=1)


def _proj(x, w):
    return pl.pallas_call(
        _proj_body,
        grid=(_NB,),
        in_specs=[
            pl.BlockSpec((_BF, _D), lambda i: (i, 0)),
            pl.BlockSpec((_BF, _D), lambda i: (i + _NB, 0)),
            pl.BlockSpec((_D, _H), lambda i: (0, 0)),
        ],
        out_specs=pl.BlockSpec((_BF, 2 * _H), lambda i: (i, 0)),
        out_shape=jax.ShapeDtypeStruct((_NF, 2 * _H), jnp.float32),
    )(x, x, w)


def _mlp_body(has_next, p_ref, agg_ref, b1_ref, w2_ref, b2_ref, w1n_ref,
              bt_ref, bb_ref, *refs):
    if has_next:
        pn_ref, h_out, s_out, c_out = refs
    else:
        h_out, s_out, c_out = refs
    i = pl.program_id(0)

    @pl.when(i == 0)
    def _init():
        s_out[...] = jnp.zeros_like(s_out)
        c_out[...] = jnp.zeros_like(c_out)

    m = 2.0 * p_ref[...] + agg_ref[0] + agg_ref[1] + b1_ref[...]
    m = jnp.maximum(m, 0.0)
    w2 = w2_ref[...]
    b2 = b2_ref[...]
    h_top = jnp.maximum(
        jnp.dot(m[:, :_H], w2, preferred_element_type=jnp.float32) + b2, 0.0)
    h_bot = jnp.maximum(
        jnp.dot(m[:, _H:], w2, preferred_element_type=jnp.float32) + b2, 0.0)
    h_out[...] = jnp.concatenate([h_top, h_bot], axis=1)
    if has_next:
        w1n = w1n_ref[...]
        pn_ref[...] = jnp.concatenate(
            [jnp.dot(h_top, w1n, preferred_element_type=jnp.float32),
             jnp.dot(h_bot, w1n, preferred_element_type=jnp.float32)], axis=1)

    bt = bt_ref[...]
    bb = bb_ref[...]
    iota = lax.broadcasted_iota(jnp.int32, (_BF, _G), 1)
    oh_t = (bt == iota).astype(jnp.float32)
    oh_b = (bb == iota).astype(jnp.float32)
    dn = (((0,), (0,)), ((), ()))
    s_out[...] += (lax.dot_general(oh_t, h_top, dn, preferred_element_type=jnp.float32)
                   + lax.dot_general(oh_b, h_bot, dn, preferred_element_type=jnp.float32))
    ones = jnp.ones((_BF, 8), jnp.float32)
    c_out[...] += (lax.dot_general(oh_t, ones, dn, preferred_element_type=jnp.float32)
                   + lax.dot_general(oh_b, ones, dn, preferred_element_type=jnp.float32))

def _maxpool_body(h_ref, bt_ref, bb_ref, m_out):
    i = pl.program_id(0)

    @pl.when(i == 0)
    def _init():
        m_out[...] = jnp.full_like(m_out, -jnp.inf)

    h = h_ref[...]
    h_top = h[:, :_H]
    h_bot = h[:, _H:]
    bt = bt_ref[...]
    bb = bb_ref[...]
    rowid = lax.broadcasted_iota(jnp.int32, (_G, 1), 0)

    def g_top(g, carry):
        mg = jnp.max(jnp.where(bt == g, h_top, -jnp.inf), axis=0, keepdims=True)
        m_out[...] = jnp.maximum(m_out[...], jnp.where(rowid == g, mg, -jnp.inf))
        return carry

    def g_bot(g, carry):
        mg = jnp.max(jnp.where(bb == g, h_bot, -jnp.inf), axis=0, keepdims=True)
        m_out[...] = jnp.maximum(m_out[...], jnp.where(rowid == g, mg, -jnp.inf))
        return carry

    lax.fori_loop(bt[0, 0], bt[_BF - 1, 0] + 1, g_top, 0)
    lax.fori_loop(bb[0, 0], bb[_BF - 1, 0] + 1, g_bot, 0)


def _maxpool(h, bat):
    return pl.pallas_call(
        _maxpool_body,
        grid=(_NB,),
        in_specs=[
            pl.BlockSpec((_BF, 2 * _H), lambda i: (i, 0)),
            pl.BlockSpec((_BF, 1), lambda i: (i, 0)),
            pl.BlockSpec((_BF, 1), lambda i: (i + _NB, 0)),
        ],
        out_specs=pl.BlockSpec((_G, _H), lambda i: (0, 0)),
        out_shape=jax.ShapeDtypeStruct((_G, _H), jnp.float32),
    )(h, bat, bat)


def _mlp(p, agg, b1f, w2, b2, w1n, bat, has_next):
    in_specs = [
        pl.BlockSpec((_BF, 2 * _H), lambda i: (i, 0)),
        pl.BlockSpec((_NSC, _BF, 2 * _H), lambda i: (0, i, 0)),
        pl.BlockSpec((1, 2 * _H), lambda i: (0, 0)),
        pl.BlockSpec((_H, _H), lambda i: (0, 0)),
        pl.BlockSpec((1, _H), lambda i: (0, 0)),
        pl.BlockSpec((_H, _H), lambda i: (0, 0)),
        pl.BlockSpec((_BF, 1), lambda i: (i, 0)),
        pl.BlockSpec((_BF, 1), lambda i: (i + _NB, 0)),
    ]
    pool_specs = [pl.BlockSpec((_BF, 2 * _H), lambda i: (i, 0)),
                  pl.BlockSpec((_G, _H), lambda i: (0, 0)),
                  pl.BlockSpec((_G, 8), lambda i: (0, 0))]
    pool_shapes = [jax.ShapeDtypeStruct((_NF, 2 * _H), jnp.float32),
                   jax.ShapeDtypeStruct((_G, _H), jnp.float32),
                   jax.ShapeDtypeStruct((_G, 8), jnp.float32)]
    if has_next:
        out_specs = [pl.BlockSpec((_BF, 2 * _H), lambda i: (i, 0))] + pool_specs
        out_shape = [jax.ShapeDtypeStruct((_NF, 2 * _H), jnp.float32)] + pool_shapes
    else:
        out_specs = pool_specs
        out_shape = pool_shapes
    return pl.pallas_call(
        functools.partial(_mlp_body, has_next),
        grid=(_NB,),
        in_specs=in_specs,
        out_specs=out_specs,
        out_shape=out_shape,
    )(p, agg, b1f, w2, b2, w1n, bat, bat)


def _head_body(s1, s2, s3, m1, m2, m3, cnt_ref, fc1w_ref, fc1b_ref,
               fc2w_ref, fc2b_ref, out_ref):
    cnt = cnt_ref[:, 0:1]
    inv = 1.0 / jnp.maximum(cnt, 1.0)
    w = fc1w_ref[...]
    z = fc1b_ref[...]
    sums = [s1[...], s2[...], s3[...]]
    for k in range(3):
        mean_k = sums[k] * inv
        z = z + jnp.dot(mean_k, w[64 * k:64 * (k + 1)],
                        preferred_element_type=jnp.float32)
    maxs = [m1[...], m2[...], m3[...]]
    for k in range(3):
        mx_k = jnp.where(cnt > 0.0, maxs[k], 0.0)
        z = z + jnp.dot(mx_k, w[192 + 64 * k:192 + 64 * (k + 1)],
                        preferred_element_type=jnp.float32)
    for k in range(3):
        z = z + jnp.dot(sums[k], w[384 + 64 * k:384 + 64 * (k + 1)],
                        preferred_element_type=jnp.float32)
    z = jnp.maximum(z, 0.0)
    o = jnp.dot(z, fc2w_ref[...], preferred_element_type=jnp.float32) \
        + fc2b_ref[...]
    out_ref[...] = 1.0 / (1.0 + jnp.exp(-o))


def _head(pools, fc1_w, fc1_b, fc2_w, fc2_b):
    (s1, m1, c1), (s2, m2, _), (s3, m3, _) = pools
    gspec = lambda shape: pl.BlockSpec(shape, lambda: tuple(0 for _ in shape))
    return pl.pallas_call(
        _head_body,
        in_specs=[gspec((_G, _H))] * 6 + [
            gspec((_G, 8)), gspec((9 * _H, _H)), gspec((1, _H)),
            gspec((_H, _C)), gspec((1, _C)),
        ],
        out_specs=gspec((_G, _C)),
        out_shape=jax.ShapeDtypeStruct((_G, _C), jnp.float32),
    )(s1, s2, s3, m1, m2, m3, c1, fc1_w, fc1_b, fc2_w, fc2_b)


def _remap_fold(idx):
    return jnp.where(idx < _NF, 2 * idx, 2 * idx - (_N - 1))


def kernel(x, edge_index, batch,
           c0_w1, c0_b1, c0_w2, c0_b2,
           c1_w1, c1_b1, c1_w2, c1_b2,
           c2_w1, c2_b1, c2_w2, c2_b2,
           fc1_w, fc1_b, fc2_w, fc2_b):
    ed = _remap_fold(edge_index.astype(jnp.int32)).reshape(2, _NW, _NCH, _K)
    zeros = jnp.zeros((_NP, _H), jnp.float32)
    bat = batch.astype(jnp.int32).reshape(_N, 1)

    params = [(c0_b1, c0_w2, c0_b2), (c1_b1, c1_w2, c1_b2), (c2_b1, c2_w2, c2_b2)]
    next_w1 = [c1_w1, c2_w1, None]

    p = _proj(x, c0_w1)
    pools = []
    for l in range(3):
        agg = _sc_agg(p.reshape(_N, _H), ed, zeros)
        agg_f = agg.reshape(_NSC, _NP // 2, 2 * _H)
        b1, w2, b2 = params[l]
        b1f = jnp.concatenate([b1, b1]).reshape(1, 2 * _H)
        has_next = next_w1[l] is not None
        w1n = next_w1[l] if has_next else w2
        res = _mlp(p, agg_f, b1f, w2, b2.reshape(1, _H), w1n, bat, has_next)
        if has_next:
            p, h, s, c = res
        else:
            h, s, c = res
        pools.append((s, _maxpool(h, bat), c))

    return _head(pools, fc1_w, fc1_b.reshape(1, _H), fc2_w,
                 fc2_b.reshape(1, _C))

# --- scband reference (transcript-rebuilt; emitter-appended) ---
"""Pipeline reference for scband-gin-55800215109866 (READ-ONLY COPY).

The authoritative reference and input builder live on the scoring server;
editing this copy changes nothing except your own understanding.
"""

import jax, jax.numpy as jnp
import numpy as np

N = 10000
E = 320000
D = 128
H = 64
G = 64
C = 10


def setup_inputs(seed: int = 0):
    key = jax.random.key(seed)
    ks = jax.random.split(key, 24)
    inp = {}
    inp["x"] = jax.random.normal(ks[0], (N, D), dtype=jnp.float32)
    inp["edge_index"] = jax.random.randint(ks[1], (2, E), 0, N)
    inp["batch"] = jnp.sort(jax.random.randint(ks[2], (N,), 0, G))
    dims = [(D, H), (H, H), (H, H)]
    i = 3
    for l, (din, dh) in enumerate(dims):
        inp[f"c{l}_w1"] = jax.random.normal(ks[i], (din, dh), dtype=jnp.float32) * (1.0 / np.sqrt(din)); i += 1
        inp[f"c{l}_b1"] = jnp.zeros((dh,), jnp.float32)
        inp[f"c{l}_w2"] = jax.random.normal(ks[i], (dh, dh), dtype=jnp.float32) * (1.0 / np.sqrt(dh)); i += 1
        inp[f"c{l}_b2"] = jnp.zeros((dh,), jnp.float32)
    inp["fc1_w"] = jax.random.normal(ks[i], (3 * 3 * H, H), dtype=jnp.float32) * (1.0 / np.sqrt(3 * 3 * H)); i += 1
    inp["fc1_b"] = jnp.zeros((H,), jnp.float32)
    inp["fc2_w"] = jax.random.normal(ks[i], (H, C), dtype=jnp.float32) * (1.0 / np.sqrt(H)); i += 1
    inp["fc2_b"] = jnp.zeros((C,), jnp.float32)
    return inp


def reference(x, edge_index, batch,
              c0_w1, c0_b1, c0_w2, c0_b2,
              c1_w1, c1_b1, c1_w2, c1_b2,
              c2_w1, c2_b1, c2_w2, c2_b2,
              fc1_w, fc1_b, fc2_w, fc2_b):
    src, dst = edge_index[0], edge_index[1]
    conv_params = [(c0_w1, c0_b1, c0_w2, c0_b2),
                   (c1_w1, c1_b1, c1_w2, c1_b2),
                   (c2_w1, c2_b1, c2_w2, c2_b2)]
    h = x
    xs = []
    for (w1, b1, w2, b2) in conv_params:
        # GINConv with eps=1 (train_eps=False): (1+eps)*x + sum_{j in N(i)} x_j
        agg = jax.ops.segment_sum(h[src], dst, num_segments=N)
        m = 2.0 * h + agg
        m = jax.nn.relu(m @ w1 + b1)
        m = jax.nn.relu(m @ w2 + b2)
        h = m
        xs.append(m)
    X = jnp.concatenate(xs, axis=1)  # [N, 3*H]
    s = jax.ops.segment_sum(X, batch, num_segments=G)
    counts = jax.ops.segment_sum(jnp.ones((N,), jnp.float32), batch, num_segments=G)
    mean = s / jnp.maximum(counts, 1.0)[:, None]
    mx = jax.ops.segment_max(X, batch, num_segments=G)
    mx = jnp.where(counts[:, None] > 0, mx, 0.0)
    pooled = jnp.concatenate([mean, mx, s], axis=1)  # [G, 9*H]
    out = jax.nn.relu(pooled @ fc1_w + fc1_b)
    out = jax.nn.sigmoid(out @ fc2_w + fc2_b)
    return out

if __name__ == "__main__":
    import jax
    _d = setup_inputs()
    print(jax.jit(kernel)(*tuple(_d.values())))

</pallas_src>

<mosaic_0001>
#map = affine_map<(d0, d1) -> (0, 0)>
#map1 = affine_map<(d0, d1) -> (0, 0, 0, 0)>
#map2 = affine_map<(d0, d1) -> (0, 0, 0)>
module attributes {stable_mosaic.version = 14 : i64} {
  func.func @_sc_agg(%arg0: i32, %arg1: i32, %arg2: memref<10000x64xf32, #tpu.memory_space<hbm>>, %arg3: memref<2x32x80x125xi32, #tpu.memory_space<hbm>>, %arg4: memref<10240x64xf32, #tpu.memory_space<hbm>>, %arg5: memref<2x10240x64xf32, #tpu.memory_space<hbm>>, %arg6: memref<80x125xi32, #tpu.memory_space<vmem>>, %arg7: memref<80x125xi32, #tpu.memory_space<vmem>>, %arg8: memref<2x4x125x64xf32, #tpu.memory_space<vmem>>, %arg9: memref<10240x64xf32, #tpu.memory_space<vmem_shared>>, %arg10: memref<!tpu.dma_semaphore, #tpu.memory_space<semaphore_mem>>, %arg11: memref<!tpu.dma_semaphore, #tpu.memory_space<semaphore_mem>>, %arg12: memref<!tpu.dma_semaphore, #tpu.memory_space<semaphore_mem>>, %arg13: memref<!tpu.dma_semaphore, #tpu.memory_space<semaphore_mem>>) attributes {dimension_semantics = [#tpu.dimension_semantics<core_parallel>, #tpu.dimension_semantics<subcore_parallel>], iteration_bounds = array<i64: 2, 16>, scalar_prefetch = 0 : i64, scratch_operands = 8 : i64, tpu.core_type = #tpu.core_type<sc_vector_subcore>, window_params = [{transform_indices = #map}, {transform_indices = #map1}, {transform_indices = #map}, {transform_indices = #map2}]} {
    %mul3A = arith.constant 16 : i32
    %mul3A_0 = arith.muli %arg0, %mul3A : i32
    %add3A = arith.addi %mul3A_0, %arg1 : i32
    %mul3A_1 = arith.constant 640 : i32
    %mul3A_2 = arith.muli %arg1, %mul3A_1 : i32
    %mul3A_3 = arith.constant 640 : i32
    %mul3A_4 = arith.muli %arg1, %mul3A_3 : i32
    "tpu.region"() ({
      %run_scoped3A_67 = tpu.sem_alloc : memref<!tpu.dma_semaphore, #tpu.memory_space<semaphore_mem>>
      %dma_start3A_68 = arith.constant 0 : i32
      %dma_start3A_69 = tpu.memref_slice %arg9[%mul3A_4, %dma_start3A_68] : memref<10240x64xf32, #tpu.memory_space<vmem_shared>> -> memref<640x64xf32, #tpu.memory_space<vmem_shared>>
      %dma_start3A_70 = arith.constant 0 : i32
      %dma_start3A_71 = tpu.memref_slice %arg4[%mul3A_2, %dma_start3A_70] : memref<10240x64xf32, #tpu.memory_space<hbm>> -> memref<640x64xf32, #tpu.memory_space<hbm>>
      tpu.enqueue_dma source(%dma_start3A_71 : memref<640x64xf32, #tpu.memory_space<hbm>>) target(%dma_start3A_69 : memref<640x64xf32, #tpu.memory_space<vmem_shared>>) target_semaphore(%run_scoped3A_67 : memref<!tpu.dma_semaphore, #tpu.memory_space<semaphore_mem>>)
      %dma_wait3A = arith.constant 0 : i32
      %dma_wait3A_72 = tpu.memref_slice %arg9[%mul3A_4, %dma_wait3A] : memref<10240x64xf32, #tpu.memory_space<vmem_shared>> -> memref<640x64xf32, #tpu.memory_space<vmem_shared>>
      %dma_wait3A_73 = arith.constant 0 : i32
      %dma_wait3A_74 = tpu.memref_slice %arg4[%mul3A_2, %dma_wait3A_73] : memref<10240x64xf32, #tpu.memory_space<hbm>> -> memref<640x64xf32, #tpu.memory_space<hbm>>
      tpu.wait_dma2 semaphore(%run_scoped3A_67 : memref<!tpu.dma_semaphore, #tpu.memory_space<semaphore_mem>>) src(%dma_wait3A_74 : memref<640x64xf32, #tpu.memory_space<hbm>>) dst(%dma_wait3A_72 : memref<640x64xf32, #tpu.memory_space<vmem_shared>>)
      tpu.yield
    }) : () -> ()
    %run_scoped3A = arith.constant 0 : i32
    "tpu.region"() ({
      %run_scoped3A_67 = tpu.sem_alloc : memref<!tpu.dma_semaphore, #tpu.memory_space<semaphore_mem>>
      %dma_start3A_68 = arith.constant 0 : i32
      %dma_start3A_69 = arith.constant 0 : i32
      %dma_start3A_70 = tpu.memref_slice %arg3[%run_scoped3A, %add3A, %dma_start3A_68, %dma_start3A_69] : memref<2x32x80x125xi32, #tpu.memory_space<hbm>> -> memref<1x1x80x125xi32, #tpu.memory_space<hbm>>
      %dma_start3A_71 = tpu.memref_squeeze %dma_start3A_70 : memref<1x1x80x125xi32, #tpu.memory_space<hbm>> -> memref<80x125xi32, #tpu.memory_space<hbm>>
      %dma_start3A_72 = arith.constant 0 : i32
      %dma_start3A_73 = arith.constant 0 : i32
      %dma_start3A_74 = tpu.memref_slice %arg3[%run_scoped3A, %add3A, %dma_start3A_72, %dma_start3A_73] : memref<2x32x80x125xi32, #tpu.memory_space<hbm>> -> memref<1x1x80x125xi32, #tpu.memory_space<hbm>>
      %dma_start3A_75 = tpu.memref_squeeze %dma_start3A_74 : memref<1x1x80x125xi32, #tpu.memory_space<hbm>> -> memref<80x125xi32, #tpu.memory_space<hbm>>
      tpu.enqueue_dma source(%dma_start3A_75 : memref<80x125xi32, #tpu.memory_space<hbm>>) target(%arg6 : memref<80x125xi32, #tpu.memory_space<vmem>>) target_semaphore(%run_scoped3A_67 : memref<!tpu.dma_semaphore, #tpu.memory_space<semaphore_mem>>)
      %dma_wait3A = arith.constant 0 : i32
      %dma_wait3A_76 = arith.constant 0 : i32
      %dma_wait3A_77 = tpu.memref_slice %arg3[%run_scoped3A, %add3A, %dma_wait3A, %dma_wait3A_76] : memref<2x32x80x125xi32, #tpu.memory_space<hbm>> -> memref<1x1x80x125xi32, #tpu.memory_space<hbm>>
      %dma_wait3A_78 = tpu.memref_squeeze %dma_wait3A_77 : memref<1x1x80x125xi32, #tpu.memory_space<hbm>> -> memref<80x125xi32, #tpu.memory_space<hbm>>
      %dma_wait3A_79 = arith.constant 0 : i32
      %dma_wait3A_80 = arith.constant 0 : i32
      %dma_wait3A_81 = tpu.memref_slice %arg3[%run_scoped3A, %add3A, %dma_wait3A_79, %dma_wait3A_80] : memref<2x32x80x125xi32, #tpu.memory_space<hbm>> -> memref<1x1x80x125xi32, #tpu.memory_space<hbm>>
      %dma_wait3A_82 = tpu.memref_squeeze %dma_wait3A_81 : memref<1x1x80x125xi32, #tpu.memory_space<hbm>> -> memref<80x125xi32, #tpu.memory_space<hbm>>
      tpu.wait_dma2 semaphore(%run_scoped3A_67 : memref<!tpu.dma_semaphore, #tpu.memory_space<semaphore_mem>>) src(%dma_wait3A_82 : memref<80x125xi32, #tpu.memory_space<hbm>>) dst(%arg6 : memref<80x125xi32, #tpu.memory_space<vmem>>)
      tpu.yield
    }) : () -> ()
    %run_scoped3A_5 = arith.constant 1 : i32
    "tpu.region"() ({
      %run_scoped3A_67 = tpu.sem_alloc : memref<!tpu.dma_semaphore, #tpu.memory_space<semaphore_mem>>
      %dma_start3A_68 = arith.constant 0 : i32
      %dma_start3A_69 = arith.constant 0 : i32
      %dma_start3A_70 = tpu.memref_slice %arg3[%run_scoped3A_5, %add3A, %dma_start3A_68, %dma_start3A_69] : memref<2x32x80x125xi32, #tpu.memory_space<hbm>> -> memref<1x1x80x125xi32, #tpu.memory_space<hbm>>
      %dma_start3A_71 = tpu.memref_squeeze %dma_start3A_70 : memref<1x1x80x125xi32, #tpu.memory_space<hbm>> -> memref<80x125xi32, #tpu.memory_space<hbm>>
      %dma_start3A_72 = arith.constant 0 : i32
      %dma_start3A_73 = arith.constant 0 : i32
      %dma_start3A_74 = tpu.memref_slice %arg3[%run_scoped3A_5, %add3A, %dma_start3A_72, %dma_start3A_73] : memref<2x32x80x125xi32, #tpu.memory_space<hbm>> -> memref<1x1x80x125xi32, #tpu.memory_space<hbm>>
      %dma_start3A_75 = tpu.memref_squeeze %dma_start3A_74 : memref<1x1x80x125xi32, #tpu.memory_space<hbm>> -> memref<80x125xi32, #tpu.memory_space<hbm>>
      tpu.enqueue_dma source(%dma_start3A_75 : memref<80x125xi32, #tpu.memory_space<hbm>>) target(%arg7 : memref<80x125xi32, #tpu.memory_space<vmem>>) target_semaphore(%run_scoped3A_67 : memref<!tpu.dma_semaphore, #tpu.memory_space<semaphore_mem>>)
      %dma_wait3A = arith.constant 0 : i32
      %dma_wait3A_76 = arith.constant 0 : i32
      %dma_wait3A_77 = tpu.memref_slice %arg3[%run_scoped3A_5, %add3A, %dma_wait3A, %dma_wait3A_76] : memref<2x32x80x125xi32, #tpu.memory_space<hbm>> -> memref<1x1x80x125xi32, #tpu.memory_space<hbm>>
      %dma_wait3A_78 = tpu.memref_squeeze %dma_wait3A_77 : memref<1x1x80x125xi32, #tpu.memory_space<hbm>> -> memref<80x125xi32, #tpu.memory_space<hbm>>
      %dma_wait3A_79 = arith.constant 0 : i32
      %dma_wait3A_80 = arith.constant 0 : i32
      %dma_wait3A_81 = tpu.memref_slice %arg3[%run_scoped3A_5, %add3A, %dma_wait3A_79, %dma_wait3A_80] : memref<2x32x80x125xi32, #tpu.memory_space<hbm>> -> memref<1x1x80x125xi32, #tpu.memory_space<hbm>>
      %dma_wait3A_82 = tpu.memref_squeeze %dma_wait3A_81 : memref<1x1x80x125xi32, #tpu.memory_space<hbm>> -> memref<80x125xi32, #tpu.memory_space<hbm>>
      tpu.wait_dma2 semaphore(%run_scoped3A_67 : memref<!tpu.dma_semaphore, #tpu.memory_space<semaphore_mem>>) src(%dma_wait3A_82 : memref<80x125xi32, #tpu.memory_space<hbm>>) dst(%arg7 : memref<80x125xi32, #tpu.memory_space<vmem>>)
      tpu.yield
    }) : () -> ()
    %barrier3A = arith.constant 0 : index
    tpu.barrier barrier_id(%barrier3A)
    %dma_start3A = arith.constant 0 : i32
    %dma_start3A_6 = arith.constant 0 : i32
    %dma_start3A_7 = arith.constant 0 : i32
    %dma_start3A_8 = arith.constant 0 : i32
    %dma_start3A_9 = arith.constant 0 : i32
    %dma_start3A_10 = tpu.memref_slice %arg8[%dma_start3A_6, %dma_start3A_7, %dma_start3A_8, %dma_start3A_9] : memref<2x4x125x64xf32, #tpu.memory_space<vmem>> -> memref<1x1x125x64xf32, #tpu.memory_space<vmem>>
    %dma_start3A_11 = tpu.memref_squeeze %dma_start3A_10 : memref<1x1x125x64xf32, #tpu.memory_space<vmem>> -> memref<125x64xf32, #tpu.memory_space<vmem>>
    %dma_start3A_12 = arith.constant 0 : i32
    %dma_start3A_13 = tpu.memref_slice %arg6[%dma_start3A, %dma_start3A_12] : memref<80x125xi32, #tpu.memory_space<vmem>> -> memref<1x125xi32, #tpu.memory_space<vmem>>
    %dma_start3A_14 = tpu.memref_squeeze %dma_start3A_13 : memref<1x125xi32, #tpu.memory_space<vmem>> -> memref<125xi32, #tpu.memory_space<vmem>>
    %dma_start3A_15 = arith.constant 0 : i32
    %dma_start3A_16 = arith.constant 0 : i32
    %dma_start3A_17 = tpu.memref_slice %arg2[%dma_start3A_15, %dma_start3A_16] : memref<10000x64xf32, #tpu.memory_space<hbm>> -> memref<10000x64xf32, #tpu.memory_space<hbm>>
    tpu.enqueue_indirect_dma source(%dma_start3A_17 : memref<10000x64xf32, #tpu.memory_space<hbm>>) target(%dma_start3A_11 : memref<125x64xf32, #tpu.memory_space<vmem>>) offsets(%dma_start3A_14 : memref<125xi32, #tpu.memory_space<vmem>>) semaphore(%arg10 : memref<!tpu.dma_semaphore, #tpu.memory_space<semaphore_mem>>)
    %dma_start3A_18 = arith.constant 1 : i32
    %dma_start3A_19 = arith.constant 0 : i32
    %dma_start3A_20 = arith.constant 1 : i32
    %dma_start3A_21 = arith.constant 0 : i32
    %dma_start3A_22 = arith.constant 0 : i32
    %dma_start3A_23 = tpu.memref_slice %arg8[%dma_start3A_19, %dma_start3A_20, %dma_start3A_21, %dma_start3A_22] : memref<2x4x125x64xf32, #tpu.memory_space<vmem>> -> memref<1x1x125x64xf32, #tpu.memory_space<vmem>>
    %dma_start3A_24 = tpu.memref_squeeze %dma_start3A_23 : memref<1x1x125x64xf32, #tpu.memory_space<vmem>> -> memref<125x64xf32, #tpu.memory_space<vmem>>
    %dma_start3A_25 = arith.constant 0 : i32
    %dma_start3A_26 = tpu.memref_slice %arg6[%dma_start3A_18, %dma_start3A_25] : memref<80x125xi32, #tpu.memory_space<vmem>> -> memref<1x125xi32, #tpu.memory_space<vmem>>
    %dma_start3A_27 = tpu.memref_squeeze %dma_start3A_26 : memref<1x125xi32, #tpu.memory_space<vmem>> -> memref<125xi32, #tpu.memory_space<vmem>>
    %dma_start3A_28 = arith.constant 0 : i32
    %dma_start3A_29 = arith.constant 0 : i32
    %dma_start3A_30 = tpu.memref_slice %arg2[%dma_start3A_28, %dma_start3A_29] : memref<10000x64xf32, #tpu.memory_space<hbm>> -> memref<10000x64xf32, #tpu.memory_space<hbm>>
    tpu.enqueue_indirect_dma source(%dma_start3A_30 : memref<10000x64xf32, #tpu.memory_space<hbm>>) target(%dma_start3A_24 : memref<125x64xf32, #tpu.memory_space<vmem>>) offsets(%dma_start3A_27 : memref<125xi32, #tpu.memory_space<vmem>>) semaphore(%arg10 : memref<!tpu.dma_semaphore, #tpu.memory_space<semaphore_mem>>)
    %dma_start3A_31 = arith.constant 2 : i32
    %dma_start3A_32 = arith.constant 0 : i32
    %dma_start3A_33 = arith.constant 2 : i32
    %dma_start3A_34 = arith.constant 0 : i32
    %dma_start3A_35 = arith.constant 0 : i32
    %dma_start3A_36 = tpu.memref_slice %arg8[%dma_start3A_32, %dma_start3A_33, %dma_start3A_34, %dma_start3A_35] : memref<2x4x125x64xf32, #tpu.memory_space<vmem>> -> memref<1x1x125x64xf32, #tpu.memory_space<vmem>>
    %dma_start3A_37 = tpu.memref_squeeze %dma_start3A_36 : memref<1x1x125x64xf32, #tpu.memory_space<vmem>> -> memref<125x64xf32, #tpu.memory_space<vmem>>
    %dma_start3A_38 = arith.constant 0 : i32
    %dma_start3A_39 = tpu.memref_slice %arg6[%dma_start3A_31, %dma_start3A_38] : memref<80x125xi32, #tpu.memory_space<vmem>> -> memref<1x125xi32, #tpu.memory_space<vmem>>
    %dma_start3A_40 = tpu.memref_squeeze %dma_start3A_39 : memref<1x125xi32, #tpu.memory_space<vmem>> -> memref<125xi32, #tpu.memory_space<vmem>>
    %dma_start3A_41 = arith.constant 0 : i32
    %dma_start3A_42 = arith.constant 0 : i32
    %dma_start3A_43 = tpu.memref_slice %arg2[%dma_start3A_41, %dma_start3A_42] : memref<10000x64xf32, #tpu.memory_space<hbm>> -> memref<10000x64xf32, #tpu.memory_space<hbm>>
    tpu.enqueue_indirect_dma source(%dma_start3A_43 : memref<10000x64xf32, #tpu.memory_space<hbm>>) target(%dma_start3A_37 : memref<125x64xf32, #tpu.memory_space<vmem>>) offsets(%dma_start3A_40 : memref<125xi32, #tpu.memory_space<vmem>>) semaphore(%arg10 : memref<!tpu.dma_semaphore, #tpu.memory_space<semaphore_mem>>)
    %dma_start3A_44 = arith.constant 3 : i32
    %dma_start3A_45 = arith.constant 0 : i32
    %dma_start3A_46 = arith.constant 3 : i32
    %dma_start3A_47 = arith.constant 0 : i32
    %dma_start3A_48 = arith.constant 0 : i32
    %dma_start3A_49 = tpu.memref_slice %arg8[%dma_start3A_45, %dma_start3A_46, %dma_start3A_47, %dma_start3A_48] : memref<2x4x125x64xf32, #tpu.memory_space<vmem>> -> memref<1x1x125x64xf32, #tpu.memory_space<vmem>>
    %dma_start3A_50 = tpu.memref_squeeze %dma_start3A_49 : memref<1x1x125x64xf32, #tpu.memory_space<vmem>> -> memref<125x64xf32, #tpu.memory_space<vmem>>
    %dma_start3A_51 = arith.constant 0 : i32
    %dma_start3A_52 = tpu.memref_slice %arg6[%dma_start3A_44, %dma_start3A_51] : memref<80x125xi32, #tpu.memory_space<vmem>> -> memref<1x125xi32, #tpu.memory_space<vmem>>
    %dma_start3A_53 = tpu.memref_squeeze %dma_start3A_52 : memref<1x125xi32, #tpu.memory_space<vmem>> -> memref<125xi32, #tpu.memory_space<vmem>>
    %dma_start3A_54 = arith.constant 0 : i32
    %dma_start3A_55 = arith.constant 0 : i32
    %dma_start3A_56 = tpu.memref_slice %arg2[%dma_start3A_54, %dma_start3A_55] : memref<10000x64xf32, #tpu.memory_space<hbm>> -> memref<10000x64xf32, #tpu.memory_space<hbm>>
    tpu.enqueue_indirect_dma source(%dma_start3A_56 : memref<10000x64xf32, #tpu.memory_space<hbm>>) target(%dma_start3A_50 : memref<125x64xf32, #tpu.memory_space<vmem>>) offsets(%dma_start3A_53 : memref<125xi32, #tpu.memory_space<vmem>>) semaphore(%arg10 : memref<!tpu.dma_semaphore, #tpu.memory_space<semaphore_mem>>)
    %scan3A = arith.constant 0 : i32
    %scan3A_57 = arith.constant 0 : i32
    %scan3A_58 = arith.constant 10 : i32
    %scan3A_59 = arith.addi %scan3A_57, %scan3A_58 : i32
    %scan3A_60 = arith.constant 1 : i32
    scf.for %scan3A_67 = %scan3A_57 to %scan3A_59 step %scan3A_60  : i32 {
      %mul3A_68 = arith.constant 2 : i32
      %mul3A_69 = arith.muli %mul3A_68, %scan3A_67 : i32
      %add3A_70 = arith.constant 1 : i32
      %add3A_71 = arith.addi %mul3A_69, %add3A_70 : i32
      %mul3A_72 = arith.constant 4 : i32
      %mul3A_73 = arith.muli %add3A_71, %mul3A_72 : i32
      %add3A_74 = arith.constant 0 : i32
      %add3A_75 = arith.addi %mul3A_73, %add3A_74 : i32
      %dma_start3A_76 = arith.constant 1 : i32
      %dma_start3A_77 = arith.constant 0 : i32
      %dma_start3A_78 = arith.constant 0 : i32
      %dma_start3A_79 = arith.constant 0 : i32
      %dma_start3A_80 = tpu.memref_slice %arg8[%dma_start3A_76, %dma_start3A_77, %dma_start3A_78, %dma_start3A_79] : memref<2x4x125x64xf32, #tpu.memory_space<vmem>> -> memref<1x1x125x64xf32, #tpu.memory_space<vmem>>
      %dma_start3A_81 = tpu.memref_squeeze %dma_start3A_80 : memref<1x1x125x64xf32, #tpu.memory_space<vmem>> -> memref<125x64xf32, #tpu.memory_space<vmem>>
      %dma_start3A_82 = arith.constant 0 : i32
      %dma_start3A_83 = tpu.memref_slice %arg6[%add3A_75, %dma_start3A_82] : memref<80x125xi32, #tpu.memory_space<vmem>> -> memref<1x125xi32, #tpu.memory_space<vmem>>
      %dma_start3A_84 = tpu.memref_squeeze %dma_start3A_83 : memref<1x125xi32, #tpu.memory_space<vmem>> -> memref<125xi32, #tpu.memory_space<vmem>>
      %dma_start3A_85 = arith.constant 0 : i32
      %dma_start3A_86 = arith.constant 0 : i32
      %dma_start3A_87 = tpu.memref_slice %arg2[%dma_start3A_85, %dma_start3A_86] : memref<10000x64xf32, #tpu.memory_space<hbm>> -> memref<10000x64xf32, #tpu.memory_space<hbm>>
      tpu.enqueue_indirect_dma source(%dma_start3A_87 : memref<10000x64xf32, #tpu.memory_space<hbm>>) target(%dma_start3A_81 : memref<125x64xf32, #tpu.memory_space<vmem>>) offsets(%dma_start3A_84 : memref<125xi32, #tpu.memory_space<vmem>>) semaphore(%arg11 : memref<!tpu.dma_semaphore, #tpu.memory_space<semaphore_mem>>)
      %mul3A_88 = arith.constant 4 : i32
      %mul3A_89 = arith.muli %add3A_71, %mul3A_88 : i32
      %add3A_90 = arith.constant 1 : i32
      %add3A_91 = arith.addi %mul3A_89, %add3A_90 : i32
      %dma_start3A_92 = arith.constant 1 : i32
      %dma_start3A_93 = arith.constant 1 : i32
      %dma_start3A_94 = arith.constant 0 : i32
      %dma_start3A_95 = arith.constant 0 : i32
      %dma_start3A_96 = tpu.memref_slice %arg8[%dma_start3A_92, %dma_start3A_93, %dma_start3A_94, %dma_start3A_95] : memref<2x4x125x64xf32, #tpu.memory_space<vmem>> -> memref<1x1x125x64xf32, #tpu.memory_space<vmem>>
      %dma_start3A_97 = tpu.memref_squeeze %dma_start3A_96 : memref<1x1x125x64xf32, #tpu.memory_space<vmem>> -> memref<125x64xf32, #tpu.memory_space<vmem>>
      %dma_start3A_98 = arith.constant 0 : i32
      %dma_start3A_99 = tpu.memref_slice %arg6[%add3A_91, %dma_start3A_98] : memref<80x125xi32, #tpu.memory_space<vmem>> -> memref<1x125xi32, #tpu.memory_space<vmem>>
      %dma_start3A_100 = tpu.memref_squeeze %dma_start3A_99 : memref<1x125xi32, #tpu.memory_space<vmem>> -> memref<125xi32, #tpu.memory_space<vmem>>
      %dma_start3A_101 = arith.constant 0 : i32
      %dma_start3A_102 = arith.constant 0 : i32
      %dma_start3A_103 = tpu.memref_slice %arg2[%dma_start3A_101, %dma_start3A_102] : memref<10000x64xf32, #tpu.memory_space<hbm>> -> memref<10000x64xf32, #tpu.memory_space<hbm>>
      tpu.enqueue_indirect_dma source(%dma_start3A_103 : memref<10000x64xf32, #tpu.memory_space<hbm>>) target(%dma_start3A_97 : memref<125x64xf32, #tpu.memory_space<vmem>>) offsets(%dma_start3A_100 : memref<125xi32, #tpu.memory_space<vmem>>) semaphore(%arg11 : memref<!tpu.dma_semaphore, #tpu.memory_space<semaphore_mem>>)
      %mul3A_104 = arith.constant 4 : i32
      %mul3A_105 = arith.muli %add3A_71, %mul3A_104 : i32
      %add3A_106 = arith.constant 2 : i32
      %add3A_107 = arith.addi %mul3A_105, %add3A_106 : i32
      %dma_start3A_108 = arith.constant 1 : i32
      %dma_start3A_109 = arith.constant 2 : i32
      %dma_start3A_110 = arith.constant 0 : i32
      %dma_start3A_111 = arith.constant 0 : i32
      %dma_start3A_112 = tpu.memref_slice %arg8[%dma_start3A_108, %dma_start3A_109, %dma_start3A_110, %dma_start3A_111] : memref<2x4x125x64xf32, #tpu.memory_space<vmem>> -> memref<1x1x125x64xf32, #tpu.memory_space<vmem>>
      %dma_start3A_113 = tpu.memref_squeeze %dma_start3A_112 : memref<1x1x125x64xf32, #tpu.memory_space<vmem>> -> memref<125x64xf32, #tpu.memory_space<vmem>>
      %dma_start3A_114 = arith.constant 0 : i32
      %dma_start3A_115 = tpu.memref_slice %arg6[%add3A_107, %dma_start3A_114] : memref<80x125xi32, #tpu.memory_space<vmem>> -> memref<1x125xi32, #tpu.memory_space<vmem>>
      %dma_start3A_116 = tpu.memref_squeeze %dma_start3A_115 : memref<1x125xi32, #tpu.memory_space<vmem>> -> memref<125xi32, #tpu.memory_space<vmem>>
      %dma_start3A_117 = arith.constant 0 : i32
      %dma_start3A_118 = arith.constant 0 : i32
      %dma_start3A_119 = tpu.memref_slice %arg2[%dma_start3A_117, %dma_start3A_118] : memref<10000x64xf32, #tpu.memory_space<hbm>> -> memref<10000x64xf32, #tpu.memory_space<hbm>>
      tpu.enqueue_indirect_dma source(%dma_start3A_119 : memref<10000x64xf32, #tpu.memory_space<hbm>>) target(%dma_start3A_113 : memref<125x64xf32, #tpu.memory_space<vmem>>) offsets(%dma_start3A_116 : memref<125xi32, #tpu.memory_space<vmem>>) semaphore(%arg11 : memref<!tpu.dma_semaphore, #tpu.memory_space<semaphore_mem>>)
      %mul3A_120 = arith.constant 4 : i32
      %mul3A_121 = arith.muli %add3A_71, %mul3A_120 : i32
      %add3A_122 = arith.constant 3 : i32
      %add3A_123 = arith.addi %mul3A_121, %add3A_122 : i32
      %dma_start3A_124 = arith.constant 1 : i32
      %dma_start3A_125 = arith.constant 3 : i32
      %dma_start3A_126 = arith.constant 0 : i32
      %dma_start3A_127 = arith.constant 0 : i32
      %dma_start3A_128 = tpu.memref_slice %arg8[%dma_start3A_124, %dma_start3A_125, %dma_start3A_126, %dma_start3A_127] : memref<2x4x125x64xf32, #tpu.memory_space<vmem>> -> memref<1x1x125x64xf32, #tpu.memory_space<vmem>>
      %dma_start3A_129 = tpu.memref_squeeze %dma_start3A_128 : memref<1x1x125x64xf32, #tpu.memory_space<vmem>> -> memref<125x64xf32, #tpu.memory_space<vmem>>
      %dma_start3A_130 = arith.constant 0 : i32
      %dma_start3A_131 = tpu.memref_slice %arg6[%add3A_123, %dma_start3A_130] : memref<80x125xi32, #tpu.memory_space<vmem>> -> memref<1x125xi32, #tpu.memory_space<vmem>>
      %dma_start3A_132 = tpu.memref_squeeze %dma_start3A_131 : memref<1x125xi32, #tpu.memory_space<vmem>> -> memref<125xi32, #tpu.memory_space<vmem>>
      %dma_start3A_133 = arith.constant 0 : i32
      %dma_start3A_134 = arith.constant 0 : i32
      %dma_start3A_135 = tpu.memref_slice %arg2[%dma_start3A_133, %dma_start3A_134] : memref<10000x64xf32, #tpu.memory_space<hbm>> -> memref<10000x64xf32, #tpu.memory_space<hbm>>
      tpu.enqueue_indirect_dma source(%dma_start3A_135 : memref<10000x64xf32, #tpu.memory_space<hbm>>) target(%dma_start3A_129 : memref<125x64xf32, #tpu.memory_space<vmem>>) offsets(%dma_start3A_132 : memref<125xi32, #tpu.memory_space<vmem>>) semaphore(%arg11 : memref<!tpu.dma_semaphore, #tpu.memory_space<semaphore_mem>>)
      %mul3A_136 = arith.constant 2 : i32
      %mul3A_137 = arith.muli %mul3A_136, %scan3A_67 : i32
      %mul3A_138 = arith.constant 4 : i32
      %mul3A_139 = arith.muli %mul3A_137, %mul3A_138 : i32
      %add3A_140 = arith.constant 0 : i32
      %add3A_141 = arith.addi %mul3A_139, %add3A_140 : i32
      %dma_wait3A = arith.constant 0 : i32
      %dma_wait3A_142 = arith.constant 0 : i32
      %dma_wait3A_143 = arith.constant 0 : i32
      %dma_wait3A_144 = arith.constant 0 : i32
      %dma_wait3A_145 = tpu.memref_slice %arg8[%dma_wait3A, %dma_wait3A_142, %dma_wait3A_143, %dma_wait3A_144] : memref<2x4x125x64xf32, #tpu.memory_space<vmem>> -> memref<1x1x125x64xf32, #tpu.memory_space<vmem>>
      %dma_wait3A_146 = tpu.memref_squeeze %dma_wait3A_145 : memref<1x1x125x64xf32, #tpu.memory_space<vmem>> -> memref<125x64xf32, #tpu.memory_space<vmem>>
      %dma_wait3A_147 = arith.constant 0 : i32
      %dma_wait3A_148 = tpu.memref_slice %arg6[%add3A_141, %dma_wait3A_147] : memref<80x125xi32, #tpu.memory_space<vmem>> -> memref<1x125xi32, #tpu.memory_space<vmem>>
      %dma_wait3A_149 = tpu.memref_squeeze %dma_wait3A_148 : memref<1x125xi32, #tpu.memory_space<vmem>> -> memref<125xi32, #tpu.memory_space<vmem>>
      %dma_wait3A_150 = arith.constant 0 : i32
      %dma_wait3A_151 = arith.constant 0 : i32
      %dma_wait3A_152 = tpu.memref_slice %arg2[%dma_wait3A_150, %dma_wait3A_151] : memref<10000x64xf32, #tpu.memory_space<hbm>> -> memref<10000x64xf32, #tpu.memory_space<hbm>>
      tpu.wait_indirect_dma semaphore(%arg10 : memref<!tpu.dma_semaphore, #tpu.memory_space<semaphore_mem>>) src(%dma_wait3A_152 : memref<10000x64xf32, #tpu.memory_space<hbm>>) dst(%dma_wait3A_146 : memref<125x64xf32, #tpu.memory_space<vmem>>)
      %mul3A_153 = arith.constant 4 : i32
      %mul3A_154 = arith.muli %mul3A_137, %mul3A_153 : i32
      %add3A_155 = arith.constant 1 : i32
      %add3A_156 = arith.addi %mul3A_154, %add3A_155 : i32
      %dma_wait3A_157 = arith.constant 0 : i32
      %dma_wait3A_158 = arith.constant 1 : i32
      %dma_wait3A_159 = arith.constant 0 : i32
      %dma_wait3A_160 = arith.constant 0 : i32
      %dma_wait3A_161 = tpu.memref_slice %arg8[%dma_wait3A_157, %dma_wait3A_158, %dma_wait3A_159, %dma_wait3A_160] : memref<2x4x125x64xf32, #tpu.memory_space<vmem>> -> memref<1x1x125x64xf32, #tpu.memory_space<vmem>>
      %dma_wait3A_162 = tpu.memref_squeeze %dma_wait3A_161 : memref<1x1x125x64xf32, #tpu.memory_space<vmem>> -> memref<125x64xf32, #tpu.memory_space<vmem>>
      %dma_wait3A_163 = arith.constant 0 : i32
      %dma_wait3A_164 = tpu.memref_slice %arg6[%add3A_156, %dma_wait3A_163] : memref<80x125xi32, #tpu.memory_space<vmem>> -> memref<1x125xi32, #tpu.memory_space<vmem>>
      %dma_wait3A_165 = tpu.memref_squeeze %dma_wait3A_164 : memref<1x125xi32, #tpu.memory_space<vmem>> -> memref<125xi32, #tpu.memory_space<vmem>>
      %dma_wait3A_166 = arith.constant 0 : i32
      %dma_wait3A_167 = arith.constant 0 : i32
      %dma_wait3A_168 = tpu.memref_slice %arg2[%dma_wait3A_166, %dma_wait3A_167] : memref<10000x64xf32, #tpu.memory_space<hbm>> -> memref<10000x64xf32, #tpu.memory_space<hbm>>
      tpu.wait_indirect_dma semaphore(%arg10 : memref<!tpu.dma_semaphore, #tpu.memory_space<semaphore_mem>>) src(%dma_wait3A_168 : memref<10000x64xf32, #tpu.memory_space<hbm>>) dst(%dma_wait3A_162 : memref<125x64xf32, #tpu.memory_space<vmem>>)
      %mul3A_169 = arith.constant 4 : i32
      %mul3A_170 = arith.muli %mul3A_137, %mul3A_169 : i32
      %add3A_171 = arith.constant 2 : i32
      %add3A_172 = arith.addi %mul3A_170, %add3A_171 : i32
      %dma_wait3A_173 = arith.constant 0 : i32
      %dma_wait3A_174 = arith.constant 2 : i32
      %dma_wait3A_175 = arith.constant 0 : i32
      %dma_wait3A_176 = arith.constant 0 : i32
      %dma_wait3A_177 = tpu.memref_slice %arg8[%dma_wait3A_173, %dma_wait3A_174, %dma_wait3A_175, %dma_wait3A_176] : memref<2x4x125x64xf32, #tpu.memory_space<vmem>> -> memref<1x1x125x64xf32, #tpu.memory_space<vmem>>
      %dma_wait3A_178 = tpu.memref_squeeze %dma_wait3A_177 : memref<1x1x125x64xf32, #tpu.memory_space<vmem>> -> memref<125x64xf32, #tpu.memory_space<vmem>>
      %dma_wait3A_179 = arith.constant 0 : i32
      %dma_wait3A_180 = tpu.memref_slice %arg6[%add3A_172, %dma_wait3A_179] : memref<80x125xi32, #tpu.memory_space<vmem>> -> memref<1x125xi32, #tpu.memory_space<vmem>>
      %dma_wait3A_181 = tpu.memref_squeeze %dma_wait3A_180 : memref<1x125xi32, #tpu.memory_space<vmem>> -> memref<125xi32, #tpu.memory_space<vmem>>
      %dma_wait3A_182 = arith.constant 0 : i32
      %dma_wait3A_183 = arith.constant 0 : i32
      %dma_wait3A_184 = tpu.memref_slice %arg2[%dma_wait3A_182, %dma_wait3A_183] : memref<10000x64xf32, #tpu.memory_space<hbm>> -> memref<10000x64xf32, #tpu.memory_space<hbm>>
      tpu.wait_indirect_dma semaphore(%arg10 : memref<!tpu.dma_semaphore, #tpu.memory_space<semaphore_mem>>) src(%dma_wait3A_184 : memref<10000x64xf32, #tpu.memory_space<hbm>>) dst(%dma_wait3A_178 : memref<125x64xf32, #tpu.memory_space<vmem>>)
      %mul3A_185 = arith.constant 4 : i32
      %mul3A_186 = arith.muli %mul3A_137, %mul3A_185 : i32
      %add3A_187 = arith.constant 3 : i32
      %add3A_188 = arith.addi %mul3A_186, %add3A_187 : i32
      %dma_wait3A_189 = arith.constant 0 : i32
      %dma_wait3A_190 = arith.constant 3 : i32
      %dma_wait3A_191 = arith.constant 0 : i32
      %dma_wait3A_192 = arith.constant 0 : i32
      %dma_wait3A_193 = tpu.memref_slice %arg8[%dma_wait3A_189, %dma_wait3A_190, %dma_wait3A_191, %dma_wait3A_192] : memref<2x4x125x64xf32, #tpu.memory_space<vmem>> -> memref<1x1x125x64xf32, #tpu.memory_space<vmem>>
      %dma_wait3A_194 = tpu.memref_squeeze %dma_wait3A_193 : memref<1x1x125x64xf32, #tpu.memory_space<vmem>> -> memref<125x64xf32, #tpu.memory_space<vmem>>
      %dma_wait3A_195 = arith.constant 0 : i32
      %dma_wait3A_196 = tpu.memref_slice %arg6[%add3A_188, %dma_wait3A_195] : memref<80x125xi32, #tpu.memory_space<vmem>> -> memref<1x125xi32, #tpu.memory_space<vmem>>
      %dma_wait3A_197 = tpu.memref_squeeze %dma_wait3A_196 : memref<1x125xi32, #tpu.memory_space<vmem>> -> memref<125xi32, #tpu.memory_space<vmem>>
      %dma_wait3A_198 = arith.constant 0 : i32
      %dma_wait3A_199 = arith.constant 0 : i32
      %dma_wait3A_200 = tpu.memref_slice %arg2[%dma_wait3A_198, %dma_wait3A_199] : memref<10000x64xf32, #tpu.memory_space<hbm>> -> memref<10000x64xf32, #tpu.memory_space<hbm>>
      tpu.wait_indirect_dma semaphore(%arg10 : memref<!tpu.dma_semaphore, #tpu.memory_space<semaphore_mem>>) src(%dma_wait3A_200 : memref<10000x64xf32, #tpu.memory_space<hbm>>) dst(%dma_wait3A_194 : memref<125x64xf32, #tpu.memory_space<vmem>>)
      %mul3A_201 = arith.constant 4 : i32
      %mul3A_202 = arith.muli %mul3A_137, %mul3A_201 : i32
      %add3A_203 = arith.constant 0 : i32
      %add3A_204 = arith.addi %mul3A_202, %add3A_203 : i32
      %dma_start3A_205 = arith.constant 0 : i32
      %dma_start3A_206 = arith.constant 0 : i32
      %dma_start3A_207 = arith.constant 0 : i32
      %dma_start3A_208 = arith.constant 0 : i32
      %dma_start3A_209 = tpu.memref_slice %arg8[%dma_start3A_205, %dma_start3A_206, %dma_start3A_207, %dma_start3A_208] : memref<2x4x125x64xf32, #tpu.memory_space<vmem>> -> memref<1x1x125x64xf32, #tpu.memory_space<vmem>>
      %dma_start3A_210 = tpu.memref_squeeze %dma_start3A_209 : memref<1x1x125x64xf32, #tpu.memory_space<vmem>> -> memref<125x64xf32, #tpu.memory_space<vmem>>
      %dma_start3A_211 = arith.constant 0 : i32
      %dma_start3A_212 = tpu.memref_slice %arg7[%add3A_204, %dma_start3A_211] : memref<80x125xi32, #tpu.memory_space<vmem>> -> memref<1x125xi32, #tpu.memory_space<vmem>>
      %dma_start3A_213 = tpu.memref_squeeze %dma_start3A_212 : memref<1x125xi32, #tpu.memory_space<vmem>> -> memref<125xi32, #tpu.memory_space<vmem>>
      %dma_start3A_214 = arith.constant 0 : i32
      %dma_start3A_215 = arith.constant 0 : i32
      %dma_start3A_216 = tpu.memref_slice %arg9[%dma_start3A_214, %dma_start3A_215] : memref<10240x64xf32, #tpu.memory_space<vmem_shared>> -> memref<10240x64xf32, #tpu.memory_space<vmem_shared>>
      tpu.enqueue_indirect_dma source(%dma_start3A_210 : memref<125x64xf32, #tpu.memory_space<vmem>>) target(%dma_start3A_216 : memref<10240x64xf32, #tpu.memory_space<vmem_shared>>) offsets(%dma_start3A_213 : memref<125xi32, #tpu.memory_space<vmem>>) semaphore(%arg12 : memref<!tpu.dma_semaphore, #tpu.memory_space<semaphore_mem>>) {add = true}
      %mul3A_217 = arith.constant 4 : i32
      %mul3A_218 = arith.muli %mul3A_137, %mul3A_217 : i32
      %add3A_219 = arith.constant 1 : i32
      %add3A_220 = arith.addi %mul3A_218, %add3A_219 : i32
      %dma_start3A_221 = arith.constant 0 : i32
      %dma_start3A_222 = arith.constant 1 : i32
      %dma_start3A_223 = arith.constant 0 : i32
      %dma_start3A_224 = arith.constant 0 : i32
      %dma_start3A_225 = tpu.memref_slice %arg8[%dma_start3A_221, %dma_start3A_222, %dma_start3A_223, %dma_start3A_224] : memref<2x4x125x64xf32, #tpu.memory_space<vmem>> -> memref<1x1x125x64xf32, #tpu.memory_space<vmem>>
      %dma_start3A_226 = tpu.memref_squeeze %dma_start3A_225 : memref<1x1x125x64xf32, #tpu.memory_space<vmem>> -> memref<125x64xf32, #tpu.memory_space<vmem>>
      %dma_start3A_227 = arith.constant 0 : i32
      %dma_start3A_228 = tpu.memref_slice %arg7[%add3A_220, %dma_start3A_227] : memref<80x125xi32, #tpu.memory_space<vmem>> -> memref<1x125xi32, #tpu.memory_space<vmem>>
      %dma_start3A_229 = tpu.memref_squeeze %dma_start3A_228 : memref<1x125xi32, #tpu.memory_space<vmem>> -> memref<125xi32, #tpu.memory_space<vmem>>
      %dma_start3A_230 = arith.constant 0 : i32
      %dma_start3A_231 = arith.constant 0 : i32
      %dma_start3A_232 = tpu.memref_slice %arg9[%dma_start3A_230, %dma_start3A_231] : memref<10240x64xf32, #tpu.memory_space<vmem_shared>> -> memref<10240x64xf32, #tpu.memory_space<vmem_shared>>
      tpu.enqueue_indirect_dma source(%dma_start3A_226 : memref<125x64xf32, #tpu.memory_space<vmem>>) target(%dma_start3A_232 : memref<10240x64xf32, #tpu.memory_space<vmem_shared>>) offsets(%dma_start3A_229 : memref<125xi32, #tpu.memory_space<vmem>>) semaphore(%arg12 : memref<!tpu.dma_semaphore, #tpu.memory_space<semaphore_mem>>) {add = true}
      %mul3A_233 = arith.constant 4 : i32
      %mul3A_234 = arith.muli %mul3A_137, %mul3A_233 : i32
      %add3A_235 = arith.constant 2 : i32
      %add3A_236 = arith.addi %mul3A_234, %add3A_235 : i32
      %dma_start3A_237 = arith.constant 0 : i32
      %dma_start3A_238 = arith.constant 2 : i32
      %dma_start3A_239 = arith.constant 0 : i32
      %dma_start3A_240 = arith.constant 0 : i32
      %dma_start3A_241 = tpu.memref_slice %arg8[%dma_start3A_237, %dma_start3A_238, %dma_start3A_239, %dma_start3A_240] : memref<2x4x125x64xf32, #tpu.memory_space<vmem>> -> memref<1x1x125x64xf32, #tpu.memory_space<vmem>>
      %dma_start3A_242 = tpu.memref_squeeze %dma_start3A_241 : memref<1x1x125x64xf32, #tpu.memory_space<vmem>> -> memref<125x64xf32, #tpu.memory_space<vmem>>
      %dma_start3A_243 = arith.constant 0 : i32
      %dma_start3A_244 = tpu.memref_slice %arg7[%add3A_236, %dma_start3A_243] : memref<80x125xi32, #tpu.memory_space<vmem>> -> memref<1x125xi32, #tpu.memory_space<vmem>>
      %dma_start3A_245 = tpu.memref_squeeze %dma_start3A_244 : memref<1x125xi32, #tpu.memory_space<vmem>> -> memref<125xi32, #tpu.memory_space<vmem>>
      %dma_start3A_246 = arith.constant 0 : i32
      %dma_start3A_247 = arith.constant 0 : i32
      %dma_start3A_248 = tpu.memref_slice %arg9[%dma_start3A_246, %dma_start3A_247] : memref<10240x64xf32, #tpu.memory_space<vmem_shared>> -> memref<10240x64xf32, #tpu.memory_space<vmem_shared>>
      tpu.enqueue_indirect_dma source(%dma_start3A_242 : memref<125x64xf32, #tpu.memory_space<vmem>>) target(%dma_start3A_248 : memref<10240x64xf32, #tpu.memory_space<vmem_shared>>) offsets(%dma_start3A_245 : memref<125xi32, #tpu.memory_space<vmem>>) semaphore(%arg12 : memref<!tpu.dma_semaphore, #tpu.memory_space<semaphore_mem>>) {add = true}
      %mul3A_249 = arith.constant 4 : i32
      %mul3A_250 = arith.muli %mul3A_137, %mul3A_249 : i32
      %add3A_251 = arith.constant 3 : i32
      %add3A_252 = arith.addi %mul3A_250, %add3A_251 : i32
      %dma_start3A_253 = arith.constant 0 : i32
      %dma_start3A_254 = arith.constant 3 : i32
      %dma_start3A_255 = arith.constant 0 : i32
      %dma_start3A_256 = arith.constant 0 : i32
      %dma_start3A_257 = tpu.memref_slice %arg8[%dma_start3A_253, %dma_start3A_254, %dma_start3A_255, %dma_start3A_256] : memref<2x4x125x64xf32, #tpu.memory_space<vmem>> -> memref<1x1x125x64xf32, #tpu.memory_space<vmem>>
      %dma_start3A_258 = tpu.memref_squeeze %dma_start3A_257 : memref<1x1x125x64xf32, #tpu.memory_space<vmem>> -> memref<125x64xf32, #tpu.memory_space<vmem>>
      %dma_start3A_259 = arith.constant 0 : i32
      %dma_start3A_260 = tpu.memref_slice %arg7[%add3A_252, %dma_start3A_259] : memref<80x125xi32, #tpu.memory_space<vmem>> -> memref<1x125xi32, #tpu.memory_space<vmem>>
      %dma_start3A_261 = tpu.memref_squeeze %dma_start3A_260 : memref<1x125xi32, #tpu.memory_space<vmem>> -> memref<125xi32, #tpu.memory_space<vmem>>
      %dma_start3A_262 = arith.constant 0 : i32
      %dma_start3A_263 = arith.constant 0 : i32
      %dma_start3A_264 = tpu.memref_slice %arg9[%dma_start3A_262, %dma_start3A_263] : memref<10240x64xf32, #tpu.memory_space<vmem_shared>> -> memref<10240x64xf32, #tpu.memory_space<vmem_shared>>
      tpu.enqueue_indirect_dma source(%dma_start3A_258 : memref<125x64xf32, #tpu.memory_space<vmem>>) target(%dma_start3A_264 : memref<10240x64xf32, #tpu.memory_space<vmem_shared>>) offsets(%dma_start3A_261 : memref<125xi32, #tpu.memory_space<vmem>>) semaphore(%arg12 : memref<!tpu.dma_semaphore, #tpu.memory_space<semaphore_mem>>) {add = true}
      %mul3A_265 = arith.constant 4 : i32
      %mul3A_266 = arith.muli %mul3A_137, %mul3A_265 : i32
      %add3A_267 = arith.constant 0 : i32
      %add3A_268 = arith.addi %mul3A_266, %add3A_267 : i32
      %dma_wait3A_269 = arith.constant 0 : i32
      %dma_wait3A_270 = arith.constant 0 : i32
      %dma_wait3A_271 = arith.constant 0 : i32
      %dma_wait3A_272 = arith.constant 0 : i32
      %dma_wait3A_273 = tpu.memref_slice %arg8[%dma_wait3A_269, %dma_wait3A_270, %dma_wait3A_271, %dma_wait3A_272] : memref<2x4x125x64xf32, #tpu.memory_space<vmem>> -> memref<1x1x125x64xf32, #tpu.memory_space<vmem>>
      %dma_wait3A_274 = tpu.memref_squeeze %dma_wait3A_273 : memref<1x1x125x64xf32, #tpu.memory_space<vmem>> -> memref<125x64xf32, #tpu.memory_space<vmem>>
      %dma_wait3A_275 = arith.constant 0 : i32
      %dma_wait3A_276 = tpu.memref_slice %arg7[%add3A_268, %dma_wait3A_275] : memref<80x125xi32, #tpu.memory_space<vmem>> -> memref<1x125xi32, #tpu.memory_space<vmem>>
      %dma_wait3A_277 = tpu.memref_squeeze %dma_wait3A_276 : memref<1x125xi32, #tpu.memory_space<vmem>> -> memref<125xi32, #tpu.memory_space<vmem>>
      %dma_wait3A_278 = arith.constant 0 : i32
      %dma_wait3A_279 = arith.constant 0 : i32
      %dma_wait3A_280 = tpu.memref_slice %arg9[%dma_wait3A_278, %dma_wait3A_279] : memref<10240x64xf32, #tpu.memory_space<vmem_shared>> -> memref<10240x64xf32, #tpu.memory_space<vmem_shared>>
      tpu.wait_indirect_dma semaphore(%arg12 : memref<!tpu.dma_semaphore, #tpu.memory_space<semaphore_mem>>) src(%dma_wait3A_274 : memref<125x64xf32, #tpu.memory_space<vmem>>) dst(%dma_wait3A_280 : memref<10240x64xf32, #tpu.memory_space<vmem_shared>>)
      %mul3A_281 = arith.constant 4 : i32
      %mul3A_282 = arith.muli %mul3A_137, %mul3A_281 : i32
      %add3A_283 = arith.constant 1 : i32
      %add3A_284 = arith.addi %mul3A_282, %add3A_283 : i32
      %dma_wait3A_285 = arith.constant 0 : i32
      %dma_wait3A_286 = arith.constant 1 : i32
      %dma_wait3A_287 = arith.constant 0 : i32
      %dma_wait3A_288 = arith.constant 0 : i32
      %dma_wait3A_289 = tpu.memref_slice %arg8[%dma_wait3A_285, %dma_wait3A_286, %dma_wait3A_287, %dma_wait3A_288] : memref<2x4x125x64xf32, #tpu.memory_space<vmem>> -> memref<1x1x125x64xf32, #tpu.memory_space<vmem>>
      %dma_wait3A_290 = tpu.memref_squeeze %dma_wait3A_289 : memref<1x1x125x64xf32, #tpu.memory_space<vmem>> -> memref<125x64xf32, #tpu.memory_space<vmem>>
      %dma_wait3A_291 = arith.constant 0 : i32
      %dma_wait3A_292 = tpu.memref_slice %arg7[%add3A_284, %dma_wait3A_291] : memref<80x125xi32, #tpu.memory_space<vmem>> -> memref<1x125xi32, #tpu.memory_space<vmem>>
      %dma_wait3A_293 = tpu.memref_squeeze %dma_wait3A_292 : memref<1x125xi32, #tpu.memory_space<vmem>> -> memref<125xi32, #tpu.memory_space<vmem>>
      %dma_wait3A_294 = arith.constant 0 : i32
      %dma_wait3A_295 = arith.constant 0 : i32
      %dma_wait3A_296 = tpu.memref_slice %arg9[%dma_wait3A_294, %dma_wait3A_295] : memref<10240x64xf32, #tpu.memory_space<vmem_shared>> -> memref<10240x64xf32, #tpu.memory_space<vmem_shared>>
      tpu.wait_indirect_dma semaphore(%arg12 : memref<!tpu.dma_semaphore, #tpu.memory_space<semaphore_mem>>) src(%dma_wait3A_290 : memref<125x64xf32, #tpu.memory_space<vmem>>) dst(%dma_wait3A_296 : memref<10240x64xf32, #tpu.memory_space<vmem_shared>>)
      %mul3A_297 = arith.constant 4 : i32
      %mul3A_298 = arith.muli %mul3A_137, %mul3A_297 : i32
      %add3A_299 = arith.constant 2 : i32
      %add3A_300 = arith.addi %mul3A_298, %add3A_299 : i32
      %dma_wait3A_301 = arith.constant 0 : i32
      %dma_wait3A_302 = arith.constant 2 : i32
      %dma_wait3A_303 = arith.constant 0 : i32
      %dma_wait3A_304 = arith.constant 0 : i32
      %dma_wait3A_305 = tpu.memref_slice %arg8[%dma_wait3A_301, %dma_wait3A_302, %dma_wait3A_303, %dma_wait3A_304] : memref<2x4x125x64xf32, #tpu.memory_space<vmem>> -> memref<1x1x125x64xf32, #tpu.memory_space<vmem>>
      %dma_wait3A_306 = tpu.memref_squeeze %dma_wait3A_305 : memref<1x1x125x64xf32, #tpu.memory_space<vmem>> -> memref<125x64xf32, #tpu.memory_space<vmem>>
      %dma_wait3A_307 = arith.constant 0 : i32
      %dma_wait3A_308 = tpu.memref_slice %arg7[%add3A_300, %dma_wait3A_307] : memref<80x125xi32, #tpu.memory_space<vmem>> -> memref<1x125xi32, #tpu.memory_space<vmem>>
      %dma_wait3A_309 = tpu.memref_squeeze %dma_wait3A_308 : memref<1x125xi32, #tpu.memory_space<vmem>> -> memref<125xi32, #tpu.memory_space<vmem>>
      %dma_wait3A_310 = arith.constant 0 : i32
      %dma_wait3A_311 = arith.constant 0 : i32
      %dma_wait3A_312 = tpu.memref_slice %arg9[%dma_wait3A_310, %dma_wait3A_311] : memref<10240x64xf32, #tpu.memory_space<vmem_shared>> -> memref<10240x64xf32, #tpu.memory_space<vmem_shared>>
      tpu.wait_indirect_dma semaphore(%arg12 : memref<!tpu.dma_semaphore, #tpu.memory_space<semaphore_mem>>) src(%dma_wait3A_306 : memref<125x64xf32, #tpu.memory_space<vmem>>) dst(%dma_wait3A_312 : memref<10240x64xf32, #tpu.memory_space<vmem_shared>>)
      %mul3A_313 = arith.constant 4 : i32
      %mul3A_314 = arith.muli %mul3A_137, %mul3A_313 : i32
      %add3A_315 = arith.constant 3 : i32
      %add3A_316 = arith.addi %mul3A_314, %add3A_315 : i32
      %dma_wait3A_317 = arith.constant 0 : i32
      %dma_wait3A_318 = arith.constant 3 : i32
      %dma_wait3A_319 = arith.constant 0 : i32
      %dma_wait3A_320 = arith.constant 0 : i32
      %dma_wait3A_321 = tpu.memref_slice %arg8[%dma_wait3A_317, %dma_wait3A_318, %dma_wait3A_319, %dma_wait3A_320] : memref<2x4x125x64xf32, #tpu.memory_space<vmem>> -> memref<1x1x125x64xf32, #tpu.memory_space<vmem>>
      %dma_wait3A_322 = tpu.memref_squeeze %dma_wait3A_321 : memref<1x1x125x64xf32, #tpu.memory_space<vmem>> -> memref<125x64xf32, #tpu.memory_space<vmem>>
      %dma_wait3A_323 = arith.constant 0 : i32
      %dma_wait3A_324 = tpu.memref_slice %arg7[%add3A_316, %dma_wait3A_323] : memref<80x125xi32, #tpu.memory_space<vmem>> -> memref<1x125xi32, #tpu.memory_space<vmem>>
      %dma_wait3A_325 = tpu.memref_squeeze %dma_wait3A_324 : memref<1x125xi32, #tpu.memory_space<vmem>> -> memref<125xi32, #tpu.memory_space<vmem>>
      %dma_wait3A_326 = arith.constant 0 : i32
      %dma_wait3A_327 = arith.constant 0 : i32
      %dma_wait3A_328 = tpu.memref_slice %arg9[%dma_wait3A_326, %dma_wait3A_327] : memref<10240x64xf32, #tpu.memory_space<vmem_shared>> -> memref<10240x64xf32, #tpu.memory_space<vmem_shared>>
      tpu.wait_indirect_dma semaphore(%arg12 : memref<!tpu.dma_semaphore, #tpu.memory_space<semaphore_mem>>) src(%dma_wait3A_322 : memref<125x64xf32, #tpu.memory_space<vmem>>) dst(%dma_wait3A_328 : memref<10240x64xf32, #tpu.memory_space<vmem_shared>>)
      %lt3A = arith.constant 9 : i32
      %lt3A_329 = arith.cmpi slt, %scan3A_67, %lt3A : i32
      %convert_element_type3A = arith.extui %lt3A_329 : i1 to i32
      %cond3A = arith.constant 0 : i32
      %cond3A_330 = arith.cmpi ne, %convert_element_type3A, %cond3A : i32
      scf.if %cond3A_330 {
        %mul3A_527 = arith.constant 2 : i32
        %mul3A_528 = arith.muli %mul3A_527, %scan3A_67 : i32
        %add3A_529 = arith.constant 2 : i32
        %add3A_530 = arith.addi %mul3A_528, %add3A_529 : i32
        %mul3A_531 = arith.constant 4 : i32
        %mul3A_532 = arith.muli %add3A_530, %mul3A_531 : i32
        %add3A_533 = arith.constant 0 : i32
        %add3A_534 = arith.addi %mul3A_532, %add3A_533 : i32
        %dma_start3A_535 = arith.constant 0 : i32
        %dma_start3A_536 = arith.constant 0 : i32
        %dma_start3A_537 = arith.constant 0 : i32
        %dma_start3A_538 = arith.constant 0 : i32
        %dma_start3A_539 = tpu.memref_slice %arg8[%dma_start3A_535, %dma_start3A_536, %dma_start3A_537, %dma_start3A_538] : memref<2x4x125x64xf32, #tpu.memory_space<vmem>> -> memref<1x1x125x64xf32, #tpu.memory_space<vmem>>
        %dma_start3A_540 = tpu.memref_squeeze %dma_start3A_539 : memref<1x1x125x64xf32, #tpu.memory_space<vmem>> -> memref<125x64xf32, #tpu.memory_space<vmem>>
        %dma_start3A_541 = arith.constant 0 : i32
        %dma_start3A_542 = tpu.memref_slice %arg6[%add3A_534, %dma_start3A_541] : memref<80x125xi32, #tpu.memory_space<vmem>> -> memref<1x125xi32, #tpu.memory_space<vmem>>
        %dma_start3A_543 = tpu.memref_squeeze %dma_start3A_542 : memref<1x125xi32, #tpu.memory_space<vmem>> -> memref<125xi32, #tpu.memory_space<vmem>>
        %dma_start3A_544 = arith.constant 0 : i32
        %dma_start3A_545 = arith.constant 0 : i32
        %dma_start3A_546 = tpu.memref_slice %arg2[%dma_start3A_544, %dma_start3A_545] : memref<10000x64xf32, #tpu.memory_space<hbm>> -> memref<10000x64xf32, #tpu.memory_space<hbm>>
        tpu.enqueue_indirect_dma source(%dma_start3A_546 : memref<10000x64xf32, #tpu.memory_space<hbm>>) target(%dma_start3A_540 : memref<125x64xf32, #tpu.memory_space<vmem>>) offsets(%dma_start3A_543 : memref<125xi32, #tpu.memory_space<vmem>>) semaphore(%arg10 : memref<!tpu.dma_semaphore, #tpu.memory_space<semaphore_mem>>)
        %mul3A_547 = arith.constant 4 : i32
        %mul3A_548 = arith.muli %add3A_530, %mul3A_547 : i32
        %add3A_549 = arith.constant 1 : i32
        %add3A_550 = arith.addi %mul3A_548, %add3A_549 : i32
        %dma_start3A_551 = arith.constant 0 : i32
        %dma_start3A_552 = arith.constant 1 : i32
        %dma_start3A_553 = arith.constant 0 : i32
        %dma_start3A_554 = arith.constant 0 : i32
        %dma_start3A_555 = tpu.memref_slice %arg8[%dma_start3A_551, %dma_start3A_552, %dma_start3A_553, %dma_start3A_554] : memref<2x4x125x64xf32, #tpu.memory_space<vmem>> -> memref<1x1x125x64xf32, #tpu.memory_space<vmem>>
        %dma_start3A_556 = tpu.memref_squeeze %dma_start3A_555 : memref<1x1x125x64xf32, #tpu.memory_space<vmem>> -> memref<125x64xf32, #tpu.memory_space<vmem>>
        %dma_start3A_557 = arith.constant 0 : i32
        %dma_start3A_558 = tpu.memref_slice %arg6[%add3A_550, %dma_start3A_557] : memref<80x125xi32, #tpu.memory_space<vmem>> -> memref<1x125xi32, #tpu.memory_space<vmem>>
        %dma_start3A_559 = tpu.memref_squeeze %dma_start3A_558 : memref<1x125xi32, #tpu.memory_space<vmem>> -> memref<125xi32, #tpu.memory_space<vmem>>
        %dma_start3A_560 = arith.constant 0 : i32
        %dma_start3A_561 = arith.constant 0 : i32
        %dma_start3A_562 = tpu.memref_slice %arg2[%dma_start3A_560, %dma_start3A_561] : memref<10000x64xf32, #tpu.memory_space<hbm>> -> memref<10000x64xf32, #tpu.memory_space<hbm>>
        tpu.enqueue_indirect_dma source(%dma_start3A_562 : memref<10000x64xf32, #tpu.memory_space<hbm>>) target(%dma_start3A_556 : memref<125x64xf32, #tpu.memory_space<vmem>>) offsets(%dma_start3A_559 : memref<125xi32, #tpu.memory_space<vmem>>) semaphore(%arg10 : memref<!tpu.dma_semaphore, #tpu.memory_space<semaphore_mem>>)
        %mul3A_563 = arith.constant 4 : i32
        %mul3A_564 = arith.muli %add3A_530, %mul3A_563 : i32
        %add3A_565 = arith.constant 2 : i32
        %add3A_566 = arith.addi %mul3A_564, %add3A_565 : i32
        %dma_start3A_567 = arith.constant 0 : i32
        %dma_start3A_568 = arith.constant 2 : i32
        %dma_start3A_569 = arith.constant 0 : i32
        %dma_start3A_570 = arith.constant 0 : i32
        %dma_start3A_571 = tpu.memref_slice %arg8[%dma_start3A_567, %dma_start3A_568, %dma_start3A_569, %dma_start3A_570] : memref<2x4x125x64xf32, #tpu.memory_space<vmem>> -> memref<1x1x125x64xf32, #tpu.memory_space<vmem>>
        %dma_start3A_572 = tpu.memref_squeeze %dma_start3A_571 : memref<1x1x125x64xf32, #tpu.memory_space<vmem>> -> memref<125x64xf32, #tpu.memory_space<vmem>>
        %dma_start3A_573 = arith.constant 0 : i32
        %dma_start3A_574 = tpu.memref_slice %arg6[%add3A_566, %dma_start3A_573] : memref<80x125xi32, #tpu.memory_space<vmem>> -> memref<1x125xi32, #tpu.memory_space<vmem>>
        %dma_start3A_575 = tpu.memref_squeeze %dma_start3A_574 : memref<1x125xi32, #tpu.memory_space<vmem>> -> memref<125xi32, #tpu.memory_space<vmem>>
        %dma_start3A_576 = arith.constant 0 : i32
        %dma_start3A_577 = arith.constant 0 : i32
        %dma_start3A_578 = tpu.memref_slice %arg2[%dma_start3A_576, %dma_start3A_577] : memref<10000x64xf32, #tpu.memory_space<hbm>> -> memref<10000x64xf32, #tpu.memory_space<hbm>>
        tpu.enqueue_indirect_dma source(%dma_start3A_578 : memref<10000x64xf32, #tpu.memory_space<hbm>>) target(%dma_start3A_572 : memref<125x64xf32, #tpu.memory_space<vmem>>) offsets(%dma_start3A_575 : memref<125xi32, #tpu.memory_space<vmem>>) semaphore(%arg10 : memref<!tpu.dma_semaphore, #tpu.memory_space<semaphore_mem>>)
        %mul3A_579 = arith.constant 4 : i32
        %mul3A_580 = arith.muli %add3A_530, %mul3A_579 : i32
        %add3A_581 = arith.constant 3 : i32
        %add3A_582 = arith.addi %mul3A_580, %add3A_581 : i32
        %dma_start3A_583 = arith.constant 0 : i32
        %dma_start3A_584 = arith.constant 3 : i32
        %dma_start3A_585 = arith.constant 0 : i32
        %dma_start3A_586 = arith.constant 0 : i32
        %dma_start3A_587 = tpu.memref_slice %arg8[%dma_start3A_583, %dma_start3A_584, %dma_start3A_585, %dma_start3A_586] : memref<2x4x125x64xf32, #tpu.memory_space<vmem>> -> memref<1x1x125x64xf32, #tpu.memory_space<vmem>>
        %dma_start3A_588 = tpu.memref_squeeze %dma_start3A_587 : memref<1x1x125x64xf32, #tpu.memory_space<vmem>> -> memref<125x64xf32, #tpu.memory_space<vmem>>
        %dma_start3A_589 = arith.constant 0 : i32
        %dma_start3A_590 = tpu.memref_slice %arg6[%add3A_582, %dma_start3A_589] : memref<80x125xi32, #tpu.memory_space<vmem>> -> memref<1x125xi32, #tpu.memory_space<vmem>>
        %dma_start3A_591 = tpu.memref_squeeze %dma_start3A_590 : memref<1x125xi32, #tpu.memory_space<vmem>> -> memref<125xi32, #tpu.memory_space<vmem>>
        %dma_start3A_592 = arith.constant 0 : i32
        %dma_start3A_593 = arith.constant 0 : i32
        %dma_start3A_594 = tpu.memref_slice %arg2[%dma_start3A_592, %dma_start3A_593] : memref<10000x64xf32, #tpu.memory_space<hbm>> -> memref<10000x64xf32, #tpu.memory_space<hbm>>
        tpu.enqueue_indirect_dma source(%dma_start3A_594 : memref<10000x64xf32, #tpu.memory_space<hbm>>) target(%dma_start3A_588 : memref<125x64xf32, #tpu.memory_space<vmem>>) offsets(%dma_start3A_591 : memref<125xi32, #tpu.memory_space<vmem>>) semaphore(%arg10 : memref<!tpu.dma_semaphore, #tpu.memory_space<semaphore_mem>>)
      } else {
      }
      %mul3A_331 = arith.constant 2 : i32
      %mul3A_332 = arith.muli %mul3A_331, %scan3A_67 : i32
      %add3A_333 = arith.constant 1 : i32
      %add3A_334 = arith.addi %mul3A_332, %add3A_333 : i32
      %mul3A_335 = arith.constant 4 : i32
      %mul3A_336 = arith.muli %add3A_334, %mul3A_335 : i32
      %add3A_337 = arith.constant 0 : i32
      %add3A_338 = arith.addi %mul3A_336, %add3A_337 : i32
      %dma_wait3A_339 = arith.constant 1 : i32
      %dma_wait3A_340 = arith.constant 0 : i32
      %dma_wait3A_341 = arith.constant 0 : i32
      %dma_wait3A_342 = arith.constant 0 : i32
      %dma_wait3A_343 = tpu.memref_slice %arg8[%dma_wait3A_339, %dma_wait3A_340, %dma_wait3A_341, %dma_wait3A_342] : memref<2x4x125x64xf32, #tpu.memory_space<vmem>> -> memref<1x1x125x64xf32, #tpu.memory_space<vmem>>
      %dma_wait3A_344 = tpu.memref_squeeze %dma_wait3A_343 : memref<1x1x125x64xf32, #tpu.memory_space<vmem>> -> memref<125x64xf32, #tpu.memory_space<vmem>>
      %dma_wait3A_345 = arith.constant 0 : i32
      %dma_wait3A_346 = tpu.memref_slice %arg6[%add3A_338, %dma_wait3A_345] : memref<80x125xi32, #tpu.memory_space<vmem>> -> memref<1x125xi32, #tpu.memory_space<vmem>>
      %dma_wait3A_347 = tpu.memref_squeeze %dma_wait3A_346 : memref<1x125xi32, #tpu.memory_space<vmem>> -> memref<125xi32, #tpu.memory_space<vmem>>
      %dma_wait3A_348 = arith.constant 0 : i32
      %dma_wait3A_349 = arith.constant 0 : i32
      %dma_wait3A_350 = tpu.memref_slice %arg2[%dma_wait3A_348, %dma_wait3A_349] : memref<10000x64xf32, #tpu.memory_space<hbm>> -> memref<10000x64xf32, #tpu.memory_space<hbm>>
      tpu.wait_indirect_dma semaphore(%arg11 : memref<!tpu.dma_semaphore, #tpu.memory_space<semaphore_mem>>) src(%dma_wait3A_350 : memref<10000x64xf32, #tpu.memory_space<hbm>>) dst(%dma_wait3A_344 : memref<125x64xf32, #tpu.memory_space<vmem>>)
      %mul3A_351 = arith.constant 4 : i32
      %mul3A_352 = arith.muli %add3A_334, %mul3A_351 : i32
      %add3A_353 = arith.constant 1 : i32
      %add3A_354 = arith.addi %mul3A_352, %add3A_353 : i32
      %dma_wait3A_355 = arith.constant 1 : i32
      %dma_wait3A_356 = arith.constant 1 : i32
      %dma_wait3A_357 = arith.constant 0 : i32
      %dma_wait3A_358 = arith.constant 0 : i32
      %dma_wait3A_359 = tpu.memref_slice %arg8[%dma_wait3A_355, %dma_wait3A_356, %dma_wait3A_357, %dma_wait3A_358] : memref<2x4x125x64xf32, #tpu.memory_space<vmem>> -> memref<1x1x125x64xf32, #tpu.memory_space<vmem>>
      %dma_wait3A_360 = tpu.memref_squeeze %dma_wait3A_359 : memref<1x1x125x64xf32, #tpu.memory_space<vmem>> -> memref<125x64xf32, #tpu.memory_space<vmem>>
      %dma_wait3A_361 = arith.constant 0 : i32
      %dma_wait3A_362 = tpu.memref_slice %arg6[%add3A_354, %dma_wait3A_361] : memref<80x125xi32, #tpu.memory_space<vmem>> -> memref<1x125xi32, #tpu.memory_space<vmem>>
      %dma_wait3A_363 = tpu.memref_squeeze %dma_wait3A_362 : memref<1x125xi32, #tpu.memory_space<vmem>> -> memref<125xi32, #tpu.memory_space<vmem>>
      %dma_wait3A_364 = arith.constant 0 : i32
      %dma_wait3A_365 = arith.constant 0 : i32
      %dma_wait3A_366 = tpu.memref_slice %arg2[%dma_wait3A_364, %dma_wait3A_365] : memref<10000x64xf32, #tpu.memory_space<hbm>> -> memref<10000x64xf32, #tpu.memory_space<hbm>>
      tpu.wait_indirect_dma semaphore(%arg11 : memref<!tpu.dma_semaphore, #tpu.memory_space<semaphore_mem>>) src(%dma_wait3A_366 : memref<10000x64xf32, #tpu.memory_space<hbm>>) dst(%dma_wait3A_360 : memref<125x64xf32, #tpu.memory_space<vmem>>)
      %mul3A_367 = arith.constant 4 : i32
      %mul3A_368 = arith.muli %add3A_334, %mul3A_367 : i32
      %add3A_369 = arith.constant 2 : i32
      %add3A_370 = arith.addi %mul3A_368, %add3A_369 : i32
      %dma_wait3A_371 = arith.constant 1 : i32
      %dma_wait3A_372 = arith.constant 2 : i32
      %dma_wait3A_373 = arith.constant 0 : i32
      %dma_wait3A_374 = arith.constant 0 : i32
      %dma_wait3A_375 = tpu.memref_slice %arg8[%dma_wait3A_371, %dma_wait3A_372, %dma_wait3A_373, %dma_wait3A_374] : memref<2x4x125x64xf32, #tpu.memory_space<vmem>> -> memref<1x1x125x64xf32, #tpu.memory_space<vmem>>
      %dma_wait3A_376 = tpu.memref_squeeze %dma_wait3A_375 : memref<1x1x125x64xf32, #tpu.memory_space<vmem>> -> memref<125x64xf32, #tpu.memory_space<vmem>>
      %dma_wait3A_377 = arith.constant 0 : i32
      %dma_wait3A_378 = tpu.memref_slice %arg6[%add3A_370, %dma_wait3A_377] : memref<80x125xi32, #tpu.memory_space<vmem>> -> memref<1x125xi32, #tpu.memory_space<vmem>>
      %dma_wait3A_379 = tpu.memref_squeeze %dma_wait3A_378 : memref<1x125xi32, #tpu.memory_space<vmem>> -> memref<125xi32, #tpu.memory_space<vmem>>
      %dma_wait3A_380 = arith.constant 0 : i32
      %dma_wait3A_381 = arith.constant 0 : i32
      %dma_wait3A_382 = tpu.memref_slice %arg2[%dma_wait3A_380, %dma_wait3A_381] : memref<10000x64xf32, #tpu.memory_space<hbm>> -> memref<10000x64xf32, #tpu.memory_space<hbm>>
      tpu.wait_indirect_dma semaphore(%arg11 : memref<!tpu.dma_semaphore, #tpu.memory_space<semaphore_mem>>) src(%dma_wait3A_382 : memref<10000x64xf32, #tpu.memory_space<hbm>>) dst(%dma_wait3A_376 : memref<125x64xf32, #tpu.memory_space<vmem>>)
      %mul3A_383 = arith.constant 4 : i32
      %mul3A_384 = arith.muli %add3A_334, %mul3A_383 : i32
      %add3A_385 = arith.constant 3 : i32
      %add3A_386 = arith.addi %mul3A_384, %add3A_385 : i32
      %dma_wait3A_387 = arith.constant 1 : i32
      %dma_wait3A_388 = arith.constant 3 : i32
      %dma_wait3A_389 = arith.constant 0 : i32
      %dma_wait3A_390 = arith.constant 0 : i32
      %dma_wait3A_391 = tpu.memref_slice %arg8[%dma_wait3A_387, %dma_wait3A_388, %dma_wait3A_389, %dma_wait3A_390] : memref<2x4x125x64xf32, #tpu.memory_space<vmem>> -> memref<1x1x125x64xf32, #tpu.memory_space<vmem>>
      %dma_wait3A_392 = tpu.memref_squeeze %dma_wait3A_391 : memref<1x1x125x64xf32, #tpu.memory_space<vmem>> -> memref<125x64xf32, #tpu.memory_space<vmem>>
      %dma_wait3A_393 = arith.constant 0 : i32
      %dma_wait3A_394 = tpu.memref_slice %arg6[%add3A_386, %dma_wait3A_393] : memref<80x125xi32, #tpu.memory_space<vmem>> -> memref<1x125xi32, #tpu.memory_space<vmem>>
      %dma_wait3A_395 = tpu.memref_squeeze %dma_wait3A_394 : memref<1x125xi32, #tpu.memory_space<vmem>> -> memref<125xi32, #tpu.memory_space<vmem>>
      %dma_wait3A_396 = arith.constant 0 : i32
      %dma_wait3A_397 = arith.constant 0 : i32
      %dma_wait3A_398 = tpu.memref_slice %arg2[%dma_wait3A_396, %dma_wait3A_397] : memref<10000x64xf32, #tpu.memory_space<hbm>> -> memref<10000x64xf32, #tpu.memory_space<hbm>>
      tpu.wait_indirect_dma semaphore(%arg11 : memref<!tpu.dma_semaphore, #tpu.memory_space<semaphore_mem>>) src(%dma_wait3A_398 : memref<10000x64xf32, #tpu.memory_space<hbm>>) dst(%dma_wait3A_392 : memref<125x64xf32, #tpu.memory_space<vmem>>)
      %mul3A_399 = arith.constant 4 : i32
      %mul3A_400 = arith.muli %add3A_334, %mul3A_399 : i32
      %add3A_401 = arith.constant 0 : i32
      %add3A_402 = arith.addi %mul3A_400, %add3A_401 : i32
      %dma_start3A_403 = arith.constant 1 : i32
      %dma_start3A_404 = arith.constant 0 : i32
      %dma_start3A_405 = arith.constant 0 : i32
      %dma_start3A_406 = arith.constant 0 : i32
      %dma_start3A_407 = tpu.memref_slice %arg8[%dma_start3A_403, %dma_start3A_404, %dma_start3A_405, %dma_start3A_406] : memref<2x4x125x64xf32, #tpu.memory_space<vmem>> -> memref<1x1x125x64xf32, #tpu.memory_space<vmem>>
      %dma_start3A_408 = tpu.memref_squeeze %dma_start3A_407 : memref<1x1x125x64xf32, #tpu.memory_space<vmem>> -> memref<125x64xf32, #tpu.memory_space<vmem>>
      %dma_start3A_409 = arith.constant 0 : i32
      %dma_start3A_410 = tpu.memref_slice %arg7[%add3A_402, %dma_start3A_409] : memref<80x125xi32, #tpu.memory_space<vmem>> -> memref<1x125xi32, #tpu.memory_space<vmem>>
      %dma_start3A_411 = tpu.memref_squeeze %dma_start3A_410 : memref<1x125xi32, #tpu.memory_space<vmem>> -> memref<125xi32, #tpu.memory_space<vmem>>
      %dma_start3A_412 = arith.constant 0 : i32
      %dma_start3A_413 = arith.constant 0 : i32
      %dma_start3A_414 = tpu.memref_slice %arg9[%dma_start3A_412, %dma_start3A_413] : memref<10240x64xf32, #tpu.memory_space<vmem_shared>> -> memref<10240x64xf32, #tpu.memory_space<vmem_shared>>
      tpu.enqueue_indirect_dma source(%dma_start3A_408 : memref<125x64xf32, #tpu.memory_space<vmem>>) target(%dma_start3A_414 : memref<10240x64xf32, #tpu.memory_space<vmem_shared>>) offsets(%dma_start3A_411 : memref<125xi32, #tpu.memory_space<vmem>>) semaphore(%arg13 : memref<!tpu.dma_semaphore, #tpu.memory_space<semaphore_mem>>) {add = true}
      %mul3A_415 = arith.constant 4 : i32
      %mul3A_416 = arith.muli %add3A_334, %mul3A_415 : i32
      %add3A_417 = arith.constant 1 : i32
      %add3A_418 = arith.addi %mul3A_416, %add3A_417 : i32
      %dma_start3A_419 = arith.constant 1 : i32
      %dma_start3A_420 = arith.constant 1 : i32
      %dma_start3A_421 = arith.constant 0 : i32
      %dma_start3A_422 = arith.constant 0 : i32
      %dma_start3A_423 = tpu.memref_slice %arg8[%dma_start3A_419, %dma_start3A_420, %dma_start3A_421, %dma_start3A_422] : memref<2x4x125x64xf32, #tpu.memory_space<vmem>> -> memref<1x1x125x64xf32, #tpu.memory_space<vmem>>
      %dma_start3A_424 = tpu.memref_squeeze %dma_start3A_423 : memref<1x1x125x64xf32, #tpu.memory_space<vmem>> -> memref<125x64xf32, #tpu.memory_space<vmem>>
      %dma_start3A_425 = arith.constant 0 : i32
      %dma_start3A_426 = tpu.memref_slice %arg7[%add3A_418, %dma_start3A_425] : memref<80x125xi32, #tpu.memory_space<vmem>> -> memref<1x125xi32, #tpu.memory_space<vmem>>
      %dma_start3A_427 = tpu.memref_squeeze %dma_start3A_426 : memref<1x125xi32, #tpu.memory_space<vmem>> -> memref<125xi32, #tpu.memory_space<vmem>>
      %dma_start3A_428 = arith.constant 0 : i32
      %dma_start3A_429 = arith.constant 0 : i32
      %dma_start3A_430 = tpu.memref_slice %arg9[%dma_start3A_428, %dma_start3A_429] : memref<10240x64xf32, #tpu.memory_space<vmem_shared>> -> memref<10240x64xf32, #tpu.memory_space<vmem_shared>>
      tpu.enqueue_indirect_dma source(%dma_start3A_424 : memref<125x64xf32, #tpu.memory_space<vmem>>) target(%dma_start3A_430 : memref<10240x64xf32, #tpu.memory_space<vmem_shared>>) offsets(%dma_start3A_427 : memref<125xi32, #tpu.memory_space<vmem>>) semaphore(%arg13 : memref<!tpu.dma_semaphore, #tpu.memory_space<semaphore_mem>>) {add = true}
      %mul3A_431 = arith.constant 4 : i32
      %mul3A_432 = arith.muli %add3A_334, %mul3A_431 : i32
      %add3A_433 = arith.constant 2 : i32
      %add3A_434 = arith.addi %mul3A_432, %add3A_433 : i32
      %dma_start3A_435 = arith.constant 1 : i32
      %dma_start3A_436 = arith.constant 2 : i32
      %dma_start3A_437 = arith.constant 0 : i32
      %dma_start3A_438 = arith.constant 0 : i32
      %dma_start3A_439 = tpu.memref_slice %arg8[%dma_start3A_435, %dma_start3A_436, %dma_start3A_437, %dma_start3A_438] : memref<2x4x125x64xf32, #tpu.memory_space<vmem>> -> memref<1x1x125x64xf32, #tpu.memory_space<vmem>>
      %dma_start3A_440 = tpu.memref_squeeze %dma_start3A_439 : memref<1x1x125x64xf32, #tpu.memory_space<vmem>> -> memref<125x64xf32, #tpu.memory_space<vmem>>
      %dma_start3A_441 = arith.constant 0 : i32
      %dma_start3A_442 = tpu.memref_slice %arg7[%add3A_434, %dma_start3A_441] : memref<80x125xi32, #tpu.memory_space<vmem>> -> memref<1x125xi32, #tpu.memory_space<vmem>>
      %dma_start3A_443 = tpu.memref_squeeze %dma_start3A_442 : memref<1x125xi32, #tpu.memory_space<vmem>> -> memref<125xi32, #tpu.memory_space<vmem>>
      %dma_start3A_444 = arith.constant 0 : i32
      %dma_start3A_445 = arith.constant 0 : i32
      %dma_start3A_446 = tpu.memref_slice %arg9[%dma_start3A_444, %dma_start3A_445] : memref<10240x64xf32, #tpu.memory_space<vmem_shared>> -> memref<10240x64xf32, #tpu.memory_space<vmem_shared>>
      tpu.enqueue_indirect_dma source(%dma_start3A_440 : memref<125x64xf32, #tpu.memory_space<vmem>>) target(%dma_start3A_446 : memref<10240x64xf32, #tpu.memory_space<vmem_shared>>) offsets(%dma_start3A_443 : memref<125xi32, #tpu.memory_space<vmem>>) semaphore(%arg13 : memref<!tpu.dma_semaphore, #tpu.memory_space<semaphore_mem>>) {add = true}
      %mul3A_447 = arith.constant 4 : i32
      %mul3A_448 = arith.muli %add3A_334, %mul3A_447 : i32
      %add3A_449 = arith.constant 3 : i32
      %add3A_450 = arith.addi %mul3A_448, %add3A_449 : i32
      %dma_start3A_451 = arith.constant 1 : i32
      %dma_start3A_452 = arith.constant 3 : i32
      %dma_start3A_453 = arith.constant 0 : i32
      %dma_start3A_454 = arith.constant 0 : i32
      %dma_start3A_455 = tpu.memref_slice %arg8[%dma_start3A_451, %dma_start3A_452, %dma_start3A_453, %dma_start3A_454] : memref<2x4x125x64xf32, #tpu.memory_space<vmem>> -> memref<1x1x125x64xf32, #tpu.memory_space<vmem>>
      %dma_start3A_456 = tpu.memref_squeeze %dma_start3A_455 : memref<1x1x125x64xf32, #tpu.memory_space<vmem>> -> memref<125x64xf32, #tpu.memory_space<vmem>>
      %dma_start3A_457 = arith.constant 0 : i32
      %dma_start3A_458 = tpu.memref_slice %arg7[%add3A_450, %dma_start3A_457] : memref<80x125xi32, #tpu.memory_space<vmem>> -> memref<1x125xi32, #tpu.memory_space<vmem>>
      %dma_start3A_459 = tpu.memref_squeeze %dma_start3A_458 : memref<1x125xi32, #tpu.memory_space<vmem>> -> memref<125xi32, #tpu.memory_space<vmem>>
      %dma_start3A_460 = arith.constant 0 : i32
      %dma_start3A_461 = arith.constant 0 : i32
      %dma_start3A_462 = tpu.memref_slice %arg9[%dma_start3A_460, %dma_start3A_461] : memref<10240x64xf32, #tpu.memory_space<vmem_shared>> -> memref<10240x64xf32, #tpu.memory_space<vmem_shared>>
      tpu.enqueue_indirect_dma source(%dma_start3A_456 : memref<125x64xf32, #tpu.memory_space<vmem>>) target(%dma_start3A_462 : memref<10240x64xf32, #tpu.memory_space<vmem_shared>>) offsets(%dma_start3A_459 : memref<125xi32, #tpu.memory_space<vmem>>) semaphore(%arg13 : memref<!tpu.dma_semaphore, #tpu.memory_space<semaphore_mem>>) {add = true}
      %mul3A_463 = arith.constant 4 : i32
      %mul3A_464 = arith.muli %add3A_334, %mul3A_463 : i32
      %add3A_465 = arith.constant 0 : i32
      %add3A_466 = arith.addi %mul3A_464, %add3A_465 : i32
      %dma_wait3A_467 = arith.constant 1 : i32
      %dma_wait3A_468 = arith.constant 0 : i32
      %dma_wait3A_469 = arith.constant 0 : i32
      %dma_wait3A_470 = arith.constant 0 : i32
      %dma_wait3A_471 = tpu.memref_slice %arg8[%dma_wait3A_467, %dma_wait3A_468, %dma_wait3A_469, %dma_wait3A_470] : memref<2x4x125x64xf32, #tpu.memory_space<vmem>> -> memref<1x1x125x64xf32, #tpu.memory_space<vmem>>
      %dma_wait3A_472 = tpu.memref_squeeze %dma_wait3A_471 : memref<1x1x125x64xf32, #tpu.memory_space<vmem>> -> memref<125x64xf32, #tpu.memory_space<vmem>>
      %dma_wait3A_473 = arith.constant 0 : i32
      %dma_wait3A_474 = tpu.memref_slice %arg7[%add3A_466, %dma_wait3A_473] : memref<80x125xi32, #tpu.memory_space<vmem>> -> memref<1x125xi32, #tpu.memory_space<vmem>>
      %dma_wait3A_475 = tpu.memref_squeeze %dma_wait3A_474 : memref<1x125xi32, #tpu.memory_space<vmem>> -> memref<125xi32, #tpu.memory_space<vmem>>
      %dma_wait3A_476 = arith.constant 0 : i32
      %dma_wait3A_477 = arith.constant 0 : i32
      %dma_wait3A_478 = tpu.memref_slice %arg9[%dma_wait3A_476, %dma_wait3A_477] : memref<10240x64xf32, #tpu.memory_space<vmem_shared>> -> memref<10240x64xf32, #tpu.memory_space<vmem_shared>>
      tpu.wait_indirect_dma semaphore(%arg13 : memref<!tpu.dma_semaphore, #tpu.memory_space<semaphore_mem>>) src(%dma_wait3A_472 : memref<125x64xf32, #tpu.memory_space<vmem>>) dst(%dma_wait3A_478 : memref<10240x64xf32, #tpu.memory_space<vmem_shared>>)
      %mul3A_479 = arith.constant 4 : i32
      %mul3A_480 = arith.muli %add3A_334, %mul3A_479 : i32
      %add3A_481 = arith.constant 1 : i32
      %add3A_482 = arith.addi %mul3A_480, %add3A_481 : i32
      %dma_wait3A_483 = arith.constant 1 : i32
      %dma_wait3A_484 = arith.constant 1 : i32
      %dma_wait3A_485 = arith.constant 0 : i32
      %dma_wait3A_486 = arith.constant 0 : i32
      %dma_wait3A_487 = tpu.memref_slice %arg8[%dma_wait3A_483, %dma_wait3A_484, %dma_wait3A_485, %dma_wait3A_486] : memref<2x4x125x64xf32, #tpu.memory_space<vmem>> -> memref<1x1x125x64xf32, #tpu.memory_space<vmem>>
      %dma_wait3A_488 = tpu.memref_squeeze %dma_wait3A_487 : memref<1x1x125x64xf32, #tpu.memory_space<vmem>> -> memref<125x64xf32, #tpu.memory_space<vmem>>
      %dma_wait3A_489 = arith.constant 0 : i32
      %dma_wait3A_490 = tpu.memref_slice %arg7[%add3A_482, %dma_wait3A_489] : memref<80x125xi32, #tpu.memory_space<vmem>> -> memref<1x125xi32, #tpu.memory_space<vmem>>
      %dma_wait3A_491 = tpu.memref_squeeze %dma_wait3A_490 : memref<1x125xi32, #tpu.memory_space<vmem>> -> memref<125xi32, #tpu.memory_space<vmem>>
      %dma_wait3A_492 = arith.constant 0 : i32
      %dma_wait3A_493 = arith.constant 0 : i32
      %dma_wait3A_494 = tpu.memref_slice %arg9[%dma_wait3A_492, %dma_wait3A_493] : memref<10240x64xf32, #tpu.memory_space<vmem_shared>> -> memref<10240x64xf32, #tpu.memory_space<vmem_shared>>
      tpu.wait_indirect_dma semaphore(%arg13 : memref<!tpu.dma_semaphore, #tpu.memory_space<semaphore_mem>>) src(%dma_wait3A_488 : memref<125x64xf32, #tpu.memory_space<vmem>>) dst(%dma_wait3A_494 : memref<10240x64xf32, #tpu.memory_space<vmem_shared>>)
      %mul3A_495 = arith.constant 4 : i32
      %mul3A_496 = arith.muli %add3A_334, %mul3A_495 : i32
      %add3A_497 = arith.constant 2 : i32
      %add3A_498 = arith.addi %mul3A_496, %add3A_497 : i32
      %dma_wait3A_499 = arith.constant 1 : i32
      %dma_wait3A_500 = arith.constant 2 : i32
      %dma_wait3A_501 = arith.constant 0 : i32
      %dma_wait3A_502 = arith.constant 0 : i32
      %dma_wait3A_503 = tpu.memref_slice %arg8[%dma_wait3A_499, %dma_wait3A_500, %dma_wait3A_501, %dma_wait3A_502] : memref<2x4x125x64xf32, #tpu.memory_space<vmem>> -> memref<1x1x125x64xf32, #tpu.memory_space<vmem>>
      %dma_wait3A_504 = tpu.memref_squeeze %dma_wait3A_503 : memref<1x1x125x64xf32, #tpu.memory_space<vmem>> -> memref<125x64xf32, #tpu.memory_space<vmem>>
      %dma_wait3A_505 = arith.constant 0 : i32
      %dma_wait3A_506 = tpu.memref_slice %arg7[%add3A_498, %dma_wait3A_505] : memref<80x125xi32, #tpu.memory_space<vmem>> -> memref<1x125xi32, #tpu.memory_space<vmem>>
      %dma_wait3A_507 = tpu.memref_squeeze %dma_wait3A_506 : memref<1x125xi32, #tpu.memory_space<vmem>> -> memref<125xi32, #tpu.memory_space<vmem>>
      %dma_wait3A_508 = arith.constant 0 : i32
      %dma_wait3A_509 = arith.constant 0 : i32
      %dma_wait3A_510 = tpu.memref_slice %arg9[%dma_wait3A_508, %dma_wait3A_509] : memref<10240x64xf32, #tpu.memory_space<vmem_shared>> -> memref<10240x64xf32, #tpu.memory_space<vmem_shared>>
      tpu.wait_indirect_dma semaphore(%arg13 : memref<!tpu.dma_semaphore, #tpu.memory_space<semaphore_mem>>) src(%dma_wait3A_504 : memref<125x64xf32, #tpu.memory_space<vmem>>) dst(%dma_wait3A_510 : memref<10240x64xf32, #tpu.memory_space<vmem_shared>>)
      %mul3A_511 = arith.constant 4 : i32
      %mul3A_512 = arith.muli %add3A_334, %mul3A_511 : i32
      %add3A_513 = arith.constant 3 : i32
      %add3A_514 = arith.addi %mul3A_512, %add3A_513 : i32
      %dma_wait3A_515 = arith.constant 1 : i32
      %dma_wait3A_516 = arith.constant 3 : i32
      %dma_wait3A_517 = arith.constant 0 : i32
      %dma_wait3A_518 = arith.constant 0 : i32
      %dma_wait3A_519 = tpu.memref_slice %arg8[%dma_wait3A_515, %dma_wait3A_516, %dma_wait3A_517, %dma_wait3A_518] : memref<2x4x125x64xf32, #tpu.memory_space<vmem>> -> memref<1x1x125x64xf32, #tpu.memory_space<vmem>>
      %dma_wait3A_520 = tpu.memref_squeeze %dma_wait3A_519 : memref<1x1x125x64xf32, #tpu.memory_space<vmem>> -> memref<125x64xf32, #tpu.memory_space<vmem>>
      %dma_wait3A_521 = arith.constant 0 : i32
      %dma_wait3A_522 = tpu.memref_slice %arg7[%add3A_514, %dma_wait3A_521] : memref<80x125xi32, #tpu.memory_space<vmem>> -> memref<1x125xi32, #tpu.memory_space<vmem>>
      %dma_wait3A_523 = tpu.memref_squeeze %dma_wait3A_522 : memref<1x125xi32, #tpu.memory_space<vmem>> -> memref<125xi32, #tpu.memory_space<vmem>>
      %dma_wait3A_524 = arith.constant 0 : i32
      %dma_wait3A_525 = arith.constant 0 : i32
      %dma_wait3A_526 = tpu.memref_slice %arg9[%dma_wait3A_524, %dma_wait3A_525] : memref<10240x64xf32, #tpu.memory_space<vmem_shared>> -> memref<10240x64xf32, #tpu.memory_space<vmem_shared>>
      tpu.wait_indirect_dma semaphore(%arg13 : memref<!tpu.dma_semaphore, #tpu.memory_space<semaphore_mem>>) src(%dma_wait3A_520 : memref<125x64xf32, #tpu.memory_space<vmem>>) dst(%dma_wait3A_526 : memref<10240x64xf32, #tpu.memory_space<vmem_shared>>)
    }
    %scan3A_61 = arith.constant 10 : i32
    %barrier3A_62 = arith.constant 0 : index
    tpu.barrier barrier_id(%barrier3A_62)
    %mul3A_63 = arith.constant 640 : i32
    %mul3A_64 = arith.muli %arg1, %mul3A_63 : i32
    %mul3A_65 = arith.constant 640 : i32
    %mul3A_66 = arith.muli %arg1, %mul3A_65 : i32
    "tpu.region"() ({
      %run_scoped3A_67 = tpu.sem_alloc : memref<!tpu.dma_semaphore, #tpu.memory_space<semaphore_mem>>
      %dma_start3A_68 = arith.constant 0 : i32
      %dma_start3A_69 = tpu.memref_slice %arg5[%arg0, %mul3A_66, %dma_start3A_68] : memref<2x10240x64xf32, #tpu.memory_space<hbm>> -> memref<1x640x64xf32, #tpu.memory_space<hbm>>
      %dma_start3A_70 = tpu.memref_squeeze %dma_start3A_69 : memref<1x640x64xf32, #tpu.memory_space<hbm>> -> memref<640x64xf32, #tpu.memory_space<hbm>>
      %dma_start3A_71 = arith.constant 0 : i32
      %dma_start3A_72 = tpu.memref_slice %arg9[%mul3A_64, %dma_start3A_71] : memref<10240x64xf32, #tpu.memory_space<vmem_shared>> -> memref<640x64xf32, #tpu.memory_space<vmem_shared>>
      tpu.enqueue_dma source(%dma_start3A_72 : memref<640x64xf32, #tpu.memory_space<vmem_shared>>) target(%dma_start3A_70 : memref<640x64xf32, #tpu.memory_space<hbm>>) target_semaphore(%run_scoped3A_67 : memref<!tpu.dma_semaphore, #tpu.memory_space<semaphore_mem>>)
      %dma_wait3A = arith.constant 0 : i32
      %dma_wait3A_73 = tpu.memref_slice %arg5[%arg0, %mul3A_66, %dma_wait3A] : memref<2x10240x64xf32, #tpu.memory_space<hbm>> -> memref<1x640x64xf32, #tpu.memory_space<hbm>>
      %dma_wait3A_74 = tpu.memref_squeeze %dma_wait3A_73 : memref<1x640x64xf32, #tpu.memory_space<hbm>> -> memref<640x64xf32, #tpu.memory_space<hbm>>
      %dma_wait3A_75 = arith.constant 0 : i32
      %dma_wait3A_76 = tpu.memref_slice %arg9[%mul3A_64, %dma_wait3A_75] : memref<10240x64xf32, #tpu.memory_space<vmem_shared>> -> memref<640x64xf32, #tpu.memory_space<vmem_shared>>
      tpu.wait_dma2 semaphore(%run_scoped3A_67 : memref<!tpu.dma_semaphore, #tpu.memory_space<semaphore_mem>>) src(%dma_wait3A_76 : memref<640x64xf32, #tpu.memory_space<vmem_shared>>) dst(%dma_wait3A_74 : memref<640x64xf32, #tpu.memory_space<hbm>>)
      tpu.yield
    }) : () -> ()
    return
  }
}

#map = affine_map<(d0, d1) -> (0, 0)>
#map1 = affine_map<(d0, d1) -> (0, 0, 0, 0)>
#map2 = affine_map<(d0, d1) -> (0, 0, 0)>
module attributes {stable_mosaic.version = 14 : i64} {
  func.func @_sc_agg(%arg0: i32, %arg1: i32, %arg2: memref<10000x64xf32, #tpu.memory_space<hbm>>, %arg3: memref<2x32x80x125xi32, #tpu.memory_space<hbm>>, %arg4: memref<10240x64xf32, #tpu.memory_space<hbm>>, %arg5: memref<2x10240x64xf32, #tpu.memory_space<hbm>>, %arg6: memref<80x125xi32, #tpu.memory_space<vmem>>, %arg7: memref<80x125xi32, #tpu.memory_space<vmem>>, %arg8: memref<2x4x125x64xf32, #tpu.memory_space<vmem>>, %arg9: memref<10240x64xf32, #tpu.memory_space<vmem_shared>>, %arg10: memref<!tpu.dma_semaphore, #tpu.memory_space<semaphore_mem>>, %arg11: memref<!tpu.dma_semaphore, #tpu.memory_space<semaphore_mem>>, %arg12: memref<!tpu.dma_semaphore, #tpu.memory_space<semaphore_mem>>, %arg13: memref<!tpu.dma_semaphore, #tpu.memory_space<semaphore_mem>>) attributes {dimension_semantics = [#tpu.dimension_semantics<core_parallel>, #tpu.dimension_semantics<subcore_parallel>], iteration_bounds = array<i64: 2, 16>, scalar_prefetch = 0 : i64, scratch_operands = 8 : i64, tpu.core_type = #tpu.core_type<sc_vector_subcore>, window_params = [{transform_indices = #map}, {transform_indices = #map1}, {transform_indices = #map}, {transform_indices = #map2}]} {
    %mul3A = arith.constant 16 : i32
    %mul3A_0 = arith.muli %arg0, %mul3A : i32
    %add3A = arith.addi %mul3A_0, %arg1 : i32
    %mul3A_1 = arith.constant 640 : i32
    %mul3A_2 = arith.muli %arg1, %mul3A_1 : i32
    %mul3A_3 = arith.constant 640 : i32
    %mul3A_4 = arith.muli %arg1, %mul3A_3 : i32
    "tpu.region"() ({
      %run_scoped3A_67 = tpu.sem_alloc : memref<!tpu.dma_semaphore, #tpu.memory_space<semaphore_mem>>
      %dma_start3A_68 = arith.constant 0 : i32
      %dma_start3A_69 = tpu.memref_slice %arg9[%mul3A_4, %dma_start3A_68] : memref<10240x64xf32, #tpu.memory_space<vmem_shared>> -> memref<640x64xf32, #tpu.memory_space<vmem_shared>>
      %dma_start3A_70 = arith.constant 0 : i32
      %dma_start3A_71 = tpu.memref_slice %arg4[%mul3A_2, %dma_start3A_70] : memref<10240x64xf32, #tpu.memory_space<hbm>> -> memref<640x64xf32, #tpu.memory_space<hbm>>
      tpu.enqueue_dma source(%dma_start3A_71 : memref<640x64xf32, #tpu.memory_space<hbm>>) target(%dma_start3A_69 : memref<640x64xf32, #tpu.memory_space<vmem_shared>>) target_semaphore(%run_scoped3A_67 : memref<!tpu.dma_semaphore, #tpu.memory_space<semaphore_mem>>)
      %dma_wait3A = arith.constant 0 : i32
      %dma_wait3A_72 = tpu.memref_slice %arg9[%mul3A_4, %dma_wait3A] : memref<10240x64xf32, #tpu.memory_space<vmem_shared>> -> memref<640x64xf32, #tpu.memory_space<vmem_shared>>
      %dma_wait3A_73 = arith.constant 0 : i32
      %dma_wait3A_74 = tpu.memref_slice %arg4[%mul3A_2, %dma_wait3A_73] : memref<10240x64xf32, #tpu.memory_space<hbm>> -> memref<640x64xf32, #tpu.memory_space<hbm>>
      tpu.wait_dma2 semaphore(%run_scoped3A_67 : memref<!tpu.dma_semaphore, #tpu.memory_space<semaphore_mem>>) src(%dma_wait3A_74 : memref<640x64xf32, #tpu.memory_space<hbm>>) dst(%dma_wait3A_72 : memref<640x64xf32, #tpu.memory_space<vmem_shared>>)
      tpu.yield
    }) : () -> ()
    %run_scoped3A = arith.constant 0 : i32
    "tpu.region"() ({
      %run_scoped3A_67 = tpu.sem_alloc : memref<!tpu.dma_semaphore, #tpu.memory_space<semaphore_mem>>
      %dma_start3A_68 = arith.constant 0 : i32
      %dma_start3A_69 = arith.constant 0 : i32
      %dma_start3A_70 = tpu.memref_slice %arg3[%run_scoped3A, %add3A, %dma_start3A_68, %dma_start3A_69] : memref<2x32x80x125xi32, #tpu.memory_space<hbm>> -> memref<1x1x80x125xi32, #tpu.memory_space<hbm>>
      %dma_start3A_71 = tpu.memref_squeeze %dma_start3A_70 : memref<1x1x80x125xi32, #tpu.memory_space<hbm>> -> memref<80x125xi32, #tpu.memory_space<hbm>>
      %dma_start3A_72 = arith.constant 0 : i32
      %dma_start3A_73 = arith.constant 0 : i32
      %dma_start3A_74 = tpu.memref_slice %arg3[%run_scoped3A, %add3A, %dma_start3A_72, %dma_start3A_73] : memref<2x32x80x125xi32, #tpu.memory_space<hbm>> -> memref<1x1x80x125xi32, #tpu.memory_space<hbm>>
      %dma_start3A_75 = tpu.memref_squeeze %dma_start3A_74 : memref<1x1x80x125xi32, #tpu.memory_space<hbm>> -> memref<80x125xi32, #tpu.memory_space<hbm>>
      tpu.enqueue_dma source(%dma_start3A_75 : memref<80x125xi32, #tpu.memory_space<hbm>>) target(%arg6 : memref<80x125xi32, #tpu.memory_space<vmem>>) target_semaphore(%run_scoped3A_67 : memref<!tpu.dma_semaphore, #tpu.memory_space<semaphore_mem>>)
      %dma_wait3A = arith.constant 0 : i32
      %dma_wait3A_76 = arith.constant 0 : i32
      %dma_wait3A_77 = tpu.memref_slice %arg3[%run_scoped3A, %add3A, %dma_wait3A, %dma_wait3A_76] : memref<2x32x80x125xi32, #tpu.memory_space<hbm>> -> memref<1x1x80x125xi32, #tpu.memory_space<hbm>>
      %dma_wait3A_78 = tpu.memref_squeeze %dma_wait3A_77 : memref<1x1x80x125xi32, #tpu.memory_space<hbm>> -> memref<80x125xi32, #tpu.memory_space<hbm>>
      %dma_wait3A_79 = arith.constant 0 : i32
      %dma_wait3A_80 = arith.constant 0 : i32
      %dma_wait3A_81 = tpu.memref_slice %arg3[%run_scoped3A, %add3A, %dma_wait3A_79, %dma_wait3A_80] : memref<2x32x80x125xi32, #tpu.memory_space<hbm>> -> memref<1x1x80x125xi32, #tpu.memory_space<hbm>>
      %dma_wait3A_82 = tpu.memref_squeeze %dma_wait3A_81 : memref<1x1x80x125xi32, #tpu.memory_space<hbm>> -> memref<80x125xi32, #tpu.memory_space<hbm>>
      tpu.wait_dma2 semaphore(%run_scoped3A_67 : memref<!tpu.dma_semaphore, #tpu.memory_space<semaphore_mem>>) src(%dma_wait3A_82 : memref<80x125xi32, #tpu.memory_space<hbm>>) dst(%arg6 : memref<80x125xi32, #tpu.memory_space<vmem>>)
      tpu.yield
    }) : () -> ()
    %run_scoped3A_5 = arith.constant 1 : i32
    "tpu.region"() ({
      %run_scoped3A_67 = tpu.sem_alloc : memref<!tpu.dma_semaphore, #tpu.memory_space<semaphore_mem>>
      %dma_start3A_68 = arith.constant 0 : i32
      %dma_start3A_69 = arith.constant 0 : i32
      %dma_start3A_70 = tpu.memref_slice %arg3[%run_scoped3A_5, %add3A, %dma_start3A_68, %dma_start3A_69] : memref<2x32x80x125xi32, #tpu.memory_space<hbm>> -> memref<1x1x80x125xi32, #tpu.memory_space<hbm>>
      %dma_start3A_71 = tpu.memref_squeeze %dma_start3A_70 : memref<1x1x80x125xi32, #tpu.memory_space<hbm>> -> memref<80x125xi32, #tpu.memory_space<hbm>>
      %dma_start3A_72 = arith.constant 0 : i32
      %dma_start3A_73 = arith.constant 0 : i32
      %dma_start3A_74 = tpu.memref_slice %arg3[%run_scoped3A_5, %add3A, %dma_start3A_72, %dma_start3A_73] : memref<2x32x80x125xi32, #tpu.memory_space<hbm>> -> memref<1x1x80x125xi32, #tpu.memory_space<hbm>>
      %dma_start3A_75 = tpu.memref_squeeze %dma_start3A_74 : memref<1x1x80x125xi32, #tpu.memory_space<hbm>> -> memref<80x125xi32, #tpu.memory_space<hbm>>
      tpu.enqueue_dma source(%dma_start3A_75 : memref<80x125xi32, #tpu.memory_space<hbm>>) target(%arg7 : memref<80x125xi32, #tpu.memory_space<vmem>>) target_semaphore(%run_scoped3A_67 : memref<!tpu.dma_semaphore, #tpu.memory_space<semaphore_mem>>)
      %dma_wait3A = arith.constant 0 : i32
      %dma_wait3A_76 = arith.constant 0 : i32
      %dma_wait3A_77 = tpu.memref_slice %arg3[%run_scoped3A_5, %add3A, %dma_wait3A, %dma_wait3A_76] : memref<2x32x80x125xi32, #tpu.memory_space<hbm>> -> memref<1x1x80x125xi32, #tpu.memory_space<hbm>>
      %dma_wait3A_78 = tpu.memref_squeeze %dma_wait3A_77 : memref<1x1x80x125xi32, #tpu.memory_space<hbm>> -> memref<80x125xi32, #tpu.memory_space<hbm>>
      %dma_wait3A_79 = arith.constant 0 : i32
      %dma_wait3A_80 = arith.constant 0 : i32
      %dma_wait3A_81 = tpu.memref_slice %arg3[%run_scoped3A_5, %add3A, %dma_wait3A_79, %dma_wait3A_80] : memref<2x32x80x125xi32, #tpu.memory_space<hbm>> -> memref<1x1x80x125xi32, #tpu.memory_space<hbm>>
      %dma_wait3A_82 = tpu.memref_squeeze %dma_wait3A_81 : memref<1x1x80x125xi32, #tpu.memory_space<hbm>> -> memref<80x125xi32, #tpu.memory_space<hbm>>
      tpu.wait_dma2 semaphore(%run_scoped3A_67 : memref<!tpu.dma_semaphore, #tpu.memory_space<semaphore_mem>>) src(%dma_wait3A_82 : memref<80x125xi32, #tpu.memory_space<hbm>>) dst(%arg7 : memref<80x125xi32, #tpu.memory_space<vmem>>)
      tpu.yield
    }) : () -> ()
    %barrier3A = arith.constant 0 : index
    tpu.barrier barrier_id(%barrier3A)
    %dma_start3A = arith.constant 0 : i32
    %dma_start3A_6 = arith.constant 0 : i32
    %dma_start3A_7 = arith.constant 0 : i32
    %dma_start3A_8 = arith.constant 0 : i32
    %dma_start3A_9 = arith.constant 0 : i32
    %dma_start3A_10 = tpu.memref_slice %arg8[%dma_start3A_6, %dma_start3A_7, %dma_start3A_8, %dma_start3A_9] : memref<2x4x125x64xf32, #tpu.memory_space<vmem>> -> memref<1x1x125x64xf32, #tpu.memory_space<vmem>>
    %dma_start3A_11 = tpu.memref_squeeze %dma_start3A_10 : memref<1x1x125x64xf32, #tpu.memory_space<vmem>> -> memref<125x64xf32, #tpu.memory_space<vmem>>
    %dma_start3A_12 = arith.constant 0 : i32
    %dma_start3A_13 = tpu.memref_slice %arg6[%dma_start3A, %dma_start3A_12] : memref<80x125xi32, #tpu.memory_space<vmem>> -> memref<1x125xi32, #tpu.memory_space<vmem>>
    %dma_start3A_14 = tpu.memref_squeeze %dma_start3A_13 : memref<1x125xi32, #tpu.memory_space<vmem>> -> memref<125xi32, #tpu.memory_space<vmem>>
    %dma_start3A_15 = arith.constant 0 : i32
    %dma_start3A_16 = arith.constant 0 : i32
    %dma_start3A_17 = tpu.memref_slice %arg2[%dma_start3A_15, %dma_start3A_16] : memref<10000x64xf32, #tpu.memory_space<hbm>> -> memref<10000x64xf32, #tpu.memory_space<hbm>>
    tpu.enqueue_indirect_dma source(%dma_start3A_17 : memref<10000x64xf32, #tpu.memory_space<hbm>>) target(%dma_start3A_11 : memref<125x64xf32, #tpu.memory_space<vmem>>) offsets(%dma_start3A_14 : memref<125xi32, #tpu.memory_space<vmem>>) semaphore(%arg10 : memref<!tpu.dma_semaphore, #tpu.memory_space<semaphore_mem>>)
    %dma_start3A_18 = arith.constant 1 : i32
    %dma_start3A_19 = arith.constant 0 : i32
    %dma_start3A_20 = arith.constant 1 : i32
    %dma_start3A_21 = arith.constant 0 : i32
    %dma_start3A_22 = arith.constant 0 : i32
    %dma_start3A_23 = tpu.memref_slice %arg8[%dma_start3A_19, %dma_start3A_20, %dma_start3A_21, %dma_start3A_22] : memref<2x4x125x64xf32, #tpu.memory_space<vmem>> -> memref<1x1x125x64xf32, #tpu.memory_space<vmem>>
    %dma_start3A_24 = tpu.memref_squeeze %dma_start3A_23 : memref<1x1x125x64xf32, #tpu.memory_space<vmem>> -> memref<125x64xf32, #tpu.memory_space<vmem>>
    %dma_start3A_25 = arith.constant 0 : i32
    %dma_start3A_26 = tpu.memref_slice %arg6[%dma_start3A_18, %dma_start3A_25] : memref<80x125xi32, #tpu.memory_space<vmem>> -> memref<1x125xi32, #tpu.memory_space<vmem>>
    %dma_start3A_27 = tpu.memref_squeeze %dma_start3A_26 : memref<1x125xi32, #tpu.memory_space<vmem>> -> memref<125xi32, #tpu.memory_space<vmem>>
    %dma_start3A_28 = arith.constant 0 : i32
    %dma_start3A_29 = arith.constant 0 : i32
    %dma_start3A_30 = tpu.memref_slice %arg2[%dma_start3A_28, %dma_start3A_29] : memref<10000x64xf32, #tpu.memory_space<hbm>> -> memref<10000x64xf32, #tpu.memory_space<hbm>>
    tpu.enqueue_indirect_dma source(%dma_start3A_30 : memref<10000x64xf32, #tpu.memory_space<hbm>>) target(%dma_start3A_24 : memref<125x64xf32, #tpu.memory_space<vmem>>) offsets(%dma_start3A_27 : memref<125xi32, #tpu.memory_space<vmem>>) semaphore(%arg10 : memref<!tpu.dma_semaphore, #tpu.memory_space<semaphore_mem>>)
    %dma_start3A_31 = arith.constant 2 : i32
    %dma_start3A_32 = arith.constant 0 : i32
    %dma_start3A_33 = arith.constant 2 : i32
    %dma_start3A_34 = arith.constant 0 : i32
    %dma_start3A_35 = arith.constant 0 : i32
    %dma_start3A_36 = tpu.memref_slice %arg8[%dma_start3A_32, %dma_start3A_33, %dma_start3A_34, %dma_start3A_35] : memref<2x4x125x64xf32, #tpu.memory_space<vmem>> -> memref<1x1x125x64xf32, #tpu.memory_space<vmem>>
    %dma_start3A_37 = tpu.memref_squeeze %dma_start3A_36 : memref<1x1x125x64xf32, #tpu.memory_space<vmem>> -> memref<125x64xf32, #tpu.memory_space<vmem>>
    %dma_start3A_38 = arith.constant 0 : i32
    %dma_start3A_39 = tpu.memref_slice %arg6[%dma_start3A_31, %dma_start3A_38] : memref<80x125xi32, #tpu.memory_space<vmem>> -> memref<1x125xi32, #tpu.memory_space<vmem>>
    %dma_start3A_40 = tpu.memref_squeeze %dma_start3A_39 : memref<1x125xi32, #tpu.memory_space<vmem>> -> memref<125xi32, #tpu.memory_space<vmem>>
    %dma_start3A_41 = arith.constant 0 : i32
    %dma_start3A_42 = arith.constant 0 : i32
    %dma_start3A_43 = tpu.memref_slice %arg2[%dma_start3A_41, %dma_start3A_42] : memref<10000x64xf32, #tpu.memory_space<hbm>> -> memref<10000x64xf32, #tpu.memory_space<hbm>>
    tpu.enqueue_indirect_dma source(%dma_start3A_43 : memref<10000x64xf32, #tpu.memory_space<hbm>>) target(%dma_start3A_37 : memref<125x64xf32, #tpu.memory_space<vmem>>) offsets(%dma_start3A_40 : memref<125xi32, #tpu.memory_space<vmem>>) semaphore(%arg10 : memref<!tpu.dma_semaphore, #tpu.memory_space<semaphore_mem>>)
    %dma_start3A_44 = arith.constant 3 : i32
    %dma_start3A_45 = arith.constant 0 : i32
    %dma_start3A_46 = arith.constant 3 : i32
    %dma_start3A_47 = arith.constant 0 : i32
    %dma_start3A_48 = arith.constant 0 : i32
    %dma_start3A_49 = tpu.memref_slice %arg8[%dma_start3A_45, %dma_start3A_46, %dma_start3A_47, %dma_start3A_48] : memref<2x4x125x64xf32, #tpu.memory_space<vmem>> -> memref<1x1x125x64xf32, #tpu.memory_space<vmem>>
    %dma_start3A_50 = tpu.memref_squeeze %dma_start3A_49 : memref<1x1x125x64xf32, #tpu.memory_space<vmem>> -> memref<125x64xf32, #tpu.memory_space<vmem>>
    %dma_start3A_51 = arith.constant 0 : i32
    %dma_start3A_52 = tpu.memref_slice %arg6[%dma_start3A_44, %dma_start3A_51] : memref<80x125xi32, #tpu.memory_space<vmem>> -> memref<1x125xi32, #tpu.memory_space<vmem>>
    %dma_start3A_53 = tpu.memref_squeeze %dma_start3A_52 : memref<1x125xi32, #tpu.memory_space<vmem>> -> memref<125xi32, #tpu.memory_space<vmem>>
    %dma_start3A_54 = arith.constant 0 : i32
    %dma_start3A_55 = arith.constant 0 : i32
    %dma_start3A_56 = tpu.memref_slice %arg2[%dma_start3A_54, %dma_start3A_55] : memref<10000x64xf32, #tpu.memory_space<hbm>> -> memref<10000x64xf32, #tpu.memory_space<hbm>>
    tpu.enqueue_indirect_dma source(%dma_start3A_56 : memref<10000x64xf32, #tpu.memory_space<hbm>>) target(%dma_start3A_50 : memref<125x64xf32, #tpu.memory_space<vmem>>) offsets(%dma_start3A_53 : memref<125xi32, #tpu.memory_space<vmem>>) semaphore(%arg10 : memref<!tpu.dma_semaphore, #tpu.memory_space<semaphore_mem>>)
    %scan3A = arith.constant 0 : i32
    %scan3A_57 = arith.constant 0 : i32
    %scan3A_58 = arith.constant 10 : i32
    %scan3A_59 = arith.addi %scan3A_57, %scan3A_58 : i32
    %scan3A_60 = arith.constant 1 : i32
    scf.for %scan3A_67 = %scan3A_57 to %scan3A_59 step %scan3A_60  : i32 {
      %mul3A_68 = arith.constant 2 : i32
      %mul3A_69 = arith.muli %mul3A_68, %scan3A_67 : i32
      %add3A_70 = arith.constant 1 : i32
      %add3A_71 = arith.addi %mul3A_69, %add3A_70 : i32
      %mul3A_72 = arith.constant 4 : i32
      %mul3A_73 = arith.muli %add3A_71, %mul3A_72 : i32
      %add3A_74 = arith.constant 0 : i32
      %add3A_75 = arith.addi %mul3A_73, %add3A_74 : i32
      %dma_start3A_76 = arith.constant 1 : i32
      %dma_start3A_77 = arith.constant 0 : i32
      %dma_start3A_78 = arith.constant 0 : i32
      %dma_start3A_79 = arith.constant 0 : i32
      %dma_start3A_80 = tpu.memref_slice %arg8[%dma_start3A_76, %dma_start3A_77, %dma_start3A_78, %dma_start3A_79] : memref<2x4x125x64xf32, #tpu.memory_space<vmem>> -> memref<1x1x125x64xf32, #tpu.memory_space<vmem>>
      %dma_start3A_81 = tpu.memref_squeeze %dma_start3A_80 : memref<1x1x125x64xf32, #tpu.memory_space<vmem>> -> memref<125x64xf32, #tpu.memory_space<vmem>>
      %dma_start3A_82 = arith.constant 0 : i32
      %dma_start3A_83 = tpu.memref_slice %arg6[%add3A_75, %dma_start3A_82] : memref<80x125xi32, #tpu.memory_space<vmem>> -> memref<1x125xi32, #tpu.memory_space<vmem>>
      %dma_start3A_84 = tpu.memref_squeeze %dma_start3A_83 : memref<1x125xi32, #tpu.memory_space<vmem>> -> memref<125xi32, #tpu.memory_space<vmem>>
      %dma_start3A_85 = arith.constant 0 : i32
      %dma_start3A_86 = arith.constant 0 : i32
      %dma_start3A_87 = tpu.memref_slice %arg2[%dma_start3A_85, %dma_start3A_86] : memref<10000x64xf32, #tpu.memory_space<hbm>> -> memref<10000x64xf32, #tpu.memory_space<hbm>>
      tpu.enqueue_indirect_dma source(%dma_start3A_87 : memref<10000x64xf32, #tpu.memory_space<hbm>>) target(%dma_start3A_81 : memref<125x64xf32, #tpu.memory_space<vmem>>) offsets(%dma_start3A_84 : memref<125xi32, #tpu.memory_space<vmem>>) semaphore(%arg11 : memref<!tpu.dma_semaphore, #tpu.memory_space<semaphore_mem>>)
      %mul3A_88 = arith.constant 4 : i32
      %mul3A_89 = arith.muli %add3A_71, %mul3A_88 : i32
      %add3A_90 = arith.constant 1 : i32
      %add3A_91 = arith.addi %mul3A_89, %add3A_90 : i32
      %dma_start3A_92 = arith.constant 1 : i32
      %dma_start3A_93 = arith.constant 1 : i32
      %dma_start3A_94 = arith.constant 0 : i32
      %dma_start3A_95 = arith.constant 0 : i32
      %dma_start3A_96 = tpu.memref_slice %arg8[%dma_start3A_92, %dma_start3A_93, %dma_start3A_94, %dma_start3A_95] : memref<2x4x125x64xf32, #tpu.memory_space<vmem>> -> memref<1x1x125x64xf32, #tpu.memory_space<vmem>>
      %dma_start3A_97 = tpu.memref_squeeze %dma_start3A_96 : memref<1x1x125x64xf32, #tpu.memory_space<vmem>> -> memref<125x64xf32, #tpu.memory_space<vmem>>
      %dma_start3A_98 = arith.constant 0 : i32
      %dma_start3A_99 = tpu.memref_slice %arg6[%add3A_91, %dma_start3A_98] : memref<80x125xi32, #tpu.memory_space<vmem>> -> memref<1x125xi32, #tpu.memory_space<vmem>>
      %dma_start3A_100 = tpu.memref_squeeze %dma_start3A_99 : memref<1x125xi32, #tpu.memory_space<vmem>> -> memref<125xi32, #tpu.memory_space<vmem>>
      %dma_start3A_101 = arith.constant 0 : i32
      %dma_start3A_102 = arith.constant 0 : i32
      %dma_start3A_103 = tpu.memref_slice %arg2[%dma_start3A_101, %dma_start3A_102] : memref<10000x64xf32, #tpu.memory_space<hbm>> -> memref<10000x64xf32, #tpu.memory_space<hbm>>
      tpu.enqueue_indirect_dma source(%dma_start3A_103 : memref<10000x64xf32, #tpu.memory_space<hbm>>) target(%dma_start3A_97 : memref<125x64xf32, #tpu.memory_space<vmem>>) offsets(%dma_start3A_100 : memref<125xi32, #tpu.memory_space<vmem>>) semaphore(%arg11 : memref<!tpu.dma_semaphore, #tpu.memory_space<semaphore_mem>>)
      %mul3A_104 = arith.constant 4 : i32
      %mul3A_105 = arith.muli %add3A_71, %mul3A_104 : i32
      %add3A_106 = arith.constant 2 : i32
      %add3A_107 = arith.addi %mul3A_105, %add3A_106 : i32
      %dma_start3A_108 = arith.constant 1 : i32
      %dma_start3A_109 = arith.constant 2 : i32
      %dma_start3A_110 = arith.constant 0 : i32
      %dma_start3A_111 = arith.constant 0 : i32
      %dma_start3A_112 = tpu.memref_slice %arg8[%dma_start3A_108, %dma_start3A_109, %dma_start3A_110, %dma_start3A_111] : memref<2x4x125x64xf32, #tpu.memory_space<vmem>> -> memref<1x1x125x64xf32, #tpu.memory_space<vmem>>
      %dma_start3A_113 = tpu.memref_squeeze %dma_start3A_112 : memref<1x1x125x64xf32, #tpu.memory_space<vmem>> -> memref<125x64xf32, #tpu.memory_space<vmem>>
      %dma_start3A_114 = arith.constant 0 : i32
      %dma_start3A_115 = tpu.memref_slice %arg6[%add3A_107, %dma_start3A_114] : memref<80x125xi32, #tpu.memory_space<vmem>> -> memref<1x125xi32, #tpu.memory_space<vmem>>
      %dma_start3A_116 = tpu.memref_squeeze %dma_start3A_115 : memref<1x125xi32, #tpu.memory_space<vmem>> -> memref<125xi32, #tpu.memory_space<vmem>>
      %dma_start3A_117 = arith.constant 0 : i32
      %dma_start3A_118 = arith.constant 0 : i32
      %dma_start3A_119 = tpu.memref_slice %arg2[%dma_start3A_117, %dma_start3A_118] : memref<10000x64xf32, #tpu.memory_space<hbm>> -> memref<10000x64xf32, #tpu.memory_space<hbm>>
      tpu.enqueue_indirect_dma source(%dma_start3A_119 : memref<10000x64xf32, #tpu.memory_space<hbm>>) target(%dma_start3A_113 : memref<125x64xf32, #tpu.memory_space<vmem>>) offsets(%dma_start3A_116 : memref<125xi32, #tpu.memory_space<vmem>>) semaphore(%arg11 : memref<!tpu.dma_semaphore, #tpu.memory_space<semaphore_mem>>)
      %mul3A_120 = arith.constant 4 : i32
      %mul3A_121 = arith.muli %add3A_71, %mul3A_120 : i32
      %add3A_122 = arith.constant 3 : i32
      %add3A_123 = arith.addi %mul3A_121, %add3A_122 : i32
      %dma_start3A_124 = arith.constant 1 : i32
      %dma_start3A_125 = arith.constant 3 : i32
      %dma_start3A_126 = arith.constant 0 : i32
      %dma_start3A_127 = arith.constant 0 : i32
      %dma_start3A_128 = tpu.memref_slice %arg8[%dma_start3A_124, %dma_start3A_125, %dma_start3A_126, %dma_start3A_127] : memref<2x4x125x64xf32, #tpu.memory_space<vmem>> -> memref<1x1x125x64xf32, #tpu.memory_space<vmem>>
      %dma_start3A_129 = tpu.memref_squeeze %dma_start3A_128 : memref<1x1x125x64xf32, #tpu.memory_space<vmem>> -> memref<125x64xf32, #tpu.memory_space<vmem>>
      %dma_start3A_130 = arith.constant 0 : i32
      %dma_start3A_131 = tpu.memref_slice %arg6[%add3A_123, %dma_start3A_130] : memref<80x125xi32, #tpu.memory_space<vmem>> -> memref<1x125xi32, #tpu.memory_space<vmem>>
      %dma_start3A_132 = tpu.memref_squeeze %dma_start3A_131 : memref<1x125xi32, #tpu.memory_space<vmem>> -> memref<125xi32, #tpu.memory_space<vmem>>
      %dma_start3A_133 = arith.constant 0 : i32
      %dma_start3A_134 = arith.constant 0 : i32
      %dma_start3A_135 = tpu.memref_slice %arg2[%dma_start3A_133, %dma_start3A_134] : memref<10000x64xf32, #tpu.memory_space<hbm>> -> memref<10000x64xf32, #tpu.memory_space<hbm>>
      tpu.enqueue_indirect_dma source(%dma_start3A_135 : memref<10000x64xf32, #tpu.memory_space<hbm>>) target(%dma_start3A_129 : memref<125x64xf32, #tpu.memory_space<vmem>>) offsets(%dma_start3A_132 : memref<125xi32, #tpu.memory_space<vmem>>) semaphore(%arg11 : memref<!tpu.dma_semaphore, #tpu.memory_space<semaphore_mem>>)
      %mul3A_136 = arith.constant 2 : i32
      %mul3A_137 = arith.muli %mul3A_136, %scan3A_67 : i32
      %mul3A_138 = arith.constant 4 : i32
      %mul3A_139 = arith.muli %mul3A_137, %mul3A_138 : i32
      %add3A_140 = arith.constant 0 : i32
      %add3A_141 = arith.addi %mul3A_139, %add3A_140 : i32
      %dma_wait3A = arith.constant 0 : i32
      %dma_wait3A_142 = arith.constant 0 : i32
      %dma_wait3A_143 = arith.constant 0 : i32
      %dma_wait3A_144 = arith.constant 0 : i32
      %dma_wait3A_145 = tpu.memref_slice %arg8[%dma_wait3A, %dma_wait3A_142, %dma_wait3A_143, %dma_wait3A_144] : memref<2x4x125x64xf32, #tpu.memory_space<vmem>> -> memref<1x1x125x64xf32, #tpu.memory_space<vmem>>
      %dma_wait3A_146 = tpu.memref_squeeze %dma_wait3A_145 : memref<1x1x125x64xf32, #tpu.memory_space<vmem>> -> memref<125x64xf32, #tpu.memory_space<vmem>>
      %dma_wait3A_147 = arith.constant 0 : i32
      %dma_wait3A_148 = tpu.memref_slice %arg6[%add3A_141, %dma_wait3A_147] : memref<80x125xi32, #tpu.memory_space<vmem>> -> memref<1x125xi32, #tpu.memory_space<vmem>>
      %dma_wait3A_149 = tpu.memref_squeeze %dma_wait3A_148 : memref<1x125xi32, #tpu.memory_space<vmem>> -> memref<125xi32, #tpu.memory_space<vmem>>
      %dma_wait3A_150 = arith.constant 0 : i32
      %dma_wait3A_151 = arith.constant 0 : i32
      %dma_wait3A_152 = tpu.memref_slice %arg2[%dma_wait3A_150, %dma_wait3A_151] : memref<10000x64xf32, #tpu.memory_space<hbm>> -> memref<10000x64xf32, #tpu.memory_space<hbm>>
      tpu.wait_indirect_dma semaphore(%arg10 : memref<!tpu.dma_semaphore, #tpu.memory_space<semaphore_mem>>) src(%dma_wait3A_152 : memref<10000x64xf32, #tpu.memory_space<hbm>>) dst(%dma_wait3A_146 : memref<125x64xf32, #tpu.memory_space<vmem>>)
      %mul3A_153 = arith.constant 4 : i32
      %mul3A_154 = arith.muli %mul3A_137, %mul3A_153 : i32
      %add3A_155 = arith.constant 1 : i32
      %add3A_156 = arith.addi %mul3A_154, %add3A_155 : i32
      %dma_wait3A_157 = arith.constant 0 : i32
      %dma_wait3A_158 = arith.constant 1 : i32
      %dma_wait3A_159 = arith.constant 0 : i32
      %dma_wait3A_160 = arith.constant 0 : i32
      %dma_wait3A_161 = tpu.memref_slice %arg8[%dma_wait3A_157, %dma_wait3A_158, %dma_wait3A_159, %dma_wait3A_160] : memref<2x4x125x64xf32, #tpu.memory_space<vmem>> -> memref<1x1x125x64xf32, #tpu.memory_space<vmem>>
      %dma_wait3A_162 = tpu.memref_squeeze %dma_wait3A_161 : memref<1x1x125x64xf32, #tpu.memory_space<vmem>> -> memref<125x64xf32, #tpu.memory_space<vmem>>
      %dma_wait3A_163 = arith.constant 0 : i32
      %dma_wait3A_164 = tpu.memref_slice %arg6[%add3A_156, %dma_wait3A_163] : memref<80x125xi32, #tpu.memory_space<vmem>> -> memref<1x125xi32, #tpu.memory_space<vmem>>
      %dma_wait3A_165 = tpu.memref_squeeze %dma_wait3A_164 : memref<1x125xi32, #tpu.memory_space<vmem>> -> memref<125xi32, #tpu.memory_space<vmem>>
      %dma_wait3A_166 = arith.constant 0 : i32
      %dma_wait3A_167 = arith.constant 0 : i32
      %dma_wait3A_168 = tpu.memref_slice %arg2[%dma_wait3A_166, %dma_wait3A_167] : memref<10000x64xf32, #tpu.memory_space<hbm>> -> memref<10000x64xf32, #tpu.memory_space<hbm>>
      tpu.wait_indirect_dma semaphore(%arg10 : memref<!tpu.dma_semaphore, #tpu.memory_space<semaphore_mem>>) src(%dma_wait3A_168 : memref<10000x64xf32, #tpu.memory_space<hbm>>) dst(%dma_wait3A_162 : memref<125x64xf32, #tpu.memory_space<vmem>>)
      %mul3A_169 = arith.constant 4 : i32
      %mul3A_170 = arith.muli %mul3A_137, %mul3A_169 : i32
      %add3A_171 = arith.constant 2 : i32
      %add3A_172 = arith.addi %mul3A_170, %add3A_171 : i32
      %dma_wait3A_173 = arith.constant 0 : i32
      %dma_wait3A_174 = arith.constant 2 : i32
      %dma_wait3A_175 = arith.constant 0 : i32
      %dma_wait3A_176 = arith.constant 0 : i32
      %dma_wait3A_177 = tpu.memref_slice %arg8[%dma_wait3A_173, %dma_wait3A_174, %dma_wait3A_175, %dma_wait3A_176] : memref<2x4x125x64xf32, #tpu.memory_space<vmem>> -> memref<1x1x125x64xf32, #tpu.memory_space<vmem>>
      %dma_wait3A_178 = tpu.memref_squeeze %dma_wait3A_177 : memref<1x1x125x64xf32, #tpu.memory_space<vmem>> -> memref<125x64xf32, #tpu.memory_space<vmem>>
      %dma_wait3A_179 = arith.constant 0 : i32
      %dma_wait3A_180 = tpu.memref_slice %arg6[%add3A_172, %dma_wait3A_179] : memref<80x125xi32, #tpu.memory_space<vmem>> -> memref<1x125xi32, #tpu.memory_space<vmem>>
      %dma_wait3A_181 = tpu.memref_squeeze %dma_wait3A_180 : memref<1x125xi32, #tpu.memory_space<vmem>> -> memref<125xi32, #tpu.memory_space<vmem>>
      %dma_wait3A_182 = arith.constant 0 : i32
      %dma_wait3A_183 = arith.constant 0 : i32
      %dma_wait3A_184 = tpu.memref_slice %arg2[%dma_wait3A_182, %dma_wait3A_183] : memref<10000x64xf32, #tpu.memory_space<hbm>> -> memref<10000x64xf32, #tpu.memory_space<hbm>>
      tpu.wait_indirect_dma semaphore(%arg10 : memref<!tpu.dma_semaphore, #tpu.memory_space<semaphore_mem>>) src(%dma_wait3A_184 : memref<10000x64xf32, #tpu.memory_space<hbm>>) dst(%dma_wait3A_178 : memref<125x64xf32, #tpu.memory_space<vmem>>)
      %mul3A_185 = arith.constant 4 : i32
      %mul3A_186 = arith.muli %mul3A_137, %mul3A_185 : i32
      %add3A_187 = arith.constant 3 : i32
      %add3A_188 = arith.addi %mul3A_186, %add3A_187 : i32
      %dma_wait3A_189 = arith.constant 0 : i32
      %dma_wait3A_190 = arith.constant 3 : i32
      %dma_wait3A_191 = arith.constant 0 : i32
      %dma_wait3A_192 = arith.constant 0 : i32
      %dma_wait3A_193 = tpu.memref_slice %arg8[%dma_wait3A_189, %dma_wait3A_190, %dma_wait3A_191, %dma_wait3A_192] : memref<2x4x125x64xf32, #tpu.memory_space<vmem>> -> memref<1x1x125x64xf32, #tpu.memory_space<vmem>>
      %dma_wait3A_194 = tpu.memref_squeeze %dma_wait3A_193 : memref<1x1x125x64xf32, #tpu.memory_space<vmem>> -> memref<125x64xf32, #tpu.memory_space<vmem>>
      %dma_wait3A_195 = arith.constant 0 : i32
      %dma_wait3A_196 = tpu.memref_slice %arg6[%add3A_188, %dma_wait3A_195] : memref<80x125xi32, #tpu.memory_space<vmem>> -> memref<1x125xi32, #tpu.memory_space<vmem>>
      %dma_wait3A_197 = tpu.memref_squeeze %dma_wait3A_196 : memref<1x125xi32, #tpu.memory_space<vmem>> -> memref<125xi32, #tpu.memory_space<vmem>>
      %dma_wait3A_198 = arith.constant 0 : i32
      %dma_wait3A_199 = arith.constant 0 : i32
      %dma_wait3A_200 = tpu.memref_slice %arg2[%dma_wait3A_198, %dma_wait3A_199] : memref<10000x64xf32, #tpu.memory_space<hbm>> -> memref<10000x64xf32, #tpu.memory_space<hbm>>
      tpu.wait_indirect_dma semaphore(%arg10 : memref<!tpu.dma_semaphore, #tpu.memory_space<semaphore_mem>>) src(%dma_wait3A_200 : memref<10000x64xf32, #tpu.memory_space<hbm>>) dst(%dma_wait3A_194 : memref<125x64xf32, #tpu.memory_space<vmem>>)
      %mul3A_201 = arith.constant 4 : i32
      %mul3A_202 = arith.muli %mul3A_137, %mul3A_201 : i32
      %add3A_203 = arith.constant 0 : i32
      %add3A_204 = arith.addi %mul3A_202, %add3A_203 : i32
      %dma_start3A_205 = arith.constant 0 : i32
      %dma_start3A_206 = arith.constant 0 : i32
      %dma_start3A_207 = arith.constant 0 : i32
      %dma_start3A_208 = arith.constant 0 : i32
      %dma_start3A_209 = tpu.memref_slice %arg8[%dma_start3A_205, %dma_start3A_206, %dma_start3A_207, %dma_start3A_208] : memref<2x4x125x64xf32, #tpu.memory_space<vmem>> -> memref<1x1x125x64xf32, #tpu.memory_space<vmem>>
      %dma_start3A_210 = tpu.memref_squeeze %dma_start3A_209 : memref<1x1x125x64xf32, #tpu.memory_space<vmem>> -> memref<125x64xf32, #tpu.memory_space<vmem>>
      %dma_start3A_211 = arith.constant 0 : i32
      %dma_start3A_212 = tpu.memref_slice %arg7[%add3A_204, %dma_start3A_211] : memref<80x125xi32, #tpu.memory_space<vmem>> -> memref<1x125xi32, #tpu.memory_space<vmem>>
      %dma_start3A_213 = tpu.memref_squeeze %dma_start3A_212 : memref<1x125xi32, #tpu.memory_space<vmem>> -> memref<125xi32, #tpu.memory_space<vmem>>
      %dma_start3A_214 = arith.constant 0 : i32
      %dma_start3A_215 = arith.constant 0 : i32
      %dma_start3A_216 = tpu.memref_slice %arg9[%dma_start3A_214, %dma_start3A_215] : memref<10240x64xf32, #tpu.memory_space<vmem_shared>> -> memref<10240x64xf32, #tpu.memory_space<vmem_shared>>
      tpu.enqueue_indirect_dma source(%dma_start3A_210 : memref<125x64xf32, #tpu.memory_space<vmem>>) target(%dma_start3A_216 : memref<10240x64xf32, #tpu.memory_space<vmem_shared>>) offsets(%dma_start3A_213 : memref<125xi32, #tpu.memory_space<vmem>>) semaphore(%arg12 : memref<!tpu.dma_semaphore, #tpu.memory_space<semaphore_mem>>) {add = true}
      %mul3A_217 = arith.constant 4 : i32
      %mul3A_218 = arith.muli %mul3A_137, %mul3A_217 : i32
      %add3A_219 = arith.constant 1 : i32
      %add3A_220 = arith.addi %mul3A_218, %add3A_219 : i32
      %dma_start3A_221 = arith.constant 0 : i32
      %dma_start3A_222 = arith.constant 1 : i32
      %dma_start3A_223 = arith.constant 0 : i32
      %dma_start3A_224 = arith.constant 0 : i32
      %dma_start3A_225 = tpu.memref_slice %arg8[%dma_start3A_221, %dma_start3A_222, %dma_start3A_223, %dma_start3A_224] : memref<2x4x125x64xf32, #tpu.memory_space<vmem>> -> memref<1x1x125x64xf32, #tpu.memory_space<vmem>>
      %dma_start3A_226 = tpu.memref_squeeze %dma_start3A_225 : memref<1x1x125x64xf32, #tpu.memory_space<vmem>> -> memref<125x64xf32, #tpu.memory_space<vmem>>
      %dma_start3A_227 = arith.constant 0 : i32
      %dma_start3A_228 = tpu.memref_slice %arg7[%add3A_220, %dma_start3A_227] : memref<80x125xi32, #tpu.memory_space<vmem>> -> memref<1x125xi32, #tpu.memory_space<vmem>>
      %dma_start3A_229 = tpu.memref_squeeze %dma_start3A_228 : memref<1x125xi32, #tpu.memory_space<vmem>> -> memref<125xi32, #tpu.memory_space<vmem>>
      %dma_start3A_230 = arith.constant 0 : i32
      %dma_start3A_231 = arith.constant 0 : i32
      %dma_start3A_232 = tpu.memref_slice %arg9[%dma_start3A_230, %dma_start3A_231] : memref<10240x64xf32, #tpu.memory_space<vmem_shared>> -> memref<10240x64xf32, #tpu.memory_space<vmem_shared>>
      tpu.enqueue_indirect_dma source(%dma_start3A_226 : memref<125x64xf32, #tpu.memory_space<vmem>>) target(%dma_start3A_232 : memref<10240x64xf32, #tpu.memory_space<vmem_shared>>) offsets(%dma_start3A_229 : memref<125xi32, #tpu.memory_space<vmem>>) semaphore(%arg12 : memref<!tpu.dma_semaphore, #tpu.memory_space<semaphore_mem>>) {add = true}
      %mul3A_233 = arith.constant 4 : i32
      %mul3A_234 = arith.muli %mul3A_137, %mul3A_233 : i32
      %add3A_235 = arith.constant 2 : i32
      %add3A_236 = arith.addi %mul3A_234, %add3A_235 : i32
      %dma_start3A_237 = arith.constant 0 : i32
      %dma_start3A_238 = arith.constant 2 : i32
      %dma_start3A_239 = arith.constant 0 : i32
      %dma_start3A_240 = arith.constant 0 : i32
      %dma_start3A_241 = tpu.memref_slice %arg8[%dma_start3A_237, %dma_start3A_238, %dma_start3A_239, %dma_start3A_240] : memref<2x4x125x64xf32, #tpu.memory_space<vmem>> -> memref<1x1x125x64xf32, #tpu.memory_space<vmem>>
      %dma_start3A_242 = tpu.memref_squeeze %dma_start3A_241 : memref<1x1x125x64xf32, #tpu.memory_space<vmem>> -> memref<125x64xf32, #tpu.memory_space<vmem>>
      %dma_start3A_243 = arith.constant 0 : i32
      %dma_start3A_244 = tpu.memref_slice %arg7[%add3A_236, %dma_start3A_243] : memref<80x125xi32, #tpu.memory_space<vmem>> -> memref<1x125xi32, #tpu.memory_space<vmem>>
      %dma_start3A_245 = tpu.memref_squeeze %dma_start3A_244 : memref<1x125xi32, #tpu.memory_space<vmem>> -> memref<125xi32, #tpu.memory_space<vmem>>
      %dma_start3A_246 = arith.constant 0 : i32
      %dma_start3A_247 = arith.constant 0 : i32
      %dma_start3A_248 = tpu.memref_slice %arg9[%dma_start3A_246, %dma_start3A_247] : memref<10240x64xf32, #tpu.memory_space<vmem_shared>> -> memref<10240x64xf32, #tpu.memory_space<vmem_shared>>
      tpu.enqueue_indirect_dma source(%dma_start3A_242 : memref<125x64xf32, #tpu.memory_space<vmem>>) target(%dma_start3A_248 : memref<10240x64xf32, #tpu.memory_space<vmem_shared>>) offsets(%dma_start3A_245 : memref<125xi32, #tpu.memory_space<vmem>>) semaphore(%arg12 : memref<!tpu.dma_semaphore, #tpu.memory_space<semaphore_mem>>) {add = true}
      %mul3A_249 = arith.constant 4 : i32
      %mul3A_250 = arith.muli %mul3A_137, %mul3A_249 : i32
      %add3A_251 = arith.constant 3 : i32
      %add3A_252 = arith.addi %mul3A_250, %add3A_251 : i32
      %dma_start3A_253 = arith.constant 0 : i32
      %dma_start3A_254 = arith.constant 3 : i32
      %dma_start3A_255 = arith.constant 0 : i32
      %dma_start3A_256 = arith.constant 0 : i32
      %dma_start3A_257 = tpu.memref_slice %arg8[%dma_start3A_253, %dma_start3A_254, %dma_start3A_255, %dma_start3A_256] : memref<2x4x125x64xf32, #tpu.memory_space<vmem>> -> memref<1x1x125x64xf32, #tpu.memory_space<vmem>>
      %dma_start3A_258 = tpu.memref_squeeze %dma_start3A_257 : memref<1x1x125x64xf32, #tpu.memory_space<vmem>> -> memref<125x64xf32, #tpu.memory_space<vmem>>
      %dma_start3A_259 = arith.constant 0 : i32
      %dma_start3A_260 = tpu.memref_slice %arg7[%add3A_252, %dma_start3A_259] : memref<80x125xi32, #tpu.memory_space<vmem>> -> memref<1x125xi32, #tpu.memory_space<vmem>>
      %dma_start3A_261 = tpu.memref_squeeze %dma_start3A_260 : memref<1x125xi32, #tpu.memory_space<vmem>> -> memref<125xi32, #tpu.memory_space<vmem>>
      %dma_start3A_262 = arith.constant 0 : i32
      %dma_start3A_263 = arith.constant 0 : i32
      %dma_start3A_264 = tpu.memref_slice %arg9[%dma_start3A_262, %dma_start3A_263] : memref<10240x64xf32, #tpu.memory_space<vmem_shared>> -> memref<10240x64xf32, #tpu.memory_space<vmem_shared>>
      tpu.enqueue_indirect_dma source(%dma_start3A_258 : memref<125x64xf32, #tpu.memory_space<vmem>>) target(%dma_start3A_264 : memref<10240x64xf32, #tpu.memory_space<vmem_shared>>) offsets(%dma_start3A_261 : memref<125xi32, #tpu.memory_space<vmem>>) semaphore(%arg12 : memref<!tpu.dma_semaphore, #tpu.memory_space<semaphore_mem>>) {add = true}
      %mul3A_265 = arith.constant 4 : i32
      %mul3A_266 = arith.muli %mul3A_137, %mul3A_265 : i32
      %add3A_267 = arith.constant 0 : i32
      %add3A_268 = arith.addi %mul3A_266, %add3A_267 : i32
      %dma_wait3A_269 = arith.constant 0 : i32
      %dma_wait3A_270 = arith.constant 0 : i32
      %dma_wait3A_271 = arith.constant 0 : i32
      %dma_wait3A_272 = arith.constant 0 : i32
      %dma_wait3A_273 = tpu.memref_slice %arg8[%dma_wait3A_269, %dma_wait3A_270, %dma_wait3A_271, %dma_wait3A_272] : memref<2x4x125x64xf32, #tpu.memory_space<vmem>> -> memref<1x1x125x64xf32, #tpu.memory_space<vmem>>
      %dma_wait3A_274 = tpu.memref_squeeze %dma_wait3A_273 : memref<1x1x125x64xf32, #tpu.memory_space<vmem>> -> memref<125x64xf32, #tpu.memory_space<vmem>>
      %dma_wait3A_275 = arith.constant 0 : i32
      %dma_wait3A_276 = tpu.memref_slice %arg7[%add3A_268, %dma_wait3A_275] : memref<80x125xi32, #tpu.memory_space<vmem>> -> memref<1x125xi32, #tpu.memory_space<vmem>>
      %dma_wait3A_277 = tpu.memref_squeeze %dma_wait3A_276 : memref<1x125xi32, #tpu.memory_space<vmem>> -> memref<125xi32, #tpu.memory_space<vmem>>
      %dma_wait3A_278 = arith.constant 0 : i32
      %dma_wait3A_279 = arith.constant 0 : i32
      %dma_wait3A_280 = tpu.memref_slice %arg9[%dma_wait3A_278, %dma_wait3A_279] : memref<10240x64xf32, #tpu.memory_space<vmem_shared>> -> memref<10240x64xf32, #tpu.memory_space<vmem_shared>>
      tpu.wait_indirect_dma semaphore(%arg12 : memref<!tpu.dma_semaphore, #tpu.memory_space<semaphore_mem>>) src(%dma_wait3A_274 : memref<125x64xf32, #tpu.memory_space<vmem>>) dst(%dma_wait3A_280 : memref<10240x64xf32, #tpu.memory_space<vmem_shared>>)
      %mul3A_281 = arith.constant 4 : i32
      %mul3A_282 = arith.muli %mul3A_137, %mul3A_281 : i32
      %add3A_283 = arith.constant 1 : i32
      %add3A_284 = arith.addi %mul3A_282, %add3A_283 : i32
      %dma_wait3A_285 = arith.constant 0 : i32
      %dma_wait3A_286 = arith.constant 1 : i32
      %dma_wait3A_287 = arith.constant 0 : i32
      %dma_wait3A_288 = arith.constant 0 : i32
      %dma_wait3A_289 = tpu.memref_slice %arg8[%dma_wait3A_285, %dma_wait3A_286, %dma_wait3A_287, %dma_wait3A_288] : memref<2x4x125x64xf32, #tpu.memory_space<vmem>> -> memref<1x1x125x64xf32, #tpu.memory_space<vmem>>
      %dma_wait3A_290 = tpu.memref_squeeze %dma_wait3A_289 : memref<1x1x125x64xf32, #tpu.memory_space<vmem>> -> memref<125x64xf32, #tpu.memory_space<vmem>>
      %dma_wait3A_291 = arith.constant 0 : i32
      %dma_wait3A_292 = tpu.memref_slice %arg7[%add3A_284, %dma_wait3A_291] : memref<80x125xi32, #tpu.memory_space<vmem>> -> memref<1x125xi32, #tpu.memory_space<vmem>>
      %dma_wait3A_293 = tpu.memref_squeeze %dma_wait3A_292 : memref<1x125xi32, #tpu.memory_space<vmem>> -> memref<125xi32, #tpu.memory_space<vmem>>
      %dma_wait3A_294 = arith.constant 0 : i32
      %dma_wait3A_295 = arith.constant 0 : i32
      %dma_wait3A_296 = tpu.memref_slice %arg9[%dma_wait3A_294, %dma_wait3A_295] : memref<10240x64xf32, #tpu.memory_space<vmem_shared>> -> memref<10240x64xf32, #tpu.memory_space<vmem_shared>>
      tpu.wait_indirect_dma semaphore(%arg12 : memref<!tpu.dma_semaphore, #tpu.memory_space<semaphore_mem>>) src(%dma_wait3A_290 : memref<125x64xf32, #tpu.memory_space<vmem>>) dst(%dma_wait3A_296 : memref<10240x64xf32, #tpu.memory_space<vmem_shared>>)
      %mul3A_297 = arith.constant 4 : i32
      %mul3A_298 = arith.muli %mul3A_137, %mul3A_297 : i32
      %add3A_299 = arith.constant 2 : i32
      %add3A_300 = arith.addi %mul3A_298, %add3A_299 : i32
      %dma_wait3A_301 = arith.constant 0 : i32
      %dma_wait3A_302 = arith.constant 2 : i32
      %dma_wait3A_303 = arith.constant 0 : i32
      %dma_wait3A_304 = arith.constant 0 : i32
      %dma_wait3A_305 = tpu.memref_slice %arg8[%dma_wait3A_301, %dma_wait3A_302, %dma_wait3A_303, %dma_wait3A_304] : memref<2x4x125x64xf32, #tpu.memory_space<vmem>> -> memref<1x1x125x64xf32, #tpu.memory_space<vmem>>
      %dma_wait3A_306 = tpu.memref_squeeze %dma_wait3A_305 : memref<1x1x125x64xf32, #tpu.memory_space<vmem>> -> memref<125x64xf32, #tpu.memory_space<vmem>>
      %dma_wait3A_307 = arith.constant 0 : i32
      %dma_wait3A_308 = tpu.memref_slice %arg7[%add3A_300, %dma_wait3A_307] : memref<80x125xi32, #tpu.memory_space<vmem>> -> memref<1x125xi32, #tpu.memory_space<vmem>>
      %dma_wait3A_309 = tpu.memref_squeeze %dma_wait3A_308 : memref<1x125xi32, #tpu.memory_space<vmem>> -> memref<125xi32, #tpu.memory_space<vmem>>
      %dma_wait3A_310 = arith.constant 0 : i32
      %dma_wait3A_311 = arith.constant 0 : i32
      %dma_wait3A_312 = tpu.memref_slice %arg9[%dma_wait3A_310, %dma_wait3A_311] : memref<10240x64xf32, #tpu.memory_space<vmem_shared>> -> memref<10240x64xf32, #tpu.memory_space<vmem_shared>>
      tpu.wait_indirect_dma semaphore(%arg12 : memref<!tpu.dma_semaphore, #tpu.memory_space<semaphore_mem>>) src(%dma_wait3A_306 : memref<125x64xf32, #tpu.memory_space<vmem>>) dst(%dma_wait3A_312 : memref<10240x64xf32, #tpu.memory_space<vmem_shared>>)
      %mul3A_313 = arith.constant 4 : i32
      %mul3A_314 = arith.muli %mul3A_137, %mul3A_313 : i32
      %add3A_315 = arith.constant 3 : i32
      %add3A_316 = arith.addi %mul3A_314, %add3A_315 : i32
      %dma_wait3A_317 = arith.constant 0 : i32
      %dma_wait3A_318 = arith.constant 3 : i32
      %dma_wait3A_319 = arith.constant 0 : i32
      %dma_wait3A_320 = arith.constant 0 : i32
      %dma_wait3A_321 = tpu.memref_slice %arg8[%dma_wait3A_317, %dma_wait3A_318, %dma_wait3A_319, %dma_wait3A_320] : memref<2x4x125x64xf32, #tpu.memory_space<vmem>> -> memref<1x1x125x64xf32, #tpu.memory_space<vmem>>
      %dma_wait3A_322 = tpu.memref_squeeze %dma_wait3A_321 : memref<1x1x125x64xf32, #tpu.memory_space<vmem>> -> memref<125x64xf32, #tpu.memory_space<vmem>>
      %dma_wait3A_323 = arith.constant 0 : i32
      %dma_wait3A_324 = tpu.memref_slice %arg7[%add3A_316, %dma_wait3A_323] : memref<80x125xi32, #tpu.memory_space<vmem>> -> memref<1x125xi32, #tpu.memory_space<vmem>>
      %dma_wait3A_325 = tpu.memref_squeeze %dma_wait3A_324 : memref<1x125xi32, #tpu.memory_space<vmem>> -> memref<125xi32, #tpu.memory_space<vmem>>
      %dma_wait3A_326 = arith.constant 0 : i32
      %dma_wait3A_327 = arith.constant 0 : i32
      %dma_wait3A_328 = tpu.memref_slice %arg9[%dma_wait3A_326, %dma_wait3A_327] : memref<10240x64xf32, #tpu.memory_space<vmem_shared>> -> memref<10240x64xf32, #tpu.memory_space<vmem_shared>>
      tpu.wait_indirect_dma semaphore(%arg12 : memref<!tpu.dma_semaphore, #tpu.memory_space<semaphore_mem>>) src(%dma_wait3A_322 : memref<125x64xf32, #tpu.memory_space<vmem>>) dst(%dma_wait3A_328 : memref<10240x64xf32, #tpu.memory_space<vmem_shared>>)
      %lt3A = arith.constant 9 : i32
      %lt3A_329 = arith.cmpi slt, %scan3A_67, %lt3A : i32
      %convert_element_type3A = arith.extui %lt3A_329 : i1 to i32
      %cond3A = arith.constant 0 : i32
      %cond3A_330 = arith.cmpi ne, %convert_element_type3A, %cond3A : i32
      scf.if %cond3A_330 {
        %mul3A_527 = arith.constant 2 : i32
        %mul3A_528 = arith.muli %mul3A_527, %scan3A_67 : i32
        %add3A_529 = arith.constant 2 : i32
        %add3A_530 = arith.addi %mul3A_528, %add3A_529 : i32
        %mul3A_531 = arith.constant 4 : i32
        %mul3A_532 = arith.muli %add3A_530, %mul3A_531 : i32
        %add3A_533 = arith.constant 0 : i32
        %add3A_534 = arith.addi %mul3A_532, %add3A_533 : i32
        %dma_start3A_535 = arith.constant 0 : i32
        %dma_start3A_536 = arith.constant 0 : i32
        %dma_start3A_537 = arith.constant 0 : i32
        %dma_start3A_538 = arith.constant 0 : i32
        %dma_start3A_539 = tpu.memref_slice %arg8[%dma_start3A_535, %dma_start3A_536, %dma_start3A_537, %dma_start3A_538] : memref<2x4x125x64xf32, #tpu.memory_space<vmem>> -> memref<1x1x125x64xf32, #tpu.memory_space<vmem>>
        %dma_start3A_540 = tpu.memref_squeeze %dma_start3A_539 : memref<1x1x125x64xf32, #tpu.memory_space<vmem>> -> memref<125x64xf32, #tpu.memory_space<vmem>>
        %dma_start3A_541 = arith.constant 0 : i32
        %dma_start3A_542 = tpu.memref_slice %arg6[%add3A_534, %dma_start3A_541] : memref<80x125xi32, #tpu.memory_space<vmem>> -> memref<1x125xi32, #tpu.memory_space<vmem>>
        %dma_start3A_543 = tpu.memref_squeeze %dma_start3A_542 : memref<1x125xi32, #tpu.memory_space<vmem>> -> memref<125xi32, #tpu.memory_space<vmem>>
        %dma_start3A_544 = arith.constant 0 : i32
        %dma_start3A_545 = arith.constant 0 : i32
        %dma_start3A_546 = tpu.memref_slice %arg2[%dma_start3A_544, %dma_start3A_545] : memref<10000x64xf32, #tpu.memory_space<hbm>> -> memref<10000x64xf32, #tpu.memory_space<hbm>>
        tpu.enqueue_indirect_dma source(%dma_start3A_546 : memref<10000x64xf32, #tpu.memory_space<hbm>>) target(%dma_start3A_540 : memref<125x64xf32, #tpu.memory_space<vmem>>) offsets(%dma_start3A_543 : memref<125xi32, #tpu.memory_space<vmem>>) semaphore(%arg10 : memref<!tpu.dma_semaphore, #tpu.memory_space<semaphore_mem>>)
        %mul3A_547 = arith.constant 4 : i32
        %mul3A_548 = arith.muli %add3A_530, %mul3A_547 : i32
        %add3A_549 = arith.constant 1 : i32
        %add3A_550 = arith.addi %mul3A_548, %add3A_549 : i32
        %dma_start3A_551 = arith.constant 0 : i32
        %dma_start3A_552 = arith.constant 1 : i32
        %dma_start3A_553 = arith.constant 0 : i32
        %dma_start3A_554 = arith.constant 0 : i32
        %dma_start3A_555 = tpu.memref_slice %arg8[%dma_start3A_551, %dma_start3A_552, %dma_start3A_553, %dma_start3A_554] : memref<2x4x125x64xf32, #tpu.memory_space<vmem>> -> memref<1x1x125x64xf32, #tpu.memory_space<vmem>>
        %dma_start3A_556 = tpu.memref_squeeze %dma_start3A_555 : memref<1x1x125x64xf32, #tpu.memory_space<vmem>> -> memref<125x64xf32, #tpu.memory_space<vmem>>
        %dma_start3A_557 = arith.constant 0 : i32
        %dma_start3A_558 = tpu.memref_slice %arg6[%add3A_550, %dma_start3A_557] : memref<80x125xi32, #tpu.memory_space<vmem>> -> memref<1x125xi32, #tpu.memory_space<vmem>>
        %dma_start3A_559 = tpu.memref_squeeze %dma_start3A_558 : memref<1x125xi32, #tpu.memory_space<vmem>> -> memref<125xi32, #tpu.memory_space<vmem>>
        %dma_start3A_560 = arith.constant 0 : i32
        %dma_start3A_561 = arith.constant 0 : i32
        %dma_start3A_562 = tpu.memref_slice %arg2[%dma_start3A_560, %dma_start3A_561] : memref<10000x64xf32, #tpu.memory_space<hbm>> -> memref<10000x64xf32, #tpu.memory_space<hbm>>
        tpu.enqueue_indirect_dma source(%dma_start3A_562 : memref<10000x64xf32, #tpu.memory_space<hbm>>) target(%dma_start3A_556 : memref<125x64xf32, #tpu.memory_space<vmem>>) offsets(%dma_start3A_559 : memref<125xi32, #tpu.memory_space<vmem>>) semaphore(%arg10 : memref<!tpu.dma_semaphore, #tpu.memory_space<semaphore_mem>>)
        %mul3A_563 = arith.constant 4 : i32
        %mul3A_564 = arith.muli %add3A_530, %mul3A_563 : i32
        %add3A_565 = arith.constant 2 : i32
        %add3A_566 = arith.addi %mul3A_564, %add3A_565 : i32
        %dma_start3A_567 = arith.constant 0 : i32
        %dma_start3A_568 = arith.constant 2 : i32
        %dma_start3A_569 = arith.constant 0 : i32
        %dma_start3A_570 = arith.constant 0 : i32
        %dma_start3A_571 = tpu.memref_slice %arg8[%dma_start3A_567, %dma_start3A_568, %dma_start3A_569, %dma_start3A_570] : memref<2x4x125x64xf32, #tpu.memory_space<vmem>> -> memref<1x1x125x64xf32, #tpu.memory_space<vmem>>
        %dma_start3A_572 = tpu.memref_squeeze %dma_start3A_571 : memref<1x1x125x64xf32, #tpu.memory_space<vmem>> -> memref<125x64xf32, #tpu.memory_space<vmem>>
        %dma_start3A_573 = arith.constant 0 : i32
        %dma_start3A_574 = tpu.memref_slice %arg6[%add3A_566, %dma_start3A_573] : memref<80x125xi32, #tpu.memory_space<vmem>> -> memref<1x125xi32, #tpu.memory_space<vmem>>
        %dma_start3A_575 = tpu.memref_squeeze %dma_start3A_574 : memref<1x125xi32, #tpu.memory_space<vmem>> -> memref<125xi32, #tpu.memory_space<vmem>>
        %dma_start3A_576 = arith.constant 0 : i32
        %dma_start3A_577 = arith.constant 0 : i32
        %dma_start3A_578 = tpu.memref_slice %arg2[%dma_start3A_576, %dma_start3A_577] : memref<10000x64xf32, #tpu.memory_space<hbm>> -> memref<10000x64xf32, #tpu.memory_space<hbm>>
        tpu.enqueue_indirect_dma source(%dma_start3A_578 : memref<10000x64xf32, #tpu.memory_space<hbm>>) target(%dma_start3A_572 : memref<125x64xf32, #tpu.memory_space<vmem>>) offsets(%dma_start3A_575 : memref<125xi32, #tpu.memory_space<vmem>>) semaphore(%arg10 : memref<!tpu.dma_semaphore, #tpu.memory_space<semaphore_mem>>)
        %mul3A_579 = arith.constant 4 : i32
        %mul3A_580 = arith.muli %add3A_530, %mul3A_579 : i32
        %add3A_581 = arith.constant 3 : i32
        %add3A_582 = arith.addi %mul3A_580, %add3A_581 : i32
        %dma_start3A_583 = arith.constant 0 : i32
        %dma_start3A_584 = arith.constant 3 : i32
        %dma_start3A_585 = arith.constant 0 : i32
        %dma_start3A_586 = arith.constant 0 : i32
        %dma_start3A_587 = tpu.memref_slice %arg8[%dma_start3A_583, %dma_start3A_584, %dma_start3A_585, %dma_start3A_586] : memref<2x4x125x64xf32, #tpu.memory_space<vmem>> -> memref<1x1x125x64xf32, #tpu.memory_space<vmem>>
        %dma_start3A_588 = tpu.memref_squeeze %dma_start3A_587 : memref<1x1x125x64xf32, #tpu.memory_space<vmem>> -> memref<125x64xf32, #tpu.memory_space<vmem>>
        %dma_start3A_589 = arith.constant 0 : i32
        %dma_start3A_590 = tpu.memref_slice %arg6[%add3A_582, %dma_start3A_589] : memref<80x125xi32, #tpu.memory_space<vmem>> -> memref<1x125xi32, #tpu.memory_space<vmem>>
        %dma_start3A_591 = tpu.memref_squeeze %dma_start3A_590 : memref<1x125xi32, #tpu.memory_space<vmem>> -> memref<125xi32, #tpu.memory_space<vmem>>
        %dma_start3A_592 = arith.constant 0 : i32
        %dma_start3A_593 = arith.constant 0 : i32
        %dma_start3A_594 = tpu.memref_slice %arg2[%dma_start3A_592, %dma_start3A_593] : memref<10000x64xf32, #tpu.memory_space<hbm>> -> memref<10000x64xf32, #tpu.memory_space<hbm>>
        tpu.enqueue_indirect_dma source(%dma_start3A_594 : memref<10000x64xf32, #tpu.memory_space<hbm>>) target(%dma_start3A_588 : memref<125x64xf32, #tpu.memory_space<vmem>>) offsets(%dma_start3A_591 : memref<125xi32, #tpu.memory_space<vmem>>) semaphore(%arg10 : memref<!tpu.dma_semaphore, #tpu.memory_space<semaphore_mem>>)
      } else {
      }
      %mul3A_331 = arith.constant 2 : i32
      %mul3A_332 = arith.muli %mul3A_331, %scan3A_67 : i32
      %add3A_333 = arith.constant 1 : i32
      %add3A_334 = arith.addi %mul3A_332, %add3A_333 : i32
      %mul3A_335 = arith.constant 4 : i32
      %mul3A_336 = arith.muli %add3A_334, %mul3A_335 : i32
      %add3A_337 = arith.constant 0 : i32
      %add3A_338 = arith.addi %mul3A_336, %add3A_337 : i32
      %dma_wait3A_339 = arith.constant 1 : i32
      %dma_wait3A_340 = arith.constant 0 : i32
      %dma_wait3A_341 = arith.constant 0 : i32
      %dma_wait3A_342 = arith.constant 0 : i32
      %dma_wait3A_343 = tpu.memref_slice %arg8[%dma_wait3A_339, %dma_wait3A_340, %dma_wait3A_341, %dma_wait3A_342] : memref<2x4x125x64xf32, #tpu.memory_space<vmem>> -> memref<1x1x125x64xf32, #tpu.memory_space<vmem>>
      %dma_wait3A_344 = tpu.memref_squeeze %dma_wait3A_343 : memref<1x1x125x64xf32, #tpu.memory_space<vmem>> -> memref<125x64xf32, #tpu.memory_space<vmem>>
      %dma_wait3A_345 = arith.constant 0 : i32
      %dma_wait3A_346 = tpu.memref_slice %arg6[%add3A_338, %dma_wait3A_345] : memref<80x125xi32, #tpu.memory_space<vmem>> -> memref<1x125xi32, #tpu.memory_space<vmem>>
      %dma_wait3A_347 = tpu.memref_squeeze %dma_wait3A_346 : memref<1x125xi32, #tpu.memory_space<vmem>> -> memref<125xi32, #tpu.memory_space<vmem>>
      %dma_wait3A_348 = arith.constant 0 : i32
      %dma_wait3A_349 = arith.constant 0 : i32
      %dma_wait3A_350 = tpu.memref_slice %arg2[%dma_wait3A_348, %dma_wait3A_349] : memref<10000x64xf32, #tpu.memory_space<hbm>> -> memref<10000x64xf32, #tpu.memory_space<hbm>>
      tpu.wait_indirect_dma semaphore(%arg11 : memref<!tpu.dma_semaphore, #tpu.memory_space<semaphore_mem>>) src(%dma_wait3A_350 : memref<10000x64xf32, #tpu.memory_space<hbm>>) dst(%dma_wait3A_344 : memref<125x64xf32, #tpu.memory_space<vmem>>)
      %mul3A_351 = arith.constant 4 : i32
      %mul3A_352 = arith.muli %add3A_334, %mul3A_351 : i32
      %add3A_353 = arith.constant 1 : i32
      %add3A_354 = arith.addi %mul3A_352, %add3A_353 : i32
      %dma_wait3A_355 = arith.constant 1 : i32
      %dma_wait3A_356 = arith.constant 1 : i32
      %dma_wait3A_357 = arith.constant 0 : i32
      %dma_wait3A_358 = arith.constant 0 : i32
      %dma_wait3A_359 = tpu.memref_slice %arg8[%dma_wait3A_355, %dma_wait3A_356, %dma_wait3A_357, %dma_wait3A_358] : memref<2x4x125x64xf32, #tpu.memory_space<vmem>> -> memref<1x1x125x64xf32, #tpu.memory_space<vmem>>
      %dma_wait3A_360 = tpu.memref_squeeze %dma_wait3A_359 : memref<1x1x125x64xf32, #tpu.memory_space<vmem>> -> memref<125x64xf32, #tpu.memory_space<vmem>>
      %dma_wait3A_361 = arith.constant 0 : i32
      %dma_wait3A_362 = tpu.memref_slice %arg6[%add3A_354, %dma_wait3A_361] : memref<80x125xi32, #tpu.memory_space<vmem>> -> memref<1x125xi32, #tpu.memory_space<vmem>>
      %dma_wait3A_363 = tpu.memref_squeeze %dma_wait3A_362 : memref<1x125xi32, #tpu.memory_space<vmem>> -> memref<125xi32, #tpu.memory_space<vmem>>
      %dma_wait3A_364 = arith.constant 0 : i32
      %dma_wait3A_365 = arith.constant 0 : i32
      %dma_wait3A_366 = tpu.memref_slice %arg2[%dma_wait3A_364, %dma_wait3A_365] : memref<10000x64xf32, #tpu.memory_space<hbm>> -> memref<10000x64xf32, #tpu.memory_space<hbm>>
      tpu.wait_indirect_dma semaphore(%arg11 : memref<!tpu.dma_semaphore, #tpu.memory_space<semaphore_mem>>) src(%dma_wait3A_366 : memref<10000x64xf32, #tpu.memory_space<hbm>>) dst(%dma_wait3A_360 : memref<125x64xf32, #tpu.memory_space<vmem>>)
      %mul3A_367 = arith.constant 4 : i32
      %mul3A_368 = arith.muli %add3A_334, %mul3A_367 : i32
      %add3A_369 = arith.constant 2 : i32
      %add3A_370 = arith.addi %mul3A_368, %add3A_369 : i32
      %dma_wait3A_371 = arith.constant 1 : i32
      %dma_wait3A_372 = arith.constant 2 : i32
      %dma_wait3A_373 = arith.constant 0 : i32
      %dma_wait3A_374 = arith.constant 0 : i32
      %dma_wait3A_375 = tpu.memref_slice %arg8[%dma_wait3A_371, %dma_wait3A_372, %dma_wait3A_373, %dma_wait3A_374] : memref<2x4x125x64xf32, #tpu.memory_space<vmem>> -> memref<1x1x125x64xf32, #tpu.memory_space<vmem>>
      %dma_wait3A_376 = tpu.memref_squeeze %dma_wait3A_375 : memref<1x1x125x64xf32, #tpu.memory_space<vmem>> -> memref<125x64xf32, #tpu.memory_space<vmem>>
      %dma_wait3A_377 = arith.constant 0 : i32
      %dma_wait3A_378 = tpu.memref_slice %arg6[%add3A_370, %dma_wait3A_377] : memref<80x125xi32, #tpu.memory_space<vmem>> -> memref<1x125xi32, #tpu.memory_space<vmem>>
      %dma_wait3A_379 = tpu.memref_squeeze %dma_wait3A_378 : memref<1x125xi32, #tpu.memory_space<vmem>> -> memref<125xi32, #tpu.memory_space<vmem>>
      %dma_wait3A_380 = arith.constant 0 : i32
      %dma_wait3A_381 = arith.constant 0 : i32
      %dma_wait3A_382 = tpu.memref_slice %arg2[%dma_wait3A_380, %dma_wait3A_381] : memref<10000x64xf32, #tpu.memory_space<hbm>> -> memref<10000x64xf32, #tpu.memory_space<hbm>>
      tpu.wait_indirect_dma semaphore(%arg11 : memref<!tpu.dma_semaphore, #tpu.memory_space<semaphore_mem>>) src(%dma_wait3A_382 : memref<10000x64xf32, #tpu.memory_space<hbm>>) dst(%dma_wait3A_376 : memref<125x64xf32, #tpu.memory_space<vmem>>)
      %mul3A_383 = arith.constant 4 : i32
      %mul3A_384 = arith.muli %add3A_334, %mul3A_383 : i32
      %add3A_385 = arith.constant 3 : i32
      %add3A_386 = arith.addi %mul3A_384, %add3A_385 : i32
      %dma_wait3A_387 = arith.constant 1 : i32
      %dma_wait3A_388 = arith.constant 3 : i32
      %dma_wait3A_389 = arith.constant 0 : i32
      %dma_wait3A_390 = arith.constant 0 : i32
      %dma_wait3A_391 = tpu.memref_slice %arg8[%dma_wait3A_387, %dma_wait3A_388, %dma_wait3A_389, %dma_wait3A_390] : memref<2x4x125x64xf32, #tpu.memory_space<vmem>> -> memref<1x1x125x64xf32, #tpu.memory_space<vmem>>
      %dma_wait3A_392 = tpu.memref_squeeze %dma_wait3A_391 : memref<1x1x125x64xf32, #tpu.memory_space<vmem>> -> memref<125x64xf32, #tpu.memory_space<vmem>>
      %dma_wait3A_393 = arith.constant 0 : i32
      %dma_wait3A_394 = tpu.memref_slice %arg6[%add3A_386, %dma_wait3A_393] : memref<80x125xi32, #tpu.memory_space<vmem>> -> memref<1x125xi32, #tpu.memory_space<vmem>>
      %dma_wait3A_395 = tpu.memref_squeeze %dma_wait3A_394 : memref<1x125xi32, #tpu.memory_space<vmem>> -> memref<125xi32, #tpu.memory_space<vmem>>
      %dma_wait3A_396 = arith.constant 0 : i32
      %dma_wait3A_397 = arith.constant 0 : i32
      %dma_wait3A_398 = tpu.memref_slice %arg2[%dma_wait3A_396, %dma_wait3A_397] : memref<10000x64xf32, #tpu.memory_space<hbm>> -> memref<10000x64xf32, #tpu.memory_space<hbm>>
      tpu.wait_indirect_dma semaphore(%arg11 : memref<!tpu.dma_semaphore, #tpu.memory_space<semaphore_mem>>) src(%dma_wait3A_398 : memref<10000x64xf32, #tpu.memory_space<hbm>>) dst(%dma_wait3A_392 : memref<125x64xf32, #tpu.memory_space<vmem>>)
      %mul3A_399 = arith.constant 4 : i32
      %mul3A_400 = arith.muli %add3A_334, %mul3A_399 : i32
      %add3A_401 = arith.constant 0 : i32
      %add3A_402 = arith.addi %mul3A_400, %add3A_401 : i32
      %dma_start3A_403 = arith.constant 1 : i32
      %dma_start3A_404 = arith.constant 0 : i32
      %dma_start3A_405 = arith.constant 0 : i32
      %dma_start3A_406 = arith.constant 0 : i32
      %dma_start3A_407 = tpu.memref_slice %arg8[%dma_start3A_403, %dma_start3A_404, %dma_start3A_405, %dma_start3A_406] : memref<2x4x125x64xf32, #tpu.memory_space<vmem>> -> memref<1x1x125x64xf32, #tpu.memory_space<vmem>>
      %dma_start3A_408 = tpu.memref_squeeze %dma_start3A_407 : memref<1x1x125x64xf32, #tpu.memory_space<vmem>> -> memref<125x64xf32, #tpu.memory_space<vmem>>
      %dma_start3A_409 = arith.constant 0 : i32
      %dma_start3A_410 = tpu.memref_slice %arg7[%add3A_402, %dma_start3A_409] : memref<80x125xi32, #tpu.memory_space<vmem>> -> memref<1x125xi32, #tpu.memory_space<vmem>>
      %dma_start3A_411 = tpu.memref_squeeze %dma_start3A_410 : memref<1x125xi32, #tpu.memory_space<vmem>> -> memref<125xi32, #tpu.memory_space<vmem>>
      %dma_start3A_412 = arith.constant 0 : i32
      %dma_start3A_413 = arith.constant 0 : i32
      %dma_start3A_414 = tpu.memref_slice %arg9[%dma_start3A_412, %dma_start3A_413] : memref<10240x64xf32, #tpu.memory_space<vmem_shared>> -> memref<10240x64xf32, #tpu.memory_space<vmem_shared>>
      tpu.enqueue_indirect_dma source(%dma_start3A_408 : memref<125x64xf32, #tpu.memory_space<vmem>>) target(%dma_start3A_414 : memref<10240x64xf32, #tpu.memory_space<vmem_shared>>) offsets(%dma_start3A_411 : memref<125xi32, #tpu.memory_space<vmem>>) semaphore(%arg13 : memref<!tpu.dma_semaphore, #tpu.memory_space<semaphore_mem>>) {add = true}
      %mul3A_415 = arith.constant 4 : i32
      %mul3A_416 = arith.muli %add3A_334, %mul3A_415 : i32
      %add3A_417 = arith.constant 1 : i32
      %add3A_418 = arith.addi %mul3A_416, %add3A_417 : i32
      %dma_start3A_419 = arith.constant 1 : i32
      %dma_start3A_420 = arith.constant 1 : i32
      %dma_start3A_421 = arith.constant 0 : i32
      %dma_start3A_422 = arith.constant 0 : i32
      %dma_start3A_423 = tpu.memref_slice %arg8[%dma_start3A_419, %dma_start3A_420, %dma_start3A_421, %dma_start3A_422] : memref<2x4x125x64xf32, #tpu.memory_space<vmem>> -> memref<1x1x125x64xf32, #tpu.memory_space<vmem>>
      %dma_start3A_424 = tpu.memref_squeeze %dma_start3A_423 : memref<1x1x125x64xf32, #tpu.memory_space<vmem>> -> memref<125x64xf32, #tpu.memory_space<vmem>>
      %dma_start3A_425 = arith.constant 0 : i32
      %dma_start3A_426 = tpu.memref_slice %arg7[%add3A_418, %dma_start3A_425] : memref<80x125xi32, #tpu.memory_space<vmem>> -> memref<1x125xi32, #tpu.memory_space<vmem>>
      %dma_start3A_427 = tpu.memref_squeeze %dma_start3A_426 : memref<1x125xi32, #tpu.memory_space<vmem>> -> memref<125xi32, #tpu.memory_space<vmem>>
      %dma_start3A_428 = arith.constant 0 : i32
      %dma_start3A_429 = arith.constant 0 : i32
      %dma_start3A_430 = tpu.memref_slice %arg9[%dma_start3A_428, %dma_start3A_429] : memref<10240x64xf32, #tpu.memory_space<vmem_shared>> -> memref<10240x64xf32, #tpu.memory_space<vmem_shared>>
      tpu.enqueue_indirect_dma source(%dma_start3A_424 : memref<125x64xf32, #tpu.memory_space<vmem>>) target(%dma_start3A_430 : memref<10240x64xf32, #tpu.memory_space<vmem_shared>>) offsets(%dma_start3A_427 : memref<125xi32, #tpu.memory_space<vmem>>) semaphore(%arg13 : memref<!tpu.dma_semaphore, #tpu.memory_space<semaphore_mem>>) {add = true}
      %mul3A_431 = arith.constant 4 : i32
      %mul3A_432 = arith.muli %add3A_334, %mul3A_431 : i32
      %add3A_433 = arith.constant 2 : i32
      %add3A_434 = arith.addi %mul3A_432, %add3A_433 : i32
      %dma_start3A_435 = arith.constant 1 : i32
      %dma_start3A_436 = arith.constant 2 : i32
      %dma_start3A_437 = arith.constant 0 : i32
      %dma_start3A_438 = arith.constant 0 : i32
      %dma_start3A_439 = tpu.memref_slice %arg8[%dma_start3A_435, %dma_start3A_436, %dma_start3A_437, %dma_start3A_438] : memref<2x4x125x64xf32, #tpu.memory_space<vmem>> -> memref<1x1x125x64xf32, #tpu.memory_space<vmem>>
      %dma_start3A_440 = tpu.memref_squeeze %dma_start3A_439 : memref<1x1x125x64xf32, #tpu.memory_space<vmem>> -> memref<125x64xf32, #tpu.memory_space<vmem>>
      %dma_start3A_441 = arith.constant 0 : i32
      %dma_start3A_442 = tpu.memref_slice %arg7[%add3A_434, %dma_start3A_441] : memref<80x125xi32, #tpu.memory_space<vmem>> -> memref<1x125xi32, #tpu.memory_space<vmem>>
      %dma_start3A_443 = tpu.memref_squeeze %dma_start3A_442 : memref<1x125xi32, #tpu.memory_space<vmem>> -> memref<125xi32, #tpu.memory_space<vmem>>
      %dma_start3A_444 = arith.constant 0 : i32
      %dma_start3A_445 = arith.constant 0 : i32
      %dma_start3A_446 = tpu.memref_slice %arg9[%dma_start3A_444, %dma_start3A_445] : memref<10240x64xf32, #tpu.memory_space<vmem_shared>> -> memref<10240x64xf32, #tpu.memory_space<vmem_shared>>
      tpu.enqueue_indirect_dma source(%dma_start3A_440 : memref<125x64xf32, #tpu.memory_space<vmem>>) target(%dma_start3A_446 : memref<10240x64xf32, #tpu.memory_space<vmem_shared>>) offsets(%dma_start3A_443 : memref<125xi32, #tpu.memory_space<vmem>>) semaphore(%arg13 : memref<!tpu.dma_semaphore, #tpu.memory_space<semaphore_mem>>) {add = true}
      %mul3A_447 = arith.constant 4 : i32
      %mul3A_448 = arith.muli %add3A_334, %mul3A_447 : i32
      %add3A_449 = arith.constant 3 : i32
      %add3A_450 = arith.addi %mul3A_448, %add3A_449 : i32
      %dma_start3A_451 = arith.constant 1 : i32
      %dma_start3A_452 = arith.constant 3 : i32
      %dma_start3A_453 = arith.constant 0 : i32
      %dma_start3A_454 = arith.constant 0 : i32
      %dma_start3A_455 = tpu.memref_slice %arg8[%dma_start3A_451, %dma_start3A_452, %dma_start3A_453, %dma_start3A_454] : memref<2x4x125x64xf32, #tpu.memory_space<vmem>> -> memref<1x1x125x64xf32, #tpu.memory_space<vmem>>
      %dma_start3A_456 = tpu.memref_squeeze %dma_start3A_455 : memref<1x1x125x64xf32, #tpu.memory_space<vmem>> -> memref<125x64xf32, #tpu.memory_space<vmem>>
      %dma_start3A_457 = arith.constant 0 : i32
      %dma_start3A_458 = tpu.memref_slice %arg7[%add3A_450, %dma_start3A_457] : memref<80x125xi32, #tpu.memory_space<vmem>> -> memref<1x125xi32, #tpu.memory_space<vmem>>
      %dma_start3A_459 = tpu.memref_squeeze %dma_start3A_458 : memref<1x125xi32, #tpu.memory_space<vmem>> -> memref<125xi32, #tpu.memory_space<vmem>>
      %dma_start3A_460 = arith.constant 0 : i32
      %dma_start3A_461 = arith.constant 0 : i32
      %dma_start3A_462 = tpu.memref_slice %arg9[%dma_start3A_460, %dma_start3A_461] : memref<10240x64xf32, #tpu.memory_space<vmem_shared>> -> memref<10240x64xf32, #tpu.memory_space<vmem_shared>>
      tpu.enqueue_indirect_dma source(%dma_start3A_456 : memref<125x64xf32, #tpu.memory_space<vmem>>) target(%dma_start3A_462 : memref<10240x64xf32, #tpu.memory_space<vmem_shared>>) offsets(%dma_start3A_459 : memref<125xi32, #tpu.memory_space<vmem>>) semaphore(%arg13 : memref<!tpu.dma_semaphore, #tpu.memory_space<semaphore_mem>>) {add = true}
      %mul3A_463 = arith.constant 4 : i32
      %mul3A_464 = arith.muli %add3A_334, %mul3A_463 : i32
      %add3A_465 = arith.constant 0 : i32
      %add3A_466 = arith.addi %mul3A_464, %add3A_465 : i32
      %dma_wait3A_467 = arith.constant 1 : i32
      %dma_wait3A_468 = arith.constant 0 : i32
      %dma_wait3A_469 = arith.constant 0 : i32
      %dma_wait3A_470 = arith.constant 0 : i32
      %dma_wait3A_471 = tpu.memref_slice %arg8[%dma_wait3A_467, %dma_wait3A_468, %dma_wait3A_469, %dma_wait3A_470] : memref<2x4x125x64xf32, #tpu.memory_space<vmem>> -> memref<1x1x125x64xf32, #tpu.memory_space<vmem>>
      %dma_wait3A_472 = tpu.memref_squeeze %dma_wait3A_471 : memref<1x1x125x64xf32, #tpu.memory_space<vmem>> -> memref<125x64xf32, #tpu.memory_space<vmem>>
      %dma_wait3A_473 = arith.constant 0 : i32
      %dma_wait3A_474 = tpu.memref_slice %arg7[%add3A_466, %dma_wait3A_473] : memref<80x125xi32, #tpu.memory_space<vmem>> -> memref<1x125xi32, #tpu.memory_space<vmem>>
      %dma_wait3A_475 = tpu.memref_squeeze %dma_wait3A_474 : memref<1x125xi32, #tpu.memory_space<vmem>> -> memref<125xi32, #tpu.memory_space<vmem>>
      %dma_wait3A_476 = arith.constant 0 : i32
      %dma_wait3A_477 = arith.constant 0 : i32
      %dma_wait3A_478 = tpu.memref_slice %arg9[%dma_wait3A_476, %dma_wait3A_477] : memref<10240x64xf32, #tpu.memory_space<vmem_shared>> -> memref<10240x64xf32, #tpu.memory_space<vmem_shared>>
      tpu.wait_indirect_dma semaphore(%arg13 : memref<!tpu.dma_semaphore, #tpu.memory_space<semaphore_mem>>) src(%dma_wait3A_472 : memref<125x64xf32, #tpu.memory_space<vmem>>) dst(%dma_wait3A_478 : memref<10240x64xf32, #tpu.memory_space<vmem_shared>>)
      %mul3A_479 = arith.constant 4 : i32
      %mul3A_480 = arith.muli %add3A_334, %mul3A_479 : i32
      %add3A_481 = arith.constant 1 : i32
      %add3A_482 = arith.addi %mul3A_480, %add3A_481 : i32
      %dma_wait3A_483 = arith.constant 1 : i32
      %dma_wait3A_484 = arith.constant 1 : i32
      %dma_wait3A_485 = arith.constant 0 : i32
      %dma_wait3A_486 = arith.constant 0 : i32
      %dma_wait3A_487 = tpu.memref_slice %arg8[%dma_wait3A_483, %dma_wait3A_484, %dma_wait3A_485, %dma_wait3A_486] : memref<2x4x125x64xf32, #tpu.memory_space<vmem>> -> memref<1x1x125x64xf32, #tpu.memory_space<vmem>>
      %dma_wait3A_488 = tpu.memref_squeeze %dma_wait3A_487 : memref<1x1x125x64xf32, #tpu.memory_space<vmem>> -> memref<125x64xf32, #tpu.memory_space<vmem>>
      %dma_wait3A_489 = arith.constant 0 : i32
      %dma_wait3A_490 = tpu.memref_slice %arg7[%add3A_482, %dma_wait3A_489] : memref<80x125xi32, #tpu.memory_space<vmem>> -> memref<1x125xi32, #tpu.memory_space<vmem>>
      %dma_wait3A_491 = tpu.memref_squeeze %dma_wait3A_490 : memref<1x125xi32, #tpu.memory_space<vmem>> -> memref<125xi32, #tpu.memory_space<vmem>>
      %dma_wait3A_492 = arith.constant 0 : i32
      %dma_wait3A_493 = arith.constant 0 : i32
      %dma_wait3A_494 = tpu.memref_slice %arg9[%dma_wait3A_492, %dma_wait3A_493] : memref<10240x64xf32, #tpu.memory_space<vmem_shared>> -> memref<10240x64xf32, #tpu.memory_space<vmem_shared>>
      tpu.wait_indirect_dma semaphore(%arg13 : memref<!tpu.dma_semaphore, #tpu.memory_space<semaphore_mem>>) src(%dma_wait3A_488 : memref<125x64xf32, #tpu.memory_space<vmem>>) dst(%dma_wait3A_494 : memref<10240x64xf32, #tpu.memory_space<vmem_shared>>)
      %mul3A_495 = arith.constant 4 : i32
      %mul3A_496 = arith.muli %add3A_334, %mul3A_495 : i32
      %add3A_497 = arith.constant 2 : i32
      %add3A_498 = arith.addi %mul3A_496, %add3A_497 : i32
      %dma_wait3A_499 = arith.constant 1 : i32
      %dma_wait3A_500 = arith.constant 2 : i32
      %dma_wait3A_501 = arith.constant 0 : i32
      %dma_wait3A_502 = arith.constant 0 : i32
      %dma_wait3A_503 = tpu.memref_slice %arg8[%dma_wait3A_499, %dma_wait3A_500, %dma_wait3A_501, %dma_wait3A_502] : memref<2x4x125x64xf32, #tpu.memory_space<vmem>> -> memref<1x1x125x64xf32, #tpu.memory_space<vmem>>
      %dma_wait3A_504 = tpu.memref_squeeze %dma_wait3A_503 : memref<1x1x125x64xf32, #tpu.memory_space<vmem>> -> memref<125x64xf32, #tpu.memory_space<vmem>>
      %dma_wait3A_505 = arith.constant 0 : i32
      %dma_wait3A_506 = tpu.memref_slice %arg7[%add3A_498, %dma_wait3A_505] : memref<80x125xi32, #tpu.memory_space<vmem>> -> memref<1x125xi32, #tpu.memory_space<vmem>>
      %dma_wait3A_507 = tpu.memref_squeeze %dma_wait3A_506 : memref<1x125xi32, #tpu.memory_space<vmem>> -> memref<125xi32, #tpu.memory_space<vmem>>
      %dma_wait3A_508 = arith.constant 0 : i32
      %dma_wait3A_509 = arith.constant 0 : i32
      %dma_wait3A_510 = tpu.memref_slice %arg9[%dma_wait3A_508, %dma_wait3A_509] : memref<10240x64xf32, #tpu.memory_space<vmem_shared>> -> memref<10240x64xf32, #tpu.memory_space<vmem_shared>>
      tpu.wait_indirect_dma semaphore(%arg13 : memref<!tpu.dma_semaphore, #tpu.memory_space<semaphore_mem>>) src(%dma_wait3A_504 : memref<125x64xf32, #tpu.memory_space<vmem>>) dst(%dma_wait3A_510 : memref<10240x64xf32, #tpu.memory_space<vmem_shared>>)
      %mul3A_511 = arith.constant 4 : i32
      %mul3A_512 = arith.muli %add3A_334, %mul3A_511 : i32
      %add3A_513 = arith.constant 3 : i32
      %add3A_514 = arith.addi %mul3A_512, %add3A_513 : i32
      %dma_wait3A_515 = arith.constant 1 : i32
      %dma_wait3A_516 = arith.constant 3 : i32
      %dma_wait3A_517 = arith.constant 0 : i32
      %dma_wait3A_518 = arith.constant 0 : i32
      %dma_wait3A_519 = tpu.memref_slice %arg8[%dma_wait3A_515, %dma_wait3A_516, %dma_wait3A_517, %dma_wait3A_518] : memref<2x4x125x64xf32, #tpu.memory_space<vmem>> -> memref<1x1x125x64xf32, #tpu.memory_space<vmem>>
      %dma_wait3A_520 = tpu.memref_squeeze %dma_wait3A_519 : memref<1x1x125x64xf32, #tpu.memory_space<vmem>> -> memref<125x64xf32, #tpu.memory_space<vmem>>
      %dma_wait3A_521 = arith.constant 0 : i32
      %dma_wait3A_522 = tpu.memref_slice %arg7[%add3A_514, %dma_wait3A_521] : memref<80x125xi32, #tpu.memory_space<vmem>> -> memref<1x125xi32, #tpu.memory_space<vmem>>
      %dma_wait3A_523 = tpu.memref_squeeze %dma_wait3A_522 : memref<1x125xi32, #tpu.memory_space<vmem>> -> memref<125xi32, #tpu.memory_space<vmem>>
      %dma_wait3A_524 = arith.constant 0 : i32
      %dma_wait3A_525 = arith.constant 0 : i32
      %dma_wait3A_526 = tpu.memref_slice %arg9[%dma_wait3A_524, %dma_wait3A_525] : memref<10240x64xf32, #tpu.memory_space<vmem_shared>> -> memref<10240x64xf32, #tpu.memory_space<vmem_shared>>
      tpu.wait_indirect_dma semaphore(%arg13 : memref<!tpu.dma_semaphore, #tpu.memory_space<semaphore_mem>>) src(%dma_wait3A_520 : memref<125x64xf32, #tpu.memory_space<vmem>>) dst(%dma_wait3A_526 : memref<10240x64xf32, #tpu.memory_space<vmem_shared>>)
    }
    %scan3A_61 = arith.constant 10 : i32
    %barrier3A_62 = arith.constant 0 : index
    tpu.barrier barrier_id(%barrier3A_62)
    %mul3A_63 = arith.constant 640 : i32
    %mul3A_64 = arith.muli %arg1, %mul3A_63 : i32
    %mul3A_65 = arith.constant 640 : i32
    %mul3A_66 = arith.muli %arg1, %mul3A_65 : i32
    "tpu.region"() ({
      %run_scoped3A_67 = tpu.sem_alloc : memref<!tpu.dma_semaphore, #tpu.memory_space<semaphore_mem>>
      %dma_start3A_68 = arith.constant 0 : i32
      %dma_start3A_69 = tpu.memref_slice %arg5[%arg0, %mul3A_66, %dma_start3A_68] : memref<2x10240x64xf32, #tpu.memory_space<hbm>> -> memref<1x640x64xf32, #tpu.memory_space<hbm>>
      %dma_start3A_70 = tpu.memref_squeeze %dma_start3A_69 : memref<1x640x64xf32, #tpu.memory_space<hbm>> -> memref<640x64xf32, #tpu.memory_space<hbm>>
      %dma_start3A_71 = arith.constant 0 : i32
      %dma_start3A_72 = tpu.memref_slice %arg9[%mul3A_64, %dma_start3A_71] : memref<10240x64xf32, #tpu.memory_space<vmem_shared>> -> memref<640x64xf32, #tpu.memory_space<vmem_shared>>
      tpu.enqueue_dma source(%dma_start3A_72 : memref<640x64xf32, #tpu.memory_space<vmem_shared>>) target(%dma_start3A_70 : memref<640x64xf32, #tpu.memory_space<hbm>>) target_semaphore(%run_scoped3A_67 : memref<!tpu.dma_semaphore, #tpu.memory_space<semaphore_mem>>)
      %dma_wait3A = arith.constant 0 : i32
      %dma_wait3A_73 = tpu.memref_slice %arg5[%arg0, %mul3A_66, %dma_wait3A] : memref<2x10240x64xf32, #tpu.memory_space<hbm>> -> memref<1x640x64xf32, #tpu.memory_space<hbm>>
      %dma_wait3A_74 = tpu.memref_squeeze %dma_wait3A_73 : memref<1x640x64xf32, #tpu.memory_space<hbm>> -> memref<640x64xf32, #tpu.memory_space<hbm>>
      %dma_wait3A_75 = arith.constant 0 : i32
      %dma_wait3A_76 = tpu.memref_slice %arg9[%mul3A_64, %dma_wait3A_75] : memref<10240x64xf32, #tpu.memory_space<vmem_shared>> -> memref<640x64xf32, #tpu.memory_space<vmem_shared>>
      tpu.wait_dma2 semaphore(%run_scoped3A_67 : memref<!tpu.dma_semaphore, #tpu.memory_space<semaphore_mem>>) src(%dma_wait3A_76 : memref<640x64xf32, #tpu.memory_space<vmem_shared>>) dst(%dma_wait3A_74 : memref<640x64xf32, #tpu.memory_space<hbm>>)
      tpu.yield
    }) : () -> ()
    return
  }
}

#map = affine_map<(d0, d1) -> (0, 0)>
#map1 = affine_map<(d0, d1) -> (0, 0, 0, 0)>
#map2 = affine_map<(d0, d1) -> (0, 0, 0)>
module attributes {stable_mosaic.version = 14 : i64} {
  func.func @_sc_agg(%arg0: i32, %arg1: i32, %arg2: memref<10000x64xf32, #tpu.memory_space<hbm>>, %arg3: memref<2x32x80x125xi32, #tpu.memory_space<hbm>>, %arg4: memref<10240x64xf32, #tpu.memory_space<hbm>>, %arg5: memref<2x10240x64xf32, #tpu.memory_space<hbm>>, %arg6: memref<80x125xi32, #tpu.memory_space<vmem>>, %arg7: memref<80x125xi32, #tpu.memory_space<vmem>>, %arg8: memref<2x4x125x64xf32, #tpu.memory_space<vmem>>, %arg9: memref<10240x64xf32, #tpu.memory_space<vmem_shared>>, %arg10: memref<!tpu.dma_semaphore, #tpu.memory_space<semaphore_mem>>, %arg11: memref<!tpu.dma_semaphore, #tpu.memory_space<semaphore_mem>>, %arg12: memref<!tpu.dma_semaphore, #tpu.memory_space<semaphore_mem>>, %arg13: memref<!tpu.dma_semaphore, #tpu.memory_space<semaphore_mem>>) attributes {dimension_semantics = [#tpu.dimension_semantics<core_parallel>, #tpu.dimension_semantics<subcore_parallel>], iteration_bounds = array<i64: 2, 16>, scalar_prefetch = 0 : i64, scratch_operands = 8 : i64, tpu.core_type = #tpu.core_type<sc_vector_subcore>, window_params = [{transform_indices = #map}, {transform_indices = #map1}, {transform_indices = #map}, {transform_indices = #map2}]} {
    %mul3A = arith.constant 16 : i32
    %mul3A_0 = arith.muli %arg0, %mul3A : i32
    %add3A = arith.addi %mul3A_0, %arg1 : i32
    %mul3A_1 = arith.constant 640 : i32
    %mul3A_2 = arith.muli %arg1, %mul3A_1 : i32
    %mul3A_3 = arith.constant 640 : i32
    %mul3A_4 = arith.muli %arg1, %mul3A_3 : i32
    "tpu.region"() ({
      %run_scoped3A_67 = tpu.sem_alloc : memref<!tpu.dma_semaphore, #tpu.memory_space<semaphore_mem>>
      %dma_start3A_68 = arith.constant 0 : i32
      %dma_start3A_69 = tpu.memref_slice %arg9[%mul3A_4, %dma_start3A_68] : memref<10240x64xf32, #tpu.memory_space<vmem_shared>> -> memref<640x64xf32, #tpu.memory_space<vmem_shared>>
      %dma_start3A_70 = arith.constant 0 : i32
      %dma_start3A_71 = tpu.memref_slice %arg4[%mul3A_2, %dma_start3A_70] : memref<10240x64xf32, #tpu.memory_space<hbm>> -> memref<640x64xf32, #tpu.memory_space<hbm>>
      tpu.enqueue_dma source(%dma_start3A_71 : memref<640x64xf32, #tpu.memory_space<hbm>>) target(%dma_start3A_69 : memref<640x64xf32, #tpu.memory_space<vmem_shared>>) target_semaphore(%run_scoped3A_67 : memref<!tpu.dma_semaphore, #tpu.memory_space<semaphore_mem>>)
      %dma_wait3A = arith.constant 0 : i32
      %dma_wait3A_72 = tpu.memref_slice %arg9[%mul3A_4, %dma_wait3A] : memref<10240x64xf32, #tpu.memory_space<vmem_shared>> -> memref<640x64xf32, #tpu.memory_space<vmem_shared>>
      %dma_wait3A_73 = arith.constant 0 : i32
      %dma_wait3A_74 = tpu.memref_slice %arg4[%mul3A_2, %dma_wait3A_73] : memref<10240x64xf32, #tpu.memory_space<hbm>> -> memref<640x64xf32, #tpu.memory_space<hbm>>
      tpu.wait_dma2 semaphore(%run_scoped3A_67 : memref<!tpu.dma_semaphore, #tpu.memory_space<semaphore_mem>>) src(%dma_wait3A_74 : memref<640x64xf32, #tpu.memory_space<hbm>>) dst(%dma_wait3A_72 : memref<640x64xf32, #tpu.memory_space<vmem_shared>>)
      tpu.yield
    }) : () -> ()
    %run_scoped3A = arith.constant 0 : i32
    "tpu.region"() ({
      %run_scoped3A_67 = tpu.sem_alloc : memref<!tpu.dma_semaphore, #tpu.memory_space<semaphore_mem>>
      %dma_start3A_68 = arith.constant 0 : i32
      %dma_start3A_69 = arith.constant 0 : i32
      %dma_start3A_70 = tpu.memref_slice %arg3[%run_scoped3A, %add3A, %dma_start3A_68, %dma_start3A_69] : memref<2x32x80x125xi32, #tpu.memory_space<hbm>> -> memref<1x1x80x125xi32, #tpu.memory_space<hbm>>
      %dma_start3A_71 = tpu.memref_squeeze %dma_start3A_70 : memref<1x1x80x125xi32, #tpu.memory_space<hbm>> -> memref<80x125xi32, #tpu.memory_space<hbm>>
      %dma_start3A_72 = arith.constant 0 : i32
      %dma_start3A_73 = arith.constant 0 : i32
      %dma_start3A_74 = tpu.memref_slice %arg3[%run_scoped3A, %add3A, %dma_start3A_72, %dma_start3A_73] : memref<2x32x80x125xi32, #tpu.memory_space<hbm>> -> memref<1x1x80x125xi32, #tpu.memory_space<hbm>>
      %dma_start3A_75 = tpu.memref_squeeze %dma_start3A_74 : memref<1x1x80x125xi32, #tpu.memory_space<hbm>> -> memref<80x125xi32, #tpu.memory_space<hbm>>
      tpu.enqueue_dma source(%dma_start3A_75 : memref<80x125xi32, #tpu.memory_space<hbm>>) target(%arg6 : memref<80x125xi32, #tpu.memory_space<vmem>>) target_semaphore(%run_scoped3A_67 : memref<!tpu.dma_semaphore, #tpu.memory_space<semaphore_mem>>)
      %dma_wait3A = arith.constant 0 : i32
      %dma_wait3A_76 = arith.constant 0 : i32
      %dma_wait3A_77 = tpu.memref_slice %arg3[%run_scoped3A, %add3A, %dma_wait3A, %dma_wait3A_76] : memref<2x32x80x125xi32, #tpu.memory_space<hbm>> -> memref<1x1x80x125xi32, #tpu.memory_space<hbm>>
      %dma_wait3A_78 = tpu.memref_squeeze %dma_wait3A_77 : memref<1x1x80x125xi32, #tpu.memory_space<hbm>> -> memref<80x125xi32, #tpu.memory_space<hbm>>
      %dma_wait3A_79 = arith.constant 0 : i32
      %dma_wait3A_80 = arith.constant 0 : i32
      %dma_wait3A_81 = tpu.memref_slice %arg3[%run_scoped3A, %add3A, %dma_wait3A_79, %dma_wait3A_80] : memref<2x32x80x125xi32, #tpu.memory_space<hbm>> -> memref<1x1x80x125xi32, #tpu.memory_space<hbm>>
      %dma_wait3A_82 = tpu.memref_squeeze %dma_wait3A_81 : memref<1x1x80x125xi32, #tpu.memory_space<hbm>> -> memref<80x125xi32, #tpu.memory_space<hbm>>
      tpu.wait_dma2 semaphore(%run_scoped3A_67 : memref<!tpu.dma_semaphore, #tpu.memory_space<semaphore_mem>>) src(%dma_wait3A_82 : memref<80x125xi32, #tpu.memory_space<hbm>>) dst(%arg6 : memref<80x125xi32, #tpu.memory_space<vmem>>)
      tpu.yield
    }) : () -> ()
    %run_scoped3A_5 = arith.constant 1 : i32
    "tpu.region"() ({
      %run_scoped3A_67 = tpu.sem_alloc : memref<!tpu.dma_semaphore, #tpu.memory_space<semaphore_mem>>
      %dma_start3A_68 = arith.constant 0 : i32
      %dma_start3A_69 = arith.constant 0 : i32
      %dma_start3A_70 = tpu.memref_slice %arg3[%run_scoped3A_5, %add3A, %dma_start3A_68, %dma_start3A_69] : memref<2x32x80x125xi32, #tpu.memory_space<hbm>> -> memref<1x1x80x125xi32, #tpu.memory_space<hbm>>
      %dma_start3A_71 = tpu.memref_squeeze %dma_start3A_70 : memref<1x1x80x125xi32, #tpu.memory_space<hbm>> -> memref<80x125xi32, #tpu.memory_space<hbm>>
      %dma_start3A_72 = arith.constant 0 : i32
      %dma_start3A_73 = arith.constant 0 : i32
      %dma_start3A_74 = tpu.memref_slice %arg3[%run_scoped3A_5, %add3A, %dma_start3A_72, %dma_start3A_73] : memref<2x32x80x125xi32, #tpu.memory_space<hbm>> -> memref<1x1x80x125xi32, #tpu.memory_space<hbm>>
      %dma_start3A_75 = tpu.memref_squeeze %dma_start3A_74 : memref<1x1x80x125xi32, #tpu.memory_space<hbm>> -> memref<80x125xi32, #tpu.memory_space<hbm>>
      tpu.enqueue_dma source(%dma_start3A_75 : memref<80x125xi32, #tpu.memory_space<hbm>>) target(%arg7 : memref<80x125xi32, #tpu.memory_space<vmem>>) target_semaphore(%run_scoped3A_67 : memref<!tpu.dma_semaphore, #tpu.memory_space<semaphore_mem>>)
      %dma_wait3A = arith.constant 0 : i32
      %dma_wait3A_76 = arith.constant 0 : i32
      %dma_wait3A_77 = tpu.memref_slice %arg3[%run_scoped3A_5, %add3A, %dma_wait3A, %dma_wait3A_76] : memref<2x32x80x125xi32, #tpu.memory_space<hbm>> -> memref<1x1x80x125xi32, #tpu.memory_space<hbm>>
      %dma_wait3A_78 = tpu.memref_squeeze %dma_wait3A_77 : memref<1x1x80x125xi32, #tpu.memory_space<hbm>> -> memref<80x125xi32, #tpu.memory_space<hbm>>
      %dma_wait3A_79 = arith.constant 0 : i32
      %dma_wait3A_80 = arith.constant 0 : i32
      %dma_wait3A_81 = tpu.memref_slice %arg3[%run_scoped3A_5, %add3A, %dma_wait3A_79, %dma_wait3A_80] : memref<2x32x80x125xi32, #tpu.memory_space<hbm>> -> memref<1x1x80x125xi32, #tpu.memory_space<hbm>>
      %dma_wait3A_82 = tpu.memref_squeeze %dma_wait3A_81 : memref<1x1x80x125xi32, #tpu.memory_space<hbm>> -> memref<80x125xi32, #tpu.memory_space<hbm>>
      tpu.wait_dma2 semaphore(%run_scoped3A_67 : memref<!tpu.dma_semaphore, #tpu.memory_space<semaphore_mem>>) src(%dma_wait3A_82 : memref<80x125xi32, #tpu.memory_space<hbm>>) dst(%arg7 : memref<80x125xi32, #tpu.memory_space<vmem>>)
      tpu.yield
    }) : () -> ()
    %barrier3A = arith.constant 0 : index
    tpu.barrier barrier_id(%barrier3A)
    %dma_start3A = arith.constant 0 : i32
    %dma_start3A_6 = arith.constant 0 : i32
    %dma_start3A_7 = arith.constant 0 : i32
    %dma_start3A_8 = arith.constant 0 : i32
    %dma_start3A_9 = arith.constant 0 : i32
    %dma_start3A_10 = tpu.memref_slice %arg8[%dma_start3A_6, %dma_start3A_7, %dma_start3A_8, %dma_start3A_9] : memref<2x4x125x64xf32, #tpu.memory_space<vmem>> -> memref<1x1x125x64xf32, #tpu.memory_space<vmem>>
    %dma_start3A_11 = tpu.memref_squeeze %dma_start3A_10 : memref<1x1x125x64xf32, #tpu.memory_space<vmem>> -> memref<125x64xf32, #tpu.memory_space<vmem>>
    %dma_start3A_12 = arith.constant 0 : i32
    %dma_start3A_13 = tpu.memref_slice %arg6[%dma_start3A, %dma_start3A_12] : memref<80x125xi32, #tpu.memory_space<vmem>> -> memref<1x125xi32, #tpu.memory_space<vmem>>
    %dma_start3A_14 = tpu.memref_squeeze %dma_start3A_13 : memref<1x125xi32, #tpu.memory_space<vmem>> -> memref<125xi32, #tpu.memory_space<vmem>>
    %dma_start3A_15 = arith.constant 0 : i32
    %dma_start3A_16 = arith.constant 0 : i32
    %dma_start3A_17 = tpu.memref_slice %arg2[%dma_start3A_15, %dma_start3A_16] : memref<10000x64xf32, #tpu.memory_space<hbm>> -> memref<10000x64xf32, #tpu.memory_space<hbm>>
    tpu.enqueue_indirect_dma source(%dma_start3A_17 : memref<10000x64xf32, #tpu.memory_space<hbm>>) target(%dma_start3A_11 : memref<125x64xf32, #tpu.memory_space<vmem>>) offsets(%dma_start3A_14 : memref<125xi32, #tpu.memory_space<vmem>>) semaphore(%arg10 : memref<!tpu.dma_semaphore, #tpu.memory_space<semaphore_mem>>)
    %dma_start3A_18 = arith.constant 1 : i32
    %dma_start3A_19 = arith.constant 0 : i32
    %dma_start3A_20 = arith.constant 1 : i32
    %dma_start3A_21 = arith.constant 0 : i32
    %dma_start3A_22 = arith.constant 0 : i32
    %dma_start3A_23 = tpu.memref_slice %arg8[%dma_start3A_19, %dma_start3A_20, %dma_start3A_21, %dma_start3A_22] : memref<2x4x125x64xf32, #tpu.memory_space<vmem>> -> memref<1x1x125x64xf32, #tpu.memory_space<vmem>>
    %dma_start3A_24 = tpu.memref_squeeze %dma_start3A_23 : memref<1x1x125x64xf32, #tpu.memory_space<vmem>> -> memref<125x64xf32, #tpu.memory_space<vmem>>
    %dma_start3A_25 = arith.constant 0 : i32
    %dma_start3A_26 = tpu.memref_slice %arg6[%dma_start3A_18, %dma_start3A_25] : memref<80x125xi32, #tpu.memory_space<vmem>> -> memref<1x125xi32, #tpu.memory_space<vmem>>
    %dma_start3A_27 = tpu.memref_squeeze %dma_start3A_26 : memref<1x125xi32, #tpu.memory_space<vmem>> -> memref<125xi32, #tpu.memory_space<vmem>>
    %dma_start3A_28 = arith.constant 0 : i32
    %dma_start3A_29 = arith.constant 0 : i32
    %dma_start3A_30 = tpu.memref_slice %arg2[%dma_start3A_28, %dma_start3A_29] : memref<10000x64xf32, #tpu.memory_space<hbm>> -> memref<10000x64xf32, #tpu.memory_space<hbm>>
    tpu.enqueue_indirect_dma source(%dma_start3A_30 : memref<10000x64xf32, #tpu.memory_space<hbm>>) target(%dma_start3A_24 : memref<125x64xf32, #tpu.memory_space<vmem>>) offsets(%dma_start3A_27 : memref<125xi32, #tpu.memory_space<vmem>>) semaphore(%arg10 : memref<!tpu.dma_semaphore, #tpu.memory_space<semaphore_mem>>)
    %dma_start3A_31 = arith.constant 2 : i32
    %dma_start3A_32 = arith.constant 0 : i32
    %dma_start3A_33 = arith.constant 2 : i32
    %dma_start3A_34 = arith.constant 0 : i32
    %dma_start3A_35 = arith.constant 0 : i32
    %dma_start3A_36 = tpu.memref_slice %arg8[%dma_start3A_32, %dma_start3A_33, %dma_start3A_34, %dma_start3A_35] : memref<2x4x125x64xf32, #tpu.memory_space<vmem>> -> memref<1x1x125x64xf32, #tpu.memory_space<vmem>>
    %dma_start3A_37 = tpu.memref_squeeze %dma_start3A_36 : memref<1x1x125x64xf32, #tpu.memory_space<vmem>> -> memref<125x64xf32, #tpu.memory_space<vmem>>
    %dma_start3A_38 = arith.constant 0 : i32
    %dma_start3A_39 = tpu.memref_slice %arg6[%dma_start3A_31, %dma_start3A_38] : memref<80x125xi32, #tpu.memory_space<vmem>> -> memref<1x125xi32, #tpu.memory_space<vmem>>
    %dma_start3A_40 = tpu.memref_squeeze %dma_start3A_39 : memref<1x125xi32, #tpu.memory_space<vmem>> -> memref<125xi32, #tpu.memory_space<vmem>>
    %dma_start3A_41 = arith.constant 0 : i32
    %dma_start3A_42 = arith.constant 0 : i32
    %dma_start3A_43 = tpu.memref_slice %arg2[%dma_start3A_41, %dma_start3A_42] : memref<10000x64xf32, #tpu.memory_space<hbm>> -> memref<10000x64xf32, #tpu.memory_space<hbm>>
    tpu.enqueue_indirect_dma source(%dma_start3A_43 : memref<10000x64xf32, #tpu.memory_space<hbm>>) target(%dma_start3A_37 : memref<125x64xf32, #tpu.memory_space<vmem>>) offsets(%dma_start3A_40 : memref<125xi32, #tpu.memory_space<vmem>>) semaphore(%arg10 : memref<!tpu.dma_semaphore, #tpu.memory_space<semaphore_mem>>)
    %dma_start3A_44 = arith.constant 3 : i32
    %dma_start3A_45 = arith.constant 0 : i32
    %dma_start3A_46 = arith.constant 3 : i32
    %dma_start3A_47 = arith.constant 0 : i32
    %dma_start3A_48 = arith.constant 0 : i32
    %dma_start3A_49 = tpu.memref_slice %arg8[%dma_start3A_45, %dma_start3A_46, %dma_start3A_47, %dma_start3A_48] : memref<2x4x125x64xf32, #tpu.memory_space<vmem>> -> memref<1x1x125x64xf32, #tpu.memory_space<vmem>>
    %dma_start3A_50 = tpu.memref_squeeze %dma_start3A_49 : memref<1x1x125x64xf32, #tpu.memory_space<vmem>> -> memref<125x64xf32, #tpu.memory_space<vmem>>
    %dma_start3A_51 = arith.constant 0 : i32
    %dma_start3A_52 = tpu.memref_slice %arg6[%dma_start3A_44, %dma_start3A_51] : memref<80x125xi32, #tpu.memory_space<vmem>> -> memref<1x125xi32, #tpu.memory_space<vmem>>
    %dma_start3A_53 = tpu.memref_squeeze %dma_start3A_52 : memref<1x125xi32, #tpu.memory_space<vmem>> -> memref<125xi32, #tpu.memory_space<vmem>>
    %dma_start3A_54 = arith.constant 0 : i32
    %dma_start3A_55 = arith.constant 0 : i32
    %dma_start3A_56 = tpu.memref_slice %arg2[%dma_start3A_54, %dma_start3A_55] : memref<10000x64xf32, #tpu.memory_space<hbm>> -> memref<10000x64xf32, #tpu.memory_space<hbm>>
    tpu.enqueue_indirect_dma source(%dma_start3A_56 : memref<10000x64xf32, #tpu.memory_space<hbm>>) target(%dma_start3A_50 : memref<125x64xf32, #tpu.memory_space<vmem>>) offsets(%dma_start3A_53 : memref<125xi32, #tpu.memory_space<vmem>>) semaphore(%arg10 : memref<!tpu.dma_semaphore, #tpu.memory_space<semaphore_mem>>)
    %scan3A = arith.constant 0 : i32
    %scan3A_57 = arith.constant 0 : i32
    %scan3A_58 = arith.constant 10 : i32
    %scan3A_59 = arith.addi %scan3A_57, %scan3A_58 : i32
    %scan3A_60 = arith.constant 1 : i32
    scf.for %scan3A_67 = %scan3A_57 to %scan3A_59 step %scan3A_60  : i32 {
      %mul3A_68 = arith.constant 2 : i32
      %mul3A_69 = arith.muli %mul3A_68, %scan3A_67 : i32
      %add3A_70 = arith.constant 1 : i32
      %add3A_71 = arith.addi %mul3A_69, %add3A_70 : i32
      %mul3A_72 = arith.constant 4 : i32
      %mul3A_73 = arith.muli %add3A_71, %mul3A_72 : i32
      %add3A_74 = arith.constant 0 : i32
      %add3A_75 = arith.addi %mul3A_73, %add3A_74 : i32
      %dma_start3A_76 = arith.constant 1 : i32
      %dma_start3A_77 = arith.constant 0 : i32
      %dma_start3A_78 = arith.constant 0 : i32
      %dma_start3A_79 = arith.constant 0 : i32
      %dma_start3A_80 = tpu.memref_slice %arg8[%dma_start3A_76, %dma_start3A_77, %dma_start3A_78, %dma_start3A_79] : memref<2x4x125x64xf32, #tpu.memory_space<vmem>> -> memref<1x1x125x64xf32, #tpu.memory_space<vmem>>
      %dma_start3A_81 = tpu.memref_squeeze %dma_start3A_80 : memref<1x1x125x64xf32, #tpu.memory_space<vmem>> -> memref<125x64xf32, #tpu.memory_space<vmem>>
      %dma_start3A_82 = arith.constant 0 : i32
      %dma_start3A_83 = tpu.memref_slice %arg6[%add3A_75, %dma_start3A_82] : memref<80x125xi32, #tpu.memory_space<vmem>> -> memref<1x125xi32, #tpu.memory_space<vmem>>
      %dma_start3A_84 = tpu.memref_squeeze %dma_start3A_83 : memref<1x125xi32, #tpu.memory_space<vmem>> -> memref<125xi32, #tpu.memory_space<vmem>>
      %dma_start3A_85 = arith.constant 0 : i32
      %dma_start3A_86 = arith.constant 0 : i32
      %dma_start3A_87 = tpu.memref_slice %arg2[%dma_start3A_85, %dma_start3A_86] : memref<10000x64xf32, #tpu.memory_space<hbm>> -> memref<10000x64xf32, #tpu.memory_space<hbm>>
      tpu.enqueue_indirect_dma source(%dma_start3A_87 : memref<10000x64xf32, #tpu.memory_space<hbm>>) target(%dma_start3A_81 : memref<125x64xf32, #tpu.memory_space<vmem>>) offsets(%dma_start3A_84 : memref<125xi32, #tpu.memory_space<vmem>>) semaphore(%arg11 : memref<!tpu.dma_semaphore, #tpu.memory_space<semaphore_mem>>)
      %mul3A_88 = arith.constant 4 : i32
      %mul3A_89 = arith.muli %add3A_71, %mul3A_88 : i32
      %add3A_90 = arith.constant 1 : i32
      %add3A_91 = arith.addi %mul3A_89, %add3A_90 : i32
      %dma_start3A_92 = arith.constant 1 : i32
      %dma_start3A_93 = arith.constant 1 : i32
      %dma_start3A_94 = arith.constant 0 : i32
      %dma_start3A_95 = arith.constant 0 : i32
      %dma_start3A_96 = tpu.memref_slice %arg8[%dma_start3A_92, %dma_start3A_93, %dma_start3A_94, %dma_start3A_95] : memref<2x4x125x64xf32, #tpu.memory_space<vmem>> -> memref<1x1x125x64xf32, #tpu.memory_space<vmem>>
      %dma_start3A_97 = tpu.memref_squeeze %dma_start3A_96 : memref<1x1x125x64xf32, #tpu.memory_space<vmem>> -> memref<125x64xf32, #tpu.memory_space<vmem>>
      %dma_start3A_98 = arith.constant 0 : i32
      %dma_start3A_99 = tpu.memref_slice %arg6[%add3A_91, %dma_start3A_98] : memref<80x125xi32, #tpu.memory_space<vmem>> -> memref<1x125xi32, #tpu.memory_space<vmem>>
      %dma_start3A_100 = tpu.memref_squeeze %dma_start3A_99 : memref<1x125xi32, #tpu.memory_space<vmem>> -> memref<125xi32, #tpu.memory_space<vmem>>
      %dma_start3A_101 = arith.constant 0 : i32
      %dma_start3A_102 = arith.constant 0 : i32
      %dma_start3A_103 = tpu.memref_slice %arg2[%dma_start3A_101, %dma_start3A_102] : memref<10000x64xf32, #tpu.memory_space<hbm>> -> memref<10000x64xf32, #tpu.memory_space<hbm>>
      tpu.enqueue_indirect_dma source(%dma_start3A_103 : memref<10000x64xf32, #tpu.memory_space<hbm>>) target(%dma_start3A_97 : memref<125x64xf32, #tpu.memory_space<vmem>>) offsets(%dma_start3A_100 : memref<125xi32, #tpu.memory_space<vmem>>) semaphore(%arg11 : memref<!tpu.dma_semaphore, #tpu.memory_space<semaphore_mem>>)
      %mul3A_104 = arith.constant 4 : i32
      %mul3A_105 = arith.muli %add3A_71, %mul3A_104 : i32
      %add3A_106 = arith.constant 2 : i32
      %add3A_107 = arith.addi %mul3A_105, %add3A_106 : i32
      %dma_start3A_108 = arith.constant 1 : i32
      %dma_start3A_109 = arith.constant 2 : i32
      %dma_start3A_110 = arith.constant 0 : i32
      %dma_start3A_111 = arith.constant 0 : i32
      %dma_start3A_112 = tpu.memref_slice %arg8[%dma_start3A_108, %dma_start3A_109, %dma_start3A_110, %dma_start3A_111] : memref<2x4x125x64xf32, #tpu.memory_space<vmem>> -> memref<1x1x125x64xf32, #tpu.memory_space<vmem>>
      %dma_start3A_113 = tpu.memref_squeeze %dma_start3A_112 : memref<1x1x125x64xf32, #tpu.memory_space<vmem>> -> memref<125x64xf32, #tpu.memory_space<vmem>>
      %dma_start3A_114 = arith.constant 0 : i32
      %dma_start3A_115 = tpu.memref_slice %arg6[%add3A_107, %dma_start3A_114] : memref<80x125xi32, #tpu.memory_space<vmem>> -> memref<1x125xi32, #tpu.memory_space<vmem>>
      %dma_start3A_116 = tpu.memref_squeeze %dma_start3A_115 : memref<1x125xi32, #tpu.memory_space<vmem>> -> memref<125xi32, #tpu.memory_space<vmem>>
      %dma_start3A_117 = arith.constant 0 : i32
      %dma_start3A_118 = arith.constant 0 : i32
      %dma_start3A_119 = tpu.memref_slice %arg2[%dma_start3A_117, %dma_start3A_118] : memref<10000x64xf32, #tpu.memory_space<hbm>> -> memref<10000x64xf32, #tpu.memory_space<hbm>>
      tpu.enqueue_indirect_dma source(%dma_start3A_119 : memref<10000x64xf32, #tpu.memory_space<hbm>>) target(%dma_start3A_113 : memref<125x64xf32, #tpu.memory_space<vmem>>) offsets(%dma_start3A_116 : memref<125xi32, #tpu.memory_space<vmem>>) semaphore(%arg11 : memref<!tpu.dma_semaphore, #tpu.memory_space<semaphore_mem>>)
      %mul3A_120 = arith.constant 4 : i32
      %mul3A_121 = arith.muli %add3A_71, %mul3A_120 : i32
      %add3A_122 = arith.constant 3 : i32
      %add3A_123 = arith.addi %mul3A_121, %add3A_122 : i32
      %dma_start3A_124 = arith.constant 1 : i32
      %dma_start3A_125 = arith.constant 3 : i32
      %dma_start3A_126 = arith.constant 0 : i32
      %dma_start3A_127 = arith.constant 0 : i32
      %dma_start3A_128 = tpu.memref_slice %arg8[%dma_start3A_124, %dma_start3A_125, %dma_start3A_126, %dma_start3A_127] : memref<2x4x125x64xf32, #tpu.memory_space<vmem>> -> memref<1x1x125x64xf32, #tpu.memory_space<vmem>>
      %dma_start3A_129 = tpu.memref_squeeze %dma_start3A_128 : memref<1x1x125x64xf32, #tpu.memory_space<vmem>> -> memref<125x64xf32, #tpu.memory_space<vmem>>
      %dma_start3A_130 = arith.constant 0 : i32
      %dma_start3A_131 = tpu.memref_slice %arg6[%add3A_123, %dma_start3A_130] : memref<80x125xi32, #tpu.memory_space<vmem>> -> memref<1x125xi32, #tpu.memory_space<vmem>>
      %dma_start3A_132 = tpu.memref_squeeze %dma_start3A_131 : memref<1x125xi32, #tpu.memory_space<vmem>> -> memref<125xi32, #tpu.memory_space<vmem>>
      %dma_start3A_133 = arith.constant 0 : i32
      %dma_start3A_134 = arith.constant 0 : i32
      %dma_start3A_135 = tpu.memref_slice %arg2[%dma_start3A_133, %dma_start3A_134] : memref<10000x64xf32, #tpu.memory_space<hbm>> -> memref<10000x64xf32, #tpu.memory_space<hbm>>
      tpu.enqueue_indirect_dma source(%dma_start3A_135 : memref<10000x64xf32, #tpu.memory_space<hbm>>) target(%dma_start3A_129 : memref<125x64xf32, #tpu.memory_space<vmem>>) offsets(%dma_start3A_132 : memref<125xi32, #tpu.memory_space<vmem>>) semaphore(%arg11 : memref<!tpu.dma_semaphore, #tpu.memory_space<semaphore_mem>>)
      %mul3A_136 = arith.constant 2 : i32
      %mul3A_137 = arith.muli %mul3A_136, %scan3A_67 : i32
      %mul3A_138 = arith.constant 4 : i32
      %mul3A_139 = arith.muli %mul3A_137, %mul3A_138 : i32
      %add3A_140 = arith.constant 0 : i32
      %add3A_141 = arith.addi %mul3A_139, %add3A_140 : i32
      %dma_wait3A = arith.constant 0 : i32
      %dma_wait3A_142 = arith.constant 0 : i32
      %dma_wait3A_143 = arith.constant 0 : i32
      %dma_wait3A_144 = arith.constant 0 : i32
      %dma_wait3A_145 = tpu.memref_slice %arg8[%dma_wait3A, %dma_wait3A_142, %dma_wait3A_143, %dma_wait3A_144] : memref<2x4x125x64xf32, #tpu.memory_space<vmem>> -> memref<1x1x125x64xf32, #tpu.memory_space<vmem>>
      %dma_wait3A_146 = tpu.memref_squeeze %dma_wait3A_145 : memref<1x1x125x64xf32, #tpu.memory_space<vmem>> -> memref<125x64xf32, #tpu.memory_space<vmem>>
      %dma_wait3A_147 = arith.constant 0 : i32
      %dma_wait3A_148 = tpu.memref_slice %arg6[%add3A_141, %dma_wait3A_147] : memref<80x125xi32, #tpu.memory_space<vmem>> -> memref<1x125xi32, #tpu.memory_space<vmem>>
      %dma_wait3A_149 = tpu.memref_squeeze %dma_wait3A_148 : memref<1x125xi32, #tpu.memory_space<vmem>> -> memref<125xi32, #tpu.memory_space<vmem>>
      %dma_wait3A_150 = arith.constant 0 : i32
      %dma_wait3A_151 = arith.constant 0 : i32
      %dma_wait3A_152 = tpu.memref_slice %arg2[%dma_wait3A_150, %dma_wait3A_151] : memref<10000x64xf32, #tpu.memory_space<hbm>> -> memref<10000x64xf32, #tpu.memory_space<hbm>>
      tpu.wait_indirect_dma semaphore(%arg10 : memref<!tpu.dma_semaphore, #tpu.memory_space<semaphore_mem>>) src(%dma_wait3A_152 : memref<10000x64xf32, #tpu.memory_space<hbm>>) dst(%dma_wait3A_146 : memref<125x64xf32, #tpu.memory_space<vmem>>)
      %mul3A_153 = arith.constant 4 : i32
      %mul3A_154 = arith.muli %mul3A_137, %mul3A_153 : i32
      %add3A_155 = arith.constant 1 : i32
      %add3A_156 = arith.addi %mul3A_154, %add3A_155 : i32
      %dma_wait3A_157 = arith.constant 0 : i32
      %dma_wait3A_158 = arith.constant 1 : i32
      %dma_wait3A_159 = arith.constant 0 : i32
      %dma_wait3A_160 = arith.constant 0 : i32
      %dma_wait3A_161 = tpu.memref_slice %arg8[%dma_wait3A_157, %dma_wait3A_158, %dma_wait3A_159, %dma_wait3A_160] : memref<2x4x125x64xf32, #tpu.memory_space<vmem>> -> memref<1x1x125x64xf32, #tpu.memory_space<vmem>>
      %dma_wait3A_162 = tpu.memref_squeeze %dma_wait3A_161 : memref<1x1x125x64xf32, #tpu.memory_space<vmem>> -> memref<125x64xf32, #tpu.memory_space<vmem>>
      %dma_wait3A_163 = arith.constant 0 : i32
      %dma_wait3A_164 = tpu.memref_slice %arg6[%add3A_156, %dma_wait3A_163] : memref<80x125xi32, #tpu.memory_space<vmem>> -> memref<1x125xi32, #tpu.memory_space<vmem>>
      %dma_wait3A_165 = tpu.memref_squeeze %dma_wait3A_164 : memref<1x125xi32, #tpu.memory_space<vmem>> -> memref<125xi32, #tpu.memory_space<vmem>>
      %dma_wait3A_166 = arith.constant 0 : i32
      %dma_wait3A_167 = arith.constant 0 : i32
      %dma_wait3A_168 = tpu.memref_slice %arg2[%dma_wait3A_166, %dma_wait3A_167] : memref<10000x64xf32, #tpu.memory_space<hbm>> -> memref<10000x64xf32, #tpu.memory_space<hbm>>
      tpu.wait_indirect_dma semaphore(%arg10 : memref<!tpu.dma_semaphore, #tpu.memory_space<semaphore_mem>>) src(%dma_wait3A_168 : memref<10000x64xf32, #tpu.memory_space<hbm>>) dst(%dma_wait3A_162 : memref<125x64xf32, #tpu.memory_space<vmem>>)
      %mul3A_169 = arith.constant 4 : i32
      %mul3A_170 = arith.muli %mul3A_137, %mul3A_169 : i32
      %add3A_171 = arith.constant 2 : i32
      %add3A_172 = arith.addi %mul3A_170, %add3A_171 : i32
      %dma_wait3A_173 = arith.constant 0 : i32
      %dma_wait3A_174 = arith.constant 2 : i32
      %dma_wait3A_175 = arith.constant 0 : i32
      %dma_wait3A_176 = arith.constant 0 : i32
      %dma_wait3A_177 = tpu.memref_slice %arg8[%dma_wait3A_173, %dma_wait3A_174, %dma_wait3A_175, %dma_wait3A_176] : memref<2x4x125x64xf32, #tpu.memory_space<vmem>> -> memref<1x1x125x64xf32, #tpu.memory_space<vmem>>
      %dma_wait3A_178 = tpu.memref_squeeze %dma_wait3A_177 : memref<1x1x125x64xf32, #tpu.memory_space<vmem>> -> memref<125x64xf32, #tpu.memory_space<vmem>>
      %dma_wait3A_179 = arith.constant 0 : i32
      %dma_wait3A_180 = tpu.memref_slice %arg6[%add3A_172, %dma_wait3A_179] : memref<80x125xi32, #tpu.memory_space<vmem>> -> memref<1x125xi32, #tpu.memory_space<vmem>>
      %dma_wait3A_181 = tpu.memref_squeeze %dma_wait3A_180 : memref<1x125xi32, #tpu.memory_space<vmem>> -> memref<125xi32, #tpu.memory_space<vmem>>
      %dma_wait3A_182 = arith.constant 0 : i32
      %dma_wait3A_183 = arith.constant 0 : i32
      %dma_wait3A_184 = tpu.memref_slice %arg2[%dma_wait3A_182, %dma_wait3A_183] : memref<10000x64xf32, #tpu.memory_space<hbm>> -> memref<10000x64xf32, #tpu.memory_space<hbm>>
      tpu.wait_indirect_dma semaphore(%arg10 : memref<!tpu.dma_semaphore, #tpu.memory_space<semaphore_mem>>) src(%dma_wait3A_184 : memref<10000x64xf32, #tpu.memory_space<hbm>>) dst(%dma_wait3A_178 : memref<125x64xf32, #tpu.memory_space<vmem>>)
      %mul3A_185 = arith.constant 4 : i32
      %mul3A_186 = arith.muli %mul3A_137, %mul3A_185 : i32
      %add3A_187 = arith.constant 3 : i32
      %add3A_188 = arith.addi %mul3A_186, %add3A_187 : i32
      %dma_wait3A_189 = arith.constant 0 : i32
      %dma_wait3A_190 = arith.constant 3 : i32
      %dma_wait3A_191 = arith.constant 0 : i32
      %dma_wait3A_192 = arith.constant 0 : i32
      %dma_wait3A_193 = tpu.memref_slice %arg8[%dma_wait3A_189, %dma_wait3A_190, %dma_wait3A_191, %dma_wait3A_192] : memref<2x4x125x64xf32, #tpu.memory_space<vmem>> -> memref<1x1x125x64xf32, #tpu.memory_space<vmem>>
      %dma_wait3A_194 = tpu.memref_squeeze %dma_wait3A_193 : memref<1x1x125x64xf32, #tpu.memory_space<vmem>> -> memref<125x64xf32, #tpu.memory_space<vmem>>
      %dma_wait3A_195 = arith.constant 0 : i32
      %dma_wait3A_196 = tpu.memref_slice %arg6[%add3A_188, %dma_wait3A_195] : memref<80x125xi32, #tpu.memory_space<vmem>> -> memref<1x125xi32, #tpu.memory_space<vmem>>
      %dma_wait3A_197 = tpu.memref_squeeze %dma_wait3A_196 : memref<1x125xi32, #tpu.memory_space<vmem>> -> memref<125xi32, #tpu.memory_space<vmem>>
      %dma_wait3A_198 = arith.constant 0 : i32
      %dma_wait3A_199 = arith.constant 0 : i32
      %dma_wait3A_200 = tpu.memref_slice %arg2[%dma_wait3A_198, %dma_wait3A_199] : memref<10000x64xf32, #tpu.memory_space<hbm>> -> memref<10000x64xf32, #tpu.memory_space<hbm>>
      tpu.wait_indirect_dma semaphore(%arg10 : memref<!tpu.dma_semaphore, #tpu.memory_space<semaphore_mem>>) src(%dma_wait3A_200 : memref<10000x64xf32, #tpu.memory_space<hbm>>) dst(%dma_wait3A_194 : memref<125x64xf32, #tpu.memory_space<vmem>>)
      %mul3A_201 = arith.constant 4 : i32
      %mul3A_202 = arith.muli %mul3A_137, %mul3A_201 : i32
      %add3A_203 = arith.constant 0 : i32
      %add3A_204 = arith.addi %mul3A_202, %add3A_203 : i32
      %dma_start3A_205 = arith.constant 0 : i32
      %dma_start3A_206 = arith.constant 0 : i32
      %dma_start3A_207 = arith.constant 0 : i32
      %dma_start3A_208 = arith.constant 0 : i32
      %dma_start3A_209 = tpu.memref_slice %arg8[%dma_start3A_205, %dma_start3A_206, %dma_start3A_207, %dma_start3A_208] : memref<2x4x125x64xf32, #tpu.memory_space<vmem>> -> memref<1x1x125x64xf32, #tpu.memory_space<vmem>>
      %dma_start3A_210 = tpu.memref_squeeze %dma_start3A_209 : memref<1x1x125x64xf32, #tpu.memory_space<vmem>> -> memref<125x64xf32, #tpu.memory_space<vmem>>
      %dma_start3A_211 = arith.constant 0 : i32
      %dma_start3A_212 = tpu.memref_slice %arg7[%add3A_204, %dma_start3A_211] : memref<80x125xi32, #tpu.memory_space<vmem>> -> memref<1x125xi32, #tpu.memory_space<vmem>>
      %dma_start3A_213 = tpu.memref_squeeze %dma_start3A_212 : memref<1x125xi32, #tpu.memory_space<vmem>> -> memref<125xi32, #tpu.memory_space<vmem>>
      %dma_start3A_214 = arith.constant 0 : i32
      %dma_start3A_215 = arith.constant 0 : i32
      %dma_start3A_216 = tpu.memref_slice %arg9[%dma_start3A_214, %dma_start3A_215] : memref<10240x64xf32, #tpu.memory_space<vmem_shared>> -> memref<10240x64xf32, #tpu.memory_space<vmem_shared>>
      tpu.enqueue_indirect_dma source(%dma_start3A_210 : memref<125x64xf32, #tpu.memory_space<vmem>>) target(%dma_start3A_216 : memref<10240x64xf32, #tpu.memory_space<vmem_shared>>) offsets(%dma_start3A_213 : memref<125xi32, #tpu.memory_space<vmem>>) semaphore(%arg12 : memref<!tpu.dma_semaphore, #tpu.memory_space<semaphore_mem>>) {add = true}
      %mul3A_217 = arith.constant 4 : i32
      %mul3A_218 = arith.muli %mul3A_137, %mul3A_217 : i32
      %add3A_219 = arith.constant 1 : i32
      %add3A_220 = arith.addi %mul3A_218, %add3A_219 : i32
      %dma_start3A_221 = arith.constant 0 : i32
      %dma_start3A_222 = arith.constant 1 : i32
      %dma_start3A_223 = arith.constant 0 : i32
      %dma_start3A_224 = arith.constant 0 : i32
      %dma_start3A_225 = tpu.memref_slice %arg8[%dma_start3A_221, %dma_start3A_222, %dma_start3A_223, %dma_start3A_224] : memref<2x4x125x64xf32, #tpu.memory_space<vmem>> -> memref<1x1x125x64xf32, #tpu.memory_space<vmem>>
      %dma_start3A_226 = tpu.memref_squeeze %dma_start3A_225 : memref<1x1x125x64xf32, #tpu.memory_space<vmem>> -> memref<125x64xf32, #tpu.memory_space<vmem>>
      %dma_start3A_227 = arith.constant 0 : i32
      %dma_start3A_228 = tpu.memref_slice %arg7[%add3A_220, %dma_start3A_227] : memref<80x125xi32, #tpu.memory_space<vmem>> -> memref<1x125xi32, #tpu.memory_space<vmem>>
      %dma_start3A_229 = tpu.memref_squeeze %dma_start3A_228 : memref<1x125xi32, #tpu.memory_space<vmem>> -> memref<125xi32, #tpu.memory_space<vmem>>
      %dma_start3A_230 = arith.constant 0 : i32
      %dma_start3A_231 = arith.constant 0 : i32
      %dma_start3A_232 = tpu.memref_slice %arg9[%dma_start3A_230, %dma_start3A_231] : memref<10240x64xf32, #tpu.memory_space<vmem_shared>> -> memref<10240x64xf32, #tpu.memory_space<vmem_shared>>
      tpu.enqueue_indirect_dma source(%dma_start3A_226 : memref<125x64xf32, #tpu.memory_space<vmem>>) target(%dma_start3A_232 : memref<10240x64xf32, #tpu.memory_space<vmem_shared>>) offsets(%dma_start3A_229 : memref<125xi32, #tpu.memory_space<vmem>>) semaphore(%arg12 : memref<!tpu.dma_semaphore, #tpu.memory_space<semaphore_mem>>) {add = true}
      %mul3A_233 = arith.constant 4 : i32
      %mul3A_234 = arith.muli %mul3A_137, %mul3A_233 : i32
      %add3A_235 = arith.constant 2 : i32
      %add3A_236 = arith.addi %mul3A_234, %add3A_235 : i32
      %dma_start3A_237 = arith.constant 0 : i32
      %dma_start3A_238 = arith.constant 2 : i32
      %dma_start3A_239 = arith.constant 0 : i32
      %dma_start3A_240 = arith.constant 0 : i32
      %dma_start3A_241 = tpu.memref_slice %arg8[%dma_start3A_237, %dma_start3A_238, %dma_start3A_239, %dma_start3A_240] : memref<2x4x125x64xf32, #tpu.memory_space<vmem>> -> memref<1x1x125x64xf32, #tpu.memory_space<vmem>>
      %dma_start3A_242 = tpu.memref_squeeze %dma_start3A_241 : memref<1x1x125x64xf32, #tpu.memory_space<vmem>> -> memref<125x64xf32, #tpu.memory_space<vmem>>
      %dma_start3A_243 = arith.constant 0 : i32
      %dma_start3A_244 = tpu.memref_slice %arg7[%add3A_236, %dma_start3A_243] : memref<80x125xi32, #tpu.memory_space<vmem>> -> memref<1x125xi32, #tpu.memory_space<vmem>>
      %dma_start3A_245 = tpu.memref_squeeze %dma_start3A_244 : memref<1x125xi32, #tpu.memory_space<vmem>> -> memref<125xi32, #tpu.memory_space<vmem>>
      %dma_start3A_246 = arith.constant 0 : i32
      %dma_start3A_247 = arith.constant 0 : i32
      %dma_start3A_248 = tpu.memref_slice %arg9[%dma_start3A_246, %dma_start3A_247] : memref<10240x64xf32, #tpu.memory_space<vmem_shared>> -> memref<10240x64xf32, #tpu.memory_space<vmem_shared>>
      tpu.enqueue_indirect_dma source(%dma_start3A_242 : memref<125x64xf32, #tpu.memory_space<vmem>>) target(%dma_start3A_248 : memref<10240x64xf32, #tpu.memory_space<vmem_shared>>) offsets(%dma_start3A_245 : memref<125xi32, #tpu.memory_space<vmem>>) semaphore(%arg12 : memref<!tpu.dma_semaphore, #tpu.memory_space<semaphore_mem>>) {add = true}
      %mul3A_249 = arith.constant 4 : i32
      %mul3A_250 = arith.muli %mul3A_137, %mul3A_249 : i32
      %add3A_251 = arith.constant 3 : i32
      %add3A_252 = arith.addi %mul3A_250, %add3A_251 : i32
      %dma_start3A_253 = arith.constant 0 : i32
      %dma_start3A_254 = arith.constant 3 : i32
      %dma_start3A_255 = arith.constant 0 : i32
      %dma_start3A_256 = arith.constant 0 : i32
      %dma_start3A_257 = tpu.memref_slice %arg8[%dma_start3A_253, %dma_start3A_254, %dma_start3A_255, %dma_start3A_256] : memref<2x4x125x64xf32, #tpu.memory_space<vmem>> -> memref<1x1x125x64xf32, #tpu.memory_space<vmem>>
      %dma_start3A_258 = tpu.memref_squeeze %dma_start3A_257 : memref<1x1x125x64xf32, #tpu.memory_space<vmem>> -> memref<125x64xf32, #tpu.memory_space<vmem>>
      %dma_start3A_259 = arith.constant 0 : i32
      %dma_start3A_260 = tpu.memref_slice %arg7[%add3A_252, %dma_start3A_259] : memref<80x125xi32, #tpu.memory_space<vmem>> -> memref<1x125xi32, #tpu.memory_space<vmem>>
      %dma_start3A_261 = tpu.memref_squeeze %dma_start3A_260 : memref<1x125xi32, #tpu.memory_space<vmem>> -> memref<125xi32, #tpu.memory_space<vmem>>
      %dma_start3A_262 = arith.constant 0 : i32
      %dma_start3A_263 = arith.constant 0 : i32
      %dma_start3A_264 = tpu.memref_slice %arg9[%dma_start3A_262, %dma_start3A_263] : memref<10240x64xf32, #tpu.memory_space<vmem_shared>> -> memref<10240x64xf32, #tpu.memory_space<vmem_shared>>
      tpu.enqueue_indirect_dma source(%dma_start3A_258 : memref<125x64xf32, #tpu.memory_space<vmem>>) target(%dma_start3A_264 : memref<10240x64xf32, #tpu.memory_space<vmem_shared>>) offsets(%dma_start3A_261 : memref<125xi32, #tpu.memory_space<vmem>>) semaphore(%arg12 : memref<!tpu.dma_semaphore, #tpu.memory_space<semaphore_mem>>) {add = true}
      %mul3A_265 = arith.constant 4 : i32
      %mul3A_266 = arith.muli %mul3A_137, %mul3A_265 : i32
      %add3A_267 = arith.constant 0 : i32
      %add3A_268 = arith.addi %mul3A_266, %add3A_267 : i32
      %dma_wait3A_269 = arith.constant 0 : i32
      %dma_wait3A_270 = arith.constant 0 : i32
      %dma_wait3A_271 = arith.constant 0 : i32
      %dma_wait3A_272 = arith.constant 0 : i32
      %dma_wait3A_273 = tpu.memref_slice %arg8[%dma_wait3A_269, %dma_wait3A_270, %dma_wait3A_271, %dma_wait3A_272] : memref<2x4x125x64xf32, #tpu.memory_space<vmem>> -> memref<1x1x125x64xf32, #tpu.memory_space<vmem>>
      %dma_wait3A_274 = tpu.memref_squeeze %dma_wait3A_273 : memref<1x1x125x64xf32, #tpu.memory_space<vmem>> -> memref<125x64xf32, #tpu.memory_space<vmem>>
      %dma_wait3A_275 = arith.constant 0 : i32
      %dma_wait3A_276 = tpu.memref_slice %arg7[%add3A_268, %dma_wait3A_275] : memref<80x125xi32, #tpu.memory_space<vmem>> -> memref<1x125xi32, #tpu.memory_space<vmem>>
      %dma_wait3A_277 = tpu.memref_squeeze %dma_wait3A_276 : memref<1x125xi32, #tpu.memory_space<vmem>> -> memref<125xi32, #tpu.memory_space<vmem>>
      %dma_wait3A_278 = arith.constant 0 : i32
      %dma_wait3A_279 = arith.constant 0 : i32
      %dma_wait3A_280 = tpu.memref_slice %arg9[%dma_wait3A_278, %dma_wait3A_279] : memref<10240x64xf32, #tpu.memory_space<vmem_shared>> -> memref<10240x64xf32, #tpu.memory_space<vmem_shared>>
      tpu.wait_indirect_dma semaphore(%arg12 : memref<!tpu.dma_semaphore, #tpu.memory_space<semaphore_mem>>) src(%dma_wait3A_274 : memref<125x64xf32, #tpu.memory_space<vmem>>) dst(%dma_wait3A_280 : memref<10240x64xf32, #tpu.memory_space<vmem_shared>>)
      %mul3A_281 = arith.constant 4 : i32
      %mul3A_282 = arith.muli %mul3A_137, %mul3A_281 : i32
      %add3A_283 = arith.constant 1 : i32
      %add3A_284 = arith.addi %mul3A_282, %add3A_283 : i32
      %dma_wait3A_285 = arith.constant 0 : i32
      %dma_wait3A_286 = arith.constant 1 : i32
      %dma_wait3A_287 = arith.constant 0 : i32
      %dma_wait3A_288 = arith.constant 0 : i32
      %dma_wait3A_289 = tpu.memref_slice %arg8[%dma_wait3A_285, %dma_wait3A_286, %dma_wait3A_287, %dma_wait3A_288] : memref<2x4x125x64xf32, #tpu.memory_space<vmem>> -> memref<1x1x125x64xf32, #tpu.memory_space<vmem>>
      %dma_wait3A_290 = tpu.memref_squeeze %dma_wait3A_289 : memref<1x1x125x64xf32, #tpu.memory_space<vmem>> -> memref<125x64xf32, #tpu.memory_space<vmem>>
      %dma_wait3A_291 = arith.constant 0 : i32
      %dma_wait3A_292 = tpu.memref_slice %arg7[%add3A_284, %dma_wait3A_291] : memref<80x125xi32, #tpu.memory_space<vmem>> -> memref<1x125xi32, #tpu.memory_space<vmem>>
      %dma_wait3A_293 = tpu.memref_squeeze %dma_wait3A_292 : memref<1x125xi32, #tpu.memory_space<vmem>> -> memref<125xi32, #tpu.memory_space<vmem>>
      %dma_wait3A_294 = arith.constant 0 : i32
      %dma_wait3A_295 = arith.constant 0 : i32
      %dma_wait3A_296 = tpu.memref_slice %arg9[%dma_wait3A_294, %dma_wait3A_295] : memref<10240x64xf32, #tpu.memory_space<vmem_shared>> -> memref<10240x64xf32, #tpu.memory_space<vmem_shared>>
      tpu.wait_indirect_dma semaphore(%arg12 : memref<!tpu.dma_semaphore, #tpu.memory_space<semaphore_mem>>) src(%dma_wait3A_290 : memref<125x64xf32, #tpu.memory_space<vmem>>) dst(%dma_wait3A_296 : memref<10240x64xf32, #tpu.memory_space<vmem_shared>>)
      %mul3A_297 = arith.constant 4 : i32
      %mul3A_298 = arith.muli %mul3A_137, %mul3A_297 : i32
      %add3A_299 = arith.constant 2 : i32
      %add3A_300 = arith.addi %mul3A_298, %add3A_299 : i32
      %dma_wait3A_301 = arith.constant 0 : i32
      %dma_wait3A_302 = arith.constant 2 : i32
      %dma_wait3A_303 = arith.constant 0 : i32
      %dma_wait3A_304 = arith.constant 0 : i32
      %dma_wait3A_305 = tpu.memref_slice %arg8[%dma_wait3A_301, %dma_wait3A_302, %dma_wait3A_303, %dma_wait3A_304] : memref<2x4x125x64xf32, #tpu.memory_space<vmem>> -> memref<1x1x125x64xf32, #tpu.memory_space<vmem>>
      %dma_wait3A_306 = tpu.memref_squeeze %dma_wait3A_305 : memref<1x1x125x64xf32, #tpu.memory_space<vmem>> -> memref<125x64xf32, #tpu.memory_space<vmem>>
      %dma_wait3A_307 = arith.constant 0 : i32
      %dma_wait3A_308 = tpu.memref_slice %arg7[%add3A_300, %dma_wait3A_307] : memref<80x125xi32, #tpu.memory_space<vmem>> -> memref<1x125xi32, #tpu.memory_space<vmem>>
      %dma_wait3A_309 = tpu.memref_squeeze %dma_wait3A_308 : memref<1x125xi32, #tpu.memory_space<vmem>> -> memref<125xi32, #tpu.memory_space<vmem>>
      %dma_wait3A_310 = arith.constant 0 : i32
      %dma_wait3A_311 = arith.constant 0 : i32
      %dma_wait3A_312 = tpu.memref_slice %arg9[%dma_wait3A_310, %dma_wait3A_311] : memref<10240x64xf32, #tpu.memory_space<vmem_shared>> -> memref<10240x64xf32, #tpu.memory_space<vmem_shared>>
      tpu.wait_indirect_dma semaphore(%arg12 : memref<!tpu.dma_semaphore, #tpu.memory_space<semaphore_mem>>) src(%dma_wait3A_306 : memref<125x64xf32, #tpu.memory_space<vmem>>) dst(%dma_wait3A_312 : memref<10240x64xf32, #tpu.memory_space<vmem_shared>>)
      %mul3A_313 = arith.constant 4 : i32
      %mul3A_314 = arith.muli %mul3A_137, %mul3A_313 : i32
      %add3A_315 = arith.constant 3 : i32
      %add3A_316 = arith.addi %mul3A_314, %add3A_315 : i32
      %dma_wait3A_317 = arith.constant 0 : i32
      %dma_wait3A_318 = arith.constant 3 : i32
      %dma_wait3A_319 = arith.constant 0 : i32
      %dma_wait3A_320 = arith.constant 0 : i32
      %dma_wait3A_321 = tpu.memref_slice %arg8[%dma_wait3A_317, %dma_wait3A_318, %dma_wait3A_319, %dma_wait3A_320] : memref<2x4x125x64xf32, #tpu.memory_space<vmem>> -> memref<1x1x125x64xf32, #tpu.memory_space<vmem>>
      %dma_wait3A_322 = tpu.memref_squeeze %dma_wait3A_321 : memref<1x1x125x64xf32, #tpu.memory_space<vmem>> -> memref<125x64xf32, #tpu.memory_space<vmem>>
      %dma_wait3A_323 = arith.constant 0 : i32
      %dma_wait3A_324 = tpu.memref_slice %arg7[%add3A_316, %dma_wait3A_323] : memref<80x125xi32, #tpu.memory_space<vmem>> -> memref<1x125xi32, #tpu.memory_space<vmem>>
      %dma_wait3A_325 = tpu.memref_squeeze %dma_wait3A_324 : memref<1x125xi32, #tpu.memory_space<vmem>> -> memref<125xi32, #tpu.memory_space<vmem>>
      %dma_wait3A_326 = arith.constant 0 : i32
      %dma_wait3A_327 = arith.constant 0 : i32
      %dma_wait3A_328 = tpu.memref_slice %arg9[%dma_wait3A_326, %dma_wait3A_327] : memref<10240x64xf32, #tpu.memory_space<vmem_shared>> -> memref<10240x64xf32, #tpu.memory_space<vmem_shared>>
      tpu.wait_indirect_dma semaphore(%arg12 : memref<!tpu.dma_semaphore, #tpu.memory_space<semaphore_mem>>) src(%dma_wait3A_322 : memref<125x64xf32, #tpu.memory_space<vmem>>) dst(%dma_wait3A_328 : memref<10240x64xf32, #tpu.memory_space<vmem_shared>>)
      %lt3A = arith.constant 9 : i32
      %lt3A_329 = arith.cmpi slt, %scan3A_67, %lt3A : i32
      %convert_element_type3A = arith.extui %lt3A_329 : i1 to i32
      %cond3A = arith.constant 0 : i32
      %cond3A_330 = arith.cmpi ne, %convert_element_type3A, %cond3A : i32
      scf.if %cond3A_330 {
        %mul3A_527 = arith.constant 2 : i32
        %mul3A_528 = arith.muli %mul3A_527, %scan3A_67 : i32
        %add3A_529 = arith.constant 2 : i32
        %add3A_530 = arith.addi %mul3A_528, %add3A_529 : i32
        %mul3A_531 = arith.constant 4 : i32
        %mul3A_532 = arith.muli %add3A_530, %mul3A_531 : i32
        %add3A_533 = arith.constant 0 : i32
        %add3A_534 = arith.addi %mul3A_532, %add3A_533 : i32
        %dma_start3A_535 = arith.constant 0 : i32
        %dma_start3A_536 = arith.constant 0 : i32
        %dma_start3A_537 = arith.constant 0 : i32
        %dma_start3A_538 = arith.constant 0 : i32
        %dma_start3A_539 = tpu.memref_slice %arg8[%dma_start3A_535, %dma_start3A_536, %dma_start3A_537, %dma_start3A_538] : memref<2x4x125x64xf32, #tpu.memory_space<vmem>> -> memref<1x1x125x64xf32, #tpu.memory_space<vmem>>
        %dma_start3A_540 = tpu.memref_squeeze %dma_start3A_539 : memref<1x1x125x64xf32, #tpu.memory_space<vmem>> -> memref<125x64xf32, #tpu.memory_space<vmem>>
        %dma_start3A_541 = arith.constant 0 : i32
        %dma_start3A_542 = tpu.memref_slice %arg6[%add3A_534, %dma_start3A_541] : memref<80x125xi32, #tpu.memory_space<vmem>> -> memref<1x125xi32, #tpu.memory_space<vmem>>
        %dma_start3A_543 = tpu.memref_squeeze %dma_start3A_542 : memref<1x125xi32, #tpu.memory_space<vmem>> -> memref<125xi32, #tpu.memory_space<vmem>>
        %dma_start3A_544 = arith.constant 0 : i32
        %dma_start3A_545 = arith.constant 0 : i32
        %dma_start3A_546 = tpu.memref_slice %arg2[%dma_start3A_544, %dma_start3A_545] : memref<10000x64xf32, #tpu.memory_space<hbm>> -> memref<10000x64xf32, #tpu.memory_space<hbm>>
        tpu.enqueue_indirect_dma source(%dma_start3A_546 : memref<10000x64xf32, #tpu.memory_space<hbm>>) target(%dma_start3A_540 : memref<125x64xf32, #tpu.memory_space<vmem>>) offsets(%dma_start3A_543 : memref<125xi32, #tpu.memory_space<vmem>>) semaphore(%arg10 : memref<!tpu.dma_semaphore, #tpu.memory_space<semaphore_mem>>)
        %mul3A_547 = arith.constant 4 : i32
        %mul3A_548 = arith.muli %add3A_530, %mul3A_547 : i32
        %add3A_549 = arith.constant 1 : i32
        %add3A_550 = arith.addi %mul3A_548, %add3A_549 : i32
        %dma_start3A_551 = arith.constant 0 : i32
        %dma_start3A_552 = arith.constant 1 : i32
        %dma_start3A_553 = arith.constant 0 : i32
        %dma_start3A_554 = arith.constant 0 : i32
        %dma_start3A_555 = tpu.memref_slice %arg8[%dma_start3A_551, %dma_start3A_552, %dma_start3A_553, %dma_start3A_554] : memref<2x4x125x64xf32, #tpu.memory_space<vmem>> -> memref<1x1x125x64xf32, #tpu.memory_space<vmem>>
        %dma_start3A_556 = tpu.memref_squeeze %dma_start3A_555 : memref<1x1x125x64xf32, #tpu.memory_space<vmem>> -> memref<125x64xf32, #tpu.memory_space<vmem>>
        %dma_start3A_557 = arith.constant 0 : i32
        %dma_start3A_558 = tpu.memref_slice %arg6[%add3A_550, %dma_start3A_557] : memref<80x125xi32, #tpu.memory_space<vmem>> -> memref<1x125xi32, #tpu.memory_space<vmem>>
        %dma_start3A_559 = tpu.memref_squeeze %dma_start3A_558 : memref<1x125xi32, #tpu.memory_space<vmem>> -> memref<125xi32, #tpu.memory_space<vmem>>
        %dma_start3A_560 = arith.constant 0 : i32
        %dma_start3A_561 = arith.constant 0 : i32
        %dma_start3A_562 = tpu.memref_slice %arg2[%dma_start3A_560, %dma_start3A_561] : memref<10000x64xf32, #tpu.memory_space<hbm>> -> memref<10000x64xf32, #tpu.memory_space<hbm>>
        tpu.enqueue_indirect_dma source(%dma_start3A_562 : memref<10000x64xf32, #tpu.memory_space<hbm>>) target(%dma_start3A_556 : memref<125x64xf32, #tpu.memory_space<vmem>>) offsets(%dma_start3A_559 : memref<125xi32, #tpu.memory_space<vmem>>) semaphore(%arg10 : memref<!tpu.dma_semaphore, #tpu.memory_space<semaphore_mem>>)
        %mul3A_563 = arith.constant 4 : i32
        %mul3A_564 = arith.muli %add3A_530, %mul3A_563 : i32
        %add3A_565 = arith.constant 2 : i32
        %add3A_566 = arith.addi %mul3A_564, %add3A_565 : i32
        %dma_start3A_567 = arith.constant 0 : i32
        %dma_start3A_568 = arith.constant 2 : i32
        %dma_start3A_569 = arith.constant 0 : i32
        %dma_start3A_570 = arith.constant 0 : i32
        %dma_start3A_571 = tpu.memref_slice %arg8[%dma_start3A_567, %dma_start3A_568, %dma_start3A_569, %dma_start3A_570] : memref<2x4x125x64xf32, #tpu.memory_space<vmem>> -> memref<1x1x125x64xf32, #tpu.memory_space<vmem>>
        %dma_start3A_572 = tpu.memref_squeeze %dma_start3A_571 : memref<1x1x125x64xf32, #tpu.memory_space<vmem>> -> memref<125x64xf32, #tpu.memory_space<vmem>>
        %dma_start3A_573 = arith.constant 0 : i32
        %dma_start3A_574 = tpu.memref_slice %arg6[%add3A_566, %dma_start3A_573] : memref<80x125xi32, #tpu.memory_space<vmem>> -> memref<1x125xi32, #tpu.memory_space<vmem>>
        %dma_start3A_575 = tpu.memref_squeeze %dma_start3A_574 : memref<1x125xi32, #tpu.memory_space<vmem>> -> memref<125xi32, #tpu.memory_space<vmem>>
        %dma_start3A_576 = arith.constant 0 : i32
        %dma_start3A_577 = arith.constant 0 : i32
        %dma_start3A_578 = tpu.memref_slice %arg2[%dma_start3A_576, %dma_start3A_577] : memref<10000x64xf32, #tpu.memory_space<hbm>> -> memref<10000x64xf32, #tpu.memory_space<hbm>>
        tpu.enqueue_indirect_dma source(%dma_start3A_578 : memref<10000x64xf32, #tpu.memory_space<hbm>>) target(%dma_start3A_572 : memref<125x64xf32, #tpu.memory_space<vmem>>) offsets(%dma_start3A_575 : memref<125xi32, #tpu.memory_space<vmem>>) semaphore(%arg10 : memref<!tpu.dma_semaphore, #tpu.memory_space<semaphore_mem>>)
        %mul3A_579 = arith.constant 4 : i32
        %mul3A_580 = arith.muli %add3A_530, %mul3A_579 : i32
        %add3A_581 = arith.constant 3 : i32
        %add3A_582 = arith.addi %mul3A_580, %add3A_581 : i32
        %dma_start3A_583 = arith.constant 0 : i32
        %dma_start3A_584 = arith.constant 3 : i32
        %dma_start3A_585 = arith.constant 0 : i32
        %dma_start3A_586 = arith.constant 0 : i32
        %dma_start3A_587 = tpu.memref_slice %arg8[%dma_start3A_583, %dma_start3A_584, %dma_start3A_585, %dma_start3A_586] : memref<2x4x125x64xf32, #tpu.memory_space<vmem>> -> memref<1x1x125x64xf32, #tpu.memory_space<vmem>>
        %dma_start3A_588 = tpu.memref_squeeze %dma_start3A_587 : memref<1x1x125x64xf32, #tpu.memory_space<vmem>> -> memref<125x64xf32, #tpu.memory_space<vmem>>
        %dma_start3A_589 = arith.constant 0 : i32
        %dma_start3A_590 = tpu.memref_slice %arg6[%add3A_582, %dma_start3A_589] : memref<80x125xi32, #tpu.memory_space<vmem>> -> memref<1x125xi32, #tpu.memory_space<vmem>>
        %dma_start3A_591 = tpu.memref_squeeze %dma_start3A_590 : memref<1x125xi32, #tpu.memory_space<vmem>> -> memref<125xi32, #tpu.memory_space<vmem>>
        %dma_start3A_592 = arith.constant 0 : i32
        %dma_start3A_593 = arith.constant 0 : i32
        %dma_start3A_594 = tpu.memref_slice %arg2[%dma_start3A_592, %dma_start3A_593] : memref<10000x64xf32, #tpu.memory_space<hbm>> -> memref<10000x64xf32, #tpu.memory_space<hbm>>
        tpu.enqueue_indirect_dma source(%dma_start3A_594 : memref<10000x64xf32, #tpu.memory_space<hbm>>) target(%dma_start3A_588 : memref<125x64xf32, #tpu.memory_space<vmem>>) offsets(%dma_start3A_591 : memref<125xi32, #tpu.memory_space<vmem>>) semaphore(%arg10 : memref<!tpu.dma_semaphore, #tpu.memory_space<semaphore_mem>>)
      } else {
      }
      %mul3A_331 = arith.constant 2 : i32
      %mul3A_332 = arith.muli %mul3A_331, %scan3A_67 : i32
      %add3A_333 = arith.constant 1 : i32
      %add3A_334 = arith.addi %mul3A_332, %add3A_333 : i32
      %mul3A_335 = arith.constant 4 : i32
      %mul3A_336 = arith.muli %add3A_334, %mul3A_335 : i32
      %add3A_337 = arith.constant 0 : i32
      %add3A_338 = arith.addi %mul3A_336, %add3A_337 : i32
      %dma_wait3A_339 = arith.constant 1 : i32
      %dma_wait3A_340 = arith.constant 0 : i32
      %dma_wait3A_341 = arith.constant 0 : i32
      %dma_wait3A_342 = arith.constant 0 : i32
      %dma_wait3A_343 = tpu.memref_slice %arg8[%dma_wait3A_339, %dma_wait3A_340, %dma_wait3A_341, %dma_wait3A_342] : memref<2x4x125x64xf32, #tpu.memory_space<vmem>> -> memref<1x1x125x64xf32, #tpu.memory_space<vmem>>
      %dma_wait3A_344 = tpu.memref_squeeze %dma_wait3A_343 : memref<1x1x125x64xf32, #tpu.memory_space<vmem>> -> memref<125x64xf32, #tpu.memory_space<vmem>>
      %dma_wait3A_345 = arith.constant 0 : i32
      %dma_wait3A_346 = tpu.memref_slice %arg6[%add3A_338, %dma_wait3A_345] : memref<80x125xi32, #tpu.memory_space<vmem>> -> memref<1x125xi32, #tpu.memory_space<vmem>>
      %dma_wait3A_347 = tpu.memref_squeeze %dma_wait3A_346 : memref<1x125xi32, #tpu.memory_space<vmem>> -> memref<125xi32, #tpu.memory_space<vmem>>
      %dma_wait3A_348 = arith.constant 0 : i32
      %dma_wait3A_349 = arith.constant 0 : i32
      %dma_wait3A_350 = tpu.memref_slice %arg2[%dma_wait3A_348, %dma_wait3A_349] : memref<10000x64xf32, #tpu.memory_space<hbm>> -> memref<10000x64xf32, #tpu.memory_space<hbm>>
      tpu.wait_indirect_dma semaphore(%arg11 : memref<!tpu.dma_semaphore, #tpu.memory_space<semaphore_mem>>) src(%dma_wait3A_350 : memref<10000x64xf32, #tpu.memory_space<hbm>>) dst(%dma_wait3A_344 : memref<125x64xf32, #tpu.memory_space<vmem>>)
      %mul3A_351 = arith.constant 4 : i32
      %mul3A_352 = arith.muli %add3A_334, %mul3A_351 : i32
      %add3A_353 = arith.constant 1 : i32
      %add3A_354 = arith.addi %mul3A_352, %add3A_353 : i32
      %dma_wait3A_355 = arith.constant 1 : i32
      %dma_wait3A_356 = arith.constant 1 : i32
      %dma_wait3A_357 = arith.constant 0 : i32
      %dma_wait3A_358 = arith.constant 0 : i32
      %dma_wait3A_359 = tpu.memref_slice %arg8[%dma_wait3A_355, %dma_wait3A_356, %dma_wait3A_357, %dma_wait3A_358] : memref<2x4x125x64xf32, #tpu.memory_space<vmem>> -> memref<1x1x125x64xf32, #tpu.memory_space<vmem>>
      %dma_wait3A_360 = tpu.memref_squeeze %dma_wait3A_359 : memref<1x1x125x64xf32, #tpu.memory_space<vmem>> -> memref<125x64xf32, #tpu.memory_space<vmem>>
      %dma_wait3A_361 = arith.constant 0 : i32
      %dma_wait3A_362 = tpu.memref_slice %arg6[%add3A_354, %dma_wait3A_361] : memref<80x125xi32, #tpu.memory_space<vmem>> -> memref<1x125xi32, #tpu.memory_space<vmem>>
      %dma_wait3A_363 = tpu.memref_squeeze %dma_wait3A_362 : memref<1x125xi32, #tpu.memory_space<vmem>> -> memref<125xi32, #tpu.memory_space<vmem>>
      %dma_wait3A_364 = arith.constant 0 : i32
      %dma_wait3A_365 = arith.constant 0 : i32
      %dma_wait3A_366 = tpu.memref_slice %arg2[%dma_wait3A_364, %dma_wait3A_365] : memref<10000x64xf32, #tpu.memory_space<hbm>> -> memref<10000x64xf32, #tpu.memory_space<hbm>>
      tpu.wait_indirect_dma semaphore(%arg11 : memref<!tpu.dma_semaphore, #tpu.memory_space<semaphore_mem>>) src(%dma_wait3A_366 : memref<10000x64xf32, #tpu.memory_space<hbm>>) dst(%dma_wait3A_360 : memref<125x64xf32, #tpu.memory_space<vmem>>)
      %mul3A_367 = arith.constant 4 : i32
      %mul3A_368 = arith.muli %add3A_334, %mul3A_367 : i32
      %add3A_369 = arith.constant 2 : i32
      %add3A_370 = arith.addi %mul3A_368, %add3A_369 : i32
      %dma_wait3A_371 = arith.constant 1 : i32
      %dma_wait3A_372 = arith.constant 2 : i32
      %dma_wait3A_373 = arith.constant 0 : i32
      %dma_wait3A_374 = arith.constant 0 : i32
      %dma_wait3A_375 = tpu.memref_slice %arg8[%dma_wait3A_371, %dma_wait3A_372, %dma_wait3A_373, %dma_wait3A_374] : memref<2x4x125x64xf32, #tpu.memory_space<vmem>> -> memref<1x1x125x64xf32, #tpu.memory_space<vmem>>
      %dma_wait3A_376 = tpu.memref_squeeze %dma_wait3A_375 : memref<1x1x125x64xf32, #tpu.memory_space<vmem>> -> memref<125x64xf32, #tpu.memory_space<vmem>>
      %dma_wait3A_377 = arith.constant 0 : i32
      %dma_wait3A_378 = tpu.memref_slice %arg6[%add3A_370, %dma_wait3A_377] : memref<80x125xi32, #tpu.memory_space<vmem>> -> memref<1x125xi32, #tpu.memory_space<vmem>>
      %dma_wait3A_379 = tpu.memref_squeeze %dma_wait3A_378 : memref<1x125xi32, #tpu.memory_space<vmem>> -> memref<125xi32, #tpu.memory_space<vmem>>
      %dma_wait3A_380 = arith.constant 0 : i32
      %dma_wait3A_381 = arith.constant 0 : i32
      %dma_wait3A_382 = tpu.memref_slice %arg2[%dma_wait3A_380, %dma_wait3A_381] : memref<10000x64xf32, #tpu.memory_space<hbm>> -> memref<10000x64xf32, #tpu.memory_space<hbm>>
      tpu.wait_indirect_dma semaphore(%arg11 : memref<!tpu.dma_semaphore, #tpu.memory_space<semaphore_mem>>) src(%dma_wait3A_382 : memref<10000x64xf32, #tpu.memory_space<hbm>>) dst(%dma_wait3A_376 : memref<125x64xf32, #tpu.memory_space<vmem>>)
      %mul3A_383 = arith.constant 4 : i32
      %mul3A_384 = arith.muli %add3A_334, %mul3A_383 : i32
      %add3A_385 = arith.constant 3 : i32
      %add3A_386 = arith.addi %mul3A_384, %add3A_385 : i32
      %dma_wait3A_387 = arith.constant 1 : i32
      %dma_wait3A_388 = arith.constant 3 : i32
      %dma_wait3A_389 = arith.constant 0 : i32
      %dma_wait3A_390 = arith.constant 0 : i32
      %dma_wait3A_391 = tpu.memref_slice %arg8[%dma_wait3A_387, %dma_wait3A_388, %dma_wait3A_389, %dma_wait3A_390] : memref<2x4x125x64xf32, #tpu.memory_space<vmem>> -> memref<1x1x125x64xf32, #tpu.memory_space<vmem>>
      %dma_wait3A_392 = tpu.memref_squeeze %dma_wait3A_391 : memref<1x1x125x64xf32, #tpu.memory_space<vmem>> -> memref<125x64xf32, #tpu.memory_space<vmem>>
      %dma_wait3A_393 = arith.constant 0 : i32
      %dma_wait3A_394 = tpu.memref_slice %arg6[%add3A_386, %dma_wait3A_393] : memref<80x125xi32, #tpu.memory_space<vmem>> -> memref<1x125xi32, #tpu.memory_space<vmem>>
      %dma_wait3A_395 = tpu.memref_squeeze %dma_wait3A_394 : memref<1x125xi32, #tpu.memory_space<vmem>> -> memref<125xi32, #tpu.memory_space<vmem>>
      %dma_wait3A_396 = arith.constant 0 : i32
      %dma_wait3A_397 = arith.constant 0 : i32
      %dma_wait3A_398 = tpu.memref_slice %arg2[%dma_wait3A_396, %dma_wait3A_397] : memref<10000x64xf32, #tpu.memory_space<hbm>> -> memref<10000x64xf32, #tpu.memory_space<hbm>>
      tpu.wait_indirect_dma semaphore(%arg11 : memref<!tpu.dma_semaphore, #tpu.memory_space<semaphore_mem>>) src(%dma_wait3A_398 : memref<10000x64xf32, #tpu.memory_space<hbm>>) dst(%dma_wait3A_392 : memref<125x64xf32, #tpu.memory_space<vmem>>)
      %mul3A_399 = arith.constant 4 : i32
      %mul3A_400 = arith.muli %add3A_334, %mul3A_399 : i32
      %add3A_401 = arith.constant 0 : i32
      %add3A_402 = arith.addi %mul3A_400, %add3A_401 : i32
      %dma_start3A_403 = arith.constant 1 : i32
      %dma_start3A_404 = arith.constant 0 : i32
      %dma_start3A_405 = arith.constant 0 : i32
      %dma_start3A_406 = arith.constant 0 : i32
      %dma_start3A_407 = tpu.memref_slice %arg8[%dma_start3A_403, %dma_start3A_404, %dma_start3A_405, %dma_start3A_406] : memref<2x4x125x64xf32, #tpu.memory_space<vmem>> -> memref<1x1x125x64xf32, #tpu.memory_space<vmem>>
      %dma_start3A_408 = tpu.memref_squeeze %dma_start3A_407 : memref<1x1x125x64xf32, #tpu.memory_space<vmem>> -> memref<125x64xf32, #tpu.memory_space<vmem>>
      %dma_start3A_409 = arith.constant 0 : i32
      %dma_start3A_410 = tpu.memref_slice %arg7[%add3A_402, %dma_start3A_409] : memref<80x125xi32, #tpu.memory_space<vmem>> -> memref<1x125xi32, #tpu.memory_space<vmem>>
      %dma_start3A_411 = tpu.memref_squeeze %dma_start3A_410 : memref<1x125xi32, #tpu.memory_space<vmem>> -> memref<125xi32, #tpu.memory_space<vmem>>
      %dma_start3A_412 = arith.constant 0 : i32
      %dma_start3A_413 = arith.constant 0 : i32
      %dma_start3A_414 = tpu.memref_slice %arg9[%dma_start3A_412, %dma_start3A_413] : memref<10240x64xf32, #tpu.memory_space<vmem_shared>> -> memref<10240x64xf32, #tpu.memory_space<vmem_shared>>
      tpu.enqueue_indirect_dma source(%dma_start3A_408 : memref<125x64xf32, #tpu.memory_space<vmem>>) target(%dma_start3A_414 : memref<10240x64xf32, #tpu.memory_space<vmem_shared>>) offsets(%dma_start3A_411 : memref<125xi32, #tpu.memory_space<vmem>>) semaphore(%arg13 : memref<!tpu.dma_semaphore, #tpu.memory_space<semaphore_mem>>) {add = true}
      %mul3A_415 = arith.constant 4 : i32
      %mul3A_416 = arith.muli %add3A_334, %mul3A_415 : i32
      %add3A_417 = arith.constant 1 : i32
      %add3A_418 = arith.addi %mul3A_416, %add3A_417 : i32
      %dma_start3A_419 = arith.constant 1 : i32
      %dma_start3A_420 = arith.constant 1 : i32
      %dma_start3A_421 = arith.constant 0 : i32
      %dma_start3A_422 = arith.constant 0 : i32
      %dma_start3A_423 = tpu.memref_slice %arg8[%dma_start3A_419, %dma_start3A_420, %dma_start3A_421, %dma_start3A_422] : memref<2x4x125x64xf32, #tpu.memory_space<vmem>> -> memref<1x1x125x64xf32, #tpu.memory_space<vmem>>
      %dma_start3A_424 = tpu.memref_squeeze %dma_start3A_423 : memref<1x1x125x64xf32, #tpu.memory_space<vmem>> -> memref<125x64xf32, #tpu.memory_space<vmem>>
      %dma_start3A_425 = arith.constant 0 : i32
      %dma_start3A_426 = tpu.memref_slice %arg7[%add3A_418, %dma_start3A_425] : memref<80x125xi32, #tpu.memory_space<vmem>> -> memref<1x125xi32, #tpu.memory_space<vmem>>
      %dma_start3A_427 = tpu.memref_squeeze %dma_start3A_426 : memref<1x125xi32, #tpu.memory_space<vmem>> -> memref<125xi32, #tpu.memory_space<vmem>>
      %dma_start3A_428 = arith.constant 0 : i32
      %dma_start3A_429 = arith.constant 0 : i32
      %dma_start3A_430 = tpu.memref_slice %arg9[%dma_start3A_428, %dma_start3A_429] : memref<10240x64xf32, #tpu.memory_space<vmem_shared>> -> memref<10240x64xf32, #tpu.memory_space<vmem_shared>>
      tpu.enqueue_indirect_dma source(%dma_start3A_424 : memref<125x64xf32, #tpu.memory_space<vmem>>) target(%dma_start3A_430 : memref<10240x64xf32, #tpu.memory_space<vmem_shared>>) offsets(%dma_start3A_427 : memref<125xi32, #tpu.memory_space<vmem>>) semaphore(%arg13 : memref<!tpu.dma_semaphore, #tpu.memory_space<semaphore_mem>>) {add = true}
      %mul3A_431 = arith.constant 4 : i32
      %mul3A_432 = arith.muli %add3A_334, %mul3A_431 : i32
      %add3A_433 = arith.constant 2 : i32
      %add3A_434 = arith.addi %mul3A_432, %add3A_433 : i32
      %dma_start3A_435 = arith.constant 1 : i32
      %dma_start3A_436 = arith.constant 2 : i32
      %dma_start3A_437 = arith.constant 0 : i32
      %dma_start3A_438 = arith.constant 0 : i32
      %dma_start3A_439 = tpu.memref_slice %arg8[%dma_start3A_435, %dma_start3A_436, %dma_start3A_437, %dma_start3A_438] : memref<2x4x125x64xf32, #tpu.memory_space<vmem>> -> memref<1x1x125x64xf32, #tpu.memory_space<vmem>>
      %dma_start3A_440 = tpu.memref_squeeze %dma_start3A_439 : memref<1x1x125x64xf32, #tpu.memory_space<vmem>> -> memref<125x64xf32, #tpu.memory_space<vmem>>
      %dma_start3A_441 = arith.constant 0 : i32
      %dma_start3A_442 = tpu.memref_slice %arg7[%add3A_434, %dma_start3A_441] : memref<80x125xi32, #tpu.memory_space<vmem>> -> memref<1x125xi32, #tpu.memory_space<vmem>>
      %dma_start3A_443 = tpu.memref_squeeze %dma_start3A_442 : memref<1x125xi32, #tpu.memory_space<vmem>> -> memref<125xi32, #tpu.memory_space<vmem>>
      %dma_start3A_444 = arith.constant 0 : i32
      %dma_start3A_445 = arith.constant 0 : i32
      %dma_start3A_446 = tpu.memref_slice %arg9[%dma_start3A_444, %dma_start3A_445] : memref<10240x64xf32, #tpu.memory_space<vmem_shared>> -> memref<10240x64xf32, #tpu.memory_space<vmem_shared>>
      tpu.enqueue_indirect_dma source(%dma_start3A_440 : memref<125x64xf32, #tpu.memory_space<vmem>>) target(%dma_start3A_446 : memref<10240x64xf32, #tpu.memory_space<vmem_shared>>) offsets(%dma_start3A_443 : memref<125xi32, #tpu.memory_space<vmem>>) semaphore(%arg13 : memref<!tpu.dma_semaphore, #tpu.memory_space<semaphore_mem>>) {add = true}
      %mul3A_447 = arith.constant 4 : i32
      %mul3A_448 = arith.muli %add3A_334, %mul3A_447 : i32
      %add3A_449 = arith.constant 3 : i32
      %add3A_450 = arith.addi %mul3A_448, %add3A_449 : i32
      %dma_start3A_451 = arith.constant 1 : i32
      %dma_start3A_452 = arith.constant 3 : i32
      %dma_start3A_453 = arith.constant 0 : i32
      %dma_start3A_454 = arith.constant 0 : i32
      %dma_start3A_455 = tpu.memref_slice %arg8[%dma_start3A_451, %dma_start3A_452, %dma_start3A_453, %dma_start3A_454] : memref<2x4x125x64xf32, #tpu.memory_space<vmem>> -> memref<1x1x125x64xf32, #tpu.memory_space<vmem>>
      %dma_start3A_456 = tpu.memref_squeeze %dma_start3A_455 : memref<1x1x125x64xf32, #tpu.memory_space<vmem>> -> memref<125x64xf32, #tpu.memory_space<vmem>>
      %dma_start3A_457 = arith.constant 0 : i32
      %dma_start3A_458 = tpu.memref_slice %arg7[%add3A_450, %dma_start3A_457] : memref<80x125xi32, #tpu.memory_space<vmem>> -> memref<1x125xi32, #tpu.memory_space<vmem>>
      %dma_start3A_459 = tpu.memref_squeeze %dma_start3A_458 : memref<1x125xi32, #tpu.memory_space<vmem>> -> memref<125xi32, #tpu.memory_space<vmem>>
      %dma_start3A_460 = arith.constant 0 : i32
      %dma_start3A_461 = arith.constant 0 : i32
      %dma_start3A_462 = tpu.memref_slice %arg9[%dma_start3A_460, %dma_start3A_461] : memref<10240x64xf32, #tpu.memory_space<vmem_shared>> -> memref<10240x64xf32, #tpu.memory_space<vmem_shared>>
      tpu.enqueue_indirect_dma source(%dma_start3A_456 : memref<125x64xf32, #tpu.memory_space<vmem>>) target(%dma_start3A_462 : memref<10240x64xf32, #tpu.memory_space<vmem_shared>>) offsets(%dma_start3A_459 : memref<125xi32, #tpu.memory_space<vmem>>) semaphore(%arg13 : memref<!tpu.dma_semaphore, #tpu.memory_space<semaphore_mem>>) {add = true}
      %mul3A_463 = arith.constant 4 : i32
      %mul3A_464 = arith.muli %add3A_334, %mul3A_463 : i32
      %add3A_465 = arith.constant 0 : i32
      %add3A_466 = arith.addi %mul3A_464, %add3A_465 : i32
      %dma_wait3A_467 = arith.constant 1 : i32
      %dma_wait3A_468 = arith.constant 0 : i32
      %dma_wait3A_469 = arith.constant 0 : i32
      %dma_wait3A_470 = arith.constant 0 : i32
      %dma_wait3A_471 = tpu.memref_slice %arg8[%dma_wait3A_467, %dma_wait3A_468, %dma_wait3A_469, %dma_wait3A_470] : memref<2x4x125x64xf32, #tpu.memory_space<vmem>> -> memref<1x1x125x64xf32, #tpu.memory_space<vmem>>
      %dma_wait3A_472 = tpu.memref_squeeze %dma_wait3A_471 : memref<1x1x125x64xf32, #tpu.memory_space<vmem>> -> memref<125x64xf32, #tpu.memory_space<vmem>>
      %dma_wait3A_473 = arith.constant 0 : i32
      %dma_wait3A_474 = tpu.memref_slice %arg7[%add3A_466, %dma_wait3A_473] : memref<80x125xi32, #tpu.memory_space<vmem>> -> memref<1x125xi32, #tpu.memory_space<vmem>>
      %dma_wait3A_475 = tpu.memref_squeeze %dma_wait3A_474 : memref<1x125xi32, #tpu.memory_space<vmem>> -> memref<125xi32, #tpu.memory_space<vmem>>
      %dma_wait3A_476 = arith.constant 0 : i32
      %dma_wait3A_477 = arith.constant 0 : i32
      %dma_wait3A_478 = tpu.memref_slice %arg9[%dma_wait3A_476, %dma_wait3A_477] : memref<10240x64xf32, #tpu.memory_space<vmem_shared>> -> memref<10240x64xf32, #tpu.memory_space<vmem_shared>>
      tpu.wait_indirect_dma semaphore(%arg13 : memref<!tpu.dma_semaphore, #tpu.memory_space<semaphore_mem>>) src(%dma_wait3A_472 : memref<125x64xf32, #tpu.memory_space<vmem>>) dst(%dma_wait3A_478 : memref<10240x64xf32, #tpu.memory_space<vmem_shared>>)
      %mul3A_479 = arith.constant 4 : i32
      %mul3A_480 = arith.muli %add3A_334, %mul3A_479 : i32
      %add3A_481 = arith.constant 1 : i32
      %add3A_482 = arith.addi %mul3A_480, %add3A_481 : i32
      %dma_wait3A_483 = arith.constant 1 : i32
      %dma_wait3A_484 = arith.constant 1 : i32
      %dma_wait3A_485 = arith.constant 0 : i32
      %dma_wait3A_486 = arith.constant 0 : i32
      %dma_wait3A_487 = tpu.memref_slice %arg8[%dma_wait3A_483, %dma_wait3A_484, %dma_wait3A_485, %dma_wait3A_486] : memref<2x4x125x64xf32, #tpu.memory_space<vmem>> -> memref<1x1x125x64xf32, #tpu.memory_space<vmem>>
      %dma_wait3A_488 = tpu.memref_squeeze %dma_wait3A_487 : memref<1x1x125x64xf32, #tpu.memory_space<vmem>> -> memref<125x64xf32, #tpu.memory_space<vmem>>
      %dma_wait3A_489 = arith.constant 0 : i32
      %dma_wait3A_490 = tpu.memref_slice %arg7[%add3A_482, %dma_wait3A_489] : memref<80x125xi32, #tpu.memory_space<vmem>> -> memref<1x125xi32, #tpu.memory_space<vmem>>
      %dma_wait3A_491 = tpu.memref_squeeze %dma_wait3A_490 : memref<1x125xi32, #tpu.memory_space<vmem>> -> memref<125xi32, #tpu.memory_space<vmem>>
      %dma_wait3A_492 = arith.constant 0 : i32
      %dma_wait3A_493 = arith.constant 0 : i32
      %dma_wait3A_494 = tpu.memref_slice %arg9[%dma_wait3A_492, %dma_wait3A_493] : memref<10240x64xf32, #tpu.memory_space<vmem_shared>> -> memref<10240x64xf32, #tpu.memory_space<vmem_shared>>
      tpu.wait_indirect_dma semaphore(%arg13 : memref<!tpu.dma_semaphore, #tpu.memory_space<semaphore_mem>>) src(%dma_wait3A_488 : memref<125x64xf32, #tpu.memory_space<vmem>>) dst(%dma_wait3A_494 : memref<10240x64xf32, #tpu.memory_space<vmem_shared>>)
      %mul3A_495 = arith.constant 4 : i32
      %mul3A_496 = arith.muli %add3A_334, %mul3A_495 : i32
      %add3A_497 = arith.constant 2 : i32
      %add3A_498 = arith.addi %mul3A_496, %add3A_497 : i32
      %dma_wait3A_499 = arith.constant 1 : i32
      %dma_wait3A_500 = arith.constant 2 : i32
      %dma_wait3A_501 = arith.constant 0 : i32
      %dma_wait3A_502 = arith.constant 0 : i32
      %dma_wait3A_503 = tpu.memref_slice %arg8[%dma_wait3A_499, %dma_wait3A_500, %dma_wait3A_501, %dma_wait3A_502] : memref<2x4x125x64xf32, #tpu.memory_space<vmem>> -> memref<1x1x125x64xf32, #tpu.memory_space<vmem>>
      %dma_wait3A_504 = tpu.memref_squeeze %dma_wait3A_503 : memref<1x1x125x64xf32, #tpu.memory_space<vmem>> -> memref<125x64xf32, #tpu.memory_space<vmem>>
      %dma_wait3A_505 = arith.constant 0 : i32
      %dma_wait3A_506 = tpu.memref_slice %arg7[%add3A_498, %dma_wait3A_505] : memref<80x125xi32, #tpu.memory_space<vmem>> -> memref<1x125xi32, #tpu.memory_space<vmem>>
      %dma_wait3A_507 = tpu.memref_squeeze %dma_wait3A_506 : memref<1x125xi32, #tpu.memory_space<vmem>> -> memref<125xi32, #tpu.memory_space<vmem>>
      %dma_wait3A_508 = arith.constant 0 : i32
      %dma_wait3A_509 = arith.constant 0 : i32
      %dma_wait3A_510 = tpu.memref_slice %arg9[%dma_wait3A_508, %dma_wait3A_509] : memref<10240x64xf32, #tpu.memory_space<vmem_shared>> -> memref<10240x64xf32, #tpu.memory_space<vmem_shared>>
      tpu.wait_indirect_dma semaphore(%arg13 : memref<!tpu.dma_semaphore, #tpu.memory_space<semaphore_mem>>) src(%dma_wait3A_504 : memref<125x64xf32, #tpu.memory_space<vmem>>) dst(%dma_wait3A_510 : memref<10240x64xf32, #tpu.memory_space<vmem_shared>>)
      %mul3A_511 = arith.constant 4 : i32
      %mul3A_512 = arith.muli %add3A_334, %mul3A_511 : i32
      %add3A_513 = arith.constant 3 : i32
      %add3A_514 = arith.addi %mul3A_512, %add3A_513 : i32
      %dma_wait3A_515 = arith.constant 1 : i32
      %dma_wait3A_516 = arith.constant 3 : i32
      %dma_wait3A_517 = arith.constant 0 : i32
      %dma_wait3A_518 = arith.constant 0 : i32
      %dma_wait3A_519 = tpu.memref_slice %arg8[%dma_wait3A_515, %dma_wait3A_516, %dma_wait3A_517, %dma_wait3A_518] : memref<2x4x125x64xf32, #tpu.memory_space<vmem>> -> memref<1x1x125x64xf32, #tpu.memory_space<vmem>>
      %dma_wait3A_520 = tpu.memref_squeeze %dma_wait3A_519 : memref<1x1x125x64xf32, #tpu.memory_space<vmem>> -> memref<125x64xf32, #tpu.memory_space<vmem>>
      %dma_wait3A_521 = arith.constant 0 : i32
      %dma_wait3A_522 = tpu.memref_slice %arg7[%add3A_514, %dma_wait3A_521] : memref<80x125xi32, #tpu.memory_space<vmem>> -> memref<1x125xi32, #tpu.memory_space<vmem>>
      %dma_wait3A_523 = tpu.memref_squeeze %dma_wait3A_522 : memref<1x125xi32, #tpu.memory_space<vmem>> -> memref<125xi32, #tpu.memory_space<vmem>>
      %dma_wait3A_524 = arith.constant 0 : i32
      %dma_wait3A_525 = arith.constant 0 : i32
      %dma_wait3A_526 = tpu.memref_slice %arg9[%dma_wait3A_524, %dma_wait3A_525] : memref<10240x64xf32, #tpu.memory_space<vmem_shared>> -> memref<10240x64xf32, #tpu.memory_space<vmem_shared>>
      tpu.wait_indirect_dma semaphore(%arg13 : memref<!tpu.dma_semaphore, #tpu.memory_space<semaphore_mem>>) src(%dma_wait3A_520 : memref<125x64xf32, #tpu.memory_space<vmem>>) dst(%dma_wait3A_526 : memref<10240x64xf32, #tpu.memory_space<vmem_shared>>)
    }
    %scan3A_61 = arith.constant 10 : i32
    %barrier3A_62 = arith.constant 0 : index
    tpu.barrier barrier_id(%barrier3A_62)
    %mul3A_63 = arith.constant 640 : i32
    %mul3A_64 = arith.muli %arg1, %mul3A_63 : i32
    %mul3A_65 = arith.constant 640 : i32
    %mul3A_66 = arith.muli %arg1, %mul3A_65 : i32
    "tpu.region"() ({
      %run_scoped3A_67 = tpu.sem_alloc : memref<!tpu.dma_semaphore, #tpu.memory_space<semaphore_mem>>
      %dma_start3A_68 = arith.constant 0 : i32
      %dma_start3A_69 = tpu.memref_slice %arg5[%arg0, %mul3A_66, %dma_start3A_68] : memref<2x10240x64xf32, #tpu.memory_space<hbm>> -> memref<1x640x64xf32, #tpu.memory_space<hbm>>
      %dma_start3A_70 = tpu.memref_squeeze %dma_start3A_69 : memref<1x640x64xf32, #tpu.memory_space<hbm>> -> memref<640x64xf32, #tpu.memory_space<hbm>>
      %dma_start3A_71 = arith.constant 0 : i32
      %dma_start3A_72 = tpu.memref_slice %arg9[%mul3A_64, %dma_start3A_71] : memref<10240x64xf32, #tpu.memory_space<vmem_shared>> -> memref<640x64xf32, #tpu.memory_space<vmem_shared>>
      tpu.enqueue_dma source(%dma_start3A_72 : memref<640x64xf32, #tpu.memory_space<vmem_shared>>) target(%dma_start3A_70 : memref<640x64xf32, #tpu.memory_space<hbm>>) target_semaphore(%run_scoped3A_67 : memref<!tpu.dma_semaphore, #tpu.memory_space<semaphore_mem>>)
      %dma_wait3A = arith.constant 0 : i32
      %dma_wait3A_73 = tpu.memref_slice %arg5[%arg0, %mul3A_66, %dma_wait3A] : memref<2x10240x64xf32, #tpu.memory_space<hbm>> -> memref<1x640x64xf32, #tpu.memory_space<hbm>>
      %dma_wait3A_74 = tpu.memref_squeeze %dma_wait3A_73 : memref<1x640x64xf32, #tpu.memory_space<hbm>> -> memref<640x64xf32, #tpu.memory_space<hbm>>
      %dma_wait3A_75 = arith.constant 0 : i32
      %dma_wait3A_76 = tpu.memref_slice %arg9[%mul3A_64, %dma_wait3A_75] : memref<10240x64xf32, #tpu.memory_space<vmem_shared>> -> memref<640x64xf32, #tpu.memory_space<vmem_shared>>
      tpu.wait_dma2 semaphore(%run_scoped3A_67 : memref<!tpu.dma_semaphore, #tpu.memory_space<semaphore_mem>>) src(%dma_wait3A_76 : memref<640x64xf32, #tpu.memory_space<vmem_shared>>) dst(%dma_wait3A_74 : memref<640x64xf32, #tpu.memory_space<hbm>>)
      tpu.yield
    }) : () -> ()
    return
  }
}

module attributes {stable_mosaic.version = 14 : i64} {
  func.func @_proj_body(%arg0: i32, %arg1: memref<1000x128xf32, #tpu.memory_space<vmem>>, %arg2: memref<1000x128xf32, #tpu.memory_space<vmem>>, %arg3: memref<128x64xf32, #tpu.memory_space<vmem>>, %arg4: memref<1000x128xf32, #tpu.memory_space<vmem>>) attributes {dimension_semantics = [#tpu.dimension_semantics<arbitrary>], iteration_bounds = array<i64: 5>, scalar_prefetch = 0 : i64, scratch_operands = 0 : i64, tpu.core_type = #tpu.core_type<tc>, window_params = [{transform_indices = @transform_0, window_bounds = array<i64: 1000, 128>}, {transform_indices = @transform_1, window_bounds = array<i64: 1000, 128>}, {pipeline_mode = #tpu.pipeline_mode<synchronous>, transform_indices = @transform_2, window_bounds = array<i64: 128, 64>}, {transform_indices = @transform_3, window_bounds = array<i64: 1000, 128>}]} {
    %get3A = arith.constant 0 : index
    %get3A_0 = arith.constant 0 : index
    %get3A_1 = vector.load %arg3[%get3A, %get3A_0] : memref<128x64xf32, #tpu.memory_space<vmem>>, vector<128x64xf32>
    %get3A_2 = arith.constant 0 : index
    %get3A_3 = arith.constant 0 : index
    %get3A_4 = vector.load %arg1[%get3A_2, %get3A_3] : memref<1000x128xf32, #tpu.memory_space<vmem>>, vector<1000x128xf32>
    %dot_general3A = arith.constant dense<0.000000e+00> : vector<1000x64xf32>
    %dot_general3A_5 = tpu.matmul %get3A_4, %get3A_1, %dot_general3A {dimension_numbers = #tpu.dot_dimension_numbers<[1], [0], [0], [1], [0, 0, 1, 1], [], []>, transpose_lhs_hint = false} : vector<1000x128xf32>, vector<128x64xf32>, vector<1000x64xf32> -> vector<1000x64xf32>
    %get3A_6 = arith.constant 0 : index
    %get3A_7 = arith.constant 0 : index
    %get3A_8 = vector.load %arg2[%get3A_6, %get3A_7] : memref<1000x128xf32, #tpu.memory_space<vmem>>, vector<1000x128xf32>
    %dot_general3A_9 = arith.constant dense<0.000000e+00> : vector<1000x64xf32>
    %dot_general3A_10 = tpu.matmul %get3A_8, %get3A_1, %dot_general3A_9 {dimension_numbers = #tpu.dot_dimension_numbers<[1], [0], [0], [1], [0, 0, 1, 1], [], []>, transpose_lhs_hint = false} : vector<1000x128xf32>, vector<128x64xf32>, vector<1000x64xf32> -> vector<1000x64xf32>
    %concatenate3A = tpu.concatenate %dot_general3A_5, %dot_general3A_10 in 1 : vector<1000x64xf32>, vector<1000x64xf32> -> vector<1000x128xf32>
    %swap3A = arith.constant 0 : index
    %swap3A_11 = arith.constant 0 : index
    %swap3A_12 = vector.load %arg4[%swap3A, %swap3A_11] : memref<1000x128xf32, #tpu.memory_space<vmem>>, vector<1000x128xf32>
    tpu.vector_store %arg4[%swap3A, %swap3A_11], %concatenate3A {strides = array<i32>} : memref<1000x128xf32, #tpu.memory_space<vmem>>, vector<1000x128xf32>,
    return
  }
  func.func @transform_0(%arg0: i32) -> (i32, i32) {
    %c0_i32 = arith.constant 0 : i32
    %c0_i32_0 = arith.constant 0 : i32
    return %arg0, %c0_i32 : i32, i32
  }
  func.func @transform_1(%arg0: i32) -> (i32, i32) {
    %add3A = arith.constant 5 : i32
    %add3A_0 = arith.addi %arg0, %add3A : i32
    %c0_i32 = arith.constant 0 : i32
    %c0_i32_1 = arith.constant 0 : i32
    return %add3A_0, %c0_i32 : i32, i32
  }
  func.func @transform_2(%arg0: i32) -> (i32, i32) {
    %c0_i32 = arith.constant 0 : i32
    %c0_i32_0 = arith.constant 0 : i32
    %c0_i32_1 = arith.constant 0 : i32
    return %c0_i32, %c0_i32_0 : i32, i32
  }
  func.func @transform_3(%arg0: i32) -> (i32, i32) {
    %c0_i32 = arith.constant 0 : i32
    %c0_i32_0 = arith.constant 0 : i32
    return %arg0, %c0_i32 : i32, i32
  }
}

module attributes {stable_mosaic.version = 14 : i64} {
  func.func @_mlp_body(%arg0: i32, %arg1: memref<1000x128xf32, #tpu.memory_space<vmem>>, %arg2: memref<2x1000x128xf32, #tpu.memory_space<vmem>>, %arg3: memref<1x128xf32, #tpu.memory_space<vmem>>, %arg4: memref<64x64xf32, #tpu.memory_space<vmem>>, %arg5: memref<1x64xf32, #tpu.memory_space<vmem>>, %arg6: memref<64x64xf32, #tpu.memory_space<vmem>>, %arg7: memref<1000x1xi32, #tpu.memory_space<vmem>>, %arg8: memref<1000x1xi32, #tpu.memory_space<vmem>>, %arg9: memref<1000x128xf32, #tpu.memory_space<vmem>>, %arg10: memref<1000x128xf32, #tpu.memory_space<vmem>>, %arg11: memref<64x64xf32, #tpu.memory_space<vmem>>, %arg12: memref<64x8xf32, #tpu.memory_space<vmem>>) attributes {dimension_semantics = [#tpu.dimension_semantics<arbitrary>], iteration_bounds = array<i64: 5>, scalar_prefetch = 0 : i64, scratch_operands = 0 : i64, tpu.core_type = #tpu.core_type<tc>, window_params = [{transform_indices = @transform_0, window_bounds = array<i64: 1000, 128>}, {transform_indices = @transform_1, window_bounds = array<i64: 2, 1000, 128>}, {pipeline_mode = #tpu.pipeline_mode<synchronous>, transform_indices = @transform_2, window_bounds = array<i64: 1, 128>}, {pipeline_mode = #tpu.pipeline_mode<synchronous>, transform_indices = @transform_3, window_bounds = array<i64: 64, 64>}, {pipeline_mode = #tpu.pipeline_mode<synchronous>, transform_indices = @transform_4, window_bounds = array<i64: 1, 64>}, {pipeline_mode = #tpu.pipeline_mode<synchronous>, transform_indices = @transform_5, window_bounds = array<i64: 64, 64>}, {transform_indices = @transform_6, window_bounds = array<i64: 1000, 1>}, {transform_indices = @transform_7, window_bounds = array<i64: 1000, 1>}, {transform_indices = @transform_8, window_bounds = array<i64: 1000, 128>}, {transform_indices = @transform_9, window_bounds = array<i64: 1000, 128>}, {pipeline_mode = #tpu.pipeline_mode<synchronous>, transform_indices = @transform_10, window_bounds = array<i64: 64, 64>}, {pipeline_mode = #tpu.pipeline_mode<synchronous>, transform_indices = @transform_11, window_bounds = array<i64: 64, 8>}]} {
    %eq3A = arith.constant 0 : i32
    %eq3A_0 = arith.cmpi eq, %arg0, %eq3A : i32
    %convert_element_type3A = arith.extui %eq3A_0 : i1 to i32
    %cond3A = arith.constant 0 : i32
    %cond3A_1 = arith.cmpi ne, %convert_element_type3A, %cond3A : i32
    scf.if %cond3A_1 {
      %broadcast_in_dim3A_96 = arith.constant 0.000000e+00 : f32
      %broadcast_in_dim3A_97 = vector.broadcast %broadcast_in_dim3A_96 : f32 to vector<64x64xf32>
      %swap3A_98 = arith.constant 0 : index
      %swap3A_99 = arith.constant 0 : index
      %swap3A_100 = vector.load %arg11[%swap3A_98, %swap3A_99] : memref<64x64xf32, #tpu.memory_space<vmem>>, vector<64x64xf32>
      tpu.vector_store %arg11[%swap3A_98, %swap3A_99], %broadcast_in_dim3A_97 {strides = array<i32>} : memref<64x64xf32, #tpu.memory_space<vmem>>, vector<64x64xf32>,
      %broadcast_in_dim3A_101 = arith.constant 0.000000e+00 : f32
      %broadcast_in_dim3A_102 = vector.broadcast %broadcast_in_dim3A_101 : f32 to vector<64x8xf32>
      %swap3A_103 = arith.constant 0 : index
      %swap3A_104 = arith.constant 0 : index
      %swap3A_105 = vector.load %arg12[%swap3A_103, %swap3A_104] : memref<64x8xf32, #tpu.memory_space<vmem>>, vector<64x8xf32>
      tpu.vector_store %arg12[%swap3A_103, %swap3A_104], %broadcast_in_dim3A_102 {strides = array<i32>} : memref<64x8xf32, #tpu.memory_space<vmem>>, vector<64x8xf32>,
    } else {
    }
    %get3A = arith.constant 0 : index
    %get3A_2 = arith.constant 0 : index
    %get3A_3 = vector.load %arg1[%get3A, %get3A_2] : memref<1000x128xf32, #tpu.memory_space<vmem>>, vector<1000x128xf32>
    %mul3A = arith.constant 2.000000e+00 : f32
    %mul3A_4 = vector.broadcast %mul3A : f32 to vector<1000x128xf32>
    %mul3A_5 = arith.mulf %mul3A_4, %get3A_3 : vector<1000x128xf32>
    %get3A_6 = arith.constant 0 : index
    %get3A_7 = arith.constant 0 : index
    %get3A_8 = arith.constant 0 : index
    %get3A_9 = vector.load %arg2[%get3A_6, %get3A_7, %get3A_8] : memref<2x1000x128xf32, #tpu.memory_space<vmem>>, vector<1x1000x128xf32>
    %get3A_10 = vector.shape_cast %get3A_9 : vector<1x1000x128xf32> to vector<1000x128xf32>
    %add3A = arith.addf %mul3A_5, %get3A_10 : vector<1000x128xf32>
    %get3A_11 = arith.constant 1 : index
    %get3A_12 = arith.constant 0 : index
    %get3A_13 = arith.constant 0 : index
    %get3A_14 = vector.load %arg2[%get3A_11, %get3A_12, %get3A_13] : memref<2x1000x128xf32, #tpu.memory_space<vmem>>, vector<1x1000x128xf32>
    %get3A_15 = vector.shape_cast %get3A_14 : vector<1x1000x128xf32> to vector<1000x128xf32>
    %add3A_16 = arith.addf %add3A, %get3A_15 : vector<1000x128xf32>
    %get3A_17 = arith.constant 0 : index
    %get3A_18 = arith.constant 0 : index
    %get3A_19 = vector.load %arg3[%get3A_17, %get3A_18] : memref<1x128xf32, #tpu.memory_space<vmem>>, vector<1x128xf32>
    %add3A_20 = vector.broadcast %get3A_19 : vector<1x128xf32> to vector<1000x128xf32>
    %add3A_21 = arith.addf %add3A_16, %add3A_20 : vector<1000x128xf32>
    %max3A = arith.constant 0.000000e+00 : f32
    %max3A_22 = vector.broadcast %max3A : f32 to vector<1000x128xf32>
    %max3A_23 = arith.maximumf %add3A_21, %max3A_22 : vector<1000x128xf32>
    %get3A_24 = arith.constant 0 : index
    %get3A_25 = arith.constant 0 : index
    %get3A_26 = vector.load %arg4[%get3A_24, %get3A_25] : memref<64x64xf32, #tpu.memory_space<vmem>>, vector<64x64xf32>
    %get3A_27 = arith.constant 0 : index
    %get3A_28 = arith.constant 0 : index
    %get3A_29 = vector.load %arg5[%get3A_27, %get3A_28] : memref<1x64xf32, #tpu.memory_space<vmem>>, vector<1x64xf32>
    %slice3A = vector.extract_strided_slice %max3A_23 {offsets = [0, 0], sizes = [1000, 64], strides = [1, 1]} : vector<1000x128xf32> to vector<1000x64xf32>
    %dot_general3A = arith.constant dense<0.000000e+00> : vector<1000x64xf32>
    %dot_general3A_30 = tpu.matmul %slice3A, %get3A_26, %dot_general3A {dimension_numbers = #tpu.dot_dimension_numbers<[1], [0], [0], [1], [0, 0, 1, 1], [], []>, transpose_lhs_hint = false} : vector<1000x64xf32>, vector<64x64xf32>, vector<1000x64xf32> -> vector<1000x64xf32>
    %add3A_31 = vector.broadcast %get3A_29 : vector<1x64xf32> to vector<1000x64xf32>
    %add3A_32 = arith.addf %dot_general3A_30, %add3A_31 : vector<1000x64xf32>
    %max3A_33 = arith.constant 0.000000e+00 : f32
    %max3A_34 = vector.broadcast %max3A_33 : f32 to vector<1000x64xf32>
    %max3A_35 = arith.maximumf %add3A_32, %max3A_34 : vector<1000x64xf32>
    %slice3A_36 = vector.extract_strided_slice %max3A_23 {offsets = [0, 64], sizes = [1000, 64], strides = [1, 1]} : vector<1000x128xf32> to vector<1000x64xf32>
    %dot_general3A_37 = arith.constant dense<0.000000e+00> : vector<1000x64xf32>
    %dot_general3A_38 = tpu.matmul %slice3A_36, %get3A_26, %dot_general3A_37 {dimension_numbers = #tpu.dot_dimension_numbers<[1], [0], [0], [1], [0, 0, 1, 1], [], []>, transpose_lhs_hint = false} : vector<1000x64xf32>, vector<64x64xf32>, vector<1000x64xf32> -> vector<1000x64xf32>
    %add3A_39 = vector.broadcast %get3A_29 : vector<1x64xf32> to vector<1000x64xf32>
    %add3A_40 = arith.addf %dot_general3A_38, %add3A_39 : vector<1000x64xf32>
    %max3A_41 = arith.constant 0.000000e+00 : f32
    %max3A_42 = vector.broadcast %max3A_41 : f32 to vector<1000x64xf32>
    %max3A_43 = arith.maximumf %add3A_40, %max3A_42 : vector<1000x64xf32>
    %concatenate3A = tpu.concatenate %max3A_35, %max3A_43 in 1 : vector<1000x64xf32>, vector<1000x64xf32> -> vector<1000x128xf32>
    %swap3A = arith.constant 0 : index
    %swap3A_44 = arith.constant 0 : index
    %swap3A_45 = vector.load %arg10[%swap3A, %swap3A_44] : memref<1000x128xf32, #tpu.memory_space<vmem>>, vector<1000x128xf32>
    tpu.vector_store %arg10[%swap3A, %swap3A_44], %concatenate3A {strides = array<i32>} : memref<1000x128xf32, #tpu.memory_space<vmem>>, vector<1000x128xf32>,
    %get3A_46 = arith.constant 0 : index
    %get3A_47 = arith.constant 0 : index
    %get3A_48 = vector.load %arg6[%get3A_46, %get3A_47] : memref<64x64xf32, #tpu.memory_space<vmem>>, vector<64x64xf32>
    %dot_general3A_49 = arith.constant dense<0.000000e+00> : vector<1000x64xf32>
    %dot_general3A_50 = tpu.matmul %max3A_35, %get3A_48, %dot_general3A_49 {dimension_numbers = #tpu.dot_dimension_numbers<[1], [0], [0], [1], [0, 0, 1, 1], [], []>, transpose_lhs_hint = false} : vector<1000x64xf32>, vector<64x64xf32>, vector<1000x64xf32> -> vector<1000x64xf32>
    %dot_general3A_51 = arith.constant dense<0.000000e+00> : vector<1000x64xf32>
    %dot_general3A_52 = tpu.matmul %max3A_43, %get3A_48, %dot_general3A_51 {dimension_numbers = #tpu.dot_dimension_numbers<[1], [0], [0], [1], [0, 0, 1, 1], [], []>, transpose_lhs_hint = false} : vector<1000x64xf32>, vector<64x64xf32>, vector<1000x64xf32> -> vector<1000x64xf32>
    %concatenate3A_53 = tpu.concatenate %dot_general3A_50, %dot_general3A_52 in 1 : vector<1000x64xf32>, vector<1000x64xf32> -> vector<1000x128xf32>
    %swap3A_54 = arith.constant 0 : index
    %swap3A_55 = arith.constant 0 : index
    %swap3A_56 = vector.load %arg9[%swap3A_54, %swap3A_55] : memref<1000x128xf32, #tpu.memory_space<vmem>>, vector<1000x128xf32>
    tpu.vector_store %arg9[%swap3A_54, %swap3A_55], %concatenate3A_53 {strides = array<i32>} : memref<1000x128xf32, #tpu.memory_space<vmem>>, vector<1000x128xf32>,
    %get3A_57 = arith.constant 0 : index
    %get3A_58 = arith.constant 0 : index
    %get3A_59 = vector.load %arg7[%get3A_57, %get3A_58] : memref<1000x1xi32, #tpu.memory_space<vmem>>, vector<1000x1xi32>
    %get3A_60 = arith.constant 0 : index
    %get3A_61 = arith.constant 0 : index
    %get3A_62 = vector.load %arg8[%get3A_60, %get3A_61] : memref<1000x1xi32, #tpu.memory_space<vmem>>, vector<1000x1xi32>
    %iota3A = tpu.iota {dimensions = array<i32: 1>} : vector<1000x64xi32>
    %eq3A_63 = vector.broadcast %get3A_59 : vector<1000x1xi32> to vector<1000x64xi32>
    %eq3A_64 = arith.cmpi eq, %eq3A_63, %iota3A : vector<1000x64xi32>
    %convert_element_type3A_65 = arith.extui %eq3A_64 : vector<1000x64xi1> to vector<1000x64xi32>
    %convert_element_type3A_66 = arith.sitofp %convert_element_type3A_65 : vector<1000x64xi32> to vector<1000x64xf32>
    %eq3A_67 = vector.broadcast %get3A_62 : vector<1000x1xi32> to vector<1000x64xi32>
    %eq3A_68 = arith.cmpi eq, %eq3A_67, %iota3A : vector<1000x64xi32>
    %convert_element_type3A_69 = arith.extui %eq3A_68 : vector<1000x64xi1> to vector<1000x64xi32>
    %convert_element_type3A_70 = arith.sitofp %convert_element_type3A_69 : vector<1000x64xi32> to vector<1000x64xf32>
    %get3A_71 = arith.constant 0 : index
    %get3A_72 = arith.constant 0 : index
    %get3A_73 = vector.load %arg11[%get3A_71, %get3A_72] : memref<64x64xf32, #tpu.memory_space<vmem>>, vector<64x64xf32>
    %dot_general3A_74 = arith.constant dense<0.000000e+00> : vector<64x64xf32>
    %dot_general3A_75 = tpu.matmul %convert_element_type3A_66, %max3A_35, %dot_general3A_74 {dimension_numbers = #tpu.dot_dimension_numbers<[0], [0], [1], [1], [0, 1, 1, 1], [], []>, transpose_lhs_hint = false} : vector<1000x64xf32>, vector<1000x64xf32>, vector<64x64xf32> -> vector<64x64xf32>
    %dot_general3A_76 = arith.constant dense<0.000000e+00> : vector<64x64xf32>
    %dot_general3A_77 = tpu.matmul %convert_element_type3A_70, %max3A_43, %dot_general3A_76 {dimension_numbers = #tpu.dot_dimension_numbers<[0], [0], [1], [1], [0, 1, 1, 1], [], []>, transpose_lhs_hint = false} : vector<1000x64xf32>, vector<1000x64xf32>, vector<64x64xf32> -> vector<64x64xf32>
    %add3A_78 = arith.addf %dot_general3A_75, %dot_general3A_77 : vector<64x64xf32>
    %add3A_79 = arith.addf %get3A_73, %add3A_78 : vector<64x64xf32>
    %swap3A_80 = arith.constant 0 : index
    %swap3A_81 = arith.constant 0 : index
    %swap3A_82 = vector.load %arg11[%swap3A_80, %swap3A_81] : memref<64x64xf32, #tpu.memory_space<vmem>>, vector<64x64xf32>
    tpu.vector_store %arg11[%swap3A_80, %swap3A_81], %add3A_79 {strides = array<i32>} : memref<64x64xf32, #tpu.memory_space<vmem>>, vector<64x64xf32>,
    %broadcast_in_dim3A = arith.constant 1.000000e+00 : f32
    %broadcast_in_dim3A_83 = vector.broadcast %broadcast_in_dim3A : f32 to vector<1000x8xf32>
    %get3A_84 = arith.constant 0 : index
    %get3A_85 = arith.constant 0 : index
    %get3A_86 = vector.load %arg12[%get3A_84, %get3A_85] : memref<64x8xf32, #tpu.memory_space<vmem>>, vector<64x8xf32>
    %dot_general3A_87 = arith.constant dense<0.000000e+00> : vector<64x8xf32>
    %dot_general3A_88 = tpu.matmul %convert_element_type3A_66, %broadcast_in_dim3A_83, %dot_general3A_87 {dimension_numbers = #tpu.dot_dimension_numbers<[0], [0], [1], [1], [0, 1, 1, 1], [], []>, transpose_lhs_hint = false} : vector<1000x64xf32>, vector<1000x8xf32>, vector<64x8xf32> -> vector<64x8xf32>
    %dot_general3A_89 = arith.constant dense<0.000000e+00> : vector<64x8xf32>
    %dot_general3A_90 = tpu.matmul %convert_element_type3A_70, %broadcast_in_dim3A_83, %dot_general3A_89 {dimension_numbers = #tpu.dot_dimension_numbers<[0], [0], [1], [1], [0, 1, 1, 1], [], []>, transpose_lhs_hint = false} : vector<1000x64xf32>, vector<1000x8xf32>, vector<64x8xf32> -> vector<64x8xf32>
    %add3A_91 = arith.addf %dot_general3A_88, %dot_general3A_90 : vector<64x8xf32>
    %add3A_92 = arith.addf %get3A_86, %add3A_91 : vector<64x8xf32>
    %swap3A_93 = arith.constant 0 : index
    %swap3A_94 = arith.constant 0 : index
    %swap3A_95 = vector.load %arg12[%swap3A_93, %swap3A_94] : memref<64x8xf32, #tpu.memory_space<vmem>>, vector<64x8xf32>
    tpu.vector_store %arg12[%swap3A_93, %swap3A_94], %add3A_92 {strides = array<i32>} : memref<64x8xf32, #tpu.memory_space<vmem>>, vector<64x8xf32>,
    return
  }
  func.func @transform_0(%arg0: i32) -> (i32, i32) {
    %c0_i32 = arith.constant 0 : i32
    %c0_i32_0 = arith.constant 0 : i32
    return %arg0, %c0_i32 : i32, i32
  }
  func.func @transform_1(%arg0: i32) -> (i32, i32, i32) {
    %c0_i32 = arith.constant 0 : i32
    %c0_i32_0 = arith.constant 0 : i32
    %c0_i32_1 = arith.constant 0 : i32
    return %c0_i32, %arg0, %c0_i32_0 : i32, i32, i32
  }
  func.func @transform_2(%arg0: i32) -> (i32, i32) {
    %c0_i32 = arith.constant 0 : i32
    %c0_i32_0 = arith.constant 0 : i32
    %c0_i32_1 = arith.constant 0 : i32
    return %c0_i32, %c0_i32_0 : i32, i32
  }
  func.func @transform_3(%arg0: i32) -> (i32, i32) {
    %c0_i32 = arith.constant 0 : i32
    %c0_i32_0 = arith.constant 0 : i32
    %c0_i32_1 = arith.constant 0 : i32
    return %c0_i32, %c0_i32_0 : i32, i32
  }
  func.func @transform_4(%arg0: i32) -> (i32, i32) {
    %c0_i32 = arith.constant 0 : i32
    %c0_i32_0 = arith.constant 0 : i32
    %c0_i32_1 = arith.constant 0 : i32
    return %c0_i32, %c0_i32_0 : i32, i32
  }
  func.func @transform_5(%arg0: i32) -> (i32, i32) {
    %c0_i32 = arith.constant 0 : i32
    %c0_i32_0 = arith.constant 0 : i32
    %c0_i32_1 = arith.constant 0 : i32
    return %c0_i32, %c0_i32_0 : i32, i32
  }
  func.func @transform_6(%arg0: i32) -> (i32, i32) {
    %c0_i32 = arith.constant 0 : i32
    %c0_i32_0 = arith.constant 0 : i32
    return %arg0, %c0_i32 : i32, i32
  }
  func.func @transform_7(%arg0: i32) -> (i32, i32) {
    %add3A = arith.constant 5 : i32
    %add3A_0 = arith.addi %arg0, %add3A : i32
    %c0_i32 = arith.constant 0 : i32
    %c0_i32_1 = arith.constant 0 : i32
    return %add3A_0, %c0_i32 : i32, i32
  }
  func.func @transform_8(%arg0: i32) -> (i32, i32) {
    %c0_i32 = arith.constant 0 : i32
    %c0_i32_0 = arith.constant 0 : i32
    return %arg0, %c0_i32 : i32, i32
  }
  func.func @transform_9(%arg0: i32) -> (i32, i32) {
    %c0_i32 = arith.constant 0 : i32
    %c0_i32_0 = arith.constant 0 : i32
    return %arg0, %c0_i32 : i32, i32
  }
  func.func @transform_10(%arg0: i32) -> (i32, i32) {
    %c0_i32 = arith.constant 0 : i32
    %c0_i32_0 = arith.constant 0 : i32
    %c0_i32_1 = arith.constant 0 : i32
    return %c0_i32, %c0_i32_0 : i32, i32
  }
  func.func @transform_11(%arg0: i32) -> (i32, i32) {
    %c0_i32 = arith.constant 0 : i32
    %c0_i32_0 = arith.constant 0 : i32
    %c0_i32_1 = arith.constant 0 : i32
    return %c0_i32, %c0_i32_0 : i32, i32
  }
}

module attributes {stable_mosaic.version = 14 : i64} {
  func.func @_mlp_body(%arg0: i32, %arg1: memref<1000x128xf32, #tpu.memory_space<vmem>>, %arg2: memref<2x1000x128xf32, #tpu.memory_space<vmem>>, %arg3: memref<1x128xf32, #tpu.memory_space<vmem>>, %arg4: memref<64x64xf32, #tpu.memory_space<vmem>>, %arg5: memref<1x64xf32, #tpu.memory_space<vmem>>, %arg6: memref<64x64xf32, #tpu.memory_space<vmem>>, %arg7: memref<1000x1xi32, #tpu.memory_space<vmem>>, %arg8: memref<1000x1xi32, #tpu.memory_space<vmem>>, %arg9: memref<1000x128xf32, #tpu.memory_space<vmem>>, %arg10: memref<1000x128xf32, #tpu.memory_space<vmem>>, %arg11: memref<64x64xf32, #tpu.memory_space<vmem>>, %arg12: memref<64x8xf32, #tpu.memory_space<vmem>>) attributes {dimension_semantics = [#tpu.dimension_semantics<arbitrary>], iteration_bounds = array<i64: 5>, scalar_prefetch = 0 : i64, scratch_operands = 0 : i64, tpu.core_type = #tpu.core_type<tc>, window_params = [{transform_indices = @transform_0, window_bounds = array<i64: 1000, 128>}, {transform_indices = @transform_1, window_bounds = array<i64: 2, 1000, 128>}, {pipeline_mode = #tpu.pipeline_mode<synchronous>, transform_indices = @transform_2, window_bounds = array<i64: 1, 128>}, {pipeline_mode = #tpu.pipeline_mode<synchronous>, transform_indices = @transform_3, window_bounds = array<i64: 64, 64>}, {pipeline_mode = #tpu.pipeline_mode<synchronous>, transform_indices = @transform_4, window_bounds = array<i64: 1, 64>}, {pipeline_mode = #tpu.pipeline_mode<synchronous>, transform_indices = @transform_5, window_bounds = array<i64: 64, 64>}, {transform_indices = @transform_6, window_bounds = array<i64: 1000, 1>}, {transform_indices = @transform_7, window_bounds = array<i64: 1000, 1>}, {transform_indices = @transform_8, window_bounds = array<i64: 1000, 128>}, {transform_indices = @transform_9, window_bounds = array<i64: 1000, 128>}, {pipeline_mode = #tpu.pipeline_mode<synchronous>, transform_indices = @transform_10, window_bounds = array<i64: 64, 64>}, {pipeline_mode = #tpu.pipeline_mode<synchronous>, transform_indices = @transform_11, window_bounds = array<i64: 64, 8>}]} {
    %eq3A = arith.constant 0 : i32
    %eq3A_0 = arith.cmpi eq, %arg0, %eq3A : i32
    %convert_element_type3A = arith.extui %eq3A_0 : i1 to i32
    %cond3A = arith.constant 0 : i32
    %cond3A_1 = arith.cmpi ne, %convert_element_type3A, %cond3A : i32
    scf.if %cond3A_1 {
      %broadcast_in_dim3A_96 = arith.constant 0.000000e+00 : f32
      %broadcast_in_dim3A_97 = vector.broadcast %broadcast_in_dim3A_96 : f32 to vector<64x64xf32>
      %swap3A_98 = arith.constant 0 : index
      %swap3A_99 = arith.constant 0 : index
      %swap3A_100 = vector.load %arg11[%swap3A_98, %swap3A_99] : memref<64x64xf32, #tpu.memory_space<vmem>>, vector<64x64xf32>
      tpu.vector_store %arg11[%swap3A_98, %swap3A_99], %broadcast_in_dim3A_97 {strides = array<i32>} : memref<64x64xf32, #tpu.memory_space<vmem>>, vector<64x64xf32>,
      %broadcast_in_dim3A_101 = arith.constant 0.000000e+00 : f32
      %broadcast_in_dim3A_102 = vector.broadcast %broadcast_in_dim3A_101 : f32 to vector<64x8xf32>
      %swap3A_103 = arith.constant 0 : index
      %swap3A_104 = arith.constant 0 : index
      %swap3A_105 = vector.load %arg12[%swap3A_103, %swap3A_104] : memref<64x8xf32, #tpu.memory_space<vmem>>, vector<64x8xf32>
      tpu.vector_store %arg12[%swap3A_103, %swap3A_104], %broadcast_in_dim3A_102 {strides = array<i32>} : memref<64x8xf32, #tpu.memory_space<vmem>>, vector<64x8xf32>,
    } else {
    }
    %get3A = arith.constant 0 : index
    %get3A_2 = arith.constant 0 : index
    %get3A_3 = vector.load %arg1[%get3A, %get3A_2] : memref<1000x128xf32, #tpu.memory_space<vmem>>, vector<1000x128xf32>
    %mul3A = arith.constant 2.000000e+00 : f32
    %mul3A_4 = vector.broadcast %mul3A : f32 to vector<1000x128xf32>
    %mul3A_5 = arith.mulf %mul3A_4, %get3A_3 : vector<1000x128xf32>
    %get3A_6 = arith.constant 0 : index
    %get3A_7 = arith.constant 0 : index
    %get3A_8 = arith.constant 0 : index
    %get3A_9 = vector.load %arg2[%get3A_6, %get3A_7, %get3A_8] : memref<2x1000x128xf32, #tpu.memory_space<vmem>>, vector<1x1000x128xf32>
    %get3A_10 = vector.shape_cast %get3A_9 : vector<1x1000x128xf32> to vector<1000x128xf32>
    %add3A = arith.addf %mul3A_5, %get3A_10 : vector<1000x128xf32>
    %get3A_11 = arith.constant 1 : index
    %get3A_12 = arith.constant 0 : index
    %get3A_13 = arith.constant 0 : index
    %get3A_14 = vector.load %arg2[%get3A_11, %get3A_12, %get3A_13] : memref<2x1000x128xf32, #tpu.memory_space<vmem>>, vector<1x1000x128xf32>
    %get3A_15 = vector.shape_cast %get3A_14 : vector<1x1000x128xf32> to vector<1000x128xf32>
    %add3A_16 = arith.addf %add3A, %get3A_15 : vector<1000x128xf32>
    %get3A_17 = arith.constant 0 : index
    %get3A_18 = arith.constant 0 : index
    %get3A_19 = vector.load %arg3[%get3A_17, %get3A_18] : memref<1x128xf32, #tpu.memory_space<vmem>>, vector<1x128xf32>
    %add3A_20 = vector.broadcast %get3A_19 : vector<1x128xf32> to vector<1000x128xf32>
    %add3A_21 = arith.addf %add3A_16, %add3A_20 : vector<1000x128xf32>
    %max3A = arith.constant 0.000000e+00 : f32
    %max3A_22 = vector.broadcast %max3A : f32 to vector<1000x128xf32>
    %max3A_23 = arith.maximumf %add3A_21, %max3A_22 : vector<1000x128xf32>
    %get3A_24 = arith.constant 0 : index
    %get3A_25 = arith.constant 0 : index
    %get3A_26 = vector.load %arg4[%get3A_24, %get3A_25] : memref<64x64xf32, #tpu.memory_space<vmem>>, vector<64x64xf32>
    %get3A_27 = arith.constant 0 : index
    %get3A_28 = arith.constant 0 : index
    %get3A_29 = vector.load %arg5[%get3A_27, %get3A_28] : memref<1x64xf32, #tpu.memory_space<vmem>>, vector<1x64xf32>
    %slice3A = vector.extract_strided_slice %max3A_23 {offsets = [0, 0], sizes = [1000, 64], strides = [1, 1]} : vector<1000x128xf32> to vector<1000x64xf32>
    %dot_general3A = arith.constant dense<0.000000e+00> : vector<1000x64xf32>
    %dot_general3A_30 = tpu.matmul %slice3A, %get3A_26, %dot_general3A {dimension_numbers = #tpu.dot_dimension_numbers<[1], [0], [0], [1], [0, 0, 1, 1], [], []>, transpose_lhs_hint = false} : vector<1000x64xf32>, vector<64x64xf32>, vector<1000x64xf32> -> vector<1000x64xf32>
    %add3A_31 = vector.broadcast %get3A_29 : vector<1x64xf32> to vector<1000x64xf32>
    %add3A_32 = arith.addf %dot_general3A_30, %add3A_31 : vector<1000x64xf32>
    %max3A_33 = arith.constant 0.000000e+00 : f32
    %max3A_34 = vector.broadcast %max3A_33 : f32 to vector<1000x64xf32>
    %max3A_35 = arith.maximumf %add3A_32, %max3A_34 : vector<1000x64xf32>
    %slice3A_36 = vector.extract_strided_slice %max3A_23 {offsets = [0, 64], sizes = [1000, 64], strides = [1, 1]} : vector<1000x128xf32> to vector<1000x64xf32>
    %dot_general3A_37 = arith.constant dense<0.000000e+00> : vector<1000x64xf32>
    %dot_general3A_38 = tpu.matmul %slice3A_36, %get3A_26, %dot_general3A_37 {dimension_numbers = #tpu.dot_dimension_numbers<[1], [0], [0], [1], [0, 0, 1, 1], [], []>, transpose_lhs_hint = false} : vector<1000x64xf32>, vector<64x64xf32>, vector<1000x64xf32> -> vector<1000x64xf32>
    %add3A_39 = vector.broadcast %get3A_29 : vector<1x64xf32> to vector<1000x64xf32>
    %add3A_40 = arith.addf %dot_general3A_38, %add3A_39 : vector<1000x64xf32>
    %max3A_41 = arith.constant 0.000000e+00 : f32
    %max3A_42 = vector.broadcast %max3A_41 : f32 to vector<1000x64xf32>
    %max3A_43 = arith.maximumf %add3A_40, %max3A_42 : vector<1000x64xf32>
    %concatenate3A = tpu.concatenate %max3A_35, %max3A_43 in 1 : vector<1000x64xf32>, vector<1000x64xf32> -> vector<1000x128xf32>
    %swap3A = arith.constant 0 : index
    %swap3A_44 = arith.constant 0 : index
    %swap3A_45 = vector.load %arg10[%swap3A, %swap3A_44] : memref<1000x128xf32, #tpu.memory_space<vmem>>, vector<1000x128xf32>
    tpu.vector_store %arg10[%swap3A, %swap3A_44], %concatenate3A {strides = array<i32>} : memref<1000x128xf32, #tpu.memory_space<vmem>>, vector<1000x128xf32>,
    %get3A_46 = arith.constant 0 : index
    %get3A_47 = arith.constant 0 : index
    %get3A_48 = vector.load %arg6[%get3A_46, %get3A_47] : memref<64x64xf32, #tpu.memory_space<vmem>>, vector<64x64xf32>
    %dot_general3A_49 = arith.constant dense<0.000000e+00> : vector<1000x64xf32>
    %dot_general3A_50 = tpu.matmul %max3A_35, %get3A_48, %dot_general3A_49 {dimension_numbers = #tpu.dot_dimension_numbers<[1], [0], [0], [1], [0, 0, 1, 1], [], []>, transpose_lhs_hint = false} : vector<1000x64xf32>, vector<64x64xf32>, vector<1000x64xf32> -> vector<1000x64xf32>
    %dot_general3A_51 = arith.constant dense<0.000000e+00> : vector<1000x64xf32>
    %dot_general3A_52 = tpu.matmul %max3A_43, %get3A_48, %dot_general3A_51 {dimension_numbers = #tpu.dot_dimension_numbers<[1], [0], [0], [1], [0, 0, 1, 1], [], []>, transpose_lhs_hint = false} : vector<1000x64xf32>, vector<64x64xf32>, vector<1000x64xf32> -> vector<1000x64xf32>
    %concatenate3A_53 = tpu.concatenate %dot_general3A_50, %dot_general3A_52 in 1 : vector<1000x64xf32>, vector<1000x64xf32> -> vector<1000x128xf32>
    %swap3A_54 = arith.constant 0 : index
    %swap3A_55 = arith.constant 0 : index
    %swap3A_56 = vector.load %arg9[%swap3A_54, %swap3A_55] : memref<1000x128xf32, #tpu.memory_space<vmem>>, vector<1000x128xf32>
    tpu.vector_store %arg9[%swap3A_54, %swap3A_55], %concatenate3A_53 {strides = array<i32>} : memref<1000x128xf32, #tpu.memory_space<vmem>>, vector<1000x128xf32>,
    %get3A_57 = arith.constant 0 : index
    %get3A_58 = arith.constant 0 : index
    %get3A_59 = vector.load %arg7[%get3A_57, %get3A_58] : memref<1000x1xi32, #tpu.memory_space<vmem>>, vector<1000x1xi32>
    %get3A_60 = arith.constant 0 : index
    %get3A_61 = arith.constant 0 : index
    %get3A_62 = vector.load %arg8[%get3A_60, %get3A_61] : memref<1000x1xi32, #tpu.memory_space<vmem>>, vector<1000x1xi32>
    %iota3A = tpu.iota {dimensions = array<i32: 1>} : vector<1000x64xi32>
    %eq3A_63 = vector.broadcast %get3A_59 : vector<1000x1xi32> to vector<1000x64xi32>
    %eq3A_64 = arith.cmpi eq, %eq3A_63, %iota3A : vector<1000x64xi32>
    %convert_element_type3A_65 = arith.extui %eq3A_64 : vector<1000x64xi1> to vector<1000x64xi32>
    %convert_element_type3A_66 = arith.sitofp %convert_element_type3A_65 : vector<1000x64xi32> to vector<1000x64xf32>
    %eq3A_67 = vector.broadcast %get3A_62 : vector<1000x1xi32> to vector<1000x64xi32>
    %eq3A_68 = arith.cmpi eq, %eq3A_67, %iota3A : vector<1000x64xi32>
    %convert_element_type3A_69 = arith.extui %eq3A_68 : vector<1000x64xi1> to vector<1000x64xi32>
    %convert_element_type3A_70 = arith.sitofp %convert_element_type3A_69 : vector<1000x64xi32> to vector<1000x64xf32>
    %get3A_71 = arith.constant 0 : index
    %get3A_72 = arith.constant 0 : index
    %get3A_73 = vector.load %arg11[%get3A_71, %get3A_72] : memref<64x64xf32, #tpu.memory_space<vmem>>, vector<64x64xf32>
    %dot_general3A_74 = arith.constant dense<0.000000e+00> : vector<64x64xf32>
    %dot_general3A_75 = tpu.matmul %convert_element_type3A_66, %max3A_35, %dot_general3A_74 {dimension_numbers = #tpu.dot_dimension_numbers<[0], [0], [1], [1], [0, 1, 1, 1], [], []>, transpose_lhs_hint = false} : vector<1000x64xf32>, vector<1000x64xf32>, vector<64x64xf32> -> vector<64x64xf32>
    %dot_general3A_76 = arith.constant dense<0.000000e+00> : vector<64x64xf32>
    %dot_general3A_77 = tpu.matmul %convert_element_type3A_70, %max3A_43, %dot_general3A_76 {dimension_numbers = #tpu.dot_dimension_numbers<[0], [0], [1], [1], [0, 1, 1, 1], [], []>, transpose_lhs_hint = false} : vector<1000x64xf32>, vector<1000x64xf32>, vector<64x64xf32> -> vector<64x64xf32>
    %add3A_78 = arith.addf %dot_general3A_75, %dot_general3A_77 : vector<64x64xf32>
    %add3A_79 = arith.addf %get3A_73, %add3A_78 : vector<64x64xf32>
    %swap3A_80 = arith.constant 0 : index
    %swap3A_81 = arith.constant 0 : index
    %swap3A_82 = vector.load %arg11[%swap3A_80, %swap3A_81] : memref<64x64xf32, #tpu.memory_space<vmem>>, vector<64x64xf32>
    tpu.vector_store %arg11[%swap3A_80, %swap3A_81], %add3A_79 {strides = array<i32>} : memref<64x64xf32, #tpu.memory_space<vmem>>, vector<64x64xf32>,
    %broadcast_in_dim3A = arith.constant 1.000000e+00 : f32
    %broadcast_in_dim3A_83 = vector.broadcast %broadcast_in_dim3A : f32 to vector<1000x8xf32>
    %get3A_84 = arith.constant 0 : index
    %get3A_85 = arith.constant 0 : index
    %get3A_86 = vector.load %arg12[%get3A_84, %get3A_85] : memref<64x8xf32, #tpu.memory_space<vmem>>, vector<64x8xf32>
    %dot_general3A_87 = arith.constant dense<0.000000e+00> : vector<64x8xf32>
    %dot_general3A_88 = tpu.matmul %convert_element_type3A_66, %broadcast_in_dim3A_83, %dot_general3A_87 {dimension_numbers = #tpu.dot_dimension_numbers<[0], [0], [1], [1], [0, 1, 1, 1], [], []>, transpose_lhs_hint = false} : vector<1000x64xf32>, vector<1000x8xf32>, vector<64x8xf32> -> vector<64x8xf32>
    %dot_general3A_89 = arith.constant dense<0.000000e+00> : vector<64x8xf32>
    %dot_general3A_90 = tpu.matmul %convert_element_type3A_70, %broadcast_in_dim3A_83, %dot_general3A_89 {dimension_numbers = #tpu.dot_dimension_numbers<[0], [0], [1], [1], [0, 1, 1, 1], [], []>, transpose_lhs_hint = false} : vector<1000x64xf32>, vector<1000x8xf32>, vector<64x8xf32> -> vector<64x8xf32>
    %add3A_91 = arith.addf %dot_general3A_88, %dot_general3A_90 : vector<64x8xf32>
    %add3A_92 = arith.addf %get3A_86, %add3A_91 : vector<64x8xf32>
    %swap3A_93 = arith.constant 0 : index
    %swap3A_94 = arith.constant 0 : index
    %swap3A_95 = vector.load %arg12[%swap3A_93, %swap3A_94] : memref<64x8xf32, #tpu.memory_space<vmem>>, vector<64x8xf32>
    tpu.vector_store %arg12[%swap3A_93, %swap3A_94], %add3A_92 {strides = array<i32>} : memref<64x8xf32, #tpu.memory_space<vmem>>, vector<64x8xf32>,
    return
  }
  func.func @transform_0(%arg0: i32) -> (i32, i32) {
    %c0_i32 = arith.constant 0 : i32
    %c0_i32_0 = arith.constant 0 : i32
    return %arg0, %c0_i32 : i32, i32
  }
  func.func @transform_1(%arg0: i32) -> (i32, i32, i32) {
    %c0_i32 = arith.constant 0 : i32
    %c0_i32_0 = arith.constant 0 : i32
    %c0_i32_1 = arith.constant 0 : i32
    return %c0_i32, %arg0, %c0_i32_0 : i32, i32, i32
  }
  func.func @transform_2(%arg0: i32) -> (i32, i32) {
    %c0_i32 = arith.constant 0 : i32
    %c0_i32_0 = arith.constant 0 : i32
    %c0_i32_1 = arith.constant 0 : i32
    return %c0_i32, %c0_i32_0 : i32, i32
  }
  func.func @transform_3(%arg0: i32) -> (i32, i32) {
    %c0_i32 = arith.constant 0 : i32
    %c0_i32_0 = arith.constant 0 : i32
    %c0_i32_1 = arith.constant 0 : i32
    return %c0_i32, %c0_i32_0 : i32, i32
  }
  func.func @transform_4(%arg0: i32) -> (i32, i32) {
    %c0_i32 = arith.constant 0 : i32
    %c0_i32_0 = arith.constant 0 : i32
    %c0_i32_1 = arith.constant 0 : i32
    return %c0_i32, %c0_i32_0 : i32, i32
  }
  func.func @transform_5(%arg0: i32) -> (i32, i32) {
    %c0_i32 = arith.constant 0 : i32
    %c0_i32_0 = arith.constant 0 : i32
    %c0_i32_1 = arith.constant 0 : i32
    return %c0_i32, %c0_i32_0 : i32, i32
  }
  func.func @transform_6(%arg0: i32) -> (i32, i32) {
    %c0_i32 = arith.constant 0 : i32
    %c0_i32_0 = arith.constant 0 : i32
    return %arg0, %c0_i32 : i32, i32
  }
  func.func @transform_7(%arg0: i32) -> (i32, i32) {
    %add3A = arith.constant 5 : i32
    %add3A_0 = arith.addi %arg0, %add3A : i32
    %c0_i32 = arith.constant 0 : i32
    %c0_i32_1 = arith.constant 0 : i32
    return %add3A_0, %c0_i32 : i32, i32
  }
  func.func @transform_8(%arg0: i32) -> (i32, i32) {
    %c0_i32 = arith.constant 0 : i32
    %c0_i32_0 = arith.constant 0 : i32
    return %arg0, %c0_i32 : i32, i32
  }
  func.func @transform_9(%arg0: i32) -> (i32, i32) {
    %c0_i32 = arith.constant 0 : i32
    %c0_i32_0 = arith.constant 0 : i32
    return %arg0, %c0_i32 : i32, i32
  }
  func.func @transform_10(%arg0: i32) -> (i32, i32) {
    %c0_i32 = arith.constant 0 : i32
    %c0_i32_0 = arith.constant 0 : i32
    %c0_i32_1 = arith.constant 0 : i32
    return %c0_i32, %c0_i32_0 : i32, i32
  }
  func.func @transform_11(%arg0: i32) -> (i32, i32) {
    %c0_i32 = arith.constant 0 : i32
    %c0_i32_0 = arith.constant 0 : i32
    %c0_i32_1 = arith.constant 0 : i32
    return %c0_i32, %c0_i32_0 : i32, i32
  }
}

module attributes {stable_mosaic.version = 14 : i64} {
  func.func @_maxpool_body(%arg0: i32, %arg1: memref<1000x128xf32, #tpu.memory_space<vmem>>, %arg2: memref<1000x1xi32, #tpu.memory_space<vmem>>, %arg3: memref<1000x1xi32, #tpu.memory_space<vmem>>, %arg4: memref<64x64xf32, #tpu.memory_space<vmem>>) attributes {dimension_semantics = [#tpu.dimension_semantics<arbitrary>], iteration_bounds = array<i64: 5>, scalar_prefetch = 0 : i64, scratch_operands = 0 : i64, tpu.core_type = #tpu.core_type<tc>, window_params = [{transform_indices = @transform_0, window_bounds = array<i64: 1000, 128>}, {transform_indices = @transform_1, window_bounds = array<i64: 1000, 1>}, {transform_indices = @transform_2, window_bounds = array<i64: 1000, 1>}, {pipeline_mode = #tpu.pipeline_mode<synchronous>, transform_indices = @transform_3, window_bounds = array<i64: 64, 64>}]} {
    %eq3A = arith.constant 0 : i32
    %eq3A_0 = arith.cmpi eq, %arg0, %eq3A : i32
    %convert_element_type3A = arith.extui %eq3A_0 : i1 to i32
    %cond3A = arith.constant 0 : i32
    %cond3A_1 = arith.cmpi ne, %convert_element_type3A, %cond3A : i32
    scf.if %cond3A_1 {
      %broadcast_in_dim3A = arith.constant 0xFF800000 : f32
      %broadcast_in_dim3A_38 = vector.broadcast %broadcast_in_dim3A : f32 to vector<64x64xf32>
      %swap3A = arith.constant 0 : index
      %swap3A_39 = arith.constant 0 : index
      %swap3A_40 = vector.load %arg4[%swap3A, %swap3A_39] : memref<64x64xf32, #tpu.memory_space<vmem>>, vector<64x64xf32>
      tpu.vector_store %arg4[%swap3A, %swap3A_39], %broadcast_in_dim3A_38 {strides = array<i32>} : memref<64x64xf32, #tpu.memory_space<vmem>>, vector<64x64xf32>,
    } else {
    }
    %get3A = arith.constant 0 : index
    %get3A_2 = arith.constant 0 : index
    %get3A_3 = vector.load %arg1[%get3A, %get3A_2] : memref<1000x128xf32, #tpu.memory_space<vmem>>, vector<1000x128xf32>
    %slice3A = vector.extract_strided_slice %get3A_3 {offsets = [0, 0], sizes = [1000, 64], strides = [1, 1]} : vector<1000x128xf32> to vector<1000x64xf32>
    %slice3A_4 = vector.extract_strided_slice %get3A_3 {offsets = [0, 64], sizes = [1000, 64], strides = [1, 1]} : vector<1000x128xf32> to vector<1000x64xf32>
    %get3A_5 = arith.constant 0 : index
    %get3A_6 = arith.constant 0 : index
    %get3A_7 = vector.load %arg2[%get3A_5, %get3A_6] : memref<1000x1xi32, #tpu.memory_space<vmem>>, vector<1000x1xi32>
    %get3A_8 = arith.constant 0 : index
    %get3A_9 = arith.constant 0 : index
    %get3A_10 = vector.load %arg3[%get3A_8, %get3A_9] : memref<1000x1xi32, #tpu.memory_space<vmem>>, vector<1000x1xi32>
    %iota3A = tpu.iota {dimensions = array<i32: 0>} : vector<64x1xi32>
    %slice3A_11 = vector.extract_strided_slice %get3A_7 {offsets = [0, 0], sizes = [1, 1], strides = [1, 1]} : vector<1000x1xi32> to vector<1x1xi32>
    %squeeze3A = vector.extract %slice3A_11[0, 0] : i32 from vector<1x1xi32>
    %slice3A_12 = vector.extract_strided_slice %get3A_7 {offsets = [999, 0], sizes = [1, 1], strides = [1, 1]} : vector<1000x1xi32> to vector<1x1xi32>
    %squeeze3A_13 = vector.extract %slice3A_12[0, 0] : i32 from vector<1x1xi32>
    %add3A = arith.constant 1 : i32
    %add3A_14 = arith.addi %squeeze3A_13, %add3A : i32
    %while3A = arith.constant 0 : i32
    %while3A_15 = arith.subi %add3A_14, %squeeze3A : i32
    %while3A_16 = arith.addi %squeeze3A, %while3A_15 : i32
    %while3A_17 = arith.constant 1 : i32
    %while3A_18 = arith.divsi %while3A_15, %while3A_17 : i32
    %while3A_19 = arith.muli %while3A_18, %while3A_17 : i32
    %while3A_20 = arith.addi %squeeze3A, %while3A_19 : i32
    %while3A_21 = arith.constant 1 : i32
    scf.for %while3A_38 = %squeeze3A to %while3A_20 step %while3A_21  : i32 {
      %eq3A_39 = vector.broadcast %while3A_38 : i32 to vector<1000x1xi32>
      %eq3A_40 = arith.cmpi eq, %get3A_7, %eq3A_39 : vector<1000x1xi32>
      %jit3A = arith.constant 0xFF800000 : f32
      %broadcast_in_dim3A = vector.shape_cast %eq3A_40 : vector<1000x1xi1> to vector<1000x1xi1>
      %broadcast_in_dim3A_41 = vector.broadcast %broadcast_in_dim3A : vector<1000x1xi1> to vector<1000x64xi1>
      %broadcast_in_dim3A_42 = vector.broadcast %jit3A : f32 to vector<1000x64xf32>
      %select_n3A = arith.select %broadcast_in_dim3A_41, %slice3A, %broadcast_in_dim3A_42 : vector<1000x64xi1>, vector<1000x64xf32>
      %reduce_max3A = arith.constant dense<0xFF800000> : vector<64xf32>
      %reduce_max3A_43 = vector.multi_reduction <maximumf>, %select_n3A, %reduce_max3A [0] : vector<1000x64xf32> to vector<64xf32>
      %broadcast_in_dim3A_44 = vector.shape_cast %reduce_max3A_43 : vector<64xf32> to vector<1x64xf32>
      %get3A_45 = arith.constant 0 : index
      %get3A_46 = arith.constant 0 : index
      %get3A_47 = vector.load %arg4[%get3A_45, %get3A_46] : memref<64x64xf32, #tpu.memory_space<vmem>>, vector<64x64xf32>
      %eq3A_48 = vector.broadcast %while3A_38 : i32 to vector<64x1xi32>
      %eq3A_49 = arith.cmpi eq, %iota3A, %eq3A_48 : vector<64x1xi32>
      %jit3A_50 = arith.constant 0xFF800000 : f32
      %broadcast_in_dim3A_51 = vector.shape_cast %eq3A_49 : vector<64x1xi1> to vector<64x1xi1>
      %broadcast_in_dim3A_52 = vector.broadcast %broadcast_in_dim3A_51 : vector<64x1xi1> to vector<64x64xi1>
      %broadcast_in_dim3A_53 = vector.shape_cast %broadcast_in_dim3A_44 : vector<1x64xf32> to vector<1x64xf32>
      %broadcast_in_dim3A_54 = vector.broadcast %broadcast_in_dim3A_53 : vector<1x64xf32> to vector<64x64xf32>
      %broadcast_in_dim3A_55 = vector.broadcast %jit3A_50 : f32 to vector<64x64xf32>
      %select_n3A_56 = arith.select %broadcast_in_dim3A_52, %broadcast_in_dim3A_54, %broadcast_in_dim3A_55 : vector<64x64xi1>, vector<64x64xf32>
      %max3A = arith.maximumf %get3A_47, %select_n3A_56 : vector<64x64xf32>
      %swap3A = arith.constant 0 : index
      %swap3A_57 = arith.constant 0 : index
      %swap3A_58 = vector.load %arg4[%swap3A, %swap3A_57] : memref<64x64xf32, #tpu.memory_space<vmem>>, vector<64x64xf32>
      tpu.vector_store %arg4[%swap3A, %swap3A_57], %max3A {strides = array<i32>} : memref<64x64xf32, #tpu.memory_space<vmem>>, vector<64x64xf32>,
    }
    %while3A_22 = arith.constant 1 : i32
    scf.for %while3A_38 = %while3A_20 to %while3A_16 step %while3A_22  : i32 {
      %eq3A_39 = vector.broadcast %while3A_38 : i32 to vector<1000x1xi32>
      %eq3A_40 = arith.cmpi eq, %get3A_7, %eq3A_39 : vector<1000x1xi32>
      %jit3A = arith.constant 0xFF800000 : f32
      %broadcast_in_dim3A = vector.shape_cast %eq3A_40 : vector<1000x1xi1> to vector<1000x1xi1>
      %broadcast_in_dim3A_41 = vector.broadcast %broadcast_in_dim3A : vector<1000x1xi1> to vector<1000x64xi1>
      %broadcast_in_dim3A_42 = vector.broadcast %jit3A : f32 to vector<1000x64xf32>
      %select_n3A = arith.select %broadcast_in_dim3A_41, %slice3A, %broadcast_in_dim3A_42 : vector<1000x64xi1>, vector<1000x64xf32>
      %reduce_max3A = arith.constant dense<0xFF800000> : vector<64xf32>
      %reduce_max3A_43 = vector.multi_reduction <maximumf>, %select_n3A, %reduce_max3A [0] : vector<1000x64xf32> to vector<64xf32>
      %broadcast_in_dim3A_44 = vector.shape_cast %reduce_max3A_43 : vector<64xf32> to vector<1x64xf32>
      %get3A_45 = arith.constant 0 : index
      %get3A_46 = arith.constant 0 : index
      %get3A_47 = vector.load %arg4[%get3A_45, %get3A_46] : memref<64x64xf32, #tpu.memory_space<vmem>>, vector<64x64xf32>
      %eq3A_48 = vector.broadcast %while3A_38 : i32 to vector<64x1xi32>
      %eq3A_49 = arith.cmpi eq, %iota3A, %eq3A_48 : vector<64x1xi32>
      %jit3A_50 = arith.constant 0xFF800000 : f32
      %broadcast_in_dim3A_51 = vector.shape_cast %eq3A_49 : vector<64x1xi1> to vector<64x1xi1>
      %broadcast_in_dim3A_52 = vector.broadcast %broadcast_in_dim3A_51 : vector<64x1xi1> to vector<64x64xi1>
      %broadcast_in_dim3A_53 = vector.shape_cast %broadcast_in_dim3A_44 : vector<1x64xf32> to vector<1x64xf32>
      %broadcast_in_dim3A_54 = vector.broadcast %broadcast_in_dim3A_53 : vector<1x64xf32> to vector<64x64xf32>
      %broadcast_in_dim3A_55 = vector.broadcast %jit3A_50 : f32 to vector<64x64xf32>
      %select_n3A_56 = arith.select %broadcast_in_dim3A_52, %broadcast_in_dim3A_54, %broadcast_in_dim3A_55 : vector<64x64xi1>, vector<64x64xf32>
      %max3A = arith.maximumf %get3A_47, %select_n3A_56 : vector<64x64xf32>
      %swap3A = arith.constant 0 : index
      %swap3A_57 = arith.constant 0 : index
      %swap3A_58 = vector.load %arg4[%swap3A, %swap3A_57] : memref<64x64xf32, #tpu.memory_space<vmem>>, vector<64x64xf32>
      tpu.vector_store %arg4[%swap3A, %swap3A_57], %max3A {strides = array<i32>} : memref<64x64xf32, #tpu.memory_space<vmem>>, vector<64x64xf32>,
    }
    %slice3A_23 = vector.extract_strided_slice %get3A_10 {offsets = [0, 0], sizes = [1, 1], strides = [1, 1]} : vector<1000x1xi32> to vector<1x1xi32>
    %squeeze3A_24 = vector.extract %slice3A_23[0, 0] : i32 from vector<1x1xi32>
    %slice3A_25 = vector.extract_strided_slice %get3A_10 {offsets = [999, 0], sizes = [1, 1], strides = [1, 1]} : vector<1000x1xi32> to vector<1x1xi32>
    %squeeze3A_26 = vector.extract %slice3A_25[0, 0] : i32 from vector<1x1xi32>
    %add3A_27 = arith.constant 1 : i32
    %add3A_28 = arith.addi %squeeze3A_26, %add3A_27 : i32
    %while3A_29 = arith.constant 0 : i32
    %while3A_30 = arith.subi %add3A_28, %squeeze3A_24 : i32
    %while3A_31 = arith.addi %squeeze3A_24, %while3A_30 : i32
    %while3A_32 = arith.constant 1 : i32
    %while3A_33 = arith.divsi %while3A_30, %while3A_32 : i32
    %while3A_34 = arith.muli %while3A_33, %while3A_32 : i32
    %while3A_35 = arith.addi %squeeze3A_24, %while3A_34 : i32
    %while3A_36 = arith.constant 1 : i32
    scf.for %while3A_38 = %squeeze3A_24 to %while3A_35 step %while3A_36  : i32 {
      %eq3A_39 = vector.broadcast %while3A_38 : i32 to vector<1000x1xi32>
      %eq3A_40 = arith.cmpi eq, %get3A_10, %eq3A_39 : vector<1000x1xi32>
      %jit3A = arith.constant 0xFF800000 : f32
      %broadcast_in_dim3A = vector.shape_cast %eq3A_40 : vector<1000x1xi1> to vector<1000x1xi1>
      %broadcast_in_dim3A_41 = vector.broadcast %broadcast_in_dim3A : vector<1000x1xi1> to vector<1000x64xi1>
      %broadcast_in_dim3A_42 = vector.broadcast %jit3A : f32 to vector<1000x64xf32>
      %select_n3A = arith.select %broadcast_in_dim3A_41, %slice3A_4, %broadcast_in_dim3A_42 : vector<1000x64xi1>, vector<1000x64xf32>
      %reduce_max3A = arith.constant dense<0xFF800000> : vector<64xf32>
      %reduce_max3A_43 = vector.multi_reduction <maximumf>, %select_n3A, %reduce_max3A [0] : vector<1000x64xf32> to vector<64xf32>
      %broadcast_in_dim3A_44 = vector.shape_cast %reduce_max3A_43 : vector<64xf32> to vector<1x64xf32>
      %get3A_45 = arith.constant 0 : index
      %get3A_46 = arith.constant 0 : index
      %get3A_47 = vector.load %arg4[%get3A_45, %get3A_46] : memref<64x64xf32, #tpu.memory_space<vmem>>, vector<64x64xf32>
      %eq3A_48 = vector.broadcast %while3A_38 : i32 to vector<64x1xi32>
      %eq3A_49 = arith.cmpi eq, %iota3A, %eq3A_48 : vector<64x1xi32>
      %jit3A_50 = arith.constant 0xFF800000 : f32
      %broadcast_in_dim3A_51 = vector.shape_cast %eq3A_49 : vector<64x1xi1> to vector<64x1xi1>
      %broadcast_in_dim3A_52 = vector.broadcast %broadcast_in_dim3A_51 : vector<64x1xi1> to vector<64x64xi1>
      %broadcast_in_dim3A_53 = vector.shape_cast %broadcast_in_dim3A_44 : vector<1x64xf32> to vector<1x64xf32>
      %broadcast_in_dim3A_54 = vector.broadcast %broadcast_in_dim3A_53 : vector<1x64xf32> to vector<64x64xf32>
      %broadcast_in_dim3A_55 = vector.broadcast %jit3A_50 : f32 to vector<64x64xf32>
      %select_n3A_56 = arith.select %broadcast_in_dim3A_52, %broadcast_in_dim3A_54, %broadcast_in_dim3A_55 : vector<64x64xi1>, vector<64x64xf32>
      %max3A = arith.maximumf %get3A_47, %select_n3A_56 : vector<64x64xf32>
      %swap3A = arith.constant 0 : index
      %swap3A_57 = arith.constant 0 : index
      %swap3A_58 = vector.load %arg4[%swap3A, %swap3A_57] : memref<64x64xf32, #tpu.memory_space<vmem>>, vector<64x64xf32>
      tpu.vector_store %arg4[%swap3A, %swap3A_57], %max3A {strides = array<i32>} : memref<64x64xf32, #tpu.memory_space<vmem>>, vector<64x64xf32>,
    }
    %while3A_37 = arith.constant 1 : i32
    scf.for %while3A_38 = %while3A_35 to %while3A_31 step %while3A_37  : i32 {
      %eq3A_39 = vector.broadcast %while3A_38 : i32 to vector<1000x1xi32>
      %eq3A_40 = arith.cmpi eq, %get3A_10, %eq3A_39 : vector<1000x1xi32>
      %jit3A = arith.constant 0xFF800000 : f32
      %broadcast_in_dim3A = vector.shape_cast %eq3A_40 : vector<1000x1xi1> to vector<1000x1xi1>
      %broadcast_in_dim3A_41 = vector.broadcast %broadcast_in_dim3A : vector<1000x1xi1> to vector<1000x64xi1>
      %broadcast_in_dim3A_42 = vector.broadcast %jit3A : f32 to vector<1000x64xf32>
      %select_n3A = arith.select %broadcast_in_dim3A_41, %slice3A_4, %broadcast_in_dim3A_42 : vector<1000x64xi1>, vector<1000x64xf32>
      %reduce_max3A = arith.constant dense<0xFF800000> : vector<64xf32>
      %reduce_max3A_43 = vector.multi_reduction <maximumf>, %select_n3A, %reduce_max3A [0] : vector<1000x64xf32> to vector<64xf32>
      %broadcast_in_dim3A_44 = vector.shape_cast %reduce_max3A_43 : vector<64xf32> to vector<1x64xf32>
      %get3A_45 = arith.constant 0 : index
      %get3A_46 = arith.constant 0 : index
      %get3A_47 = vector.load %arg4[%get3A_45, %get3A_46] : memref<64x64xf32, #tpu.memory_space<vmem>>, vector<64x64xf32>
      %eq3A_48 = vector.broadcast %while3A_38 : i32 to vector<64x1xi32>
      %eq3A_49 = arith.cmpi eq, %iota3A, %eq3A_48 : vector<64x1xi32>
      %jit3A_50 = arith.constant 0xFF800000 : f32
      %broadcast_in_dim3A_51 = vector.shape_cast %eq3A_49 : vector<64x1xi1> to vector<64x1xi1>
      %broadcast_in_dim3A_52 = vector.broadcast %broadcast_in_dim3A_51 : vector<64x1xi1> to vector<64x64xi1>
      %broadcast_in_dim3A_53 = vector.shape_cast %broadcast_in_dim3A_44 : vector<1x64xf32> to vector<1x64xf32>
      %broadcast_in_dim3A_54 = vector.broadcast %broadcast_in_dim3A_53 : vector<1x64xf32> to vector<64x64xf32>
      %broadcast_in_dim3A_55 = vector.broadcast %jit3A_50 : f32 to vector<64x64xf32>
      %select_n3A_56 = arith.select %broadcast_in_dim3A_52, %broadcast_in_dim3A_54, %broadcast_in_dim3A_55 : vector<64x64xi1>, vector<64x64xf32>
      %max3A = arith.maximumf %get3A_47, %select_n3A_56 : vector<64x64xf32>
      %swap3A = arith.constant 0 : index
      %swap3A_57 = arith.constant 0 : index
      %swap3A_58 = vector.load %arg4[%swap3A, %swap3A_57] : memref<64x64xf32, #tpu.memory_space<vmem>>, vector<64x64xf32>
      tpu.vector_store %arg4[%swap3A, %swap3A_57], %max3A {strides = array<i32>} : memref<64x64xf32, #tpu.memory_space<vmem>>, vector<64x64xf32>,
    }
    return
  }
  func.func @transform_0(%arg0: i32) -> (i32, i32) {
    %c0_i32 = arith.constant 0 : i32
    %c0_i32_0 = arith.constant 0 : i32
    return %arg0, %c0_i32 : i32, i32
  }
  func.func @transform_1(%arg0: i32) -> (i32, i32) {
    %c0_i32 = arith.constant 0 : i32
    %c0_i32_0 = arith.constant 0 : i32
    return %arg0, %c0_i32 : i32, i32
  }
  func.func @transform_2(%arg0: i32) -> (i32, i32) {
    %add3A = arith.constant 5 : i32
    %add3A_0 = arith.addi %arg0, %add3A : i32
    %c0_i32 = arith.constant 0 : i32
    %c0_i32_1 = arith.constant 0 : i32
    return %add3A_0, %c0_i32 : i32, i32
  }
  func.func @transform_3(%arg0: i32) -> (i32, i32) {
    %c0_i32 = arith.constant 0 : i32
    %c0_i32_0 = arith.constant 0 : i32
    %c0_i32_1 = arith.constant 0 : i32
    return %c0_i32, %c0_i32_0 : i32, i32
  }
}

module attributes {stable_mosaic.version = 14 : i64} {
  func.func @_mlp_body(%arg0: i32, %arg1: memref<1000x128xf32, #tpu.memory_space<vmem>>, %arg2: memref<2x1000x128xf32, #tpu.memory_space<vmem>>, %arg3: memref<1x128xf32, #tpu.memory_space<vmem>>, %arg4: memref<64x64xf32, #tpu.memory_space<vmem>>, %arg5: memref<1x64xf32, #tpu.memory_space<vmem>>, %arg6: memref<64x64xf32, #tpu.memory_space<vmem>>, %arg7: memref<1000x1xi32, #tpu.memory_space<vmem>>, %arg8: memref<1000x1xi32, #tpu.memory_space<vmem>>, %arg9: memref<1000x128xf32, #tpu.memory_space<vmem>>, %arg10: memref<64x64xf32, #tpu.memory_space<vmem>>, %arg11: memref<64x8xf32, #tpu.memory_space<vmem>>) attributes {dimension_semantics = [#tpu.dimension_semantics<arbitrary>], iteration_bounds = array<i64: 5>, scalar_prefetch = 0 : i64, scratch_operands = 0 : i64, tpu.core_type = #tpu.core_type<tc>, window_params = [{transform_indices = @transform_0, window_bounds = array<i64: 1000, 128>}, {transform_indices = @transform_1, window_bounds = array<i64: 2, 1000, 128>}, {pipeline_mode = #tpu.pipeline_mode<synchronous>, transform_indices = @transform_2, window_bounds = array<i64: 1, 128>}, {pipeline_mode = #tpu.pipeline_mode<synchronous>, transform_indices = @transform_3, window_bounds = array<i64: 64, 64>}, {pipeline_mode = #tpu.pipeline_mode<synchronous>, transform_indices = @transform_4, window_bounds = array<i64: 1, 64>}, {pipeline_mode = #tpu.pipeline_mode<synchronous>, transform_indices = @transform_5, window_bounds = array<i64: 64, 64>}, {transform_indices = @transform_6, window_bounds = array<i64: 1000, 1>}, {transform_indices = @transform_7, window_bounds = array<i64: 1000, 1>}, {transform_indices = @transform_8, window_bounds = array<i64: 1000, 128>}, {pipeline_mode = #tpu.pipeline_mode<synchronous>, transform_indices = @transform_9, window_bounds = array<i64: 64, 64>}, {pipeline_mode = #tpu.pipeline_mode<synchronous>, transform_indices = @transform_10, window_bounds = array<i64: 64, 8>}]} {
    %eq3A = arith.constant 0 : i32
    %eq3A_0 = arith.cmpi eq, %arg0, %eq3A : i32
    %convert_element_type3A = arith.extui %eq3A_0 : i1 to i32
    %cond3A = arith.constant 0 : i32
    %cond3A_1 = arith.cmpi ne, %convert_element_type3A, %cond3A : i32
    scf.if %cond3A_1 {
      %broadcast_in_dim3A_85 = arith.constant 0.000000e+00 : f32
      %broadcast_in_dim3A_86 = vector.broadcast %broadcast_in_dim3A_85 : f32 to vector<64x64xf32>
      %swap3A_87 = arith.constant 0 : index
      %swap3A_88 = arith.constant 0 : index
      %swap3A_89 = vector.load %arg10[%swap3A_87, %swap3A_88] : memref<64x64xf32, #tpu.memory_space<vmem>>, vector<64x64xf32>
      tpu.vector_store %arg10[%swap3A_87, %swap3A_88], %broadcast_in_dim3A_86 {strides = array<i32>} : memref<64x64xf32, #tpu.memory_space<vmem>>, vector<64x64xf32>,
      %broadcast_in_dim3A_90 = arith.constant 0.000000e+00 : f32
      %broadcast_in_dim3A_91 = vector.broadcast %broadcast_in_dim3A_90 : f32 to vector<64x8xf32>
      %swap3A_92 = arith.constant 0 : index
      %swap3A_93 = arith.constant 0 : index
      %swap3A_94 = vector.load %arg11[%swap3A_92, %swap3A_93] : memref<64x8xf32, #tpu.memory_space<vmem>>, vector<64x8xf32>
      tpu.vector_store %arg11[%swap3A_92, %swap3A_93], %broadcast_in_dim3A_91 {strides = array<i32>} : memref<64x8xf32, #tpu.memory_space<vmem>>, vector<64x8xf32>,
    } else {
    }
    %get3A = arith.constant 0 : index
    %get3A_2 = arith.constant 0 : index
    %get3A_3 = vector.load %arg1[%get3A, %get3A_2] : memref<1000x128xf32, #tpu.memory_space<vmem>>, vector<1000x128xf32>
    %mul3A = arith.constant 2.000000e+00 : f32
    %mul3A_4 = vector.broadcast %mul3A : f32 to vector<1000x128xf32>
    %mul3A_5 = arith.mulf %mul3A_4, %get3A_3 : vector<1000x128xf32>
    %get3A_6 = arith.constant 0 : index
    %get3A_7 = arith.constant 0 : index
    %get3A_8 = arith.constant 0 : index
    %get3A_9 = vector.load %arg2[%get3A_6, %get3A_7, %get3A_8] : memref<2x1000x128xf32, #tpu.memory_space<vmem>>, vector<1x1000x128xf32>
    %get3A_10 = vector.shape_cast %get3A_9 : vector<1x1000x128xf32> to vector<1000x128xf32>
    %add3A = arith.addf %mul3A_5, %get3A_10 : vector<1000x128xf32>
    %get3A_11 = arith.constant 1 : index
    %get3A_12 = arith.constant 0 : index
    %get3A_13 = arith.constant 0 : index
    %get3A_14 = vector.load %arg2[%get3A_11, %get3A_12, %get3A_13] : memref<2x1000x128xf32, #tpu.memory_space<vmem>>, vector<1x1000x128xf32>
    %get3A_15 = vector.shape_cast %get3A_14 : vector<1x1000x128xf32> to vector<1000x128xf32>
    %add3A_16 = arith.addf %add3A, %get3A_15 : vector<1000x128xf32>
    %get3A_17 = arith.constant 0 : index
    %get3A_18 = arith.constant 0 : index
    %get3A_19 = vector.load %arg3[%get3A_17, %get3A_18] : memref<1x128xf32, #tpu.memory_space<vmem>>, vector<1x128xf32>
    %add3A_20 = vector.broadcast %get3A_19 : vector<1x128xf32> to vector<1000x128xf32>
    %add3A_21 = arith.addf %add3A_16, %add3A_20 : vector<1000x128xf32>
    %max3A = arith.constant 0.000000e+00 : f32
    %max3A_22 = vector.broadcast %max3A : f32 to vector<1000x128xf32>
    %max3A_23 = arith.maximumf %add3A_21, %max3A_22 : vector<1000x128xf32>
    %get3A_24 = arith.constant 0 : index
    %get3A_25 = arith.constant 0 : index
    %get3A_26 = vector.load %arg4[%get3A_24, %get3A_25] : memref<64x64xf32, #tpu.memory_space<vmem>>, vector<64x64xf32>
    %get3A_27 = arith.constant 0 : index
    %get3A_28 = arith.constant 0 : index
    %get3A_29 = vector.load %arg5[%get3A_27, %get3A_28] : memref<1x64xf32, #tpu.memory_space<vmem>>, vector<1x64xf32>
    %slice3A = vector.extract_strided_slice %max3A_23 {offsets = [0, 0], sizes = [1000, 64], strides = [1, 1]} : vector<1000x128xf32> to vector<1000x64xf32>
    %dot_general3A = arith.constant dense<0.000000e+00> : vector<1000x64xf32>
    %dot_general3A_30 = tpu.matmul %slice3A, %get3A_26, %dot_general3A {dimension_numbers = #tpu.dot_dimension_numbers<[1], [0], [0], [1], [0, 0, 1, 1], [], []>, transpose_lhs_hint = false} : vector<1000x64xf32>, vector<64x64xf32>, vector<1000x64xf32> -> vector<1000x64xf32>
    %add3A_31 = vector.broadcast %get3A_29 : vector<1x64xf32> to vector<1000x64xf32>
    %add3A_32 = arith.addf %dot_general3A_30, %add3A_31 : vector<1000x64xf32>
    %max3A_33 = arith.constant 0.000000e+00 : f32
    %max3A_34 = vector.broadcast %max3A_33 : f32 to vector<1000x64xf32>
    %max3A_35 = arith.maximumf %add3A_32, %max3A_34 : vector<1000x64xf32>
    %slice3A_36 = vector.extract_strided_slice %max3A_23 {offsets = [0, 64], sizes = [1000, 64], strides = [1, 1]} : vector<1000x128xf32> to vector<1000x64xf32>
    %dot_general3A_37 = arith.constant dense<0.000000e+00> : vector<1000x64xf32>
    %dot_general3A_38 = tpu.matmul %slice3A_36, %get3A_26, %dot_general3A_37 {dimension_numbers = #tpu.dot_dimension_numbers<[1], [0], [0], [1], [0, 0, 1, 1], [], []>, transpose_lhs_hint = false} : vector<1000x64xf32>, vector<64x64xf32>, vector<1000x64xf32> -> vector<1000x64xf32>
    %add3A_39 = vector.broadcast %get3A_29 : vector<1x64xf32> to vector<1000x64xf32>
    %add3A_40 = arith.addf %dot_general3A_38, %add3A_39 : vector<1000x64xf32>
    %max3A_41 = arith.constant 0.000000e+00 : f32
    %max3A_42 = vector.broadcast %max3A_41 : f32 to vector<1000x64xf32>
    %max3A_43 = arith.maximumf %add3A_40, %max3A_42 : vector<1000x64xf32>
    %concatenate3A = tpu.concatenate %max3A_35, %max3A_43 in 1 : vector<1000x64xf32>, vector<1000x64xf32> -> vector<1000x128xf32>
    %swap3A = arith.constant 0 : index
    %swap3A_44 = arith.constant 0 : index
    %swap3A_45 = vector.load %arg9[%swap3A, %swap3A_44] : memref<1000x128xf32, #tpu.memory_space<vmem>>, vector<1000x128xf32>
    tpu.vector_store %arg9[%swap3A, %swap3A_44], %concatenate3A {strides = array<i32>} : memref<1000x128xf32, #tpu.memory_space<vmem>>, vector<1000x128xf32>,
    %get3A_46 = arith.constant 0 : index
    %get3A_47 = arith.constant 0 : index
    %get3A_48 = vector.load %arg7[%get3A_46, %get3A_47] : memref<1000x1xi32, #tpu.memory_space<vmem>>, vector<1000x1xi32>
    %get3A_49 = arith.constant 0 : index
    %get3A_50 = arith.constant 0 : index
    %get3A_51 = vector.load %arg8[%get3A_49, %get3A_50] : memref<1000x1xi32, #tpu.memory_space<vmem>>, vector<1000x1xi32>
    %iota3A = tpu.iota {dimensions = array<i32: 1>} : vector<1000x64xi32>
    %eq3A_52 = vector.broadcast %get3A_48 : vector<1000x1xi32> to vector<1000x64xi32>
    %eq3A_53 = arith.cmpi eq, %eq3A_52, %iota3A : vector<1000x64xi32>
    %convert_element_type3A_54 = arith.extui %eq3A_53 : vector<1000x64xi1> to vector<1000x64xi32>
    %convert_element_type3A_55 = arith.sitofp %convert_element_type3A_54 : vector<1000x64xi32> to vector<1000x64xf32>
    %eq3A_56 = vector.broadcast %get3A_51 : vector<1000x1xi32> to vector<1000x64xi32>
    %eq3A_57 = arith.cmpi eq, %eq3A_56, %iota3A : vector<1000x64xi32>
    %convert_element_type3A_58 = arith.extui %eq3A_57 : vector<1000x64xi1> to vector<1000x64xi32>
    %convert_element_type3A_59 = arith.sitofp %convert_element_type3A_58 : vector<1000x64xi32> to vector<1000x64xf32>
    %get3A_60 = arith.constant 0 : index
    %get3A_61 = arith.constant 0 : index
    %get3A_62 = vector.load %arg10[%get3A_60, %get3A_61] : memref<64x64xf32, #tpu.memory_space<vmem>>, vector<64x64xf32>
    %dot_general3A_63 = arith.constant dense<0.000000e+00> : vector<64x64xf32>
    %dot_general3A_64 = tpu.matmul %convert_element_type3A_55, %max3A_35, %dot_general3A_63 {dimension_numbers = #tpu.dot_dimension_numbers<[0], [0], [1], [1], [0, 1, 1, 1], [], []>, transpose_lhs_hint = false} : vector<1000x64xf32>, vector<1000x64xf32>, vector<64x64xf32> -> vector<64x64xf32>
    %dot_general3A_65 = arith.constant dense<0.000000e+00> : vector<64x64xf32>
    %dot_general3A_66 = tpu.matmul %convert_element_type3A_59, %max3A_43, %dot_general3A_65 {dimension_numbers = #tpu.dot_dimension_numbers<[0], [0], [1], [1], [0, 1, 1, 1], [], []>, transpose_lhs_hint = false} : vector<1000x64xf32>, vector<1000x64xf32>, vector<64x64xf32> -> vector<64x64xf32>
    %add3A_67 = arith.addf %dot_general3A_64, %dot_general3A_66 : vector<64x64xf32>
    %add3A_68 = arith.addf %get3A_62, %add3A_67 : vector<64x64xf32>
    %swap3A_69 = arith.constant 0 : index
    %swap3A_70 = arith.constant 0 : index
    %swap3A_71 = vector.load %arg10[%swap3A_69, %swap3A_70] : memref<64x64xf32, #tpu.memory_space<vmem>>, vector<64x64xf32>
    tpu.vector_store %arg10[%swap3A_69, %swap3A_70], %add3A_68 {strides = array<i32>} : memref<64x64xf32, #tpu.memory_space<vmem>>, vector<64x64xf32>,
    %broadcast_in_dim3A = arith.constant 1.000000e+00 : f32
    %broadcast_in_dim3A_72 = vector.broadcast %broadcast_in_dim3A : f32 to vector<1000x8xf32>
    %get3A_73 = arith.constant 0 : index
    %get3A_74 = arith.constant 0 : index
    %get3A_75 = vector.load %arg11[%get3A_73, %get3A_74] : memref<64x8xf32, #tpu.memory_space<vmem>>, vector<64x8xf32>
    %dot_general3A_76 = arith.constant dense<0.000000e+00> : vector<64x8xf32>
    %dot_general3A_77 = tpu.matmul %convert_element_type3A_55, %broadcast_in_dim3A_72, %dot_general3A_76 {dimension_numbers = #tpu.dot_dimension_numbers<[0], [0], [1], [1], [0, 1, 1, 1], [], []>, transpose_lhs_hint = false} : vector<1000x64xf32>, vector<1000x8xf32>, vector<64x8xf32> -> vector<64x8xf32>
    %dot_general3A_78 = arith.constant dense<0.000000e+00> : vector<64x8xf32>
    %dot_general3A_79 = tpu.matmul %convert_element_type3A_59, %broadcast_in_dim3A_72, %dot_general3A_78 {dimension_numbers = #tpu.dot_dimension_numbers<[0], [0], [1], [1], [0, 1, 1, 1], [], []>, transpose_lhs_hint = false} : vector<1000x64xf32>, vector<1000x8xf32>, vector<64x8xf32> -> vector<64x8xf32>
    %add3A_80 = arith.addf %dot_general3A_77, %dot_general3A_79 : vector<64x8xf32>
    %add3A_81 = arith.addf %get3A_75, %add3A_80 : vector<64x8xf32>
    %swap3A_82 = arith.constant 0 : index
    %swap3A_83 = arith.constant 0 : index
    %swap3A_84 = vector.load %arg11[%swap3A_82, %swap3A_83] : memref<64x8xf32, #tpu.memory_space<vmem>>, vector<64x8xf32>
    tpu.vector_store %arg11[%swap3A_82, %swap3A_83], %add3A_81 {strides = array<i32>} : memref<64x8xf32, #tpu.memory_space<vmem>>, vector<64x8xf32>,
    return
  }
  func.func @transform_0(%arg0: i32) -> (i32, i32) {
    %c0_i32 = arith.constant 0 : i32
    %c0_i32_0 = arith.constant 0 : i32
    return %arg0, %c0_i32 : i32, i32
  }
  func.func @transform_1(%arg0: i32) -> (i32, i32, i32) {
    %c0_i32 = arith.constant 0 : i32
    %c0_i32_0 = arith.constant 0 : i32
    %c0_i32_1 = arith.constant 0 : i32
    return %c0_i32, %arg0, %c0_i32_0 : i32, i32, i32
  }
  func.func @transform_2(%arg0: i32) -> (i32, i32) {
    %c0_i32 = arith.constant 0 : i32
    %c0_i32_0 = arith.constant 0 : i32
    %c0_i32_1 = arith.constant 0 : i32
    return %c0_i32, %c0_i32_0 : i32, i32
  }
  func.func @transform_3(%arg0: i32) -> (i32, i32) {
    %c0_i32 = arith.constant 0 : i32
    %c0_i32_0 = arith.constant 0 : i32
    %c0_i32_1 = arith.constant 0 : i32
    return %c0_i32, %c0_i32_0 : i32, i32
  }
  func.func @transform_4(%arg0: i32) -> (i32, i32) {
    %c0_i32 = arith.constant 0 : i32
    %c0_i32_0 = arith.constant 0 : i32
    %c0_i32_1 = arith.constant 0 : i32
    return %c0_i32, %c0_i32_0 : i32, i32
  }
  func.func @transform_5(%arg0: i32) -> (i32, i32) {
    %c0_i32 = arith.constant 0 : i32
    %c0_i32_0 = arith.constant 0 : i32
    %c0_i32_1 = arith.constant 0 : i32
    return %c0_i32, %c0_i32_0 : i32, i32
  }
  func.func @transform_6(%arg0: i32) -> (i32, i32) {
    %c0_i32 = arith.constant 0 : i32
    %c0_i32_0 = arith.constant 0 : i32
    return %arg0, %c0_i32 : i32, i32
  }
  func.func @transform_7(%arg0: i32) -> (i32, i32) {
    %add3A = arith.constant 5 : i32
    %add3A_0 = arith.addi %arg0, %add3A : i32
    %c0_i32 = arith.constant 0 : i32
    %c0_i32_1 = arith.constant 0 : i32
    return %add3A_0, %c0_i32 : i32, i32
  }
  func.func @transform_8(%arg0: i32) -> (i32, i32) {
    %c0_i32 = arith.constant 0 : i32
    %c0_i32_0 = arith.constant 0 : i32
    return %arg0, %c0_i32 : i32, i32
  }
  func.func @transform_9(%arg0: i32) -> (i32, i32) {
    %c0_i32 = arith.constant 0 : i32
    %c0_i32_0 = arith.constant 0 : i32
    %c0_i32_1 = arith.constant 0 : i32
    return %c0_i32, %c0_i32_0 : i32, i32
  }
  func.func @transform_10(%arg0: i32) -> (i32, i32) {
    %c0_i32 = arith.constant 0 : i32
    %c0_i32_0 = arith.constant 0 : i32
    %c0_i32_1 = arith.constant 0 : i32
    return %c0_i32, %c0_i32_0 : i32, i32
  }
}

module attributes {stable_mosaic.version = 14 : i64} {
  func.func @_head_body(%arg0: memref<64x64xf32, #tpu.memory_space<vmem>>, %arg1: memref<64x64xf32, #tpu.memory_space<vmem>>, %arg2: memref<64x64xf32, #tpu.memory_space<vmem>>, %arg3: memref<64x64xf32, #tpu.memory_space<vmem>>, %arg4: memref<64x64xf32, #tpu.memory_space<vmem>>, %arg5: memref<64x64xf32, #tpu.memory_space<vmem>>, %arg6: memref<64x8xf32, #tpu.memory_space<vmem>>, %arg7: memref<576x64xf32, #tpu.memory_space<vmem>>, %arg8: memref<1x64xf32, #tpu.memory_space<vmem>>, %arg9: memref<64x10xf32, #tpu.memory_space<vmem>>, %arg10: memref<1x10xf32, #tpu.memory_space<vmem>>, %arg11: memref<64x10xf32, #tpu.memory_space<vmem>>) attributes {dimension_semantics = [], scalar_prefetch = 0 : i64, scratch_operands = 0 : i64, tpu.core_type = #tpu.core_type<tc>} {
    %get3A = arith.constant 0 : index
    %get3A_0 = arith.constant 0 : index
    %get3A_1 = vector.load %arg6[%get3A, %get3A_0] : memref<64x8xf32, #tpu.memory_space<vmem>>, vector<64x1xf32>
    %max3A = arith.constant 1.000000e+00 : f32
    %max3A_2 = vector.broadcast %max3A : f32 to vector<64x1xf32>
    %max3A_3 = arith.maximumf %get3A_1, %max3A_2 : vector<64x1xf32>
    %div3A = arith.constant 1.000000e+00 : f32
    %div3A_4 = vector.broadcast %div3A : f32 to vector<64x1xf32>
    %div3A_5 = arith.divf %div3A_4, %max3A_3 : vector<64x1xf32>
    %get3A_6 = arith.constant 0 : index
    %get3A_7 = arith.constant 0 : index
    %get3A_8 = vector.load %arg7[%get3A_6, %get3A_7] : memref<576x64xf32, #tpu.memory_space<vmem>>, vector<576x64xf32>
    %get3A_9 = arith.constant 0 : index
    %get3A_10 = arith.constant 0 : index
    %get3A_11 = vector.load %arg8[%get3A_9, %get3A_10] : memref<1x64xf32, #tpu.memory_space<vmem>>, vector<1x64xf32>
    %get3A_12 = arith.constant 0 : index
    %get3A_13 = arith.constant 0 : index
    %get3A_14 = vector.load %arg0[%get3A_12, %get3A_13] : memref<64x64xf32, #tpu.memory_space<vmem>>, vector<64x64xf32>
    %get3A_15 = arith.constant 0 : index
    %get3A_16 = arith.constant 0 : index
    %get3A_17 = vector.load %arg1[%get3A_15, %get3A_16] : memref<64x64xf32, #tpu.memory_space<vmem>>, vector<64x64xf32>
    %get3A_18 = arith.constant 0 : index
    %get3A_19 = arith.constant 0 : index
    %get3A_20 = vector.load %arg2[%get3A_18, %get3A_19] : memref<64x64xf32, #tpu.memory_space<vmem>>, vector<64x64xf32>
    %mul3A = vector.broadcast %div3A_5 : vector<64x1xf32> to vector<64x64xf32>
    %mul3A_21 = arith.mulf %get3A_14, %mul3A : vector<64x64xf32>
    %slice3A = vector.extract_strided_slice %get3A_8 {offsets = [0, 0], sizes = [64, 64], strides = [1, 1]} : vector<576x64xf32> to vector<64x64xf32>
    %dot_general3A = arith.constant dense<0.000000e+00> : vector<64x64xf32>
    %dot_general3A_22 = tpu.matmul %mul3A_21, %slice3A, %dot_general3A {dimension_numbers = #tpu.dot_dimension_numbers<[1], [0], [0], [1], [0, 0, 1, 1], [], []>, transpose_lhs_hint = false} : vector<64x64xf32>, vector<64x64xf32>, vector<64x64xf32> -> vector<64x64xf32>
    %add3A = vector.broadcast %get3A_11 : vector<1x64xf32> to vector<64x64xf32>
    %add3A_23 = arith.addf %add3A, %dot_general3A_22 : vector<64x64xf32>
    %mul3A_24 = vector.broadcast %div3A_5 : vector<64x1xf32> to vector<64x64xf32>
    %mul3A_25 = arith.mulf %get3A_17, %mul3A_24 : vector<64x64xf32>
    %slice3A_26 = vector.extract_strided_slice %get3A_8 {offsets = [64, 0], sizes = [64, 64], strides = [1, 1]} : vector<576x64xf32> to vector<64x64xf32>
    %dot_general3A_27 = arith.constant dense<0.000000e+00> : vector<64x64xf32>
    %dot_general3A_28 = tpu.matmul %mul3A_25, %slice3A_26, %dot_general3A_27 {dimension_numbers = #tpu.dot_dimension_numbers<[1], [0], [0], [1], [0, 0, 1, 1], [], []>, transpose_lhs_hint = false} : vector<64x64xf32>, vector<64x64xf32>, vector<64x64xf32> -> vector<64x64xf32>
    %add3A_29 = arith.addf %add3A_23, %dot_general3A_28 : vector<64x64xf32>
    %mul3A_30 = vector.broadcast %div3A_5 : vector<64x1xf32> to vector<64x64xf32>
    %mul3A_31 = arith.mulf %get3A_20, %mul3A_30 : vector<64x64xf32>
    %slice3A_32 = vector.extract_strided_slice %get3A_8 {offsets = [128, 0], sizes = [64, 64], strides = [1, 1]} : vector<576x64xf32> to vector<64x64xf32>
    %dot_general3A_33 = arith.constant dense<0.000000e+00> : vector<64x64xf32>
    %dot_general3A_34 = tpu.matmul %mul3A_31, %slice3A_32, %dot_general3A_33 {dimension_numbers = #tpu.dot_dimension_numbers<[1], [0], [0], [1], [0, 0, 1, 1], [], []>, transpose_lhs_hint = false} : vector<64x64xf32>, vector<64x64xf32>, vector<64x64xf32> -> vector<64x64xf32>
    %add3A_35 = arith.addf %add3A_29, %dot_general3A_34 : vector<64x64xf32>
    %get3A_36 = arith.constant 0 : index
    %get3A_37 = arith.constant 0 : index
    %get3A_38 = vector.load %arg3[%get3A_36, %get3A_37] : memref<64x64xf32, #tpu.memory_space<vmem>>, vector<64x64xf32>
    %get3A_39 = arith.constant 0 : index
    %get3A_40 = arith.constant 0 : index
    %get3A_41 = vector.load %arg4[%get3A_39, %get3A_40] : memref<64x64xf32, #tpu.memory_space<vmem>>, vector<64x64xf32>
    %get3A_42 = arith.constant 0 : index
    %get3A_43 = arith.constant 0 : index
    %get3A_44 = vector.load %arg5[%get3A_42, %get3A_43] : memref<64x64xf32, #tpu.memory_space<vmem>>, vector<64x64xf32>
    %gt3A = arith.constant 0.000000e+00 : f32
    %gt3A_45 = vector.broadcast %gt3A : f32 to vector<64x1xf32>
    %gt3A_46 = arith.cmpf ogt, %get3A_1, %gt3A_45 : vector<64x1xf32>
    %jit3A = arith.constant 0.000000e+00 : f32
    %broadcast_in_dim3A = vector.shape_cast %gt3A_46 : vector<64x1xi1> to vector<64x1xi1>
    %broadcast_in_dim3A_47 = vector.broadcast %broadcast_in_dim3A : vector<64x1xi1> to vector<64x64xi1>
    %broadcast_in_dim3A_48 = vector.broadcast %jit3A : f32 to vector<64x64xf32>
    %select_n3A = arith.select %broadcast_in_dim3A_47, %get3A_38, %broadcast_in_dim3A_48 : vector<64x64xi1>, vector<64x64xf32>
    %slice3A_49 = vector.extract_strided_slice %get3A_8 {offsets = [192, 0], sizes = [64, 64], strides = [1, 1]} : vector<576x64xf32> to vector<64x64xf32>
    %dot_general3A_50 = arith.constant dense<0.000000e+00> : vector<64x64xf32>
    %dot_general3A_51 = tpu.matmul %select_n3A, %slice3A_49, %dot_general3A_50 {dimension_numbers = #tpu.dot_dimension_numbers<[1], [0], [0], [1], [0, 0, 1, 1], [], []>, transpose_lhs_hint = false} : vector<64x64xf32>, vector<64x64xf32>, vector<64x64xf32> -> vector<64x64xf32>
    %add3A_52 = arith.addf %add3A_35, %dot_general3A_51 : vector<64x64xf32>
    %gt3A_53 = arith.constant 0.000000e+00 : f32
    %gt3A_54 = vector.broadcast %gt3A_53 : f32 to vector<64x1xf32>
    %gt3A_55 = arith.cmpf ogt, %get3A_1, %gt3A_54 : vector<64x1xf32>
    %jit3A_56 = arith.constant 0.000000e+00 : f32
    %broadcast_in_dim3A_57 = vector.shape_cast %gt3A_55 : vector<64x1xi1> to vector<64x1xi1>
    %broadcast_in_dim3A_58 = vector.broadcast %broadcast_in_dim3A_57 : vector<64x1xi1> to vector<64x64xi1>
    %broadcast_in_dim3A_59 = vector.broadcast %jit3A_56 : f32 to vector<64x64xf32>
    %select_n3A_60 = arith.select %broadcast_in_dim3A_58, %get3A_41, %broadcast_in_dim3A_59 : vector<64x64xi1>, vector<64x64xf32>
    %slice3A_61 = vector.extract_strided_slice %get3A_8 {offsets = [256, 0], sizes = [64, 64], strides = [1, 1]} : vector<576x64xf32> to vector<64x64xf32>
    %dot_general3A_62 = arith.constant dense<0.000000e+00> : vector<64x64xf32>
    %dot_general3A_63 = tpu.matmul %select_n3A_60, %slice3A_61, %dot_general3A_62 {dimension_numbers = #tpu.dot_dimension_numbers<[1], [0], [0], [1], [0, 0, 1, 1], [], []>, transpose_lhs_hint = false} : vector<64x64xf32>, vector<64x64xf32>, vector<64x64xf32> -> vector<64x64xf32>
    %add3A_64 = arith.addf %add3A_52, %dot_general3A_63 : vector<64x64xf32>
    %gt3A_65 = arith.constant 0.000000e+00 : f32
    %gt3A_66 = vector.broadcast %gt3A_65 : f32 to vector<64x1xf32>
    %gt3A_67 = arith.cmpf ogt, %get3A_1, %gt3A_66 : vector<64x1xf32>
    %jit3A_68 = arith.constant 0.000000e+00 : f32
    %broadcast_in_dim3A_69 = vector.shape_cast %gt3A_67 : vector<64x1xi1> to vector<64x1xi1>
    %broadcast_in_dim3A_70 = vector.broadcast %broadcast_in_dim3A_69 : vector<64x1xi1> to vector<64x64xi1>
    %broadcast_in_dim3A_71 = vector.broadcast %jit3A_68 : f32 to vector<64x64xf32>
    %select_n3A_72 = arith.select %broadcast_in_dim3A_70, %get3A_44, %broadcast_in_dim3A_71 : vector<64x64xi1>, vector<64x64xf32>
    %slice3A_73 = vector.extract_strided_slice %get3A_8 {offsets = [320, 0], sizes = [64, 64], strides = [1, 1]} : vector<576x64xf32> to vector<64x64xf32>
    %dot_general3A_74 = arith.constant dense<0.000000e+00> : vector<64x64xf32>
    %dot_general3A_75 = tpu.matmul %select_n3A_72, %slice3A_73, %dot_general3A_74 {dimension_numbers = #tpu.dot_dimension_numbers<[1], [0], [0], [1], [0, 0, 1, 1], [], []>, transpose_lhs_hint = false} : vector<64x64xf32>, vector<64x64xf32>, vector<64x64xf32> -> vector<64x64xf32>
    %add3A_76 = arith.addf %add3A_64, %dot_general3A_75 : vector<64x64xf32>
    %slice3A_77 = vector.extract_strided_slice %get3A_8 {offsets = [384, 0], sizes = [64, 64], strides = [1, 1]} : vector<576x64xf32> to vector<64x64xf32>
    %dot_general3A_78 = arith.constant dense<0.000000e+00> : vector<64x64xf32>
    %dot_general3A_79 = tpu.matmul %get3A_14, %slice3A_77, %dot_general3A_78 {dimension_numbers = #tpu.dot_dimension_numbers<[1], [0], [0], [1], [0, 0, 1, 1], [], []>, transpose_lhs_hint = false} : vector<64x64xf32>, vector<64x64xf32>, vector<64x64xf32> -> vector<64x64xf32>
    %add3A_80 = arith.addf %add3A_76, %dot_general3A_79 : vector<64x64xf32>
    %slice3A_81 = vector.extract_strided_slice %get3A_8 {offsets = [448, 0], sizes = [64, 64], strides = [1, 1]} : vector<576x64xf32> to vector<64x64xf32>
    %dot_general3A_82 = arith.constant dense<0.000000e+00> : vector<64x64xf32>
    %dot_general3A_83 = tpu.matmul %get3A_17, %slice3A_81, %dot_general3A_82 {dimension_numbers = #tpu.dot_dimension_numbers<[1], [0], [0], [1], [0, 0, 1, 1], [], []>, transpose_lhs_hint = false} : vector<64x64xf32>, vector<64x64xf32>, vector<64x64xf32> -> vector<64x64xf32>
    %add3A_84 = arith.addf %add3A_80, %dot_general3A_83 : vector<64x64xf32>
    %slice3A_85 = vector.extract_strided_slice %get3A_8 {offsets = [512, 0], sizes = [64, 64], strides = [1, 1]} : vector<576x64xf32> to vector<64x64xf32>
    %dot_general3A_86 = arith.constant dense<0.000000e+00> : vector<64x64xf32>
    %dot_general3A_87 = tpu.matmul %get3A_20, %slice3A_85, %dot_general3A_86 {dimension_numbers = #tpu.dot_dimension_numbers<[1], [0], [0], [1], [0, 0, 1, 1], [], []>, transpose_lhs_hint = false} : vector<64x64xf32>, vector<64x64xf32>, vector<64x64xf32> -> vector<64x64xf32>
    %add3A_88 = arith.addf %add3A_84, %dot_general3A_87 : vector<64x64xf32>
    %max3A_89 = arith.constant 0.000000e+00 : f32
    %max3A_90 = vector.broadcast %max3A_89 : f32 to vector<64x64xf32>
    %max3A_91 = arith.maximumf %add3A_88, %max3A_90 : vector<64x64xf32>
    %get3A_92 = arith.constant 0 : index
    %get3A_93 = arith.constant 0 : index
    %get3A_94 = vector.load %arg9[%get3A_92, %get3A_93] : memref<64x10xf32, #tpu.memory_space<vmem>>, vector<64x10xf32>
    %dot_general3A_95 = arith.constant dense<0.000000e+00> : vector<64x10xf32>
    %dot_general3A_96 = tpu.matmul %max3A_91, %get3A_94, %dot_general3A_95 {dimension_numbers = #tpu.dot_dimension_numbers<[1], [0], [0], [1], [0, 0, 1, 1], [], []>, transpose_lhs_hint = false} : vector<64x64xf32>, vector<64x10xf32>, vector<64x10xf32> -> vector<64x10xf32>
    %get3A_97 = arith.constant 0 : index
    %get3A_98 = arith.constant 0 : index
    %get3A_99 = vector.load %arg10[%get3A_97, %get3A_98] : memref<1x10xf32, #tpu.memory_space<vmem>>, vector<1x10xf32>
    %add3A_100 = vector.broadcast %get3A_99 : vector<1x10xf32> to vector<64x10xf32>
    %add3A_101 = arith.addf %dot_general3A_96, %add3A_100 : vector<64x10xf32>
    %neg3A = arith.constant 0.000000e+00 : f32
    %neg3A_102 = vector.broadcast %neg3A : f32 to vector<64x10xf32>
    %neg3A_103 = arith.subf %neg3A_102, %add3A_101 : vector<64x10xf32>
    %exp3A = math.exp %neg3A_103 : vector<64x10xf32>
    %add3A_104 = arith.constant 1.000000e+00 : f32
    %add3A_105 = vector.broadcast %add3A_104 : f32 to vector<64x10xf32>
    %add3A_106 = arith.addf %add3A_105, %exp3A : vector<64x10xf32>
    %div3A_107 = arith.constant 1.000000e+00 : f32
    %div3A_108 = vector.broadcast %div3A_107 : f32 to vector<64x10xf32>
    %div3A_109 = arith.divf %div3A_108, %add3A_106 : vector<64x10xf32>
    %swap3A = arith.constant 0 : index
    %swap3A_110 = arith.constant 0 : index
    %swap3A_111 = vector.load %arg11[%swap3A, %swap3A_110] : memref<64x10xf32, #tpu.memory_space<vmem>>, vector<64x10xf32>
    tpu.vector_store %arg11[%swap3A, %swap3A_110], %div3A_109 {strides = array<i32>} : memref<64x10xf32, #tpu.memory_space<vmem>>, vector<64x10xf32>,
    return
  }
}

</mosaic_0001>

<sc_bundles>
// kernel: kernel.13.cloned.1.call-start
scs
__scs_entry_jumppad:
0x0: {  	(pc) =	sbr.rel $0x88, $3  }
0x1: {  	(tag) =	ssettag $0x0;
	lr =	simm.s32 $0x1  }
0x2: {  	[smem:$0x3F8E] =	sst lr;
	_ =	strace $0xD0000000  }
0x3: {  	_ = 	snop  }
0x4: {  	_ = 	snop  }
0x5: {  	_ = 	snop  }
0x6: {  	_ = 	snop  }
0x7: {  	_ = 	snop  }
__scs_overlays_trampoline_lowered:
0x8: {  	[smem:$0x3F9D] =	sst s0  }
0x9: {  	[smem:$0x3F9E] =	sst s1  }
0xa: {  	[smem:$0x3F9F] =	sst s2  }
0xb: {  	[smem:$0x3FA0] =	sst s3  }
0xc: {  	[smem:$0x3FA1] =	sst s4  }
0xd: {  	[smem:$0x3FA2] =	sst s5  }
0xe: {  	[smem:$0x3FA3] =	sst s6  }
0xf: {  	[smem:$0x3FA4] =	sst s7  }
0x10: {  	[smem:$0x3FA5] =	sst s8  }
0x11: {  	[smem:$0x3FA6] =	sst s9;
	s0 =	simm.s32 @!p0 $0x0  }
0x12: {  	s1 =	sld [smem:$0x3F8C];
	s0 =	simm.s32 @p0 $0x1  }
0x13: {  	[smem:$0x3FA7] =	sst s0;
	s0 =	simm.s32 @!p1 $0x0  }
0x14: {  	s2 =	sld [smem:$0x3F8B];
	s0 =	simm.s32 @p1 $0x1  }
0x15: {  	[smem:$0x3FA8] =	sst s0;
	s0 =	simm.s32 @!p2 $0x0  }
0x16: {  	s3 =	sld [smem:$0x3FDB];
	s0 =	simm.s32 @p2 $0x1  }
0x17: {  	s4 =	simm.s32 $0x1BF5;
	[smem:$0x3FAA] =	sst s0  }
0x18: {  	s0 =	sld [smem:$0x3F8D];
	_ =	swait.ge [sflag:s4], $0x0  }
0x19: {  	s7 =	sld [smem:$0x3F8E]  }
0x1a: {  	s8 =	sadd.s32 $0xFFFFE003, lr  }
0x1b: {  	s9 =	sadd.s32 $0xFFFFFEF7, lr;
	s5 =	simm.s32 $0xFFFFFFFF;
	p2 =	slt.u32 s8, $0xFFFFF086  }
0x1c: {  	p1 =	slt.u32 s9, $0xF7A;
	s5 =	simm.s32 @!p2 $0x0  }
0x1d: {  	s5 =	simm.s32 @p1 $0x1;
	p0 =	seq.s32 s7, s2  }
0x1e: {  	s7 =	smul.u32 @!p0 $0xF7A, s2;
	p2 =	seq.s32 @!p0 s5, $0x0  }
0x1f: {  	s9 =	smul.u32 $0xF7A, s1;
	s8 =	simm.s32 @!p0 $0x1BF5;
	p2 =	por !p2, p0  }
0x20: {  	[sflag:s8] =	ssyncset.s32 @!p0 $0xFFFFF086;
	s6 =	sadd.s32 @!p0 s3, s7;
	s7 =	simm.s32 @!p0 $0x108  }
0x21: {  	s3 =	sadd.s32 s3, s9;
	s6 =	sadd.s32 @!p0 $0x88, s6;
	s7 =	simm.s32 @p2 $0x1082  }
0x22: {  	[simem:s7], [sflag:s8] =	dma.local @!p0 [hbm:s6], $0xF7A  }
0x23: {  	s9 =	sor.u32 $0xD0000000, s2;
	s6 =	simm.s32 $0x108;
	_ =	swait.ge @!p0 [sflag:s8], $0x0  }
0x24: {  	s3 =	sadd.s32 $0x88, s3;
	s6 =	simm.s32 @!p1 $0x1082;
	[sflag:s4] =	ssyncset.s32 $0xFFFFF086  }
0x25: {  	[simem:s6], [sflag:s4] =	dma.local [hbm:s3], $0xF7A  }
0x26: {  	[smem:$0x3F8E] =	sst s1;
	(tag) =	ssettag s2;
	_ =	strace s9  }
0x27: {  	s1 =	sld [smem:$0x3F9E]  }
0x28: {  	s2 =	sld [smem:$0x3F9F]  }
0x29: {  	s4 =	sld [smem:$0x3FA1]  }
0x2a: {  	p0 =	seq.s32 s5, $0x0;
	s5 =	sld [smem:$0x3FA2]  }
0x2b: {  	s6 =	sld [smem:$0x3FA3]  }
0x2c: {  	s7 =	sld [smem:$0x3FA4]  }
0x2d: {  	s3 =	simm.s32 $0x108;
	s8 =	sld [smem:$0x3FA5]  }
0x2e: {  	s3 =	simm.s32 @!p0 $0x1082;
	s9 =	sld [smem:$0x3FA6]  }
0x2f: {  	lr =	sadd.s32 s0, s3;
	s0 =	sld [smem:$0x3F9D]  }
0x30: {  	s3 =	sld [smem:$0x3FA0]  }
0x31: {  	[smem:$0x3FA9] =	sst s10  }
0x32: {  	s10 =	sld [smem:$0x3FA7];
	_ =	sdelay $0x3  }
0x33: {  	p0 =	seq.s32 s10, $0x1;
	s10 =	sld [smem:$0x3FA9];
	_ =	sdelay $0x3  }
0x34: {  	[smem:$0x3FA9] =	sst s10  }
0x35: {  	s10 =	sld [smem:$0x3FA8];
	_ =	sdelay $0x3  }
0x36: {  	p1 =	seq.s32 s10, $0x1;
	s10 =	sld [smem:$0x3FA9];
	_ =	sdelay $0x3  }
0x37: {  	[smem:$0x3FA9] =	sst s10  }
0x38: {  	s10 =	sld [smem:$0x3FAA]  }
0x39: {  	_ = 	snop;
	(pc) =	sbr.ind lr, $3  }
0x3a: {  	_ = 	snop  }
0x3b: {  	_ = 	snop  }
0x3c: {  	p2 =	seq.s32 s10, $0x1;
	s10 =	sld [smem:$0x3FA9]  }
0x3d: {  	_ =	shalt  }
0x3e: {  	_ =	shalt  }
0x3f: {  	_ =	shalt  }
0x40: {  	_ =	shalt  }
0x41: {  	_ =	shalt  }
0x42: {  	_ =	shalt  }
0x43: {  	_ =	shalt  }
0x44: {  	_ =	shalt  }
0x45: {  	_ =	shalt  }
0x46: {  	_ =	shalt  }
0x47: {  	_ =	shalt  }
0x48: {  	_ =	shalt  }
0x49: {  	_ =	shalt  }
0x4a: {  	_ =	shalt  }
0x4b: {  	_ =	shalt  }
0x4c: {  	_ =	shalt  }
0x4d: {  	_ =	shalt  }
0x4e: {  	_ =	shalt  }
0x4f: {  	_ =	shalt  }
0x50: {  	_ =	shalt  }
0x51: {  	_ =	shalt  }
0x52: {  	_ =	shalt  }
0x53: {  	_ =	shalt  }
0x54: {  	_ =	shalt  }
0x55: {  	_ =	shalt  }
0x56: {  	_ =	shalt  }
0x57: {  	_ =	shalt  }
0x58: {  	_ =	shalt  }
0x59: {  	_ =	shalt  }
0x5a: {  	_ =	shalt  }
0x5b: {  	_ =	shalt  }
0x5c: {  	_ =	shalt  }
0x5d: {  	_ =	shalt  }
0x5e: {  	_ =	shalt  }
0x5f: {  	_ =	shalt  }
0x60: {  	_ =	shalt  }
0x61: {  	_ =	shalt  }
0x62: {  	_ =	shalt  }
0x63: {  	_ =	shalt  }
0x64: {  	_ =	shalt  }
0x65: {  	_ =	shalt  }
0x66: {  	_ =	shalt  }
0x67: {  	_ =	shalt  }
0x68: {  	_ =	shalt  }
0x69: {  	_ =	shalt  }
0x6a: {  	_ =	shalt  }
0x6b: {  	_ =	shalt  }
0x6c: {  	_ =	shalt  }
0x6d: {  	_ =	shalt  }
0x6e: {  	_ =	shalt  }
0x6f: {  	_ =	shalt  }
0x70: {  	_ =	shalt  }
0x71: {  	_ =	shalt  }
0x72: {  	_ =	shalt  }
0x73: {  	_ =	shalt  }
0x74: {  	_ =	shalt  }
0x75: {  	_ =	shalt  }
0x76: {  	_ =	shalt  }
0x77: {  	_ =	shalt  }
0x78: {  	_ =	shalt  }
0x79: {  	_ =	shalt  }
0x7a: {  	_ =	shalt  }
0x7b: {  	_ =	shalt  }
0x7c: {  	_ =	shalt  }
0x7d: {  	_ =	shalt  }
0x7e: {  	_ =	shalt  }
0x7f: {  	_ =	shalt  }
0x80: {  	_ =	shalt  }
0x81: {  	_ =	shalt  }
0x82: {  	_ =	shalt  }
0x83: {  	_ =	shalt  }
0x84: {  	_ =	shalt  }
0x85: {  	_ =	shalt  }
0x86: {  	_ =	shalt  }
0x87: {  	_ =	shalt  }
.Lfunc_end0:
.L_simem_size_0:
called_computation_lowered:
.L_overlay_start_0:
0x88: {  	s2 =	sld [smem:$0x3FD9]  }
0x89: {  	s3 =	sld [smem:$0x3FFE];
	_ =	sdelay $0x1  }
0x8a: {  	s1 =	srdreg.scid  }
0x8b: {  	s0 =	sand.u32 $0x1, s1  }
0x8c: {  	s16 =	sshll.u32 s0, $0xA;
	s2 =	sadd.s32 s3, s2  }
0x8d: {  	s2 =	sadd.s32 s2, s16  }
0x8e: {  	[smem:$0x3FB5] =	sst s2  }
0x8f: {  	_ = 	snop  }
0x90: {  	(tm) =	ssettm $0x1  }
0x91: {  	s17 =	sld [smem:$0x3FFB];
	_ =	sdelay $0x3  }
0x92: {  	_ =	strace s17  }
0x93: {  	s2 =	sld [smem:$0x3FFC];
	_ =	sdelay $0x3  }
0x94: {  	_ =	strace s2  }
0x95: {  	s2 =	sld [smem:$0x3FFD];
	_ =	sdelay $0x3  }
0x96: {  	_ =	strace s2  }
0x97: {  	_ =	strace $0x8FFFFFFF  }
0x98: {  	s18 =	sld [smem:$0x3FDB];
	_ =	sdelay $0x1  }
0x99: {  	s19 =	simm.s32 $_scs_section_size  }
0x9a: {  	s4 =	simm.s32 $_size__tile_overlayer_lowered;
	s5 =	simm.s32 $_tile_overlayer_lowered  }
0x9b: {  	s22 =	simm.s32 $0x1BFF;
	s21 =	sshll.u32 s5, $0x1;
	s2 =	sadd.s32 s19, s18  }
0x9c: {  	s6 =	simm.s32 $0x0;
	s20 =	sshll.u32 s4, $0x1;
	s4 =	sadd.s32 s21, s2  }
0x9d: {  	[timem:s6], [sflag:s22] =	dma.local [hbm:s4], s20  }
0x9e: {  	_ =	swait.ge [sflag:s22], s20  }
0x9f: {  	s3 =	ssub.s32 $0x0, s20;
	[sflag:s22] =	ssyncset.done $0x0  }
0xa0: {  	[sflag:s22] =	ssyncadd.s32 s3;
	_ =	sdelay $0x1  }
0xa1: {  	s23 =	simm.s32 $0x1B8B  }
0xa2: {  	_ =	swait.ge [sflag:s23], $0x1  }
0xa3: {  	[sflag:s23] =	ssyncset.done $0x0  }
0xa4: {  	s25 =	simm.s32 $0x1B8E;
	s24 =	sld [smem:$0x3FFE];
	[sflag:s23] =	ssyncadd.s32 $0xFFFFFFFF  }
0xa5: {  	s26 =	simm.s32 $execute0_lowered;
	[smem:$0x3FD2] =	sst s25  }
0xa6: {  	s4 =	sshll.u32 s26, $0x1;
	_ =	strace $0x80000046;
	[dreg:$0x1] =	wrdreg $0xFFFFFFFF  }
0xa7: {  	s28 =	simm.s32 $_size_execute0_lowered;
	s2 =	sadd.s32 s2, s4;
	[dreg:$0x0] =	wrdreg $0x0  }
0xa8: {  	s4 =	sshll.u32 s28, $0x1;
	[dreg:$0x2] =	wrdreg s2  }
0xa9: {  	[dreg:$0x3] =	wrdreg s4  }
0xaa: {  	[dreg:$0x4] =	wrdreg $0xC0  }
0xab: {  	_ =	task [dreg:s6], $0x5FFFF  }
0xac: {  	[dreg:$0x1] =	wrdreg $0xFFFFFFFF  }
0xad: {  	[dreg:$0x0] =	wrdreg $0x60  }
0xae: {  	[dreg:$0x2] =	wrdreg s24  }
0xaf: {  	[dreg:$0x3] =	wrdreg $0x14A000  }
0xb0: {  	[dreg:$0x4] =	wrdreg $0x9  }
0xb1: {  	_ =	task.clear_ibuf [dreg:s6], $0x5FFFF;
	_ =	strace $0x90000046  }
0xb2: {  	s29 =	simm.s32 $0x9;
	_ =	strace $0x80000048  }
0xb3: {  	_ =	swait.ge [sflag:s29], $0x1  }
0xb4: {  	[sflag:s29] =	ssyncadd.s32 $0xFFFFFFFF  }
0xb5: {  	_ =	strace $0x90000048  }
0xb6: {  	_ =	sfence  }
0xb7: {  	s30 =	sld [smem:$0x0];
	_ =	sdelay $0x2  }
0xb8: {  	s31 =	sshll.u32 s1, $0xD;
	s1 =	sshrl.u32 s1, $0x2  }
0xb9: {  	s3 =	sand.u32 $0x4000, s31;
	s1 =	sadd.s32 s1, s30  }
0xba: {  	s0 =	sor.u32 s3, s0;
	s1 =	sshll.u32 s1, $0x11  }
0xbb: {  	s0 =	sor.u32 s1, s0  }
0xbc: {  	s0 =	sadd.s32 $0x8F2B, s0  }
0xbd: {  	[sflag:s0] =	ssyncadd.remote.s32 $0x1  }
0xbe: {  	_ =	sfence.sel $0xFFFF  }
0xbf: {  	[dreg:$0x0] =	wrdreg $0xFFFFFFFF;
	(pc) =	sbr.abs _section_cstart, $3  }
0xc0: {  	[dreg:$0x1] =	wrdreg $0xFFFFFFFF  }
0xc1: {  	_ =	task.clear_ibuf [dreg:s6], $0x2FFFF;
	_ =	strace $0x9FFFFFFF  }
0xc2: {  	(tm) =	ssettm $0x7FFFFFFF  }
0xc3: {  	_ =	shalt  }
tec
execute0_lowered:
.L_overlay_start_1:
0x0: {  	(tag) =	ssettag $0x1  }
0x1: {  	s0 =	srdreg.scid;
	s5 =	rddreg [dreg:$0x0]  }
0x2: {  	s11 =	stileid.u32;
	s2 =	rddreg [dreg:$0x1];
	s3 =	simm.s32 $0x0  }
0x3: {  	s12 =	simm.s32 $0x5;
	s14 =	simm.s32 $0x7D;
	s15 =	simm.s32 $0x5000  }
0x4: {  	s17 =	simm.s32 $0x6F40;
	s19 =	simm.s32 $0x8E80;
	s21 =	simm.s32 $0xADC0  }
0x5: {  	s22 =	simm.s32 $0xCD00;
	s28 =	simm.s32 $0x3;
	s29 =	simm.s32 $0x2  }
0x6: {  	s30 =	simm.s32 $0x4;
	s31 =	simm.s32 $0x0;
	s0 =	sand.u32 $0x1, s0  }
0x7: {  	s6 =	smul.u32 $0xA000, s11;
	[smem:$0x7FF] =	sst s3;
	s4 =	sadd.s32 $0x4600, s5  }
0x8: {  	s23 =	sshll.u32 s11, $0x6;
	s1 =	sshll.u32 s0, $0x4;
	s7 =	smul.u32 $0xA0000, s0  }
0x9: {  	_ =	strace $0x80000047;
	s0 =	ssub.s32 $0x2, s0;
	s1 =	sor.u32 s11, s1  }
0xa: {  	s8 =	sshrl.u32 s6, $0x3;
	s9 =	sshrl.u32 s0, $0x1;
	s24 =	sadd.s32 s6, s2  }
0xb: {  	s1 =	smul.u32 $0x2800, s1;
	s7 =	sadd.s32 s6, s7;
	s8 =	sadd.s32 s8, s5  }
0xc: {  	s0 =	ssub.s32 s0, s9;
	s6 =	sor.u32 $0x1C05, s23;
	s11 =	sshrl.u32 s24, $0x3  }
0xd: {  	s23 =	simm.s32 $0xEC40;
	s24 =	simm.s32 $0x10B80;
	s7 =	sshrl.u32 s7, $0x3  }
0xe: {  	s25 =	sadd.s32 $0x2C000, s8;
	s1 =	sshrl.u32 s1, $0x3;
	s10 =	sadd.s32 s7, s5  }
0xf: {  	[dreg:$0x3] =	wrdreg s25;
	s25 =	simm.s32 $0x12AC0;
	s1 =	sadd.s32 s1, s5  }
0x10: {  	s9 =	sadd.s32 $0x40000, s10;
	s10 =	smax.u32 s0, $0x1;
	s26 =	sadd.s32 $0x18000, s1  }
0x11: {  	s8 =	sadd.s32 $0x22000, s1;
	[dreg:$0x4] =	wrdreg s26;
	s26 =	simm.s32 $0x1  }
.LBB2_1:
0x12: {  	s0 =	rddreg [dreg:$0x3]  }
0x13: {  	[spmem:s11], [sflag:s6] =	dma.local [hbm:s0], $0x1400  }
0x14: {  	_ =	swait.ge [sflag:s12], $0x1400  }
0x15: {  	[sflag:s12] =	ssyncset.done $0x0  }
0x16: {  	s16 =	rddreg [dreg:$0x4];
	[sflag:s12] =	ssyncadd.s32 $0xFFFFEC00  }
0x17: {  	[tilespmem:s3], [sflag:$0x5] =	stream.linear.gather [hbm4b:s16+s3], $0x2800, $0x38;
	[tilespmem:$0x1EA00] =	vst v63  }
0x18: {  	_ =	swait.ge [sflag:s12], $0x2800  }
0x19: {  	[sflag:s12] =	ssyncset.done $0x0  }
0x1a: {  	s18 =	simm.s32 $0x2800;
	[sflag:s12] =	ssyncadd.s32 $0xFFFFD800  }
0x1b: {  	[tilespmem:s18], [sflag:$0x5] =	stream.linear.gather [hbm4b:s8+s3], $0x2800, $0x38;
	[tilespmem:$0x1EA00] =	vst v63  }
0x1c: {  	_ =	swait.ge [sflag:s12], $0x2800  }
0x1d: {  	[sflag:s12] =	ssyncset.done $0x0  }
0x1e: {  	[sflag:s12] =	ssyncadd.s32 $0xFFFFD800  }
0x1f: {  	[bflag:$0x0] =	sbarrier.arrive $0xFFFF  }
0x20: {  	[tilespmem:s15], [sflag:$0x1] =	stream.indirect.gather [hbm4b:s4+s14], $0x40, s3, s14, $0xb8;
	[tilespmem:$0x1EA00] =	vst v63  }
0x21: {  	s20 =	simm.s32 $0x80  }
0x22: {  	[tilespmem:s17], [sflag:$0x1] =	stream.indirect.gather [hbm4b:s4+s14], $0x40, s20, s14, $0xb8;
	[tilespmem:$0x1EA00] =	vst v63  }
0x23: {  	s1 =	simm.s32 $0x100  }
0x24: {  	[tilespmem:s19], [sflag:$0x1] =	stream.indirect.gather [hbm4b:s4+s14], $0x40, s1, s14, $0xb8;
	[tilespmem:$0x1EA00] =	vst v63  }
0x25: {  	s5 =	simm.s32 $0x180  }
0x26: {  	[tilespmem:s21], [sflag:$0x1] =	stream.indirect.gather [hbm4b:s4+s14], $0x40, s5, s14, $0xb8;
	[tilespmem:$0x1EA00] =	vst v63  }
0x27: {  	s7 =	simm.s32 $0x200  }
0x28: {  	[tilespmem:s22], [sflag:$0x2] =	stream.indirect.gather [hbm4b:s4+s14], $0x40, s7, s14, $0xb8;
	[tilespmem:$0x1EA00] =	vst v63  }
0x29: {  	s13 =	simm.s32 $0x280  }
0x2a: {  	[tilespmem:s23], [sflag:$0x2] =	stream.indirect.gather [hbm4b:s4+s14], $0x40, s13, s14, $0xb8;
	[tilespmem:$0x1EA00] =	vst v63  }
0x2b: {  	s16 =	simm.s32 $0x300  }
0x2c: {  	[tilespmem:s24], [sflag:$0x2] =	stream.indirect.gather [hbm4b:s4+s14], $0x40, s16, s14, $0xb8;
	[tilespmem:$0x1EA00] =	vst v63  }
0x2d: {  	s18 =	simm.s32 $0x380  }
0x2e: {  	[tilespmem:s25], [sflag:$0x2] =	stream.indirect.gather [hbm4b:s4+s14], $0x40, s18, s14, $0xb8;
	[tilespmem:$0x1EA00] =	vst v63  }
0x2f: {  	_ =	swait.ge [sflag:s26], $0x1F40  }
0x30: {  	[sflag:s26] =	ssyncset.done $0x0  }
0x31: {  	[sflag:s26] =	ssyncadd.s32 $0xFFFFE0C0  }
0x32: {  	_ =	swait.ge [sflag:s26], $0x1F40  }
0x33: {  	[sflag:s26] =	ssyncset.done $0x0  }
0x34: {  	[sflag:s26] =	ssyncadd.s32 $0xFFFFE0C0  }
0x35: {  	_ =	swait.ge [sflag:s26], $0x1F40  }
0x36: {  	[sflag:s26] =	ssyncset.done $0x0  }
0x37: {  	[sflag:s26] =	ssyncadd.s32 $0xFFFFE0C0  }
0x38: {  	_ =	swait.ge [sflag:s26], $0x1F40  }
0x39: {  	[sflag:s26] =	ssyncset.done $0x0  }
0x3a: {  	s20 =	simm.s32 $0x2800;
	[sflag:s26] =	ssyncadd.s32 $0xFFFFE0C0  }
0x3b: {  	[spmem:s2] =	stream.indirect.scatter.add.f32 [tilespmem:s15], [sflag:$0x3], $0x40, s20, s14, $0xb8;
	[tilespmem:$0x1EA00] =	vst v63  }
0x3c: {  	s1 =	simm.s32 $0x2880  }
0x3d: {  	[spmem:s2] =	stream.indirect.scatter.add.f32 [tilespmem:s17], [sflag:$0x3], $0x40, s1, s14, $0xb8;
	[tilespmem:$0x1EA00] =	vst v63  }
0x3e: {  	s5 =	simm.s32 $0x2900  }
0x3f: {  	[spmem:s2] =	stream.indirect.scatter.add.f32 [tilespmem:s19], [sflag:$0x3], $0x40, s5, s14, $0xb8;
	[tilespmem:$0x1EA00] =	vst v63  }
0x40: {  	s7 =	simm.s32 $0x2980  }
0x41: {  	[spmem:s2] =	stream.indirect.scatter.add.f32 [tilespmem:s21], [sflag:$0x3], $0x40, s7, s14, $0xb8;
	[tilespmem:$0x1EA00] =	vst v63  }
0x42: {  	_ =	swait.ge [sflag:s28], $0x1F40  }
0x43: {  	[sflag:s28] =	ssyncset.done $0x0  }
0x44: {  	[sflag:s28] =	ssyncadd.s32 $0xFFFFE0C0  }
0x45: {  	_ =	swait.ge [sflag:s28], $0x1F40  }
0x46: {  	[sflag:s28] =	ssyncset.done $0x0  }
0x47: {  	[sflag:s28] =	ssyncadd.s32 $0xFFFFE0C0  }
0x48: {  	_ =	swait.ge [sflag:s28], $0x1F40  }
0x49: {  	[sflag:s28] =	ssyncset.done $0x0  }
0x4a: {  	[sflag:s28] =	ssyncadd.s32 $0xFFFFE0C0  }
0x4b: {  	p0 =	por $0x0, $0x0;
	_ =	swait.ge [sflag:s28], $0x1F40  }
0x4c: {  	s0 =	simm.s32 @!p0 $0x5000;
	[sflag:s28] =	ssyncset.done $0x0  }
0x4d: {  	s13 =	simm.s32 @!p0 $0x7D;
	s1 =	simm.s32 @!p0 $0x400;
	[sflag:s28] =	ssyncadd.s32 $0xFFFFE0C0  }
0x4e: {  	[tilespmem:s0], [sflag:$0x1] =	stream.indirect.gather @!p0 [hbm4b:s4+s13], $0x40, s1, s13, $0xb8;
	[tilespmem:$0x1EA00] =	vst v63  }
0x4f: {  	s0 =	simm.s32 @!p0 $0x480;
	s1 =	simm.s32 @!p0 $0x6F40  }
0x50: {  	[tilespmem:s1], [sflag:$0x1] =	stream.indirect.gather @!p0 [hbm4b:s4+s13], $0x40, s0, s13, $0xb8;
	[tilespmem:$0x1EA00] =	vst v63  }
0x51: {  	s0 =	simm.s32 @!p0 $0x500;
	s1 =	simm.s32 @!p0 $0x8E80  }
0x52: {  	[tilespmem:s1], [sflag:$0x1] =	stream.indirect.gather @!p0 [hbm4b:s4+s13], $0x40, s0, s13, $0xb8;
	[tilespmem:$0x1EA00] =	vst v63  }
0x53: {  	s0 =	simm.s32 @!p0 $0x580;
	s1 =	simm.s32 @!p0 $0xADC0  }
0x54: {  	[tilespmem:s1], [sflag:$0x1] =	stream.indirect.gather @!p0 [hbm4b:s4+s13], $0x40, s0, s13, $0xb8;
	[tilespmem:$0x1EA00] =	vst v63  }
0x55: {  	_ =	swait.ge [sflag:s29], $0x1F40  }
0x56: {  	[sflag:s29] =	ssyncset.done $0x0  }
0x57: {  	[sflag:s29] =	ssyncadd.s32 $0xFFFFE0C0  }
0x58: {  	_ =	swait.ge [sflag:s29], $0x1F40  }
0x59: {  	[sflag:s29] =	ssyncset.done $0x0  }
0x5a: {  	[sflag:s29] =	ssyncadd.s32 $0xFFFFE0C0  }
0x5b: {  	_ =	swait.ge [sflag:s29], $0x1F40  }
0x5c: {  	[sflag:s29] =	ssyncset.done $0x0  }
0x5d: {  	[sflag:s29] =	ssyncadd.s32 $0xFFFFE0C0  }
0x5e: {  	_ =	swait.ge [sflag:s29], $0x1F40  }
0x5f: {  	[sflag:s29] =	ssyncset.done $0x0  }
0x60: {  	s13 =	simm.s32 $0x2A00;
	[sflag:s29] =	ssyncadd.s32 $0xFFFFE0C0  }
0x61: {  	[spmem:s2] =	stream.indirect.scatter.add.f32 [tilespmem:s22], [sflag:$0x4], $0x40, s13, s14, $0xb8;
	[tilespmem:$0x1EA00] =	vst v63  }
0x62: {  	s16 =	simm.s32 $0x2A80  }
0x63: {  	[spmem:s2] =	stream.indirect.scatter.add.f32 [tilespmem:s23], [sflag:$0x4], $0x40, s16, s14, $0xb8;
	[tilespmem:$0x1EA00] =	vst v63  }
0x64: {  	s18 =	simm.s32 $0x2B00  }
0x65: {  	[spmem:s2] =	stream.indirect.scatter.add.f32 [tilespmem:s24], [sflag:$0x4], $0x40, s18, s14, $0xb8;
	[tilespmem:$0x1EA00] =	vst v63  }
0x66: {  	s20 =	simm.s32 $0x2B80  }
0x67: {  	[spmem:s2] =	stream.indirect.scatter.add.f32 [tilespmem:s25], [sflag:$0x4], $0x40, s20, s14, $0xb8;
	[tilespmem:$0x1EA00] =	vst v63  }
0x68: {  	_ =	swait.ge [sflag:s30], $0x1F40  }
0x69: {  	[sflag:s30] =	ssyncset.done $0x0  }
0x6a: {  	[sflag:s30] =	ssyncadd.s32 $0xFFFFE0C0  }
0x6b: {  	_ =	swait.ge [sflag:s30], $0x1F40  }
0x6c: {  	[sflag:s30] =	ssyncset.done $0x0  }
0x6d: {  	[sflag:s30] =	ssyncadd.s32 $0xFFFFE0C0  }
0x6e: {  	_ =	swait.ge [sflag:s30], $0x1F40  }
0x6f: {  	[sflag:s30] =	ssyncset.done $0x0  }
0x70: {  	[sflag:s30] =	ssyncadd.s32 $0xFFFFE0C0  }
0x71: {  	s0 =	simm.s32 $0x1000;
	_ =	swait.ge [sflag:s30], $0x1F40  }
0x72: {  	s1 =	simm.s32 $0x400;
	s13 =	simm.s32 $0x2000;
	[sflag:s30] =	ssyncset.done $0x0  }
.LBB2_2:
0x73: {  	s18 =	sadd.s32 $0x200, s1  }
0x74: {  	[sflag:s30] =	ssyncadd.s32 $0xFFFFE0C0;
	s16 =	smov.u32 s13;
	s13 =	sadd.s32 $0x1000, s13  }
0x75: {  	[tilespmem:s22], [sflag:$0x2] =	stream.indirect.gather [hbm4b:s4+s14], $0x40, s18, s14, $0xb8;
	[tilespmem:$0x1EA00] =	vst v63  }
0x76: {  	p0 =	sne.s32 s13, $0xA000;
	s18 =	sadd.s32 $0x280, s1  }
0x77: {  	[tilespmem:s23], [sflag:$0x2] =	stream.indirect.gather [hbm4b:s4+s14], $0x40, s18, s14, $0xb8;
	[tilespmem:$0x1EA00] =	vst v63  }
0x78: {  	s18 =	sadd.s32 $0x300, s1  }
0x79: {  	[tilespmem:s24], [sflag:$0x2] =	stream.indirect.gather [hbm4b:s4+s14], $0x40, s18, s14, $0xb8;
	[tilespmem:$0x1EA00] =	vst v63  }
0x7a: {  	s18 =	sadd.s32 $0x380, s1  }
0x7b: {  	[tilespmem:s25], [sflag:$0x2] =	stream.indirect.gather [hbm4b:s4+s14], $0x40, s18, s14, $0xb8;
	[tilespmem:$0x1EA00] =	vst v63  }
0x7c: {  	_ =	swait.ge [sflag:s26], $0x1F40  }
0x7d: {  	[sflag:s26] =	ssyncset.done $0x0  }
0x7e: {  	[sflag:s26] =	ssyncadd.s32 $0xFFFFE0C0  }
0x7f: {  	_ =	swait.ge [sflag:s26], $0x1F40  }
0x80: {  	[sflag:s26] =	ssyncset.done $0x0  }
0x81: {  	[sflag:s26] =	ssyncadd.s32 $0xFFFFE0C0  }
0x82: {  	_ =	swait.ge [sflag:s26], $0x1F40  }
0x83: {  	[sflag:s26] =	ssyncset.done $0x0  }
0x84: {  	[sflag:s26] =	ssyncadd.s32 $0xFFFFE0C0  }
0x85: {  	_ =	swait.ge [sflag:s26], $0x1F40  }
0x86: {  	[sflag:s26] =	ssyncset.done $0x0  }
0x87: {  	s18 =	sadd.s32 $0x2800, s1;
	[sflag:s26] =	ssyncadd.s32 $0xFFFFE0C0  }
0x88: {  	[spmem:s2] =	stream.indirect.scatter.add.f32 [tilespmem:s15], [sflag:$0x3], $0x40, s18, s14, $0xb8;
	[tilespmem:$0x1EA00] =	vst v63  }
0x89: {  	s18 =	sadd.s32 $0x2880, s1  }
0x8a: {  	[spmem:s2] =	stream.indirect.scatter.add.f32 [tilespmem:s17], [sflag:$0x3], $0x40, s18, s14, $0xb8;
	[tilespmem:$0x1EA00] =	vst v63  }
0x8b: {  	s18 =	sadd.s32 $0x2900, s1  }
0x8c: {  	[spmem:s2] =	stream.indirect.scatter.add.f32 [tilespmem:s19], [sflag:$0x3], $0x40, s18, s14, $0xb8;
	[tilespmem:$0x1EA00] =	vst v63  }
0x8d: {  	s18 =	sadd.s32 $0x2980, s1  }
0x8e: {  	[spmem:s2] =	stream.indirect.scatter.add.f32 [tilespmem:s21], [sflag:$0x3], $0x40, s18, s14, $0xb8;
	[tilespmem:$0x1EA00] =	vst v63  }
0x8f: {  	_ =	swait.ge [sflag:s28], $0x1F40  }
0x90: {  	[sflag:s28] =	ssyncset.done $0x0  }
0x91: {  	[sflag:s28] =	ssyncadd.s32 $0xFFFFE0C0  }
0x92: {  	_ =	swait.ge [sflag:s28], $0x1F40  }
0x93: {  	[sflag:s28] =	ssyncset.done $0x0  }
0x94: {  	[sflag:s28] =	ssyncadd.s32 $0xFFFFE0C0  }
0x95: {  	_ =	swait.ge [sflag:s28], $0x1F40  }
0x96: {  	[sflag:s28] =	ssyncset.done $0x0  }
0x97: {  	[sflag:s28] =	ssyncadd.s32 $0xFFFFE0C0  }
0x98: {  	p1 =	seq.s32 s0, $0x9000;
	_ =	swait.ge [sflag:s28], $0x1F40  }
0x99: {  	s0 =	sshra.s32 @!p1 s0, $0x2;
	s18 =	simm.s32 @!p1 $0x5000;
	[sflag:s28] =	ssyncset.done $0x0  }
0x9a: {  	s5 =	simm.s32 @!p1 $0x7D;
	s20 =	sadd.s32 @!p1 $0x400, s0;
	[sflag:s28] =	ssyncadd.s32 $0xFFFFE0C0  }
0x9b: {  	[tilespmem:s18], [sflag:$0x1] =	stream.indirect.gather @!p1 [hbm4b:s4+s5], $0x40, s20, s5, $0xb8;
	[tilespmem:$0x1EA00] =	vst v63  }
0x9c: {  	s7 =	sadd.s32 @!p1 $0x500, s0;
	s18 =	sadd.s32 @!p1 $0x480, s0;
	s20 =	simm.s32 @!p1 $0x6F40  }
0x9d: {  	[tilespmem:s20], [sflag:$0x1] =	stream.indirect.gather @!p1 [hbm4b:s4+s5], $0x40, s18, s5, $0xb8;
	[tilespmem:$0x1EA00] =	vst v63  }
0x9e: {  	s18 =	simm.s32 @!p1 $0x8E80;
	s20 =	sadd.s32 @!p1 $0x580, s0;
	s0 =	smov.u32 s16  }
0x9f: {  	[tilespmem:s18], [sflag:$0x1] =	stream.indirect.gather @!p1 [hbm4b:s4+s5], $0x40, s7, s5, $0xb8;
	[tilespmem:$0x1EA00] =	vst v63  }
0xa0: {  	s7 =	simm.s32 @!p1 $0xADC0  }
0xa1: {  	[tilespmem:s7], [sflag:$0x1] =	stream.indirect.gather @!p1 [hbm4b:s4+s5], $0x40, s20, s5, $0xb8;
	[tilespmem:$0x1EA00] =	vst v63  }
0xa2: {  	_ =	swait.ge [sflag:s29], $0x1F40  }
0xa3: {  	[sflag:s29] =	ssyncset.done $0x0  }
0xa4: {  	[sflag:s29] =	ssyncadd.s32 $0xFFFFE0C0  }
0xa5: {  	_ =	swait.ge [sflag:s29], $0x1F40  }
0xa6: {  	[sflag:s29] =	ssyncset.done $0x0  }
0xa7: {  	[sflag:s29] =	ssyncadd.s32 $0xFFFFE0C0  }
0xa8: {  	_ =	swait.ge [sflag:s29], $0x1F40  }
0xa9: {  	[sflag:s29] =	ssyncset.done $0x0  }
0xaa: {  	[sflag:s29] =	ssyncadd.s32 $0xFFFFE0C0  }
0xab: {  	_ =	swait.ge [sflag:s29], $0x1F40  }
0xac: {  	[sflag:s29] =	ssyncset.done $0x0  }
0xad: {  	s5 =	sadd.s32 $0x2A00, s1;
	[sflag:s29] =	ssyncadd.s32 $0xFFFFE0C0  }
0xae: {  	[spmem:s2] =	stream.indirect.scatter.add.f32 [tilespmem:s22], [sflag:$0x4], $0x40, s5, s14, $0xb8;
	[tilespmem:$0x1EA00] =	vst v63  }
0xaf: {  	s5 =	sadd.s32 $0x2A80, s1  }
0xb0: {  	[spmem:s2] =	stream.indirect.scatter.add.f32 [tilespmem:s23], [sflag:$0x4], $0x40, s5, s14, $0xb8;
	[tilespmem:$0x1EA00] =	vst v63  }
0xb1: {  	s5 =	sadd.s32 $0x2B00, s1  }
0xb2: {  	[spmem:s2] =	stream.indirect.scatter.add.f32 [tilespmem:s24], [sflag:$0x4], $0x40, s5, s14, $0xb8;
	[tilespmem:$0x1EA00] =	vst v63  }
0xb3: {  	s1 =	sadd.s32 $0x2B80, s1  }
0xb4: {  	[spmem:s2] =	stream.indirect.scatter.add.f32 [tilespmem:s25], [sflag:$0x4], $0x40, s1, s14, $0xb8;
	[tilespmem:$0x1EA00] =	vst v63  }
0xb5: {  	_ =	swait.ge [sflag:s30], $0x1F40  }
0xb6: {  	[sflag:s30] =	ssyncset.done $0x0  }
0xb7: {  	[sflag:s30] =	ssyncadd.s32 $0xFFFFE0C0  }
0xb8: {  	_ =	swait.ge [sflag:s30], $0x1F40  }
0xb9: {  	[sflag:s30] =	ssyncset.done $0x0  }
0xba: {  	[sflag:s30] =	ssyncadd.s32 $0xFFFFE0C0  }
.Ltmp0:
0xbb: {  	_ =	swait.ge [sflag:s30], $0x1F40;
	(pc) =	sbr.rel @p0 .LBB2_2-.Ltmp0, $4  }
0xbc: {  	[sflag:s30] =	ssyncset.done $0x0  }
0xbd: {  	[sflag:s30] =	ssyncadd.s32 $0xFFFFE0C0  }
0xbe: {  	_ =	swait.ge [sflag:s30], $0x1F40  }
0xbf: {  	s1 =	sshra.s32 s0, $0x2;
	[sflag:s30] =	ssyncset.done $0x0  }
0xc0: {  	s5 =	sadd.s32 $0x200, s1;
	[sflag:s30] =	ssyncadd.s32 $0xFFFFE0C0  }
0xc1: {  	[tilespmem:s22], [sflag:$0x2] =	stream.indirect.gather [hbm4b:s4+s14], $0x40, s5, s14, $0xb8;
	[tilespmem:$0x1EA00] =	vst v63  }
0xc2: {  	s20 =	sadd.s32 $0x280, s1  }
0xc3: {  	[tilespmem:s23], [sflag:$0x2] =	stream.indirect.gather [hbm4b:s4+s14], $0x40, s20, s14, $0xb8;
	[tilespmem:$0x1EA00] =	vst v63  }
0xc4: {  	s7 =	sadd.s32 $0x300, s1  }
0xc5: {  	[tilespmem:s24], [sflag:$0x2] =	stream.indirect.gather [hbm4b:s4+s14], $0x40, s7, s14, $0xb8;
	[tilespmem:$0x1EA00] =	vst v63  }
0xc6: {  	s13 =	sadd.s32 $0x380, s1  }
0xc7: {  	[tilespmem:s25], [sflag:$0x2] =	stream.indirect.gather [hbm4b:s4+s14], $0x40, s13, s14, $0xb8;
	[tilespmem:$0x1EA00] =	vst v63  }
0xc8: {  	_ =	swait.ge [sflag:s26], $0x1F40  }
0xc9: {  	[sflag:s26] =	ssyncset.done $0x0  }
0xca: {  	[sflag:s26] =	ssyncadd.s32 $0xFFFFE0C0  }
0xcb: {  	_ =	swait.ge [sflag:s26], $0x1F40  }
0xcc: {  	[sflag:s26] =	ssyncset.done $0x0  }
0xcd: {  	[sflag:s26] =	ssyncadd.s32 $0xFFFFE0C0  }
0xce: {  	_ =	swait.ge [sflag:s26], $0x1F40  }
0xcf: {  	[sflag:s26] =	ssyncset.done $0x0  }
0xd0: {  	[sflag:s26] =	ssyncadd.s32 $0xFFFFE0C0  }
0xd1: {  	_ =	swait.ge [sflag:s26], $0x1F40  }
0xd2: {  	[sflag:s26] =	ssyncset.done $0x0  }
0xd3: {  	s16 =	sadd.s32 $0x2800, s1;
	[sflag:s26] =	ssyncadd.s32 $0xFFFFE0C0  }
0xd4: {  	[spmem:s2] =	stream.indirect.scatter.add.f32 [tilespmem:s15], [sflag:$0x3], $0x40, s16, s14, $0xb8;
	[tilespmem:$0x1EA00] =	vst v63  }
0xd5: {  	s18 =	sadd.s32 $0x2880, s1  }
0xd6: {  	[spmem:s2] =	stream.indirect.scatter.add.f32 [tilespmem:s17], [sflag:$0x3], $0x40, s18, s14, $0xb8;
	[tilespmem:$0x1EA00] =	vst v63  }
0xd7: {  	s20 =	sadd.s32 $0x2900, s1  }
0xd8: {  	[spmem:s2] =	stream.indirect.scatter.add.f32 [tilespmem:s19], [sflag:$0x3], $0x40, s20, s14, $0xb8;
	[tilespmem:$0x1EA00] =	vst v63  }
0xd9: {  	s7 =	sadd.s32 $0x2980, s1  }
0xda: {  	[spmem:s2] =	stream.indirect.scatter.add.f32 [tilespmem:s21], [sflag:$0x3], $0x40, s7, s14, $0xb8;
	[tilespmem:$0x1EA00] =	vst v63  }
0xdb: {  	_ =	swait.ge [sflag:s28], $0x1F40  }
0xdc: {  	[sflag:s28] =	ssyncset.done $0x0  }
0xdd: {  	[sflag:s28] =	ssyncadd.s32 $0xFFFFE0C0  }
0xde: {  	_ =	swait.ge [sflag:s28], $0x1F40  }
0xdf: {  	[sflag:s28] =	ssyncset.done $0x0  }
0xe0: {  	[sflag:s28] =	ssyncadd.s32 $0xFFFFE0C0  }
0xe1: {  	_ =	swait.ge [sflag:s28], $0x1F40  }
0xe2: {  	[sflag:s28] =	ssyncset.done $0x0  }
0xe3: {  	[sflag:s28] =	ssyncadd.s32 $0xFFFFE0C0  }
0xe4: {  	p0 =	seq.s32 s0, $0x9000;
	_ =	swait.ge [sflag:s28], $0x1F40  }
0xe5: {  	s0 =	sshra.s32 @!p0 s0, $0x2;
	s5 =	simm.s32 @!p0 $0x5000;
	[sflag:s28] =	ssyncset.done $0x0  }
0xe6: {  	s13 =	simm.s32 @!p0 $0x7D;
	s7 =	sadd.s32 @!p0 $0x400, s0;
	[sflag:s28] =	ssyncadd.s32 $0xFFFFE0C0  }
0xe7: {  	[tilespmem:s5], [sflag:$0x1] =	stream.indirect.gather @!p0 [hbm4b:s4+s13], $0x40, s7, s13, $0xb8;
	[tilespmem:$0x1EA00] =	vst v63  }
0xe8: {  	s5 =	sadd.s32 @!p0 $0x480, s0;
	s7 =	simm.s32 @!p0 $0x6F40  }
0xe9: {  	[tilespmem:s7], [sflag:$0x1] =	stream.indirect.gather @!p0 [hbm4b:s4+s13], $0x40, s5, s13, $0xb8;
	[tilespmem:$0x1EA00] =	vst v63  }
0xea: {  	s5 =	sadd.s32 @!p0 $0x500, s0;
	s7 =	simm.s32 @!p0 $0x8E80  }
0xeb: {  	[tilespmem:s7], [sflag:$0x1] =	stream.indirect.gather @!p0 [hbm4b:s4+s13], $0x40, s5, s13, $0xb8;
	[tilespmem:$0x1EA00] =	vst v63  }
0xec: {  	s0 =	sadd.s32 @!p0 $0x580, s0;
	s5 =	simm.s32 @!p0 $0xADC0  }
0xed: {  	[tilespmem:s5], [sflag:$0x1] =	stream.indirect.gather @!p0 [hbm4b:s4+s13], $0x40, s0, s13, $0xb8;
	[tilespmem:$0x1EA00] =	vst v63  }
0xee: {  	_ =	swait.ge [sflag:s29], $0x1F40  }
0xef: {  	[sflag:s29] =	ssyncset.done $0x0  }
0xf0: {  	[sflag:s29] =	ssyncadd.s32 $0xFFFFE0C0  }
0xf1: {  	_ =	swait.ge [sflag:s29], $0x1F40  }
0xf2: {  	[sflag:s29] =	ssyncset.done $0x0  }
0xf3: {  	[sflag:s29] =	ssyncadd.s32 $0xFFFFE0C0  }
0xf4: {  	_ =	swait.ge [sflag:s29], $0x1F40  }
0xf5: {  	[sflag:s29] =	ssyncset.done $0x0  }
0xf6: {  	[sflag:s29] =	ssyncadd.s32 $0xFFFFE0C0  }
0xf7: {  	_ =	swait.ge [sflag:s29], $0x1F40  }
0xf8: {  	[sflag:s29] =	ssyncset.done $0x0  }
0xf9: {  	s13 =	sadd.s32 $0x2A00, s1;
	[sflag:s29] =	ssyncadd.s32 $0xFFFFE0C0  }
0xfa: {  	[spmem:s2] =	stream.indirect.scatter.add.f32 [tilespmem:s22], [sflag:$0x4], $0x40, s13, s14, $0xb8;
	[tilespmem:$0x1EA00] =	vst v63  }
0xfb: {  	s16 =	sadd.s32 $0x2A80, s1  }
0xfc: {  	[spmem:s2] =	stream.indirect.scatter.add.f32 [tilespmem:s23], [sflag:$0x4], $0x40, s16, s14, $0xb8;
	[tilespmem:$0x1EA00] =	vst v63  }
0xfd: {  	s18 =	sadd.s32 $0x2B00, s1  }
0xfe: {  	[spmem:s2] =	stream.indirect.scatter.add.f32 [tilespmem:s24], [sflag:$0x4], $0x40, s18, s14, $0xb8;
	[tilespmem:$0x1EA00] =	vst v63  }
0xff: {  	s20 =	sadd.s32 $0x2B80, s1  }
0x100: {  	[spmem:s2] =	stream.indirect.scatter.add.f32 [tilespmem:s25], [sflag:$0x4], $0x40, s20, s14, $0xb8;
	[tilespmem:$0x1EA00] =	vst v63  }
0x101: {  	_ =	swait.ge [sflag:s30], $0x1F40  }
0x102: {  	[sflag:s30] =	ssyncset.done $0x0  }
0x103: {  	[sflag:s30] =	ssyncadd.s32 $0xFFFFE0C0  }
0x104: {  	_ =	swait.ge [sflag:s30], $0x1F40  }
0x105: {  	[sflag:s30] =	ssyncset.done $0x0  }
0x106: {  	[sflag:s30] =	ssyncadd.s32 $0xFFFFE0C0  }
0x107: {  	_ =	swait.ge [sflag:s30], $0x1F40  }
0x108: {  	[sflag:s30] =	ssyncset.done $0x0  }
0x109: {  	[sflag:s30] =	ssyncadd.s32 $0xFFFFE0C0  }
0x10a: {  	_ =	swait.ge [sflag:s30], $0x1F40  }
0x10b: {  	s31 =	sadd.s32 $0x1, s31;
	[sflag:s30] =	ssyncset.done $0x0  }
0x10c: {  	p0 =	sne.s32 s31, s10;
	[sflag:s30] =	ssyncadd.s32 $0xFFFFE0C0  }
.Ltmp1:
0x10d: {  	[bflag:$0x0] =	sbarrier.arrive $0xFFFF;
	(pc) =	sbr.rel @p0 .LBB2_1-.Ltmp1, $4  }
0x10e: {  	[hbm:s9], [sflag:s6] =	dma.local [spmem:s11], $0x1400  }
0x10f: {  	_ =	swait.ge [sflag:s12], $0x1400  }
0x110: {  	[sflag:s12] =	ssyncset.done $0x0  }
0x111: {  	[sflag:s12] =	ssyncadd.s32 $0xFFFFEC00  }
0x112: {  	_ =	sfence.sel $0x180000  }
0x113: {  	[bflag:$0x0] =	sbarrier.arrive $0xFFFF  }
0x114: {  	_ =	strace $0x90000047  }
0x115: {  	s0 =	stileid.u32;
	[bflag:$0x2] =	sbarrier.arrive $0xFFFF  }
0x116: {  	p0 =	sne.s32 s0, $0x0;
	s0 =	rddreg [dreg:$0x2]  }
0x117: {  	s0 =	sadd.s32 @!p0 $0x100000, s0  }
0x118: {  	[sflag:s0] =	ssyncadd.tile.s32 @!p0 $0x1;
	_ =	shalt  }
.Lfunc_end2:
_tile_overlayer_lowered:
.L_overlay_start_2:
0x119: {  	(tag) =	ssettag $0x2  }
0x11a: {  	s0 =	rddreg [dreg:$0x0];
	s2 =	stileid.u32  }
0x11b: {  	s1 =	rddreg [dreg:$0x1];
	p0 =	sne.s32 s2, $0x0  }
0x11c: {  	s3 =	rddreg [dreg:$0x2];
	[bflag:$0x3] =	sbarrier.arrive $0xFFFF;
	s2 =	simm.s32 @!p0 $0x1C05  }
0x11d: {  	[timem:s3], [sflag:s2] =	dma.local @!p0 [hbm:s0], s1  }
0x11e: {  	s0 =	simm.s32 @!p0 $0x5  }
0x11f: {  	_ =	swait.ge @!p0 [sflag:s0], s1  }
0x120: {  	s1 =	ssub.s32 @!p0 $0x0, s1;
	[sflag:s0] =	ssyncset.done @!p0 $0x0  }
0x121: {  	[sflag:s0] =	ssyncadd.s32 @!p0 s1  }
0x122: {  	[bflag:$0x3] =	sbarrier.arrive $0xFFFF  }
0x123: {  	_ =	shalt  }

// kernel: kernel.16.cloned.1.call-start
scs
__scs_entry_jumppad:
0x0: {  	(pc) =	sbr.rel $0x88, $3  }
0x1: {  	(tag) =	ssettag $0x0;
	lr =	simm.s32 $0x1  }
0x2: {  	[smem:$0x3F8E] =	sst lr;
	_ =	strace $0xD0000000  }
0x3: {  	_ = 	snop  }
0x4: {  	_ = 	snop  }
0x5: {  	_ = 	snop  }
0x6: {  	_ = 	snop  }
0x7: {  	_ = 	snop  }
__scs_overlays_trampoline_lowered:
0x8: {  	[smem:$0x3F9D] =	sst s0  }
0x9: {  	[smem:$0x3F9E] =	sst s1  }
0xa: {  	[smem:$0x3F9F] =	sst s2  }
0xb: {  	[smem:$0x3FA0] =	sst s3  }
0xc: {  	[smem:$0x3FA1] =	sst s4  }
0xd: {  	[smem:$0x3FA2] =	sst s5  }
0xe: {  	[smem:$0x3FA3] =	sst s6  }
0xf: {  	[smem:$0x3FA4] =	sst s7  }
0x10: {  	[smem:$0x3FA5] =	sst s8  }
0x11: {  	[smem:$0x3FA6] =	sst s9;
	s0 =	simm.s32 @!p0 $0x0  }
0x12: {  	s1 =	sld [smem:$0x3F8C];
	s0 =	simm.s32 @p0 $0x1  }
0x13: {  	[smem:$0x3FA7] =	sst s0;
	s0 =	simm.s32 @!p1 $0x0  }
0x14: {  	s2 =	sld [smem:$0x3F8B];
	s0 =	simm.s32 @p1 $0x1  }
0x15: {  	[smem:$0x3FA8] =	sst s0;
	s0 =	simm.s32 @!p2 $0x0  }
0x16: {  	s3 =	sld [smem:$0x3FDB];
	s0 =	simm.s32 @p2 $0x1  }
0x17: {  	s4 =	simm.s32 $0x1BF5;
	[smem:$0x3FAA] =	sst s0  }
0x18: {  	s0 =	sld [smem:$0x3F8D];
	_ =	swait.ge [sflag:s4], $0x0  }
0x19: {  	s7 =	sld [smem:$0x3F8E]  }
0x1a: {  	s8 =	sadd.s32 $0xFFFFE003, lr  }
0x1b: {  	s9 =	sadd.s32 $0xFFFFFEF7, lr;
	s5 =	simm.s32 $0xFFFFFFFF;
	p2 =	slt.u32 s8, $0xFFFFF086  }
0x1c: {  	p1 =	slt.u32 s9, $0xF7A;
	s5 =	simm.s32 @!p2 $0x0  }
0x1d: {  	s5 =	simm.s32 @p1 $0x1;
	p0 =	seq.s32 s7, s2  }
0x1e: {  	s7 =	smul.u32 @!p0 $0xF7A, s2;
	p2 =	seq.s32 @!p0 s5, $0x0  }
0x1f: {  	s9 =	smul.u32 $0xF7A, s1;
	s8 =	simm.s32 @!p0 $0x1BF5;
	p2 =	por !p2, p0  }
0x20: {  	[sflag:s8] =	ssyncset.s32 @!p0 $0xFFFFF086;
	s6 =	sadd.s32 @!p0 s3, s7;
	s7 =	simm.s32 @!p0 $0x108  }
0x21: {  	s3 =	sadd.s32 s3, s9;
	s6 =	sadd.s32 @!p0 $0x88, s6;
	s7 =	simm.s32 @p2 $0x1082  }
0x22: {  	[simem:s7], [sflag:s8] =	dma.local @!p0 [hbm:s6], $0xF7A  }
0x23: {  	s9 =	sor.u32 $0xD0000000, s2;
	s6 =	simm.s32 $0x108;
	_ =	swait.ge @!p0 [sflag:s8], $0x0  }
0x24: {  	s3 =	sadd.s32 $0x88, s3;
	s6 =	simm.s32 @!p1 $0x1082;
	[sflag:s4] =	ssyncset.s32 $0xFFFFF086  }
0x25: {  	[simem:s6], [sflag:s4] =	dma.local [hbm:s3], $0xF7A  }
0x26: {  	[smem:$0x3F8E] =	sst s1;
	(tag) =	ssettag s2;
	_ =	strace s9  }
0x27: {  	s1 =	sld [smem:$0x3F9E]  }
0x28: {  	s2 =	sld [smem:$0x3F9F]  }
0x29: {  	s4 =	sld [smem:$0x3FA1]  }
0x2a: {  	p0 =	seq.s32 s5, $0x0;
	s5 =	sld [smem:$0x3FA2]  }
0x2b: {  	s6 =	sld [smem:$0x3FA3]  }
0x2c: {  	s7 =	sld [smem:$0x3FA4]  }
0x2d: {  	s3 =	simm.s32 $0x108;
	s8 =	sld [smem:$0x3FA5]  }
0x2e: {  	s3 =	simm.s32 @!p0 $0x1082;
	s9 =	sld [smem:$0x3FA6]  }
0x2f: {  	lr =	sadd.s32 s0, s3;
	s0 =	sld [smem:$0x3F9D]  }
0x30: {  	s3 =	sld [smem:$0x3FA0]  }
0x31: {  	[smem:$0x3FA9] =	sst s10  }
0x32: {  	s10 =	sld [smem:$0x3FA7];
	_ =	sdelay $0x3  }
0x33: {  	p0 =	seq.s32 s10, $0x1;
	s10 =	sld [smem:$0x3FA9];
	_ =	sdelay $0x3  }
0x34: {  	[smem:$0x3FA9] =	sst s10  }
0x35: {  	s10 =	sld [smem:$0x3FA8];
	_ =	sdelay $0x3  }
0x36: {  	p1 =	seq.s32 s10, $0x1;
	s10 =	sld [smem:$0x3FA9];
	_ =	sdelay $0x3  }
0x37: {  	[smem:$0x3FA9] =	sst s10  }
0x38: {  	s10 =	sld [smem:$0x3FAA]  }
0x39: {  	_ = 	snop;
	(pc) =	sbr.ind lr, $3  }
0x3a: {  	_ = 	snop  }
0x3b: {  	_ = 	snop  }
0x3c: {  	p2 =	seq.s32 s10, $0x1;
	s10 =	sld [smem:$0x3FA9]  }
0x3d: {  	_ =	shalt  }
0x3e: {  	_ =	shalt  }
0x3f: {  	_ =	shalt  }
0x40: {  	_ =	shalt  }
0x41: {  	_ =	shalt  }
0x42: {  	_ =	shalt  }
0x43: {  	_ =	shalt  }
0x44: {  	_ =	shalt  }
0x45: {  	_ =	shalt  }
0x46: {  	_ =	shalt  }
0x47: {  	_ =	shalt  }
0x48: {  	_ =	shalt  }
0x49: {  	_ =	shalt  }
0x4a: {  	_ =	shalt  }
0x4b: {  	_ =	shalt  }
0x4c: {  	_ =	shalt  }
0x4d: {  	_ =	shalt  }
0x4e: {  	_ =	shalt  }
0x4f: {  	_ =	shalt  }
0x50: {  	_ =	shalt  }
0x51: {  	_ =	shalt  }
0x52: {  	_ =	shalt  }
0x53: {  	_ =	shalt  }
0x54: {  	_ =	shalt  }
0x55: {  	_ =	shalt  }
0x56: {  	_ =	shalt  }
0x57: {  	_ =	shalt  }
0x58: {  	_ =	shalt  }
0x59: {  	_ =	shalt  }
0x5a: {  	_ =	shalt  }
0x5b: {  	_ =	shalt  }
0x5c: {  	_ =	shalt  }
0x5d: {  	_ =	shalt  }
0x5e: {  	_ =	shalt  }
0x5f: {  	_ =	shalt  }
0x60: {  	_ =	shalt  }
0x61: {  	_ =	shalt  }
0x62: {  	_ =	shalt  }
0x63: {  	_ =	shalt  }
0x64: {  	_ =	shalt  }
0x65: {  	_ =	shalt  }
0x66: {  	_ =	shalt  }
0x67: {  	_ =	shalt  }
0x68: {  	_ =	shalt  }
0x69: {  	_ =	shalt  }
0x6a: {  	_ =	shalt  }
0x6b: {  	_ =	shalt  }
0x6c: {  	_ =	shalt  }
0x6d: {  	_ =	shalt  }
0x6e: {  	_ =	shalt  }
0x6f: {  	_ =	shalt  }
0x70: {  	_ =	shalt  }
0x71: {  	_ =	shalt  }
0x72: {  	_ =	shalt  }
0x73: {  	_ =	shalt  }
0x74: {  	_ =	shalt  }
0x75: {  	_ =	shalt  }
0x76: {  	_ =	shalt  }
0x77: {  	_ =	shalt  }
0x78: {  	_ =	shalt  }
0x79: {  	_ =	shalt  }
0x7a: {  	_ =	shalt  }
0x7b: {  	_ =	shalt  }
0x7c: {  	_ =	shalt  }
0x7d: {  	_ =	shalt  }
0x7e: {  	_ =	shalt  }
0x7f: {  	_ =	shalt  }
0x80: {  	_ =	shalt  }
0x81: {  	_ =	shalt  }
0x82: {  	_ =	shalt  }
0x83: {  	_ =	shalt  }
0x84: {  	_ =	shalt  }
0x85: {  	_ =	shalt  }
0x86: {  	_ =	shalt  }
0x87: {  	_ =	shalt  }
.Lfunc_end0:
.L_simem_size_0:
called_computation.1_lowered:
.L_overlay_start_0:
0x88: {  	s2 =	sld [smem:$0x3FD9]  }
0x89: {  	s3 =	sld [smem:$0x3FFE];
	_ =	sdelay $0x1  }
0x8a: {  	s1 =	srdreg.scid  }
0x8b: {  	s0 =	sand.u32 $0x1, s1  }
0x8c: {  	s16 =	sshll.u32 s0, $0xA;
	s2 =	sadd.s32 s3, s2  }
0x8d: {  	s2 =	sadd.s32 s2, s16  }
0x8e: {  	[smem:$0x3FB5] =	sst s2  }
0x8f: {  	_ = 	snop  }
0x90: {  	(tm) =	ssettm $0x1  }
0x91: {  	s17 =	sld [smem:$0x3FFB];
	_ =	sdelay $0x3  }
0x92: {  	_ =	strace s17  }
0x93: {  	s2 =	sld [smem:$0x3FFC];
	_ =	sdelay $0x3  }
0x94: {  	_ =	strace s2  }
0x95: {  	s2 =	sld [smem:$0x3FFD];
	_ =	sdelay $0x3  }
0x96: {  	_ =	strace s2  }
0x97: {  	_ =	strace $0x8FFFFFFF  }
0x98: {  	s18 =	sld [smem:$0x3FDB];
	_ =	sdelay $0x1  }
0x99: {  	s19 =	simm.s32 $_scs_section_size  }
0x9a: {  	s4 =	simm.s32 $_size__tile_overlayer_lowered;
	s5 =	simm.s32 $_tile_overlayer_lowered  }
0x9b: {  	s22 =	simm.s32 $0x1BFF;
	s21 =	sshll.u32 s5, $0x1;
	s2 =	sadd.s32 s19, s18  }
0x9c: {  	s6 =	simm.s32 $0x0;
	s20 =	sshll.u32 s4, $0x1;
	s4 =	sadd.s32 s21, s2  }
0x9d: {  	[timem:s6], [sflag:s22] =	dma.local [hbm:s4], s20  }
0x9e: {  	_ =	swait.ge [sflag:s22], s20  }
0x9f: {  	s3 =	ssub.s32 $0x0, s20;
	[sflag:s22] =	ssyncset.done $0x0  }
0xa0: {  	[sflag:s22] =	ssyncadd.s32 s3;
	_ =	sdelay $0x1  }
0xa1: {  	s23 =	simm.s32 $0x1B8B  }
0xa2: {  	_ =	swait.ge [sflag:s23], $0x1  }
0xa3: {  	[sflag:s23] =	ssyncset.done $0x0  }
0xa4: {  	s25 =	simm.s32 $0x1B8E;
	s24 =	sld [smem:$0x3FFE];
	[sflag:s23] =	ssyncadd.s32 $0xFFFFFFFF  }
0xa5: {  	s26 =	simm.s32 $execute0_lowered;
	[smem:$0x3FD2] =	sst s25  }
0xa6: {  	s4 =	sshll.u32 s26, $0x1;
	_ =	strace $0x80000049;
	[dreg:$0x1] =	wrdreg $0xFFFFFFFF  }
0xa7: {  	s28 =	simm.s32 $_size_execute0_lowered;
	s2 =	sadd.s32 s2, s4;
	[dreg:$0x0] =	wrdreg $0x0  }
0xa8: {  	s4 =	sshll.u32 s28, $0x1;
	[dreg:$0x2] =	wrdreg s2  }
0xa9: {  	[dreg:$0x3] =	wrdreg s4  }
0xaa: {  	[dreg:$0x4] =	wrdreg $0xC0  }
0xab: {  	_ =	task [dreg:s6], $0x5FFFF  }
0xac: {  	[dreg:$0x1] =	wrdreg $0xFFFFFFFF  }
0xad: {  	[dreg:$0x0] =	wrdreg $0x60  }
0xae: {  	[dreg:$0x2] =	wrdreg s24  }
0xaf: {  	[dreg:$0x3] =	wrdreg $0x14A000  }
0xb0: {  	[dreg:$0x4] =	wrdreg $0x9  }
0xb1: {  	_ =	task.clear_ibuf [dreg:s6], $0x5FFFF;
	_ =	strace $0x90000049  }
0xb2: {  	s29 =	simm.s32 $0x9;
	_ =	strace $0x8000004B  }
0xb3: {  	_ =	swait.ge [sflag:s29], $0x1  }
0xb4: {  	[sflag:s29] =	ssyncadd.s32 $0xFFFFFFFF  }
0xb5: {  	_ =	strace $0x9000004B  }
0xb6: {  	_ =	sfence  }
0xb7: {  	s30 =	sld [smem:$0x0];
	_ =	sdelay $0x2  }
0xb8: {  	s31 =	sshll.u32 s1, $0xD;
	s1 =	sshrl.u32 s1, $0x2  }
0xb9: {  	s3 =	sand.u32 $0x4000, s31;
	s1 =	sadd.s32 s1, s30  }
0xba: {  	s0 =	sor.u32 s3, s0;
	s1 =	sshll.u32 s1, $0x11  }
0xbb: {  	s0 =	sor.u32 s1, s0  }
0xbc: {  	s0 =	sadd.s32 $0x8F2B, s0  }
0xbd: {  	[sflag:s0] =	ssyncadd.remote.s32 $0x1  }
0xbe: {  	_ =	sfence.sel $0xFFFF  }
0xbf: {  	[dreg:$0x0] =	wrdreg $0xFFFFFFFF;
	(pc) =	sbr.abs _section_cstart, $3  }
0xc0: {  	[dreg:$0x1] =	wrdreg $0xFFFFFFFF  }
0xc1: {  	_ =	task.clear_ibuf [dreg:s6], $0x2FFFF;
	_ =	strace $0x9FFFFFFF  }
0xc2: {  	(tm) =	ssettm $0x7FFFFFFF  }
0xc3: {  	_ =	shalt  }
tec
execute0_lowered:
.L_overlay_start_1:
0x0: {  	(tag) =	ssettag $0x1  }
0x1: {  	s0 =	srdreg.scid;
	s5 =	rddreg [dreg:$0x0]  }
0x2: {  	s11 =	stileid.u32;
	s2 =	rddreg [dreg:$0x1];
	s3 =	simm.s32 $0x0  }
0x3: {  	s12 =	simm.s32 $0x5;
	s14 =	simm.s32 $0x7D;
	s15 =	simm.s32 $0x5000  }
0x4: {  	s17 =	simm.s32 $0x6F40;
	s19 =	simm.s32 $0x8E80;
	s21 =	simm.s32 $0xADC0  }
0x5: {  	s22 =	simm.s32 $0xCD00;
	s28 =	simm.s32 $0x3;
	s29 =	simm.s32 $0x2  }
0x6: {  	s30 =	simm.s32 $0x4;
	s31 =	simm.s32 $0x0;
	s0 =	sand.u32 $0x1, s0  }
0x7: {  	s6 =	smul.u32 $0xA000, s11;
	[smem:$0x7FF] =	sst s3;
	s4 =	sadd.s32 $0x4600, s5  }
0x8: {  	s23 =	sshll.u32 s11, $0x6;
	s1 =	sshll.u32 s0, $0x4;
	s7 =	smul.u32 $0xA0000, s0  }
0x9: {  	_ =	strace $0x8000004A;
	s0 =	ssub.s32 $0x2, s0;
	s1 =	sor.u32 s11, s1  }
0xa: {  	s8 =	sshrl.u32 s6, $0x3;
	s9 =	sshrl.u32 s0, $0x1;
	s24 =	sadd.s32 s6, s2  }
0xb: {  	s1 =	smul.u32 $0x2800, s1;
	s7 =	sadd.s32 s6, s7;
	s8 =	sadd.s32 s8, s5  }
0xc: {  	s0 =	ssub.s32 s0, s9;
	s6 =	sor.u32 $0x1C05, s23;
	s11 =	sshrl.u32 s24, $0x3  }
0xd: {  	s23 =	simm.s32 $0xEC40;
	s24 =	simm.s32 $0x10B80;
	s7 =	sshrl.u32 s7, $0x3  }
0xe: {  	s25 =	sadd.s32 $0x2C000, s8;
	s1 =	sshrl.u32 s1, $0x3;
	s10 =	sadd.s32 s7, s5  }
0xf: {  	[dreg:$0x3] =	wrdreg s25;
	s25 =	simm.s32 $0x12AC0;
	s1 =	sadd.s32 s1, s5  }
0x10: {  	s9 =	sadd.s32 $0x40000, s10;
	s10 =	smax.u32 s0, $0x1;
	s26 =	sadd.s32 $0x18000, s1  }
0x11: {  	s8 =	sadd.s32 $0x22000, s1;
	[dreg:$0x4] =	wrdreg s26;
	s26 =	simm.s32 $0x1  }
.LBB2_1:
0x12: {  	s0 =	rddreg [dreg:$0x3]  }
0x13: {  	[spmem:s11], [sflag:s6] =	dma.local [hbm:s0], $0x1400  }
0x14: {  	_ =	swait.ge [sflag:s12], $0x1400  }
0x15: {  	[sflag:s12] =	ssyncset.done $0x0  }
0x16: {  	s16 =	rddreg [dreg:$0x4];
	[sflag:s12] =	ssyncadd.s32 $0xFFFFEC00  }
0x17: {  	[tilespmem:s3], [sflag:$0x5] =	stream.linear.gather [hbm4b:s16+s3], $0x2800, $0x38;
	[tilespmem:$0x1EA00] =	vst v63  }
0x18: {  	_ =	swait.ge [sflag:s12], $0x2800  }
0x19: {  	[sflag:s12] =	ssyncset.done $0x0  }
0x1a: {  	s18 =	simm.s32 $0x2800;
	[sflag:s12] =	ssyncadd.s32 $0xFFFFD800  }
0x1b: {  	[tilespmem:s18], [sflag:$0x5] =	stream.linear.gather [hbm4b:s8+s3], $0x2800, $0x38;
	[tilespmem:$0x1EA00] =	vst v63  }
0x1c: {  	_ =	swait.ge [sflag:s12], $0x2800  }
0x1d: {  	[sflag:s12] =	ssyncset.done $0x0  }
0x1e: {  	[sflag:s12] =	ssyncadd.s32 $0xFFFFD800  }
0x1f: {  	[bflag:$0x0] =	sbarrier.arrive $0xFFFF  }
0x20: {  	[tilespmem:s15], [sflag:$0x1] =	stream.indirect.gather [hbm4b:s4+s14], $0x40, s3, s14, $0xb8;
	[tilespmem:$0x1EA00] =	vst v63  }
0x21: {  	s20 =	simm.s32 $0x80  }
0x22: {  	[tilespmem:s17], [sflag:$0x1] =	stream.indirect.gather [hbm4b:s4+s14], $0x40, s20, s14, $0xb8;
	[tilespmem:$0x1EA00] =	vst v63  }
0x23: {  	s1 =	simm.s32 $0x100  }
0x24: {  	[tilespmem:s19], [sflag:$0x1] =	stream.indirect.gather [hbm4b:s4+s14], $0x40, s1, s14, $0xb8;
	[tilespmem:$0x1EA00] =	vst v63  }
0x25: {  	s5 =	simm.s32 $0x180  }
0x26: {  	[tilespmem:s21], [sflag:$0x1] =	stream.indirect.gather [hbm4b:s4+s14], $0x40, s5, s14, $0xb8;
	[tilespmem:$0x1EA00] =	vst v63  }
0x27: {  	s7 =	simm.s32 $0x200  }
0x28: {  	[tilespmem:s22], [sflag:$0x2] =	stream.indirect.gather [hbm4b:s4+s14], $0x40, s7, s14, $0xb8;
	[tilespmem:$0x1EA00] =	vst v63  }
0x29: {  	s13 =	simm.s32 $0x280  }
0x2a: {  	[tilespmem:s23], [sflag:$0x2] =	stream.indirect.gather [hbm4b:s4+s14], $0x40, s13, s14, $0xb8;
	[tilespmem:$0x1EA00] =	vst v63  }
0x2b: {  	s16 =	simm.s32 $0x300  }
0x2c: {  	[tilespmem:s24], [sflag:$0x2] =	stream.indirect.gather [hbm4b:s4+s14], $0x40, s16, s14, $0xb8;
	[tilespmem:$0x1EA00] =	vst v63  }
0x2d: {  	s18 =	simm.s32 $0x380  }
0x2e: {  	[tilespmem:s25], [sflag:$0x2] =	stream.indirect.gather [hbm4b:s4+s14], $0x40, s18, s14, $0xb8;
	[tilespmem:$0x1EA00] =	vst v63  }
0x2f: {  	_ =	swait.ge [sflag:s26], $0x1F40  }
0x30: {  	[sflag:s26] =	ssyncset.done $0x0  }
0x31: {  	[sflag:s26] =	ssyncadd.s32 $0xFFFFE0C0  }
0x32: {  	_ =	swait.ge [sflag:s26], $0x1F40  }
0x33: {  	[sflag:s26] =	ssyncset.done $0x0  }
0x34: {  	[sflag:s26] =	ssyncadd.s32 $0xFFFFE0C0  }
0x35: {  	_ =	swait.ge [sflag:s26], $0x1F40  }
0x36: {  	[sflag:s26] =	ssyncset.done $0x0  }
0x37: {  	[sflag:s26] =	ssyncadd.s32 $0xFFFFE0C0  }
0x38: {  	_ =	swait.ge [sflag:s26], $0x1F40  }
0x39: {  	[sflag:s26] =	ssyncset.done $0x0  }
0x3a: {  	s20 =	simm.s32 $0x2800;
	[sflag:s26] =	ssyncadd.s32 $0xFFFFE0C0  }
0x3b: {  	[spmem:s2] =	stream.indirect.scatter.add.f32 [tilespmem:s15], [sflag:$0x3], $0x40, s20, s14, $0xb8;
	[tilespmem:$0x1EA00] =	vst v63  }
0x3c: {  	s1 =	simm.s32 $0x2880  }
0x3d: {  	[spmem:s2] =	stream.indirect.scatter.add.f32 [tilespmem:s17], [sflag:$0x3], $0x40, s1, s14, $0xb8;
	[tilespmem:$0x1EA00] =	vst v63  }
0x3e: {  	s5 =	simm.s32 $0x2900  }
0x3f: {  	[spmem:s2] =	stream.indirect.scatter.add.f32 [tilespmem:s19], [sflag:$0x3], $0x40, s5, s14, $0xb8;
	[tilespmem:$0x1EA00] =	vst v63  }
0x40: {  	s7 =	simm.s32 $0x2980  }
0x41: {  	[spmem:s2] =	stream.indirect.scatter.add.f32 [tilespmem:s21], [sflag:$0x3], $0x40, s7, s14, $0xb8;
	[tilespmem:$0x1EA00] =	vst v63  }
0x42: {  	_ =	swait.ge [sflag:s28], $0x1F40  }
0x43: {  	[sflag:s28] =	ssyncset.done $0x0  }
0x44: {  	[sflag:s28] =	ssyncadd.s32 $0xFFFFE0C0  }
0x45: {  	_ =	swait.ge [sflag:s28], $0x1F40  }
0x46: {  	[sflag:s28] =	ssyncset.done $0x0  }
0x47: {  	[sflag:s28] =	ssyncadd.s32 $0xFFFFE0C0  }
0x48: {  	_ =	swait.ge [sflag:s28], $0x1F40  }
0x49: {  	[sflag:s28] =	ssyncset.done $0x0  }
0x4a: {  	[sflag:s28] =	ssyncadd.s32 $0xFFFFE0C0  }
0x4b: {  	p0 =	por $0x0, $0x0;
	_ =	swait.ge [sflag:s28], $0x1F40  }
0x4c: {  	s0 =	simm.s32 @!p0 $0x5000;
	[sflag:s28] =	ssyncset.done $0x0  }
0x4d: {  	s13 =	simm.s32 @!p0 $0x7D;
	s1 =	simm.s32 @!p0 $0x400;
	[sflag:s28] =	ssyncadd.s32 $0xFFFFE0C0  }
0x4e: {  	[tilespmem:s0], [sflag:$0x1] =	stream.indirect.gather @!p0 [hbm4b:s4+s13], $0x40, s1, s13, $0xb8;
	[tilespmem:$0x1EA00] =	vst v63  }
0x4f: {  	s0 =	simm.s32 @!p0 $0x480;
	s1 =	simm.s32 @!p0 $0x6F40  }
0x50: {  	[tilespmem:s1], [sflag:$0x1] =	stream.indirect.gather @!p0 [hbm4b:s4+s13], $0x40, s0, s13, $0xb8;
	[tilespmem:$0x1EA00] =	vst v63  }
0x51: {  	s0 =	simm.s32 @!p0 $0x500;
	s1 =	simm.s32 @!p0 $0x8E80  }
0x52: {  	[tilespmem:s1], [sflag:$0x1] =	stream.indirect.gather @!p0 [hbm4b:s4+s13], $0x40, s0, s13, $0xb8;
	[tilespmem:$0x1EA00] =	vst v63  }
0x53: {  	s0 =	simm.s32 @!p0 $0x580;
	s1 =	simm.s32 @!p0 $0xADC0  }
0x54: {  	[tilespmem:s1], [sflag:$0x1] =	stream.indirect.gather @!p0 [hbm4b:s4+s13], $0x40, s0, s13, $0xb8;
	[tilespmem:$0x1EA00] =	vst v63  }
0x55: {  	_ =	swait.ge [sflag:s29], $0x1F40  }
0x56: {  	[sflag:s29] =	ssyncset.done $0x0  }
0x57: {  	[sflag:s29] =	ssyncadd.s32 $0xFFFFE0C0  }
0x58: {  	_ =	swait.ge [sflag:s29], $0x1F40  }
0x59: {  	[sflag:s29] =	ssyncset.done $0x0  }
0x5a: {  	[sflag:s29] =	ssyncadd.s32 $0xFFFFE0C0  }
0x5b: {  	_ =	swait.ge [sflag:s29], $0x1F40  }
0x5c: {  	[sflag:s29] =	ssyncset.done $0x0  }
0x5d: {  	[sflag:s29] =	ssyncadd.s32 $0xFFFFE0C0  }
0x5e: {  	_ =	swait.ge [sflag:s29], $0x1F40  }
0x5f: {  	[sflag:s29] =	ssyncset.done $0x0  }
0x60: {  	s13 =	simm.s32 $0x2A00;
	[sflag:s29] =	ssyncadd.s32 $0xFFFFE0C0  }
0x61: {  	[spmem:s2] =	stream.indirect.scatter.add.f32 [tilespmem:s22], [sflag:$0x4], $0x40, s13, s14, $0xb8;
	[tilespmem:$0x1EA00] =	vst v63  }
0x62: {  	s16 =	simm.s32 $0x2A80  }
0x63: {  	[spmem:s2] =	stream.indirect.scatter.add.f32 [tilespmem:s23], [sflag:$0x4], $0x40, s16, s14, $0xb8;
	[tilespmem:$0x1EA00] =	vst v63  }
0x64: {  	s18 =	simm.s32 $0x2B00  }
0x65: {  	[spmem:s2] =	stream.indirect.scatter.add.f32 [tilespmem:s24], [sflag:$0x4], $0x40, s18, s14, $0xb8;
	[tilespmem:$0x1EA00] =	vst v63  }
0x66: {  	s20 =	simm.s32 $0x2B80  }
0x67: {  	[spmem:s2] =	stream.indirect.scatter.add.f32 [tilespmem:s25], [sflag:$0x4], $0x40, s20, s14, $0xb8;
	[tilespmem:$0x1EA00] =	vst v63  }
0x68: {  	_ =	swait.ge [sflag:s30], $0x1F40  }
0x69: {  	[sflag:s30] =	ssyncset.done $0x0  }
0x6a: {  	[sflag:s30] =	ssyncadd.s32 $0xFFFFE0C0  }
0x6b: {  	_ =	swait.ge [sflag:s30], $0x1F40  }
0x6c: {  	[sflag:s30] =	ssyncset.done $0x0  }
0x6d: {  	[sflag:s30] =	ssyncadd.s32 $0xFFFFE0C0  }
0x6e: {  	_ =	swait.ge [sflag:s30], $0x1F40  }
0x6f: {  	[sflag:s30] =	ssyncset.done $0x0  }
0x70: {  	[sflag:s30] =	ssyncadd.s32 $0xFFFFE0C0  }
0x71: {  	s0 =	simm.s32 $0x1000;
	_ =	swait.ge [sflag:s30], $0x1F40  }
0x72: {  	s1 =	simm.s32 $0x400;
	s13 =	simm.s32 $0x2000;
	[sflag:s30] =	ssyncset.done $0x0  }
.LBB2_2:
0x73: {  	s18 =	sadd.s32 $0x200, s1  }
0x74: {  	[sflag:s30] =	ssyncadd.s32 $0xFFFFE0C0;
	s16 =	smov.u32 s13;
	s13 =	sadd.s32 $0x1000, s13  }
0x75: {  	[tilespmem:s22], [sflag:$0x2] =	stream.indirect.gather [hbm4b:s4+s14], $0x40, s18, s14, $0xb8;
	[tilespmem:$0x1EA00] =	vst v63  }
0x76: {  	p0 =	sne.s32 s13, $0xA000;
	s18 =	sadd.s32 $0x280, s1  }
0x77: {  	[tilespmem:s23], [sflag:$0x2] =	stream.indirect.gather [hbm4b:s4+s14], $0x40, s18, s14, $0xb8;
	[tilespmem:$0x1EA00] =	vst v63  }
0x78: {  	s18 =	sadd.s32 $0x300, s1  }
0x79: {  	[tilespmem:s24], [sflag:$0x2] =	stream.indirect.gather [hbm4b:s4+s14], $0x40, s18, s14, $0xb8;
	[tilespmem:$0x1EA00] =	vst v63  }
0x7a: {  	s18 =	sadd.s32 $0x380, s1  }
0x7b: {  	[tilespmem:s25], [sflag:$0x2] =	stream.indirect.gather [hbm4b:s4+s14], $0x40, s18, s14, $0xb8;
	[tilespmem:$0x1EA00] =	vst v63  }
0x7c: {  	_ =	swait.ge [sflag:s26], $0x1F40  }
0x7d: {  	[sflag:s26] =	ssyncset.done $0x0  }
0x7e: {  	[sflag:s26] =	ssyncadd.s32 $0xFFFFE0C0  }
0x7f: {  	_ =	swait.ge [sflag:s26], $0x1F40  }
0x80: {  	[sflag:s26] =	ssyncset.done $0x0  }
0x81: {  	[sflag:s26] =	ssyncadd.s32 $0xFFFFE0C0  }
0x82: {  	_ =	swait.ge [sflag:s26], $0x1F40  }
0x83: {  	[sflag:s26] =	ssyncset.done $0x0  }
0x84: {  	[sflag:s26] =	ssyncadd.s32 $0xFFFFE0C0  }
0x85: {  	_ =	swait.ge [sflag:s26], $0x1F40  }
0x86: {  	[sflag:s26] =	ssyncset.done $0x0  }
0x87: {  	s18 =	sadd.s32 $0x2800, s1;
	[sflag:s26] =	ssyncadd.s32 $0xFFFFE0C0  }
0x88: {  	[spmem:s2] =	stream.indirect.scatter.add.f32 [tilespmem:s15], [sflag:$0x3], $0x40, s18, s14, $0xb8;
	[tilespmem:$0x1EA00] =	vst v63  }
0x89: {  	s18 =	sadd.s32 $0x2880, s1  }
0x8a: {  	[spmem:s2] =	stream.indirect.scatter.add.f32 [tilespmem:s17], [sflag:$0x3], $0x40, s18, s14, $0xb8;
	[tilespmem:$0x1EA00] =	vst v63  }
0x8b: {  	s18 =	sadd.s32 $0x2900, s1  }
0x8c: {  	[spmem:s2] =	stream.indirect.scatter.add.f32 [tilespmem:s19], [sflag:$0x3], $0x40, s18, s14, $0xb8;
	[tilespmem:$0x1EA00] =	vst v63  }
0x8d: {  	s18 =	sadd.s32 $0x2980, s1  }
0x8e: {  	[spmem:s2] =	stream.indirect.scatter.add.f32 [tilespmem:s21], [sflag:$0x3], $0x40, s18, s14, $0xb8;
	[tilespmem:$0x1EA00] =	vst v63  }
0x8f: {  	_ =	swait.ge [sflag:s28], $0x1F40  }
0x90: {  	[sflag:s28] =	ssyncset.done $0x0  }
0x91: {  	[sflag:s28] =	ssyncadd.s32 $0xFFFFE0C0  }
0x92: {  	_ =	swait.ge [sflag:s28], $0x1F40  }
0x93: {  	[sflag:s28] =	ssyncset.done $0x0  }
0x94: {  	[sflag:s28] =	ssyncadd.s32 $0xFFFFE0C0  }
0x95: {  	_ =	swait.ge [sflag:s28], $0x1F40  }
0x96: {  	[sflag:s28] =	ssyncset.done $0x0  }
0x97: {  	[sflag:s28] =	ssyncadd.s32 $0xFFFFE0C0  }
0x98: {  	p1 =	seq.s32 s0, $0x9000;
	_ =	swait.ge [sflag:s28], $0x1F40  }
0x99: {  	s0 =	sshra.s32 @!p1 s0, $0x2;
	s18 =	simm.s32 @!p1 $0x5000;
	[sflag:s28] =	ssyncset.done $0x0  }
0x9a: {  	s5 =	simm.s32 @!p1 $0x7D;
	s20 =	sadd.s32 @!p1 $0x400, s0;
	[sflag:s28] =	ssyncadd.s32 $0xFFFFE0C0  }
0x9b: {  	[tilespmem:s18], [sflag:$0x1] =	stream.indirect.gather @!p1 [hbm4b:s4+s5], $0x40, s20, s5, $0xb8;
	[tilespmem:$0x1EA00] =	vst v63  }
0x9c: {  	s7 =	sadd.s32 @!p1 $0x500, s0;
	s18 =	sadd.s32 @!p1 $0x480, s0;
	s20 =	simm.s32 @!p1 $0x6F40  }
0x9d: {  	[tilespmem:s20], [sflag:$0x1] =	stream.indirect.gather @!p1 [hbm4b:s4+s5], $0x40, s18, s5, $0xb8;
	[tilespmem:$0x1EA00] =	vst v63  }
0x9e: {  	s18 =	simm.s32 @!p1 $0x8E80;
	s20 =	sadd.s32 @!p1 $0x580, s0;
	s0 =	smov.u32 s16  }
0x9f: {  	[tilespmem:s18], [sflag:$0x1] =	stream.indirect.gather @!p1 [hbm4b:s4+s5], $0x40, s7, s5, $0xb8;
	[tilespmem:$0x1EA00] =	vst v63  }
0xa0: {  	s7 =	simm.s32 @!p1 $0xADC0  }
0xa1: {  	[tilespmem:s7], [sflag:$0x1] =	stream.indirect.gather @!p1 [hbm4b:s4+s5], $0x40, s20, s5, $0xb8;
	[tilespmem:$0x1EA00] =	vst v63  }
0xa2: {  	_ =	swait.ge [sflag:s29], $0x1F40  }
0xa3: {  	[sflag:s29] =	ssyncset.done $0x0  }
0xa4: {  	[sflag:s29] =	ssyncadd.s32 $0xFFFFE0C0  }
0xa5: {  	_ =	swait.ge [sflag:s29], $0x1F40  }
0xa6: {  	[sflag:s29] =	ssyncset.done $0x0  }
0xa7: {  	[sflag:s29] =	ssyncadd.s32 $0xFFFFE0C0  }
0xa8: {  	_ =	swait.ge [sflag:s29], $0x1F40  }
0xa9: {  	[sflag:s29] =	ssyncset.done $0x0  }
0xaa: {  	[sflag:s29] =	ssyncadd.s32 $0xFFFFE0C0  }
0xab: {  	_ =	swait.ge [sflag:s29], $0x1F40  }
0xac: {  	[sflag:s29] =	ssyncset.done $0x0  }
0xad: {  	s5 =	sadd.s32 $0x2A00, s1;
	[sflag:s29] =	ssyncadd.s32 $0xFFFFE0C0  }
0xae: {  	[spmem:s2] =	stream.indirect.scatter.add.f32 [tilespmem:s22], [sflag:$0x4], $0x40, s5, s14, $0xb8;
	[tilespmem:$0x1EA00] =	vst v63  }
0xaf: {  	s5 =	sadd.s32 $0x2A80, s1  }
0xb0: {  	[spmem:s2] =	stream.indirect.scatter.add.f32 [tilespmem:s23], [sflag:$0x4], $0x40, s5, s14, $0xb8;
	[tilespmem:$0x1EA00] =	vst v63  }
0xb1: {  	s5 =	sadd.s32 $0x2B00, s1  }
0xb2: {  	[spmem:s2] =	stream.indirect.scatter.add.f32 [tilespmem:s24], [sflag:$0x4], $0x40, s5, s14, $0xb8;
	[tilespmem:$0x1EA00] =	vst v63  }
0xb3: {  	s1 =	sadd.s32 $0x2B80, s1  }
0xb4: {  	[spmem:s2] =	stream.indirect.scatter.add.f32 [tilespmem:s25], [sflag:$0x4], $0x40, s1, s14, $0xb8;
	[tilespmem:$0x1EA00] =	vst v63  }
0xb5: {  	_ =	swait.ge [sflag:s30], $0x1F40  }
0xb6: {  	[sflag:s30] =	ssyncset.done $0x0  }
0xb7: {  	[sflag:s30] =	ssyncadd.s32 $0xFFFFE0C0  }
0xb8: {  	_ =	swait.ge [sflag:s30], $0x1F40  }
0xb9: {  	[sflag:s30] =	ssyncset.done $0x0  }
0xba: {  	[sflag:s30] =	ssyncadd.s32 $0xFFFFE0C0  }
.Ltmp0:
0xbb: {  	_ =	swait.ge [sflag:s30], $0x1F40;
	(pc) =	sbr.rel @p0 .LBB2_2-.Ltmp0, $4  }
0xbc: {  	[sflag:s30] =	ssyncset.done $0x0  }
0xbd: {  	[sflag:s30] =	ssyncadd.s32 $0xFFFFE0C0  }
0xbe: {  	_ =	swait.ge [sflag:s30], $0x1F40  }
0xbf: {  	s1 =	sshra.s32 s0, $0x2;
	[sflag:s30] =	ssyncset.done $0x0  }
0xc0: {  	s5 =	sadd.s32 $0x200, s1;
	[sflag:s30] =	ssyncadd.s32 $0xFFFFE0C0  }
0xc1: {  	[tilespmem:s22], [sflag:$0x2] =	stream.indirect.gather [hbm4b:s4+s14], $0x40, s5, s14, $0xb8;
	[tilespmem:$0x1EA00] =	vst v63  }
0xc2: {  	s20 =	sadd.s32 $0x280, s1  }
0xc3: {  	[tilespmem:s23], [sflag:$0x2] =	stream.indirect.gather [hbm4b:s4+s14], $0x40, s20, s14, $0xb8;
	[tilespmem:$0x1EA00] =	vst v63  }
0xc4: {  	s7 =	sadd.s32 $0x300, s1  }
0xc5: {  	[tilespmem:s24], [sflag:$0x2] =	stream.indirect.gather [hbm4b:s4+s14], $0x40, s7, s14, $0xb8;
	[tilespmem:$0x1EA00] =	vst v63  }
0xc6: {  	s13 =	sadd.s32 $0x380, s1  }
0xc7: {  	[tilespmem:s25], [sflag:$0x2] =	stream.indirect.gather [hbm4b:s4+s14], $0x40, s13, s14, $0xb8;
	[tilespmem:$0x1EA00] =	vst v63  }
0xc8: {  	_ =	swait.ge [sflag:s26], $0x1F40  }
0xc9: {  	[sflag:s26] =	ssyncset.done $0x0  }
0xca: {  	[sflag:s26] =	ssyncadd.s32 $0xFFFFE0C0  }
0xcb: {  	_ =	swait.ge [sflag:s26], $0x1F40  }
0xcc: {  	[sflag:s26] =	ssyncset.done $0x0  }
0xcd: {  	[sflag:s26] =	ssyncadd.s32 $0xFFFFE0C0  }
0xce: {  	_ =	swait.ge [sflag:s26], $0x1F40  }
0xcf: {  	[sflag:s26] =	ssyncset.done $0x0  }
0xd0: {  	[sflag:s26] =	ssyncadd.s32 $0xFFFFE0C0  }
0xd1: {  	_ =	swait.ge [sflag:s26], $0x1F40  }
0xd2: {  	[sflag:s26] =	ssyncset.done $0x0  }
0xd3: {  	s16 =	sadd.s32 $0x2800, s1;
	[sflag:s26] =	ssyncadd.s32 $0xFFFFE0C0  }
0xd4: {  	[spmem:s2] =	stream.indirect.scatter.add.f32 [tilespmem:s15], [sflag:$0x3], $0x40, s16, s14, $0xb8;
	[tilespmem:$0x1EA00] =	vst v63  }
0xd5: {  	s18 =	sadd.s32 $0x2880, s1  }
0xd6: {  	[spmem:s2] =	stream.indirect.scatter.add.f32 [tilespmem:s17], [sflag:$0x3], $0x40, s18, s14, $0xb8;
	[tilespmem:$0x1EA00] =	vst v63  }
0xd7: {  	s20 =	sadd.s32 $0x2900, s1  }
0xd8: {  	[spmem:s2] =	stream.indirect.scatter.add.f32 [tilespmem:s19], [sflag:$0x3], $0x40, s20, s14, $0xb8;
	[tilespmem:$0x1EA00] =	vst v63  }
0xd9: {  	s7 =	sadd.s32 $0x2980, s1  }
0xda: {  	[spmem:s2] =	stream.indirect.scatter.add.f32 [tilespmem:s21], [sflag:$0x3], $0x40, s7, s14, $0xb8;
	[tilespmem:$0x1EA00] =	vst v63  }
0xdb: {  	_ =	swait.ge [sflag:s28], $0x1F40  }
0xdc: {  	[sflag:s28] =	ssyncset.done $0x0  }
0xdd: {  	[sflag:s28] =	ssyncadd.s32 $0xFFFFE0C0  }
0xde: {  	_ =	swait.ge [sflag:s28], $0x1F40  }
0xdf: {  	[sflag:s28] =	ssyncset.done $0x0  }
0xe0: {  	[sflag:s28] =	ssyncadd.s32 $0xFFFFE0C0  }
0xe1: {  	_ =	swait.ge [sflag:s28], $0x1F40  }
0xe2: {  	[sflag:s28] =	ssyncset.done $0x0  }
0xe3: {  	[sflag:s28] =	ssyncadd.s32 $0xFFFFE0C0  }
0xe4: {  	p0 =	seq.s32 s0, $0x9000;
	_ =	swait.ge [sflag:s28], $0x1F40  }
0xe5: {  	s0 =	sshra.s32 @!p0 s0, $0x2;
	s5 =	simm.s32 @!p0 $0x5000;
	[sflag:s28] =	ssyncset.done $0x0  }
0xe6: {  	s13 =	simm.s32 @!p0 $0x7D;
	s7 =	sadd.s32 @!p0 $0x400, s0;
	[sflag:s28] =	ssyncadd.s32 $0xFFFFE0C0  }
0xe7: {  	[tilespmem:s5], [sflag:$0x1] =	stream.indirect.gather @!p0 [hbm4b:s4+s13], $0x40, s7, s13, $0xb8;
	[tilespmem:$0x1EA00] =	vst v63  }
0xe8: {  	s5 =	sadd.s32 @!p0 $0x480, s0;
	s7 =	simm.s32 @!p0 $0x6F40  }
0xe9: {  	[tilespmem:s7], [sflag:$0x1] =	stream.indirect.gather @!p0 [hbm4b:s4+s13], $0x40, s5, s13, $0xb8;
	[tilespmem:$0x1EA00] =	vst v63  }
0xea: {  	s5 =	sadd.s32 @!p0 $0x500, s0;
	s7 =	simm.s32 @!p0 $0x8E80  }
0xeb: {  	[tilespmem:s7], [sflag:$0x1] =	stream.indirect.gather @!p0 [hbm4b:s4+s13], $0x40, s5, s13, $0xb8;
	[tilespmem:$0x1EA00] =	vst v63  }
0xec: {  	s0 =	sadd.s32 @!p0 $0x580, s0;
	s5 =	simm.s32 @!p0 $0xADC0  }
0xed: {  	[tilespmem:s5], [sflag:$0x1] =	stream.indirect.gather @!p0 [hbm4b:s4+s13], $0x40, s0, s13, $0xb8;
	[tilespmem:$0x1EA00] =	vst v63  }
0xee: {  	_ =	swait.ge [sflag:s29], $0x1F40  }
0xef: {  	[sflag:s29] =	ssyncset.done $0x0  }
0xf0: {  	[sflag:s29] =	ssyncadd.s32 $0xFFFFE0C0  }
0xf1: {  	_ =	swait.ge [sflag:s29], $0x1F40  }
0xf2: {  	[sflag:s29] =	ssyncset.done $0x0  }
0xf3: {  	[sflag:s29] =	ssyncadd.s32 $0xFFFFE0C0  }
0xf4: {  	_ =	swait.ge [sflag:s29], $0x1F40  }
0xf5: {  	[sflag:s29] =	ssyncset.done $0x0  }
0xf6: {  	[sflag:s29] =	ssyncadd.s32 $0xFFFFE0C0  }
0xf7: {  	_ =	swait.ge [sflag:s29], $0x1F40  }
0xf8: {  	[sflag:s29] =	ssyncset.done $0x0  }
0xf9: {  	s13 =	sadd.s32 $0x2A00, s1;
	[sflag:s29] =	ssyncadd.s32 $0xFFFFE0C0  }
0xfa: {  	[spmem:s2] =	stream.indirect.scatter.add.f32 [tilespmem:s22], [sflag:$0x4], $0x40, s13, s14, $0xb8;
	[tilespmem:$0x1EA00] =	vst v63  }
0xfb: {  	s16 =	sadd.s32 $0x2A80, s1  }
0xfc: {  	[spmem:s2] =	stream.indirect.scatter.add.f32 [tilespmem:s23], [sflag:$0x4], $0x40, s16, s14, $0xb8;
	[tilespmem:$0x1EA00] =	vst v63  }
0xfd: {  	s18 =	sadd.s32 $0x2B00, s1  }
0xfe: {  	[spmem:s2] =	stream.indirect.scatter.add.f32 [tilespmem:s24], [sflag:$0x4], $0x40, s18, s14, $0xb8;
	[tilespmem:$0x1EA00] =	vst v63  }
0xff: {  	s20 =	sadd.s32 $0x2B80, s1  }
0x100: {  	[spmem:s2] =	stream.indirect.scatter.add.f32 [tilespmem:s25], [sflag:$0x4], $0x40, s20, s14, $0xb8;
	[tilespmem:$0x1EA00] =	vst v63  }
0x101: {  	_ =	swait.ge [sflag:s30], $0x1F40  }
0x102: {  	[sflag:s30] =	ssyncset.done $0x0  }
0x103: {  	[sflag:s30] =	ssyncadd.s32 $0xFFFFE0C0  }
0x104: {  	_ =	swait.ge [sflag:s30], $0x1F40  }
0x105: {  	[sflag:s30] =	ssyncset.done $0x0  }
0x106: {  	[sflag:s30] =	ssyncadd.s32 $0xFFFFE0C0  }
0x107: {  	_ =	swait.ge [sflag:s30], $0x1F40  }
0x108: {  	[sflag:s30] =	ssyncset.done $0x0  }
0x109: {  	[sflag:s30] =	ssyncadd.s32 $0xFFFFE0C0  }
0x10a: {  	_ =	swait.ge [sflag:s30], $0x1F40  }
0x10b: {  	s31 =	sadd.s32 $0x1, s31;
	[sflag:s30] =	ssyncset.done $0x0  }
0x10c: {  	p0 =	sne.s32 s31, s10;
	[sflag:s30] =	ssyncadd.s32 $0xFFFFE0C0  }
.Ltmp1:
0x10d: {  	[bflag:$0x0] =	sbarrier.arrive $0xFFFF;
	(pc) =	sbr.rel @p0 .LBB2_1-.Ltmp1, $4  }
0x10e: {  	[hbm:s9], [sflag:s6] =	dma.local [spmem:s11], $0x1400  }
0x10f: {  	_ =	swait.ge [sflag:s12], $0x1400  }
0x110: {  	[sflag:s12] =	ssyncset.done $0x0  }
0x111: {  	[sflag:s12] =	ssyncadd.s32 $0xFFFFEC00  }
0x112: {  	_ =	sfence.sel $0x180000  }
0x113: {  	[bflag:$0x0] =	sbarrier.arrive $0xFFFF  }
0x114: {  	_ =	strace $0x9000004A  }
0x115: {  	s0 =	stileid.u32;
	[bflag:$0x2] =	sbarrier.arrive $0xFFFF  }
0x116: {  	p0 =	sne.s32 s0, $0x0;
	s0 =	rddreg [dreg:$0x2]  }
0x117: {  	s0 =	sadd.s32 @!p0 $0x100000, s0  }
0x118: {  	[sflag:s0] =	ssyncadd.tile.s32 @!p0 $0x1;
	_ =	shalt  }
.Lfunc_end2:
_tile_overlayer_lowered:
.L_overlay_start_2:
0x119: {  	(tag) =	ssettag $0x2  }
0x11a: {  	s0 =	rddreg [dreg:$0x0];
	s2 =	stileid.u32  }
0x11b: {  	s1 =	rddreg [dreg:$0x1];
	p0 =	sne.s32 s2, $0x0  }
0x11c: {  	s3 =	rddreg [dreg:$0x2];
	[bflag:$0x3] =	sbarrier.arrive $0xFFFF;
	s2 =	simm.s32 @!p0 $0x1C05  }
0x11d: {  	[timem:s3], [sflag:s2] =	dma.local @!p0 [hbm:s0], s1  }
0x11e: {  	s0 =	simm.s32 @!p0 $0x5  }
0x11f: {  	_ =	swait.ge @!p0 [sflag:s0], s1  }
0x120: {  	s1 =	ssub.s32 @!p0 $0x0, s1;
	[sflag:s0] =	ssyncset.done @!p0 $0x0  }
0x121: {  	[sflag:s0] =	ssyncadd.s32 @!p0 s1  }
0x122: {  	[bflag:$0x3] =	sbarrier.arrive $0xFFFF  }
0x123: {  	_ =	shalt  }

// kernel: kernel.19.cloned.1.call-start
scs
__scs_entry_jumppad:
0x0: {  	(pc) =	sbr.rel $0x88, $3  }
0x1: {  	(tag) =	ssettag $0x0;
	lr =	simm.s32 $0x1  }
0x2: {  	[smem:$0x3F8E] =	sst lr;
	_ =	strace $0xD0000000  }
0x3: {  	_ = 	snop  }
0x4: {  	_ = 	snop  }
0x5: {  	_ = 	snop  }
0x6: {  	_ = 	snop  }
0x7: {  	_ = 	snop  }
__scs_overlays_trampoline_lowered:
0x8: {  	[smem:$0x3F9D] =	sst s0  }
0x9: {  	[smem:$0x3F9E] =	sst s1  }
0xa: {  	[smem:$0x3F9F] =	sst s2  }
0xb: {  	[smem:$0x3FA0] =	sst s3  }
0xc: {  	[smem:$0x3FA1] =	sst s4  }
0xd: {  	[smem:$0x3FA2] =	sst s5  }
0xe: {  	[smem:$0x3FA3] =	sst s6  }
0xf: {  	[smem:$0x3FA4] =	sst s7  }
0x10: {  	[smem:$0x3FA5] =	sst s8  }
0x11: {  	[smem:$0x3FA6] =	sst s9;
	s0 =	simm.s32 @!p0 $0x0  }
0x12: {  	s1 =	sld [smem:$0x3F8C];
	s0 =	simm.s32 @p0 $0x1  }
0x13: {  	[smem:$0x3FA7] =	sst s0;
	s0 =	simm.s32 @!p1 $0x0  }
0x14: {  	s2 =	sld [smem:$0x3F8B];
	s0 =	simm.s32 @p1 $0x1  }
0x15: {  	[smem:$0x3FA8] =	sst s0;
	s0 =	simm.s32 @!p2 $0x0  }
0x16: {  	s3 =	sld [smem:$0x3FDB];
	s0 =	simm.s32 @p2 $0x1  }
0x17: {  	s4 =	simm.s32 $0x1BF5;
	[smem:$0x3FAA] =	sst s0  }
0x18: {  	s0 =	sld [smem:$0x3F8D];
	_ =	swait.ge [sflag:s4], $0x0  }
0x19: {  	s7 =	sld [smem:$0x3F8E]  }
0x1a: {  	s8 =	sadd.s32 $0xFFFFE003, lr  }
0x1b: {  	s9 =	sadd.s32 $0xFFFFFEF7, lr;
	s5 =	simm.s32 $0xFFFFFFFF;
	p2 =	slt.u32 s8, $0xFFFFF086  }
0x1c: {  	p1 =	slt.u32 s9, $0xF7A;
	s5 =	simm.s32 @!p2 $0x0  }
0x1d: {  	s5 =	simm.s32 @p1 $0x1;
	p0 =	seq.s32 s7, s2  }
0x1e: {  	s7 =	smul.u32 @!p0 $0xF7A, s2;
	p2 =	seq.s32 @!p0 s5, $0x0  }
0x1f: {  	s9 =	smul.u32 $0xF7A, s1;
	s8 =	simm.s32 @!p0 $0x1BF5;
	p2 =	por !p2, p0  }
0x20: {  	[sflag:s8] =	ssyncset.s32 @!p0 $0xFFFFF086;
	s6 =	sadd.s32 @!p0 s3, s7;
	s7 =	simm.s32 @!p0 $0x108  }
0x21: {  	s3 =	sadd.s32 s3, s9;
	s6 =	sadd.s32 @!p0 $0x88, s6;
	s7 =	simm.s32 @p2 $0x1082  }
0x22: {  	[simem:s7], [sflag:s8] =	dma.local @!p0 [hbm:s6], $0xF7A  }
0x23: {  	s9 =	sor.u32 $0xD0000000, s2;
	s6 =	simm.s32 $0x108;
	_ =	swait.ge @!p0 [sflag:s8], $0x0  }
0x24: {  	s3 =	sadd.s32 $0x88, s3;
	s6 =	simm.s32 @!p1 $0x1082;
	[sflag:s4] =	ssyncset.s32 $0xFFFFF086  }
0x25: {  	[simem:s6], [sflag:s4] =	dma.local [hbm:s3], $0xF7A  }
0x26: {  	[smem:$0x3F8E] =	sst s1;
	(tag) =	ssettag s2;
	_ =	strace s9  }
0x27: {  	s1 =	sld [smem:$0x3F9E]  }
0x28: {  	s2 =	sld [smem:$0x3F9F]  }
0x29: {  	s4 =	sld [smem:$0x3FA1]  }
0x2a: {  	p0 =	seq.s32 s5, $0x0;
	s5 =	sld [smem:$0x3FA2]  }
0x2b: {  	s6 =	sld [smem:$0x3FA3]  }
0x2c: {  	s7 =	sld [smem:$0x3FA4]  }
0x2d: {  	s3 =	simm.s32 $0x108;
	s8 =	sld [smem:$0x3FA5]  }
0x2e: {  	s3 =	simm.s32 @!p0 $0x1082;
	s9 =	sld [smem:$0x3FA6]  }
0x2f: {  	lr =	sadd.s32 s0, s3;
	s0 =	sld [smem:$0x3F9D]  }
0x30: {  	s3 =	sld [smem:$0x3FA0]  }
0x31: {  	[smem:$0x3FA9] =	sst s10  }
0x32: {  	s10 =	sld [smem:$0x3FA7];
	_ =	sdelay $0x3  }
0x33: {  	p0 =	seq.s32 s10, $0x1;
	s10 =	sld [smem:$0x3FA9];
	_ =	sdelay $0x3  }
0x34: {  	[smem:$0x3FA9] =	sst s10  }
0x35: {  	s10 =	sld [smem:$0x3FA8];
	_ =	sdelay $0x3  }
0x36: {  	p1 =	seq.s32 s10, $0x1;
	s10 =	sld [smem:$0x3FA9];
	_ =	sdelay $0x3  }
0x37: {  	[smem:$0x3FA9] =	sst s10  }
0x38: {  	s10 =	sld [smem:$0x3FAA]  }
0x39: {  	_ = 	snop;
	(pc) =	sbr.ind lr, $3  }
0x3a: {  	_ = 	snop  }
0x3b: {  	_ = 	snop  }
0x3c: {  	p2 =	seq.s32 s10, $0x1;
	s10 =	sld [smem:$0x3FA9]  }
0x3d: {  	_ =	shalt  }
0x3e: {  	_ =	shalt  }
0x3f: {  	_ =	shalt  }
0x40: {  	_ =	shalt  }
0x41: {  	_ =	shalt  }
0x42: {  	_ =	shalt  }
0x43: {  	_ =	shalt  }
0x44: {  	_ =	shalt  }
0x45: {  	_ =	shalt  }
0x46: {  	_ =	shalt  }
0x47: {  	_ =	shalt  }
0x48: {  	_ =	shalt  }
0x49: {  	_ =	shalt  }
0x4a: {  	_ =	shalt  }
0x4b: {  	_ =	shalt  }
0x4c: {  	_ =	shalt  }
0x4d: {  	_ =	shalt  }
0x4e: {  	_ =	shalt  }
0x4f: {  	_ =	shalt  }
0x50: {  	_ =	shalt  }
0x51: {  	_ =	shalt  }
0x52: {  	_ =	shalt  }
0x53: {  	_ =	shalt  }
0x54: {  	_ =	shalt  }
0x55: {  	_ =	shalt  }
0x56: {  	_ =	shalt  }
0x57: {  	_ =	shalt  }
0x58: {  	_ =	shalt  }
0x59: {  	_ =	shalt  }
0x5a: {  	_ =	shalt  }
0x5b: {  	_ =	shalt  }
0x5c: {  	_ =	shalt  }
0x5d: {  	_ =	shalt  }
0x5e: {  	_ =	shalt  }
0x5f: {  	_ =	shalt  }
0x60: {  	_ =	shalt  }
0x61: {  	_ =	shalt  }
0x62: {  	_ =	shalt  }
0x63: {  	_ =	shalt  }
0x64: {  	_ =	shalt  }
0x65: {  	_ =	shalt  }
0x66: {  	_ =	shalt  }
0x67: {  	_ =	shalt  }
0x68: {  	_ =	shalt  }
0x69: {  	_ =	shalt  }
0x6a: {  	_ =	shalt  }
0x6b: {  	_ =	shalt  }
0x6c: {  	_ =	shalt  }
0x6d: {  	_ =	shalt  }
0x6e: {  	_ =	shalt  }
0x6f: {  	_ =	shalt  }
0x70: {  	_ =	shalt  }
0x71: {  	_ =	shalt  }
0x72: {  	_ =	shalt  }
0x73: {  	_ =	shalt  }
0x74: {  	_ =	shalt  }
0x75: {  	_ =	shalt  }
0x76: {  	_ =	shalt  }
0x77: {  	_ =	shalt  }
0x78: {  	_ =	shalt  }
0x79: {  	_ =	shalt  }
0x7a: {  	_ =	shalt  }
0x7b: {  	_ =	shalt  }
0x7c: {  	_ =	shalt  }
0x7d: {  	_ =	shalt  }
0x7e: {  	_ =	shalt  }
0x7f: {  	_ =	shalt  }
0x80: {  	_ =	shalt  }
0x81: {  	_ =	shalt  }
0x82: {  	_ =	shalt  }
0x83: {  	_ =	shalt  }
0x84: {  	_ =	shalt  }
0x85: {  	_ =	shalt  }
0x86: {  	_ =	shalt  }
0x87: {  	_ =	shalt  }
.Lfunc_end0:
.L_simem_size_0:
called_computation.2_lowered:
.L_overlay_start_0:
0x88: {  	s2 =	sld [smem:$0x3FD9]  }
0x89: {  	s3 =	sld [smem:$0x3FFE];
	_ =	sdelay $0x1  }
0x8a: {  	s1 =	srdreg.scid  }
0x8b: {  	s0 =	sand.u32 $0x1, s1  }
0x8c: {  	s16 =	sshll.u32 s0, $0xA;
	s2 =	sadd.s32 s3, s2  }
0x8d: {  	s2 =	sadd.s32 s2, s16  }
0x8e: {  	[smem:$0x3FB5] =	sst s2  }
0x8f: {  	_ = 	snop  }
0x90: {  	(tm) =	ssettm $0x1  }
0x91: {  	s17 =	sld [smem:$0x3FFB];
	_ =	sdelay $0x3  }
0x92: {  	_ =	strace s17  }
0x93: {  	s2 =	sld [smem:$0x3FFC];
	_ =	sdelay $0x3  }
0x94: {  	_ =	strace s2  }
0x95: {  	s2 =	sld [smem:$0x3FFD];
	_ =	sdelay $0x3  }
0x96: {  	_ =	strace s2  }
0x97: {  	_ =	strace $0x8FFFFFFF  }
0x98: {  	s18 =	sld [smem:$0x3FDB];
	_ =	sdelay $0x1  }
0x99: {  	s19 =	simm.s32 $_scs_section_size  }
0x9a: {  	s4 =	simm.s32 $_size__tile_overlayer_lowered;
	s5 =	simm.s32 $_tile_overlayer_lowered  }
0x9b: {  	s22 =	simm.s32 $0x1BFF;
	s21 =	sshll.u32 s5, $0x1;
	s2 =	sadd.s32 s19, s18  }
0x9c: {  	s6 =	simm.s32 $0x0;
	s20 =	sshll.u32 s4, $0x1;
	s4 =	sadd.s32 s21, s2  }
0x9d: {  	[timem:s6], [sflag:s22] =	dma.local [hbm:s4], s20  }
0x9e: {  	_ =	swait.ge [sflag:s22], s20  }
0x9f: {  	s3 =	ssub.s32 $0x0, s20;
	[sflag:s22] =	ssyncset.done $0x0  }
0xa0: {  	[sflag:s22] =	ssyncadd.s32 s3;
	_ =	sdelay $0x1  }
0xa1: {  	s23 =	simm.s32 $0x1B8B  }
0xa2: {  	_ =	swait.ge [sflag:s23], $0x1  }
0xa3: {  	[sflag:s23] =	ssyncset.done $0x0  }
0xa4: {  	s25 =	simm.s32 $0x1B8E;
	s24 =	sld [smem:$0x3FFE];
	[sflag:s23] =	ssyncadd.s32 $0xFFFFFFFF  }
0xa5: {  	s26 =	simm.s32 $execute0_lowered;
	[smem:$0x3FD2] =	sst s25  }
0xa6: {  	s4 =	sshll.u32 s26, $0x1;
	_ =	strace $0x8000004C;
	[dreg:$0x1] =	wrdreg $0xFFFFFFFF  }
0xa7: {  	s28 =	simm.s32 $_size_execute0_lowered;
	s2 =	sadd.s32 s2, s4;
	[dreg:$0x0] =	wrdreg $0x0  }
0xa8: {  	s4 =	sshll.u32 s28, $0x1;
	[dreg:$0x2] =	wrdreg s2  }
0xa9: {  	[dreg:$0x3] =	wrdreg s4  }
0xaa: {  	[dreg:$0x4] =	wrdreg $0xC0  }
0xab: {  	_ =	task [dreg:s6], $0x5FFFF  }
0xac: {  	[dreg:$0x1] =	wrdreg $0xFFFFFFFF  }
0xad: {  	[dreg:$0x0] =	wrdreg $0x60  }
0xae: {  	[dreg:$0x2] =	wrdreg s24  }
0xaf: {  	[dreg:$0x3] =	wrdreg $0x14A000  }
0xb0: {  	[dreg:$0x4] =	wrdreg $0x9  }
0xb1: {  	_ =	task.clear_ibuf [dreg:s6], $0x5FFFF;
	_ =	strace $0x9000004C  }
0xb2: {  	s29 =	simm.s32 $0x9;
	_ =	strace $0x8000004E  }
0xb3: {  	_ =	swait.ge [sflag:s29], $0x1  }
0xb4: {  	[sflag:s29] =	ssyncadd.s32 $0xFFFFFFFF  }
0xb5: {  	_ =	strace $0x9000004E  }
0xb6: {  	_ =	sfence  }
0xb7: {  	s30 =	sld [smem:$0x0];
	_ =	sdelay $0x2  }
0xb8: {  	s31 =	sshll.u32 s1, $0xD;
	s1 =	sshrl.u32 s1, $0x2  }
0xb9: {  	s3 =	sand.u32 $0x4000, s31;
	s1 =	sadd.s32 s1, s30  }
0xba: {  	s0 =	sor.u32 s3, s0;
	s1 =	sshll.u32 s1, $0x11  }
0xbb: {  	s0 =	sor.u32 s1, s0  }
0xbc: {  	s0 =	sadd.s32 $0x8F2B, s0  }
0xbd: {  	[sflag:s0] =	ssyncadd.remote.s32 $0x1  }
0xbe: {  	_ =	sfence.sel $0xFFFF  }
0xbf: {  	[dreg:$0x0] =	wrdreg $0xFFFFFFFF;
	(pc) =	sbr.abs _section_cstart, $3  }
0xc0: {  	[dreg:$0x1] =	wrdreg $0xFFFFFFFF  }
0xc1: {  	_ =	task.clear_ibuf [dreg:s6], $0x2FFFF;
	_ =	strace $0x9FFFFFFF  }
0xc2: {  	(tm) =	ssettm $0x7FFFFFFF  }
0xc3: {  	_ =	shalt  }
tec
execute0_lowered:
.L_overlay_start_1:
0x0: {  	(tag) =	ssettag $0x1  }
0x1: {  	s0 =	srdreg.scid;
	s5 =	rddreg [dreg:$0x0]  }
0x2: {  	s11 =	stileid.u32;
	s2 =	rddreg [dreg:$0x1];
	s3 =	simm.s32 $0x0  }
0x3: {  	s12 =	simm.s32 $0x5;
	s14 =	simm.s32 $0x7D;
	s15 =	simm.s32 $0x5000  }
0x4: {  	s17 =	simm.s32 $0x6F40;
	s19 =	simm.s32 $0x8E80;
	s21 =	simm.s32 $0xADC0  }
0x5: {  	s22 =	simm.s32 $0xCD00;
	s28 =	simm.s32 $0x3;
	s29 =	simm.s32 $0x2  }
0x6: {  	s30 =	simm.s32 $0x4;
	s31 =	simm.s32 $0x0;
	s0 =	sand.u32 $0x1, s0  }
0x7: {  	s6 =	smul.u32 $0xA000, s11;
	[smem:$0x7FF] =	sst s3;
	s4 =	sadd.s32 $0x4600, s5  }
0x8: {  	s23 =	sshll.u32 s11, $0x6;
	s1 =	sshll.u32 s0, $0x4;
	s7 =	smul.u32 $0xA0000, s0  }
0x9: {  	_ =	strace $0x8000004D;
	s0 =	ssub.s32 $0x2, s0;
	s1 =	sor.u32 s11, s1  }
0xa: {  	s8 =	sshrl.u32 s6, $0x3;
	s9 =	sshrl.u32 s0, $0x1;
	s24 =	sadd.s32 s6, s2  }
0xb: {  	s1 =	smul.u32 $0x2800, s1;
	s7 =	sadd.s32 s6, s7;
	s8 =	sadd.s32 s8, s5  }
0xc: {  	s0 =	ssub.s32 s0, s9;
	s6 =	sor.u32 $0x1C05, s23;
	s11 =	sshrl.u32 s24, $0x3  }
0xd: {  	s23 =	simm.s32 $0xEC40;
	s24 =	simm.s32 $0x10B80;
	s7 =	sshrl.u32 s7, $0x3  }
0xe: {  	s25 =	sadd.s32 $0x2C000, s8;
	s1 =	sshrl.u32 s1, $0x3;
	s10 =	sadd.s32 s7, s5  }
0xf: {  	[dreg:$0x3] =	wrdreg s25;
	s25 =	simm.s32 $0x12AC0;
	s1 =	sadd.s32 s1, s5  }
0x10: {  	s9 =	sadd.s32 $0x40000, s10;
	s10 =	smax.u32 s0, $0x1;
	s26 =	sadd.s32 $0x18000, s1  }
0x11: {  	s8 =	sadd.s32 $0x22000, s1;
	[dreg:$0x4] =	wrdreg s26;
	s26 =	simm.s32 $0x1  }
.LBB2_1:
0x12: {  	s0 =	rddreg [dreg:$0x3]  }
0x13: {  	[spmem:s11], [sflag:s6] =	dma.local [hbm:s0], $0x1400  }
0x14: {  	_ =	swait.ge [sflag:s12], $0x1400  }
0x15: {  	[sflag:s12] =	ssyncset.done $0x0  }
0x16: {  	s16 =	rddreg [dreg:$0x4];
	[sflag:s12] =	ssyncadd.s32 $0xFFFFEC00  }
0x17: {  	[tilespmem:s3], [sflag:$0x5] =	stream.linear.gather [hbm4b:s16+s3], $0x2800, $0x38;
	[tilespmem:$0x1EA00] =	vst v63  }
0x18: {  	_ =	swait.ge [sflag:s12], $0x2800  }
0x19: {  	[sflag:s12] =	ssyncset.done $0x0  }
0x1a: {  	s18 =	simm.s32 $0x2800;
	[sflag:s12] =	ssyncadd.s32 $0xFFFFD800  }
0x1b: {  	[tilespmem:s18], [sflag:$0x5] =	stream.linear.gather [hbm4b:s8+s3], $0x2800, $0x38;
	[tilespmem:$0x1EA00] =	vst v63  }
0x1c: {  	_ =	swait.ge [sflag:s12], $0x2800  }
0x1d: {  	[sflag:s12] =	ssyncset.done $0x0  }
0x1e: {  	[sflag:s12] =	ssyncadd.s32 $0xFFFFD800  }
0x1f: {  	[bflag:$0x0] =	sbarrier.arrive $0xFFFF  }
0x20: {  	[tilespmem:s15], [sflag:$0x1] =	stream.indirect.gather [hbm4b:s4+s14], $0x40, s3, s14, $0xb8;
	[tilespmem:$0x1EA00] =	vst v63  }
0x21: {  	s20 =	simm.s32 $0x80  }
0x22: {  	[tilespmem:s17], [sflag:$0x1] =	stream.indirect.gather [hbm4b:s4+s14], $0x40, s20, s14, $0xb8;
	[tilespmem:$0x1EA00] =	vst v63  }
0x23: {  	s1 =	simm.s32 $0x100  }
0x24: {  	[tilespmem:s19], [sflag:$0x1] =	stream.indirect.gather [hbm4b:s4+s14], $0x40, s1, s14, $0xb8;
	[tilespmem:$0x1EA00] =	vst v63  }
0x25: {  	s5 =	simm.s32 $0x180  }
0x26: {  	[tilespmem:s21], [sflag:$0x1] =	stream.indirect.gather [hbm4b:s4+s14], $0x40, s5, s14, $0xb8;
	[tilespmem:$0x1EA00] =	vst v63  }
0x27: {  	s7 =	simm.s32 $0x200  }
0x28: {  	[tilespmem:s22], [sflag:$0x2] =	stream.indirect.gather [hbm4b:s4+s14], $0x40, s7, s14, $0xb8;
	[tilespmem:$0x1EA00] =	vst v63  }
0x29: {  	s13 =	simm.s32 $0x280  }
0x2a: {  	[tilespmem:s23], [sflag:$0x2] =	stream.indirect.gather [hbm4b:s4+s14], $0x40, s13, s14, $0xb8;
	[tilespmem:$0x1EA00] =	vst v63  }
0x2b: {  	s16 =	simm.s32 $0x300  }
0x2c: {  	[tilespmem:s24], [sflag:$0x2] =	stream.indirect.gather [hbm4b:s4+s14], $0x40, s16, s14, $0xb8;
	[tilespmem:$0x1EA00] =	vst v63  }
0x2d: {  	s18 =	simm.s32 $0x380  }
0x2e: {  	[tilespmem:s25], [sflag:$0x2] =	stream.indirect.gather [hbm4b:s4+s14], $0x40, s18, s14, $0xb8;
	[tilespmem:$0x1EA00] =	vst v63  }
0x2f: {  	_ =	swait.ge [sflag:s26], $0x1F40  }
0x30: {  	[sflag:s26] =	ssyncset.done $0x0  }
0x31: {  	[sflag:s26] =	ssyncadd.s32 $0xFFFFE0C0  }
0x32: {  	_ =	swait.ge [sflag:s26], $0x1F40  }
0x33: {  	[sflag:s26] =	ssyncset.done $0x0  }
0x34: {  	[sflag:s26] =	ssyncadd.s32 $0xFFFFE0C0  }
0x35: {  	_ =	swait.ge [sflag:s26], $0x1F40  }
0x36: {  	[sflag:s26] =	ssyncset.done $0x0  }
0x37: {  	[sflag:s26] =	ssyncadd.s32 $0xFFFFE0C0  }
0x38: {  	_ =	swait.ge [sflag:s26], $0x1F40  }
0x39: {  	[sflag:s26] =	ssyncset.done $0x0  }
0x3a: {  	s20 =	simm.s32 $0x2800;
	[sflag:s26] =	ssyncadd.s32 $0xFFFFE0C0  }
0x3b: {  	[spmem:s2] =	stream.indirect.scatter.add.f32 [tilespmem:s15], [sflag:$0x3], $0x40, s20, s14, $0xb8;
	[tilespmem:$0x1EA00] =	vst v63  }
0x3c: {  	s1 =	simm.s32 $0x2880  }
0x3d: {  	[spmem:s2] =	stream.indirect.scatter.add.f32 [tilespmem:s17], [sflag:$0x3], $0x40, s1, s14, $0xb8;
	[tilespmem:$0x1EA00] =	vst v63  }
0x3e: {  	s5 =	simm.s32 $0x2900  }
0x3f: {  	[spmem:s2] =	stream.indirect.scatter.add.f32 [tilespmem:s19], [sflag:$0x3], $0x40, s5, s14, $0xb8;
	[tilespmem:$0x1EA00] =	vst v63  }
0x40: {  	s7 =	simm.s32 $0x2980  }
0x41: {  	[spmem:s2] =	stream.indirect.scatter.add.f32 [tilespmem:s21], [sflag:$0x3], $0x40, s7, s14, $0xb8;
	[tilespmem:$0x1EA00] =	vst v63  }
0x42: {  	_ =	swait.ge [sflag:s28], $0x1F40  }
0x43: {  	[sflag:s28] =	ssyncset.done $0x0  }
0x44: {  	[sflag:s28] =	ssyncadd.s32 $0xFFFFE0C0  }
0x45: {  	_ =	swait.ge [sflag:s28], $0x1F40  }
0x46: {  	[sflag:s28] =	ssyncset.done $0x0  }
0x47: {  	[sflag:s28] =	ssyncadd.s32 $0xFFFFE0C0  }
0x48: {  	_ =	swait.ge [sflag:s28], $0x1F40  }
0x49: {  	[sflag:s28] =	ssyncset.done $0x0  }
0x4a: {  	[sflag:s28] =	ssyncadd.s32 $0xFFFFE0C0  }
0x4b: {  	p0 =	por $0x0, $0x0;
	_ =	swait.ge [sflag:s28], $0x1F40  }
0x4c: {  	s0 =	simm.s32 @!p0 $0x5000;
	[sflag:s28] =	ssyncset.done $0x0  }
0x4d: {  	s13 =	simm.s32 @!p0 $0x7D;
	s1 =	simm.s32 @!p0 $0x400;
	[sflag:s28] =	ssyncadd.s32 $0xFFFFE0C0  }
0x4e: {  	[tilespmem:s0], [sflag:$0x1] =	stream.indirect.gather @!p0 [hbm4b:s4+s13], $0x40, s1, s13, $0xb8;
	[tilespmem:$0x1EA00] =	vst v63  }
0x4f: {  	s0 =	simm.s32 @!p0 $0x480;
	s1 =	simm.s32 @!p0 $0x6F40  }
0x50: {  	[tilespmem:s1], [sflag:$0x1] =	stream.indirect.gather @!p0 [hbm4b:s4+s13], $0x40, s0, s13, $0xb8;
	[tilespmem:$0x1EA00] =	vst v63  }
0x51: {  	s0 =	simm.s32 @!p0 $0x500;
	s1 =	simm.s32 @!p0 $0x8E80  }
0x52: {  	[tilespmem:s1], [sflag:$0x1] =	stream.indirect.gather @!p0 [hbm4b:s4+s13], $0x40, s0, s13, $0xb8;
	[tilespmem:$0x1EA00] =	vst v63  }
0x53: {  	s0 =	simm.s32 @!p0 $0x580;
	s1 =	simm.s32 @!p0 $0xADC0  }
0x54: {  	[tilespmem:s1], [sflag:$0x1] =	stream.indirect.gather @!p0 [hbm4b:s4+s13], $0x40, s0, s13, $0xb8;
	[tilespmem:$0x1EA00] =	vst v63  }
0x55: {  	_ =	swait.ge [sflag:s29], $0x1F40  }
0x56: {  	[sflag:s29] =	ssyncset.done $0x0  }
0x57: {  	[sflag:s29] =	ssyncadd.s32 $0xFFFFE0C0  }
0x58: {  	_ =	swait.ge [sflag:s29], $0x1F40  }
0x59: {  	[sflag:s29] =	ssyncset.done $0x0  }
0x5a: {  	[sflag:s29] =	ssyncadd.s32 $0xFFFFE0C0  }
0x5b: {  	_ =	swait.ge [sflag:s29], $0x1F40  }
0x5c: {  	[sflag:s29] =	ssyncset.done $0x0  }
0x5d: {  	[sflag:s29] =	ssyncadd.s32 $0xFFFFE0C0  }
0x5e: {  	_ =	swait.ge [sflag:s29], $0x1F40  }
0x5f: {  	[sflag:s29] =	ssyncset.done $0x0  }
0x60: {  	s13 =	simm.s32 $0x2A00;
	[sflag:s29] =	ssyncadd.s32 $0xFFFFE0C0  }
0x61: {  	[spmem:s2] =	stream.indirect.scatter.add.f32 [tilespmem:s22], [sflag:$0x4], $0x40, s13, s14, $0xb8;
	[tilespmem:$0x1EA00] =	vst v63  }
0x62: {  	s16 =	simm.s32 $0x2A80  }
0x63: {  	[spmem:s2] =	stream.indirect.scatter.add.f32 [tilespmem:s23], [sflag:$0x4], $0x40, s16, s14, $0xb8;
	[tilespmem:$0x1EA00] =	vst v63  }
0x64: {  	s18 =	simm.s32 $0x2B00  }
0x65: {  	[spmem:s2] =	stream.indirect.scatter.add.f32 [tilespmem:s24], [sflag:$0x4], $0x40, s18, s14, $0xb8;
	[tilespmem:$0x1EA00] =	vst v63  }
0x66: {  	s20 =	simm.s32 $0x2B80  }
0x67: {  	[spmem:s2] =	stream.indirect.scatter.add.f32 [tilespmem:s25], [sflag:$0x4], $0x40, s20, s14, $0xb8;
	[tilespmem:$0x1EA00] =	vst v63  }
0x68: {  	_ =	swait.ge [sflag:s30], $0x1F40  }
0x69: {  	[sflag:s30] =	ssyncset.done $0x0  }
0x6a: {  	[sflag:s30] =	ssyncadd.s32 $0xFFFFE0C0  }
0x6b: {  	_ =	swait.ge [sflag:s30], $0x1F40  }
0x6c: {  	[sflag:s30] =	ssyncset.done $0x0  }
0x6d: {  	[sflag:s30] =	ssyncadd.s32 $0xFFFFE0C0  }
0x6e: {  	_ =	swait.ge [sflag:s30], $0x1F40  }
0x6f: {  	[sflag:s30] =	ssyncset.done $0x0  }
0x70: {  	[sflag:s30] =	ssyncadd.s32 $0xFFFFE0C0  }
0x71: {  	s0 =	simm.s32 $0x1000;
	_ =	swait.ge [sflag:s30], $0x1F40  }
0x72: {  	s1 =	simm.s32 $0x400;
	s13 =	simm.s32 $0x2000;
	[sflag:s30] =	ssyncset.done $0x0  }
.LBB2_2:
0x73: {  	s18 =	sadd.s32 $0x200, s1  }
0x74: {  	[sflag:s30] =	ssyncadd.s32 $0xFFFFE0C0;
	s16 =	smov.u32 s13;
	s13 =	sadd.s32 $0x1000, s13  }
0x75: {  	[tilespmem:s22], [sflag:$0x2] =	stream.indirect.gather [hbm4b:s4+s14], $0x40, s18, s14, $0xb8;
	[tilespmem:$0x1EA00] =	vst v63  }
0x76: {  	p0 =	sne.s32 s13, $0xA000;
	s18 =	sadd.s32 $0x280, s1  }
0x77: {  	[tilespmem:s23], [sflag:$0x2] =	stream.indirect.gather [hbm4b:s4+s14], $0x40, s18, s14, $0xb8;
	[tilespmem:$0x1EA00] =	vst v63  }
0x78: {  	s18 =	sadd.s32 $0x300, s1  }
0x79: {  	[tilespmem:s24], [sflag:$0x2] =	stream.indirect.gather [hbm4b:s4+s14], $0x40, s18, s14, $0xb8;
	[tilespmem:$0x1EA00] =	vst v63  }
0x7a: {  	s18 =	sadd.s32 $0x380, s1  }
0x7b: {  	[tilespmem:s25], [sflag:$0x2] =	stream.indirect.gather [hbm4b:s4+s14], $0x40, s18, s14, $0xb8;
	[tilespmem:$0x1EA00] =	vst v63  }
0x7c: {  	_ =	swait.ge [sflag:s26], $0x1F40  }
0x7d: {  	[sflag:s26] =	ssyncset.done $0x0  }
0x7e: {  	[sflag:s26] =	ssyncadd.s32 $0xFFFFE0C0  }
0x7f: {  	_ =	swait.ge [sflag:s26], $0x1F40  }
0x80: {  	[sflag:s26] =	ssyncset.done $0x0  }
0x81: {  	[sflag:s26] =	ssyncadd.s32 $0xFFFFE0C0  }
0x82: {  	_ =	swait.ge [sflag:s26], $0x1F40  }
0x83: {  	[sflag:s26] =	ssyncset.done $0x0  }
0x84: {  	[sflag:s26] =	ssyncadd.s32 $0xFFFFE0C0  }
0x85: {  	_ =	swait.ge [sflag:s26], $0x1F40  }
0x86: {  	[sflag:s26] =	ssyncset.done $0x0  }
0x87: {  	s18 =	sadd.s32 $0x2800, s1;
	[sflag:s26] =	ssyncadd.s32 $0xFFFFE0C0  }
0x88: {  	[spmem:s2] =	stream.indirect.scatter.add.f32 [tilespmem:s15], [sflag:$0x3], $0x40, s18, s14, $0xb8;
	[tilespmem:$0x1EA00] =	vst v63  }
0x89: {  	s18 =	sadd.s32 $0x2880, s1  }
0x8a: {  	[spmem:s2] =	stream.indirect.scatter.add.f32 [tilespmem:s17], [sflag:$0x3], $0x40, s18, s14, $0xb8;
	[tilespmem:$0x1EA00] =	vst v63  }
0x8b: {  	s18 =	sadd.s32 $0x2900, s1  }
0x8c: {  	[spmem:s2] =	stream.indirect.scatter.add.f32 [tilespmem:s19], [sflag:$0x3], $0x40, s18, s14, $0xb8;
	[tilespmem:$0x1EA00] =	vst v63  }
0x8d: {  	s18 =	sadd.s32 $0x2980, s1  }
0x8e: {  	[spmem:s2] =	stream.indirect.scatter.add.f32 [tilespmem:s21], [sflag:$0x3], $0x40, s18, s14, $0xb8;
	[tilespmem:$0x1EA00] =	vst v63  }
0x8f: {  	_ =	swait.ge [sflag:s28], $0x1F40  }
0x90: {  	[sflag:s28] =	ssyncset.done $0x0  }
0x91: {  	[sflag:s28] =	ssyncadd.s32 $0xFFFFE0C0  }
0x92: {  	_ =	swait.ge [sflag:s28], $0x1F40  }
0x93: {  	[sflag:s28] =	ssyncset.done $0x0  }
0x94: {  	[sflag:s28] =	ssyncadd.s32 $0xFFFFE0C0  }
0x95: {  	_ =	swait.ge [sflag:s28], $0x1F40  }
0x96: {  	[sflag:s28] =	ssyncset.done $0x0  }
0x97: {  	[sflag:s28] =	ssyncadd.s32 $0xFFFFE0C0  }
0x98: {  	p1 =	seq.s32 s0, $0x9000;
	_ =	swait.ge [sflag:s28], $0x1F40  }
0x99: {  	s0 =	sshra.s32 @!p1 s0, $0x2;
	s18 =	simm.s32 @!p1 $0x5000;
	[sflag:s28] =	ssyncset.done $0x0  }
0x9a: {  	s5 =	simm.s32 @!p1 $0x7D;
	s20 =	sadd.s32 @!p1 $0x400, s0;
	[sflag:s28] =	ssyncadd.s32 $0xFFFFE0C0  }
0x9b: {  	[tilespmem:s18], [sflag:$0x1] =	stream.indirect.gather @!p1 [hbm4b:s4+s5], $0x40, s20, s5, $0xb8;
	[tilespmem:$0x1EA00] =	vst v63  }
0x9c: {  	s7 =	sadd.s32 @!p1 $0x500, s0;
	s18 =	sadd.s32 @!p1 $0x480, s0;
	s20 =	simm.s32 @!p1 $0x6F40  }
0x9d: {  	[tilespmem:s20], [sflag:$0x1] =	stream.indirect.gather @!p1 [hbm4b:s4+s5], $0x40, s18, s5, $0xb8;
	[tilespmem:$0x1EA00] =	vst v63  }
0x9e: {  	s18 =	simm.s32 @!p1 $0x8E80;
	s20 =	sadd.s32 @!p1 $0x580, s0;
	s0 =	smov.u32 s16  }
0x9f: {  	[tilespmem:s18], [sflag:$0x1] =	stream.indirect.gather @!p1 [hbm4b:s4+s5], $0x40, s7, s5, $0xb8;
	[tilespmem:$0x1EA00] =	vst v63  }
0xa0: {  	s7 =	simm.s32 @!p1 $0xADC0  }
0xa1: {  	[tilespmem:s7], [sflag:$0x1] =	stream.indirect.gather @!p1 [hbm4b:s4+s5], $0x40, s20, s5, $0xb8;
	[tilespmem:$0x1EA00] =	vst v63  }
0xa2: {  	_ =	swait.ge [sflag:s29], $0x1F40  }
0xa3: {  	[sflag:s29] =	ssyncset.done $0x0  }
0xa4: {  	[sflag:s29] =	ssyncadd.s32 $0xFFFFE0C0  }
0xa5: {  	_ =	swait.ge [sflag:s29], $0x1F40  }
0xa6: {  	[sflag:s29] =	ssyncset.done $0x0  }
0xa7: {  	[sflag:s29] =	ssyncadd.s32 $0xFFFFE0C0  }
0xa8: {  	_ =	swait.ge [sflag:s29], $0x1F40  }
0xa9: {  	[sflag:s29] =	ssyncset.done $0x0  }
0xaa: {  	[sflag:s29] =	ssyncadd.s32 $0xFFFFE0C0  }
0xab: {  	_ =	swait.ge [sflag:s29], $0x1F40  }
0xac: {  	[sflag:s29] =	ssyncset.done $0x0  }
0xad: {  	s5 =	sadd.s32 $0x2A00, s1;
	[sflag:s29] =	ssyncadd.s32 $0xFFFFE0C0  }
0xae: {  	[spmem:s2] =	stream.indirect.scatter.add.f32 [tilespmem:s22], [sflag:$0x4], $0x40, s5, s14, $0xb8;
	[tilespmem:$0x1EA00] =	vst v63  }
0xaf: {  	s5 =	sadd.s32 $0x2A80, s1  }
0xb0: {  	[spmem:s2] =	stream.indirect.scatter.add.f32 [tilespmem:s23], [sflag:$0x4], $0x40, s5, s14, $0xb8;
	[tilespmem:$0x1EA00] =	vst v63  }
0xb1: {  	s5 =	sadd.s32 $0x2B00, s1  }
0xb2: {  	[spmem:s2] =	stream.indirect.scatter.add.f32 [tilespmem:s24], [sflag:$0x4], $0x40, s5, s14, $0xb8;
	[tilespmem:$0x1EA00] =	vst v63  }
0xb3: {  	s1 =	sadd.s32 $0x2B80, s1  }
0xb4: {  	[spmem:s2] =	stream.indirect.scatter.add.f32 [tilespmem:s25], [sflag:$0x4], $0x40, s1, s14, $0xb8;
	[tilespmem:$0x1EA00] =	vst v63  }
0xb5: {  	_ =	swait.ge [sflag:s30], $0x1F40  }
0xb6: {  	[sflag:s30] =	ssyncset.done $0x0  }
0xb7: {  	[sflag:s30] =	ssyncadd.s32 $0xFFFFE0C0  }
0xb8: {  	_ =	swait.ge [sflag:s30], $0x1F40  }
0xb9: {  	[sflag:s30] =	ssyncset.done $0x0  }
0xba: {  	[sflag:s30] =	ssyncadd.s32 $0xFFFFE0C0  }
.Ltmp0:
0xbb: {  	_ =	swait.ge [sflag:s30], $0x1F40;
	(pc) =	sbr.rel @p0 .LBB2_2-.Ltmp0, $4  }
0xbc: {  	[sflag:s30] =	ssyncset.done $0x0  }
0xbd: {  	[sflag:s30] =	ssyncadd.s32 $0xFFFFE0C0  }
0xbe: {  	_ =	swait.ge [sflag:s30], $0x1F40  }
0xbf: {  	s1 =	sshra.s32 s0, $0x2;
	[sflag:s30] =	ssyncset.done $0x0  }
0xc0: {  	s5 =	sadd.s32 $0x200, s1;
	[sflag:s30] =	ssyncadd.s32 $0xFFFFE0C0  }
0xc1: {  	[tilespmem:s22], [sflag:$0x2] =	stream.indirect.gather [hbm4b:s4+s14], $0x40, s5, s14, $0xb8;
	[tilespmem:$0x1EA00] =	vst v63  }
0xc2: {  	s20 =	sadd.s32 $0x280, s1  }
0xc3: {  	[tilespmem:s23], [sflag:$0x2] =	stream.indirect.gather [hbm4b:s4+s14], $0x40, s20, s14, $0xb8;
	[tilespmem:$0x1EA00] =	vst v63  }
0xc4: {  	s7 =	sadd.s32 $0x300, s1  }
0xc5: {  	[tilespmem:s24], [sflag:$0x2] =	stream.indirect.gather [hbm4b:s4+s14], $0x40, s7, s14, $0xb8;
	[tilespmem:$0x1EA00] =	vst v63  }
0xc6: {  	s13 =	sadd.s32 $0x380, s1  }
0xc7: {  	[tilespmem:s25], [sflag:$0x2] =	stream.indirect.gather [hbm4b:s4+s14], $0x40, s13, s14, $0xb8;
	[tilespmem:$0x1EA00] =	vst v63  }
0xc8: {  	_ =	swait.ge [sflag:s26], $0x1F40  }
0xc9: {  	[sflag:s26] =	ssyncset.done $0x0  }
0xca: {  	[sflag:s26] =	ssyncadd.s32 $0xFFFFE0C0  }
0xcb: {  	_ =	swait.ge [sflag:s26], $0x1F40  }
0xcc: {  	[sflag:s26] =	ssyncset.done $0x0  }
0xcd: {  	[sflag:s26] =	ssyncadd.s32 $0xFFFFE0C0  }
0xce: {  	_ =	swait.ge [sflag:s26], $0x1F40  }
0xcf: {  	[sflag:s26] =	ssyncset.done $0x0  }
0xd0: {  	[sflag:s26] =	ssyncadd.s32 $0xFFFFE0C0  }
0xd1: {  	_ =	swait.ge [sflag:s26], $0x1F40  }
0xd2: {  	[sflag:s26] =	ssyncset.done $0x0  }
0xd3: {  	s16 =	sadd.s32 $0x2800, s1;
	[sflag:s26] =	ssyncadd.s32 $0xFFFFE0C0  }
0xd4: {  	[spmem:s2] =	stream.indirect.scatter.add.f32 [tilespmem:s15], [sflag:$0x3], $0x40, s16, s14, $0xb8;
	[tilespmem:$0x1EA00] =	vst v63  }
0xd5: {  	s18 =	sadd.s32 $0x2880, s1  }
0xd6: {  	[spmem:s2] =	stream.indirect.scatter.add.f32 [tilespmem:s17], [sflag:$0x3], $0x40, s18, s14, $0xb8;
	[tilespmem:$0x1EA00] =	vst v63  }
0xd7: {  	s20 =	sadd.s32 $0x2900, s1  }
0xd8: {  	[spmem:s2] =	stream.indirect.scatter.add.f32 [tilespmem:s19], [sflag:$0x3], $0x40, s20, s14, $0xb8;
	[tilespmem:$0x1EA00] =	vst v63  }
0xd9: {  	s7 =	sadd.s32 $0x2980, s1  }
0xda: {  	[spmem:s2] =	stream.indirect.scatter.add.f32 [tilespmem:s21], [sflag:$0x3], $0x40, s7, s14, $0xb8;
	[tilespmem:$0x1EA00] =	vst v63  }
0xdb: {  	_ =	swait.ge [sflag:s28], $0x1F40  }
0xdc: {  	[sflag:s28] =	ssyncset.done $0x0  }
0xdd: {  	[sflag:s28] =	ssyncadd.s32 $0xFFFFE0C0  }
0xde: {  	_ =	swait.ge [sflag:s28], $0x1F40  }
0xdf: {  	[sflag:s28] =	ssyncset.done $0x0  }
0xe0: {  	[sflag:s28] =	ssyncadd.s32 $0xFFFFE0C0  }
0xe1: {  	_ =	swait.ge [sflag:s28], $0x1F40  }
0xe2: {  	[sflag:s28] =	ssyncset.done $0x0  }
0xe3: {  	[sflag:s28] =	ssyncadd.s32 $0xFFFFE0C0  }
0xe4: {  	p0 =	seq.s32 s0, $0x9000;
	_ =	swait.ge [sflag:s28], $0x1F40  }
0xe5: {  	s0 =	sshra.s32 @!p0 s0, $0x2;
	s5 =	simm.s32 @!p0 $0x5000;
	[sflag:s28] =	ssyncset.done $0x0  }
0xe6: {  	s13 =	simm.s32 @!p0 $0x7D;
	s7 =	sadd.s32 @!p0 $0x400, s0;
	[sflag:s28] =	ssyncadd.s32 $0xFFFFE0C0  }
0xe7: {  	[tilespmem:s5], [sflag:$0x1] =	stream.indirect.gather @!p0 [hbm4b:s4+s13], $0x40, s7, s13, $0xb8;
	[tilespmem:$0x1EA00] =	vst v63  }
0xe8: {  	s5 =	sadd.s32 @!p0 $0x480, s0;
	s7 =	simm.s32 @!p0 $0x6F40  }
0xe9: {  	[tilespmem:s7], [sflag:$0x1] =	stream.indirect.gather @!p0 [hbm4b:s4+s13], $0x40, s5, s13, $0xb8;
	[tilespmem:$0x1EA00] =	vst v63  }
0xea: {  	s5 =	sadd.s32 @!p0 $0x500, s0;
	s7 =	simm.s32 @!p0 $0x8E80  }
0xeb: {  	[tilespmem:s7], [sflag:$0x1] =	stream.indirect.gather @!p0 [hbm4b:s4+s13], $0x40, s5, s13, $0xb8;
	[tilespmem:$0x1EA00] =	vst v63  }
0xec: {  	s0 =	sadd.s32 @!p0 $0x580, s0;
	s5 =	simm.s32 @!p0 $0xADC0  }
0xed: {  	[tilespmem:s5], [sflag:$0x1] =	stream.indirect.gather @!p0 [hbm4b:s4+s13], $0x40, s0, s13, $0xb8;
	[tilespmem:$0x1EA00] =	vst v63  }
0xee: {  	_ =	swait.ge [sflag:s29], $0x1F40  }
0xef: {  	[sflag:s29] =	ssyncset.done $0x0  }
0xf0: {  	[sflag:s29] =	ssyncadd.s32 $0xFFFFE0C0  }
0xf1: {  	_ =	swait.ge [sflag:s29], $0x1F40  }
0xf2: {  	[sflag:s29] =	ssyncset.done $0x0  }
0xf3: {  	[sflag:s29] =	ssyncadd.s32 $0xFFFFE0C0  }
0xf4: {  	_ =	swait.ge [sflag:s29], $0x1F40  }
0xf5: {  	[sflag:s29] =	ssyncset.done $0x0  }
0xf6: {  	[sflag:s29] =	ssyncadd.s32 $0xFFFFE0C0  }
0xf7: {  	_ =	swait.ge [sflag:s29], $0x1F40  }
0xf8: {  	[sflag:s29] =	ssyncset.done $0x0  }
0xf9: {  	s13 =	sadd.s32 $0x2A00, s1;
	[sflag:s29] =	ssyncadd.s32 $0xFFFFE0C0  }
0xfa: {  	[spmem:s2] =	stream.indirect.scatter.add.f32 [tilespmem:s22], [sflag:$0x4], $0x40, s13, s14, $0xb8;
	[tilespmem:$0x1EA00] =	vst v63  }
0xfb: {  	s16 =	sadd.s32 $0x2A80, s1  }
0xfc: {  	[spmem:s2] =	stream.indirect.scatter.add.f32 [tilespmem:s23], [sflag:$0x4], $0x40, s16, s14, $0xb8;
	[tilespmem:$0x1EA00] =	vst v63  }
0xfd: {  	s18 =	sadd.s32 $0x2B00, s1  }
0xfe: {  	[spmem:s2] =	stream.indirect.scatter.add.f32 [tilespmem:s24], [sflag:$0x4], $0x40, s18, s14, $0xb8;
	[tilespmem:$0x1EA00] =	vst v63  }
0xff: {  	s20 =	sadd.s32 $0x2B80, s1  }
0x100: {  	[spmem:s2] =	stream.indirect.scatter.add.f32 [tilespmem:s25], [sflag:$0x4], $0x40, s20, s14, $0xb8;
	[tilespmem:$0x1EA00] =	vst v63  }
0x101: {  	_ =	swait.ge [sflag:s30], $0x1F40  }
0x102: {  	[sflag:s30] =	ssyncset.done $0x0  }
0x103: {  	[sflag:s30] =	ssyncadd.s32 $0xFFFFE0C0  }
0x104: {  	_ =	swait.ge [sflag:s30], $0x1F40  }
0x105: {  	[sflag:s30] =	ssyncset.done $0x0  }
0x106: {  	[sflag:s30] =	ssyncadd.s32 $0xFFFFE0C0  }
0x107: {  	_ =	swait.ge [sflag:s30], $0x1F40  }
0x108: {  	[sflag:s30] =	ssyncset.done $0x0  }
0x109: {  	[sflag:s30] =	ssyncadd.s32 $0xFFFFE0C0  }
0x10a: {  	_ =	swait.ge [sflag:s30], $0x1F40  }
0x10b: {  	s31 =	sadd.s32 $0x1, s31;
	[sflag:s30] =	ssyncset.done $0x0  }
0x10c: {  	p0 =	sne.s32 s31, s10;
	[sflag:s30] =	ssyncadd.s32 $0xFFFFE0C0  }
.Ltmp1:
0x10d: {  	[bflag:$0x0] =	sbarrier.arrive $0xFFFF;
	(pc) =	sbr.rel @p0 .LBB2_1-.Ltmp1, $4  }
0x10e: {  	[hbm:s9], [sflag:s6] =	dma.local [spmem:s11], $0x1400  }
0x10f: {  	_ =	swait.ge [sflag:s12], $0x1400  }
0x110: {  	[sflag:s12] =	ssyncset.done $0x0  }
0x111: {  	[sflag:s12] =	ssyncadd.s32 $0xFFFFEC00  }
0x112: {  	_ =	sfence.sel $0x180000  }
0x113: {  	[bflag:$0x0] =	sbarrier.arrive $0xFFFF  }
0x114: {  	_ =	strace $0x9000004D  }
0x115: {  	s0 =	stileid.u32;
	[bflag:$0x2] =	sbarrier.arrive $0xFFFF  }
0x116: {  	p0 =	sne.s32 s0, $0x0;
	s0 =	rddreg [dreg:$0x2]  }
0x117: {  	s0 =	sadd.s32 @!p0 $0x100000, s0  }
0x118: {  	[sflag:s0] =	ssyncadd.tile.s32 @!p0 $0x1;
	_ =	shalt  }
.Lfunc_end2:
_tile_overlayer_lowered:
.L_overlay_start_2:
0x119: {  	(tag) =	ssettag $0x2  }
0x11a: {  	s0 =	rddreg [dreg:$0x0];
	s2 =	stileid.u32  }
0x11b: {  	s1 =	rddreg [dreg:$0x1];
	p0 =	sne.s32 s2, $0x0  }
0x11c: {  	s3 =	rddreg [dreg:$0x2];
	[bflag:$0x3] =	sbarrier.arrive $0xFFFF;
	s2 =	simm.s32 @!p0 $0x1C05  }
0x11d: {  	[timem:s3], [sflag:s2] =	dma.local @!p0 [hbm:s0], s1  }
0x11e: {  	s0 =	simm.s32 @!p0 $0x5  }
0x11f: {  	_ =	swait.ge @!p0 [sflag:s0], s1  }
0x120: {  	s1 =	ssub.s32 @!p0 $0x0, s1;
	[sflag:s0] =	ssyncset.done @!p0 $0x0  }
0x121: {  	[sflag:s0] =	ssyncadd.s32 @!p0 s1  }
0x122: {  	[bflag:$0x3] =	sbarrier.arrive $0xFFFF  }
0x123: {  	_ =	shalt  }

</sc_bundles>
